<compile_context>
chip_gen: v7x
topology: tpu7x:2x2x1
jax: 0.10.2.dev20260603
libtpu: 0.0.44.dev20260713+nightly
codegen_flags: <defaults>
</compile_context>

<pallas_src>
import functools

import jax
import jax.numpy as jnp
from jax import lax
from jax.experimental import pallas as pl
from jax.experimental.pallas import tpu as pltpu
from jax.experimental.pallas import tpu_sc as plsc

N = 10000
E = 320000
NC, NS = 2, 16
NW = NC * NS
K = 80
EPC = E // NS
CHC = EPC // K
NP8 = 10008
RPS = 632
NB = 6
LA = 3
R = 1000
G = N // R



def _stripe(s):
    return pl.multiple_of(jnp.minimum(s * RPS, NP8 - RPS), 8)


@functools.cache
def _make_colsplit(DH, with_deg):
    mesh = plsc.VectorSubcoreMesh(core_axis_name="c", subcore_axis_name="s",
                                  num_cores=NC, num_subcores=NS)
    out_type = [jax.ShapeDtypeStruct((NP8, 128), jnp.float32)]
    scratch = [
        pltpu.VMEM((CHC, K), jnp.int32),
        pltpu.VMEM((CHC, K), jnp.int32),
        [pltpu.VMEM((K, DH), jnp.float32)] * NB,
        pltpu.VMEM_SHARED((NP8, DH), jnp.float32),
        [pltpu.SemaphoreType.DMA] * NB,
        [pltpu.SemaphoreType.DMA] * NB,
        pltpu.SemaphoreType.DMA,
    ]
    if with_deg:
        out_type.append(jax.ShapeDtypeStruct((NP8, 32), jnp.float32))
        scratch += [
            pltpu.VMEM((K, 16), jnp.float32),
            pltpu.VMEM_SHARED((NP8, 16), jnp.float32),
        ]

    def body(h_hbm, src_hbm, dst_hbm, z_hbm, z16_hbm, *rest):
        if with_deg:
            (out_hbm, deg_hbm, srcb, dstb, rows, agg_sh, gsem, ssem, dsem,
             onesb, deg_sh) = rest
        else:
            (out_hbm, srcb, dstb, rows, agg_sh, gsem, ssem, dsem) = rest
        c = lax.axis_index("c")
        s = lax.axis_index("s")
        pltpu.sync_copy(src_hbm.at[c * NS + s], srcb)
        pltpu.sync_copy(dst_hbm.at[s], dstb)
        r0 = _stripe(s)
        pltpu.sync_copy(z_hbm.at[pl.ds(r0, RPS)], agg_sh.at[pl.ds(r0, RPS)])
        if with_deg:
            pltpu.sync_copy(z16_hbm.at[pl.ds(r0, RPS)],
                            deg_sh.at[pl.ds(r0, RPS)])
            for r in range(K):
                onesb[r, :] = jnp.ones((16,), jnp.float32)
        for g in range(LA):
            pltpu.async_copy(h_hbm.at[srcb.at[g]], rows[g], gsem[g])
        plsc.subcore_barrier()

        def step(g, b):
            pltpu.make_async_copy(h_hbm.at[srcb.at[g]],
                                  rows[b], gsem[b]).wait()
            pltpu.async_copy(rows[b], agg_sh.at[dstb.at[g]], ssem[b],
                             add=True)
            if with_deg:
                @pl.when((g % 2) == c)
                def _():
                    pltpu.async_copy(onesb, deg_sh.at[dstb.at[g]], dsem,
                                     add=True)
                    @pl.when(g >= 4)
                    def _():
                        pltpu.make_async_copy(
                            onesb, deg_sh.at[dstb.at[g]], dsem).wait()
            bs = (b - LA) % NB
            @pl.when(g >= LA)
            def _():
                pltpu.make_async_copy(rows[bs], agg_sh.at[dstb.at[g]],
                                      ssem[bs]).wait()
            bg = (b + LA) % NB
            @pl.when(g + LA < CHC)
            def _():
                pltpu.async_copy(h_hbm.at[srcb.at[jnp.minimum(
                    g + LA, CHC - 1)]], rows[bg], gsem[bg])

        T = (CHC // NB) * NB

        def outer(t, carry):
            for b in range(NB):
                step(t * NB + b, b)
            return carry

        lax.fori_loop(0, T // NB, outer, 0)
        for g in range(T, CHC):
            step(g, g % NB)
        for g in range(CHC - LA, CHC):
            pltpu.make_async_copy(rows[g % NB], agg_sh.at[dstb.at[0]],
                                  ssem[g % NB]).wait()
        if with_deg:
            for _ in range(2):
                pltpu.make_async_copy(onesb, deg_sh.at[dstb.at[0]],
                                      dsem).wait()
        plsc.subcore_barrier()

        @pl.when(c == 0)
        def _():
            pltpu.sync_copy(agg_sh.at[pl.ds(r0, RPS)],
                            out_hbm.at[pl.ds(r0, RPS), pl.ds(0, DH)])
            if with_deg:
                pltpu.sync_copy(deg_sh.at[pl.ds(r0, RPS)],
                                deg_hbm.at[pl.ds(r0, RPS), pl.ds(0, 16)])

        @pl.when(c == 1)
        def _():
            pltpu.sync_copy(agg_sh.at[pl.ds(r0, RPS)],
                            out_hbm.at[pl.ds(r0, RPS), pl.ds(DH, DH)])
            if with_deg:
                pltpu.sync_copy(deg_sh.at[pl.ds(r0, RPS)],
                                deg_hbm.at[pl.ds(r0, RPS), pl.ds(16, 16)])

    return pl.kernel(body, out_type=tuple(out_type), mesh=mesh,
                     scratch_types=scratch,
                     compiler_params=pltpu.CompilerParams(
                         use_tc_tiling_on_sc=False))



def _full(shape):
    return pl.BlockSpec(shape, lambda i: tuple(0 for _ in shape))


def _tc_transform(x, wlT, wrT, b):
    d_in = wlT.shape[0]

    def body(x_ref, wl_ref, wr_ref, b_ref, hl_ref, sf_ref):
        xb = x_ref[...]
        hl_ref[...] = jnp.dot(xb, wl_ref[...],
                              preferred_element_type=jnp.float32)
        sf_ref[...] = jnp.dot(xb, wr_ref[...],
                              preferred_element_type=jnp.float32) + b_ref[...]

    return pl.pallas_call(
        body,
        grid=(G,),
        in_specs=[
            pl.BlockSpec((R, d_in), lambda i: (i, 0)),
            _full((d_in, 128)), _full((d_in, 128)), _full((1, 128)),
        ],
        out_specs=[pl.BlockSpec((R, 128), lambda i: (i, 0)),
                   pl.BlockSpec((R, 128), lambda i: (i, 0))],
        out_shape=[jax.ShapeDtypeStruct((N, 128), jnp.float32),
                   jax.ShapeDtypeStruct((N, 128), jnp.float32)],
    )(x, wlT, wrT, b)


def _inv_deg(deg_ref):
    deg = deg_ref[:, 0:1] + deg_ref[:, 16:17]
    return 1.0 / jnp.maximum(deg, 1.0)


def _tc_mid(agg, deg, sf, wlT, wrT, b, act, pad_hl):
    d_out = wlT.shape[1]

    def body(agg_ref, deg_ref, sf_ref, wl_ref, wr_ref, b_ref,
             hl_ref, sfo_ref):
        z = agg_ref[...] * _inv_deg(deg_ref) + sf_ref[...]
        if act == "relu":
            h = jnp.maximum(z, 0.0)
        else:
            h = jnp.where(z > 0, z, jnp.exp(jnp.minimum(z, 0.0)) - 1.0)
        hl = jnp.dot(h, wl_ref[...], preferred_element_type=jnp.float32)
        if pad_hl:
            hl = jnp.concatenate(
                [hl, jnp.zeros((R, 128 - d_out), jnp.float32)], axis=1)
        hl_ref[...] = hl
        sfo_ref[...] = jnp.dot(h, wr_ref[...],
                               preferred_element_type=jnp.float32) + b_ref[...]

    return pl.pallas_call(
        body,
        grid=(G,),
        in_specs=[
            pl.BlockSpec((R, 128), lambda i: (i, 0)),
            pl.BlockSpec((R, 32), lambda i: (i, 0)),
            pl.BlockSpec((R, 128), lambda i: (i, 0)),
            _full((128, d_out)), _full((128, d_out)), _full((1, d_out)),
        ],
        out_specs=[pl.BlockSpec((R, 128), lambda i: (i, 0)),
                   pl.BlockSpec((R, d_out), lambda i: (i, 0))],
        out_shape=[jax.ShapeDtypeStruct((N, 128), jnp.float32),
                   jax.ShapeDtypeStruct((N, d_out), jnp.float32)],
    )(agg, deg, sf, wlT, wrT, b)


def _tc_final(agg, deg, sf):
    def body(agg_ref, deg_ref, sf_ref, out_ref):
        z = agg_ref[:, :64] * _inv_deg(deg_ref) + sf_ref[...]
        m = jnp.max(z, axis=1, keepdims=True)
        lse = m + jnp.log(jnp.sum(jnp.exp(z - m), axis=1, keepdims=True))
        out_ref[...] = z - lse

    return pl.pallas_call(
        body,
        grid=(G,),
        in_specs=[
            pl.BlockSpec((R, 128), lambda i: (i, 0)),
            pl.BlockSpec((R, 32), lambda i: (i, 0)),
            pl.BlockSpec((R, 64), lambda i: (i, 0)),
        ],
        out_specs=pl.BlockSpec((R, 64), lambda i: (i, 0)),
        out_shape=jax.ShapeDtypeStruct((N, 64), jnp.float32),
    )(agg, deg, sf)



def kernel(x, edge_index, edge_attr, Wl1, Wr1, b1, Wlh, Wrh, bh, Wl2, Wr2, b2):
    del edge_attr
    src = edge_index[0]
    dst = edge_index[1]
    s2 = src * 2
    src2 = jnp.stack([s2, s2 + 1]).reshape(NC * NS, CHC, K)
    s4 = src * 4
    src4 = jnp.stack([s4, s4 + 1]).reshape(NC * NS, CHC, K)
    dst_c = dst.reshape(NS, CHC, K)
    z64 = jnp.zeros((NP8, 64), jnp.float32)
    z32 = jnp.zeros((NP8, 32), jnp.float32)
    z16 = jnp.zeros((NP8, 16), jnp.float32)

    hl1, sf1 = _tc_transform(x, Wl1.T, Wr1.T, b1.reshape(1, -1))
    agg1, deg = _make_colsplit(64, True)(
        hl1.reshape(NC * N, 64), src2, dst_c, z64, z16)
    hl2, sf2 = _tc_mid(agg1, deg, sf1, Wlh.T, Wrh.T, bh.reshape(1, -1),
                       "relu", False)
    agg2 = _make_colsplit(64, False)(
        hl2.reshape(NC * N, 64), src2, dst_c, z64, z16)
    if isinstance(agg2, (tuple, list)):
        agg2 = agg2[0]
    hl3, sf3 = _tc_mid(agg2, deg, sf2, Wl2.T, Wr2.T, b2.reshape(1, -1),
                       "elu", True)
    agg3 = _make_colsplit(32, False)(
        hl3.reshape(4 * N, 32), src4, dst_c, z32, z16)
    if isinstance(agg3, (tuple, list)):
        agg3 = agg3[0]
    return _tc_final(agg3, deg, sf3)

# --- scband reference (transcript-rebuilt; emitter-appended) ---
"""Pipeline reference for scband-graph-sagemodel-36567351558183 (READ-ONLY COPY).

The authoritative reference and input builder live on the scoring server;
editing this copy changes nothing except your own understanding.
"""

import jax, jax.numpy as jnp
import numpy as np

N = 10000
E = 320000
D_IN = 128
D_H = 128
D_OUT = 64


def setup_inputs(seed: int = 0) -> dict:
    key = jax.random.key(seed)
    ks = jax.random.split(key, 16)
    x = jax.random.normal(ks[0], (N, D_IN), dtype=jnp.float32)
    edge_index = jax.random.randint(ks[1], (2, E), 0, N, dtype=jnp.int32)
    edge_attr = jax.random.normal(ks[2], (E, 4), dtype=jnp.float32)
    s = 0.05
    Wl1 = jax.random.normal(ks[3], (D_H, D_IN), dtype=jnp.float32) * s
    Wr1 = jax.random.normal(ks[4], (D_H, D_IN), dtype=jnp.float32) * s
    b1 = jnp.zeros((D_H,), dtype=jnp.float32)
    Wlh = jax.random.normal(ks[5], (D_H, D_H), dtype=jnp.float32) * s
    Wrh = jax.random.normal(ks[6], (D_H, D_H), dtype=jnp.float32) * s
    bh = jnp.zeros((D_H,), dtype=jnp.float32)
    Wl2 = jax.random.normal(ks[7], (D_OUT, D_H), dtype=jnp.float32) * s
    Wr2 = jax.random.normal(ks[8], (D_OUT, D_H), dtype=jnp.float32) * s
    b2 = jnp.zeros((D_OUT,), dtype=jnp.float32)
    return {
        'x': x, 'edge_index': edge_index, 'edge_attr': edge_attr,
        'Wl1': Wl1, 'Wr1': Wr1, 'b1': b1,
        'Wlh': Wlh, 'Wrh': Wrh, 'bh': bh,
        'Wl2': Wl2, 'Wr2': Wr2, 'b2': b2,
    }


def reference(x, edge_index, edge_attr, Wl1, Wr1, b1, Wlh, Wrh, bh, Wl2, Wr2, b2):
    # PyG SAGEConv: out = W_l @ mean_{j in N(i)} x_j + W_r @ x_i + b
    src = edge_index[0]
    dst = edge_index[1]
    deg = jax.ops.segment_sum(jnp.ones((E,), dtype=x.dtype), dst, num_segments=N)
    inv_deg = 1.0 / jnp.maximum(deg, 1.0)

    def sage(h, Wl, Wr, b):
        msgs = jnp.take(h, src, axis=0)
        agg = jax.ops.segment_sum(msgs, dst, num_segments=N)
        agg = agg * inv_deg[:, None]
        return agg @ Wl.T + h @ Wr.T + b

    h = jax.nn.relu(sage(x, Wl1, Wr1, b1))
    # dropout is identity in eval mode (training=False)
    h = jax.nn.elu(sage(h, Wlh, Wrh, bh))
    h = sage(h, Wl2, Wr2, b2)
    return jax.nn.log_softmax(h, axis=1)

if __name__ == "__main__":
    import jax
    _d = setup_inputs()
    print(jax.jit(kernel)(*tuple(_d.values())))

</pallas_src>

<mosaic_0001>
#map = affine_map<(d0, d1) -> (0, 0)>
#map1 = affine_map<(d0, d1) -> (0, 0, 0)>
module attributes {stable_mosaic.version = 14 : i64} {
  func.func @body(%arg0: i32, %arg1: i32, %arg2: memref<20000x64xf32, #tpu.memory_space<hbm>>, %arg3: memref<32x250x80xi32, #tpu.memory_space<hbm>>, %arg4: memref<16x250x80xi32, #tpu.memory_space<hbm>>, %arg5: memref<10008x64xf32, #tpu.memory_space<hbm>>, %arg6: memref<10008x16xf32, #tpu.memory_space<hbm>>, %arg7: memref<10008x128xf32, #tpu.memory_space<hbm>>, %arg8: memref<10008x32xf32, #tpu.memory_space<hbm>>, %arg9: memref<250x80xi32, #tpu.memory_space<vmem>>, %arg10: memref<250x80xi32, #tpu.memory_space<vmem>>, %arg11: memref<80x64xf32, #tpu.memory_space<vmem>>, %arg12: memref<80x64xf32, #tpu.memory_space<vmem>>, %arg13: memref<80x64xf32, #tpu.memory_space<vmem>>, %arg14: memref<80x64xf32, #tpu.memory_space<vmem>>, %arg15: memref<80x64xf32, #tpu.memory_space<vmem>>, %arg16: memref<80x64xf32, #tpu.memory_space<vmem>>, %arg17: memref<10008x64xf32, #tpu.memory_space<vmem_shared>>, %arg18: memref<!tpu.dma_semaphore, #tpu.memory_space<semaphore_mem>>, %arg19: memref<!tpu.dma_semaphore, #tpu.memory_space<semaphore_mem>>, %arg20: memref<!tpu.dma_semaphore, #tpu.memory_space<semaphore_mem>>, %arg21: memref<!tpu.dma_semaphore, #tpu.memory_space<semaphore_mem>>, %arg22: memref<!tpu.dma_semaphore, #tpu.memory_space<semaphore_mem>>, %arg23: memref<!tpu.dma_semaphore, #tpu.memory_space<semaphore_mem>>, %arg24: memref<!tpu.dma_semaphore, #tpu.memory_space<semaphore_mem>>, %arg25: memref<!tpu.dma_semaphore, #tpu.memory_space<semaphore_mem>>, %arg26: memref<!tpu.dma_semaphore, #tpu.memory_space<semaphore_mem>>, %arg27: memref<!tpu.dma_semaphore, #tpu.memory_space<semaphore_mem>>, %arg28: memref<!tpu.dma_semaphore, #tpu.memory_space<semaphore_mem>>, %arg29: memref<!tpu.dma_semaphore, #tpu.memory_space<semaphore_mem>>, %arg30: memref<!tpu.dma_semaphore, #tpu.memory_space<semaphore_mem>>, %arg31: memref<80x16xf32, #tpu.memory_space<vmem>>, %arg32: memref<10008x16xf32, #tpu.memory_space<vmem_shared>>) attributes {dimension_semantics = [#tpu.dimension_semantics<core_parallel>, #tpu.dimension_semantics<subcore_parallel>], iteration_bounds = array<i64: 2, 16>, scalar_prefetch = 0 : i64, scratch_operands = 24 : i64, tpu.core_type = #tpu.core_type<sc_vector_subcore>, window_params = [{transform_indices = #map}, {transform_indices = #map1}, {transform_indices = #map1}, {transform_indices = #map}, {transform_indices = #map}, {transform_indices = #map}, {transform_indices = #map}]} {
    %mul3A = arith.constant 16 : i32
    %mul3A_0 = arith.muli %arg0, %mul3A : i32
    %add3A = arith.addi %mul3A_0, %arg1 : i32
    "tpu.region"() ({
      %run_scoped3A = tpu.sem_alloc : memref<!tpu.dma_semaphore, #tpu.memory_space<semaphore_mem>>
      %dma_start3A_822 = arith.constant 0 : i32
      %dma_start3A_823 = arith.constant 0 : i32
      %dma_start3A_824 = tpu.memref_slice %arg3[%add3A, %dma_start3A_822, %dma_start3A_823] : memref<32x250x80xi32, #tpu.memory_space<hbm>> -> memref<1x250x80xi32, #tpu.memory_space<hbm>>
      %dma_start3A_825 = tpu.memref_squeeze %dma_start3A_824 : memref<1x250x80xi32, #tpu.memory_space<hbm>> -> memref<250x80xi32, #tpu.memory_space<hbm>>
      %dma_start3A_826 = arith.constant 0 : i32
      %dma_start3A_827 = arith.constant 0 : i32
      %dma_start3A_828 = tpu.memref_slice %arg3[%add3A, %dma_start3A_826, %dma_start3A_827] : memref<32x250x80xi32, #tpu.memory_space<hbm>> -> memref<1x250x80xi32, #tpu.memory_space<hbm>>
      %dma_start3A_829 = tpu.memref_squeeze %dma_start3A_828 : memref<1x250x80xi32, #tpu.memory_space<hbm>> -> memref<250x80xi32, #tpu.memory_space<hbm>>
      tpu.enqueue_dma source(%dma_start3A_829 : memref<250x80xi32, #tpu.memory_space<hbm>>) target(%arg9 : memref<250x80xi32, #tpu.memory_space<vmem>>) target_semaphore(%run_scoped3A : memref<!tpu.dma_semaphore, #tpu.memory_space<semaphore_mem>>)
      %dma_wait3A_830 = arith.constant 0 : i32
      %dma_wait3A_831 = arith.constant 0 : i32
      %dma_wait3A_832 = tpu.memref_slice %arg3[%add3A, %dma_wait3A_830, %dma_wait3A_831] : memref<32x250x80xi32, #tpu.memory_space<hbm>> -> memref<1x250x80xi32, #tpu.memory_space<hbm>>
      %dma_wait3A_833 = tpu.memref_squeeze %dma_wait3A_832 : memref<1x250x80xi32, #tpu.memory_space<hbm>> -> memref<250x80xi32, #tpu.memory_space<hbm>>
      %dma_wait3A_834 = arith.constant 0 : i32
      %dma_wait3A_835 = arith.constant 0 : i32
      %dma_wait3A_836 = tpu.memref_slice %arg3[%add3A, %dma_wait3A_834, %dma_wait3A_835] : memref<32x250x80xi32, #tpu.memory_space<hbm>> -> memref<1x250x80xi32, #tpu.memory_space<hbm>>
      %dma_wait3A_837 = tpu.memref_squeeze %dma_wait3A_836 : memref<1x250x80xi32, #tpu.memory_space<hbm>> -> memref<250x80xi32, #tpu.memory_space<hbm>>
      tpu.wait_dma2 semaphore(%run_scoped3A : memref<!tpu.dma_semaphore, #tpu.memory_space<semaphore_mem>>) src(%dma_wait3A_837 : memref<250x80xi32, #tpu.memory_space<hbm>>) dst(%arg9 : memref<250x80xi32, #tpu.memory_space<vmem>>)
      tpu.yield
    }) : () -> ()
    "tpu.region"() ({
      %run_scoped3A = tpu.sem_alloc : memref<!tpu.dma_semaphore, #tpu.memory_space<semaphore_mem>>
      %dma_start3A_822 = arith.constant 0 : i32
      %dma_start3A_823 = arith.constant 0 : i32
      %dma_start3A_824 = tpu.memref_slice %arg4[%arg1, %dma_start3A_822, %dma_start3A_823] : memref<16x250x80xi32, #tpu.memory_space<hbm>> -> memref<1x250x80xi32, #tpu.memory_space<hbm>>
      %dma_start3A_825 = tpu.memref_squeeze %dma_start3A_824 : memref<1x250x80xi32, #tpu.memory_space<hbm>> -> memref<250x80xi32, #tpu.memory_space<hbm>>
      %dma_start3A_826 = arith.constant 0 : i32
      %dma_start3A_827 = arith.constant 0 : i32
      %dma_start3A_828 = tpu.memref_slice %arg4[%arg1, %dma_start3A_826, %dma_start3A_827] : memref<16x250x80xi32, #tpu.memory_space<hbm>> -> memref<1x250x80xi32, #tpu.memory_space<hbm>>
      %dma_start3A_829 = tpu.memref_squeeze %dma_start3A_828 : memref<1x250x80xi32, #tpu.memory_space<hbm>> -> memref<250x80xi32, #tpu.memory_space<hbm>>
      tpu.enqueue_dma source(%dma_start3A_829 : memref<250x80xi32, #tpu.memory_space<hbm>>) target(%arg10 : memref<250x80xi32, #tpu.memory_space<vmem>>) target_semaphore(%run_scoped3A : memref<!tpu.dma_semaphore, #tpu.memory_space<semaphore_mem>>)
      %dma_wait3A_830 = arith.constant 0 : i32
      %dma_wait3A_831 = arith.constant 0 : i32
      %dma_wait3A_832 = tpu.memref_slice %arg4[%arg1, %dma_wait3A_830, %dma_wait3A_831] : memref<16x250x80xi32, #tpu.memory_space<hbm>> -> memref<1x250x80xi32, #tpu.memory_space<hbm>>
      %dma_wait3A_833 = tpu.memref_squeeze %dma_wait3A_832 : memref<1x250x80xi32, #tpu.memory_space<hbm>> -> memref<250x80xi32, #tpu.memory_space<hbm>>
      %dma_wait3A_834 = arith.constant 0 : i32
      %dma_wait3A_835 = arith.constant 0 : i32
      %dma_wait3A_836 = tpu.memref_slice %arg4[%arg1, %dma_wait3A_834, %dma_wait3A_835] : memref<16x250x80xi32, #tpu.memory_space<hbm>> -> memref<1x250x80xi32, #tpu.memory_space<hbm>>
      %dma_wait3A_837 = tpu.memref_squeeze %dma_wait3A_836 : memref<1x250x80xi32, #tpu.memory_space<hbm>> -> memref<250x80xi32, #tpu.memory_space<hbm>>
      tpu.wait_dma2 semaphore(%run_scoped3A : memref<!tpu.dma_semaphore, #tpu.memory_space<semaphore_mem>>) src(%dma_wait3A_837 : memref<250x80xi32, #tpu.memory_space<hbm>>) dst(%arg10 : memref<250x80xi32, #tpu.memory_space<vmem>>)
      tpu.yield
    }) : () -> ()
    %mul3A_1 = arith.constant 632 : i32
    %mul3A_2 = arith.muli %arg1, %mul3A_1 : i32
    %min3A = arith.constant 9376 : i32
    %min3A_3 = arith.minsi %mul3A_2, %min3A : i32
    %multiple_of3A = tpu.assume_multiple %min3A_3, 8 : i32
    "tpu.region"() ({
      %run_scoped3A = tpu.sem_alloc : memref<!tpu.dma_semaphore, #tpu.memory_space<semaphore_mem>>
      %dma_start3A_822 = arith.constant 0 : i32
      %dma_start3A_823 = tpu.memref_slice %arg17[%multiple_of3A, %dma_start3A_822] : memref<10008x64xf32, #tpu.memory_space<vmem_shared>> -> memref<632x64xf32, #tpu.memory_space<vmem_shared>>
      %dma_start3A_824 = arith.constant 0 : i32
      %dma_start3A_825 = tpu.memref_slice %arg5[%multiple_of3A, %dma_start3A_824] : memref<10008x64xf32, #tpu.memory_space<hbm>> -> memref<632x64xf32, #tpu.memory_space<hbm>>
      tpu.enqueue_dma source(%dma_start3A_825 : memref<632x64xf32, #tpu.memory_space<hbm>>) target(%dma_start3A_823 : memref<632x64xf32, #tpu.memory_space<vmem_shared>>) target_semaphore(%run_scoped3A : memref<!tpu.dma_semaphore, #tpu.memory_space<semaphore_mem>>)
      %dma_wait3A_826 = arith.constant 0 : i32
      %dma_wait3A_827 = tpu.memref_slice %arg17[%multiple_of3A, %dma_wait3A_826] : memref<10008x64xf32, #tpu.memory_space<vmem_shared>> -> memref<632x64xf32, #tpu.memory_space<vmem_shared>>
      %dma_wait3A_828 = arith.constant 0 : i32
      %dma_wait3A_829 = tpu.memref_slice %arg5[%multiple_of3A, %dma_wait3A_828] : memref<10008x64xf32, #tpu.memory_space<hbm>> -> memref<632x64xf32, #tpu.memory_space<hbm>>
      tpu.wait_dma2 semaphore(%run_scoped3A : memref<!tpu.dma_semaphore, #tpu.memory_space<semaphore_mem>>) src(%dma_wait3A_829 : memref<632x64xf32, #tpu.memory_space<hbm>>) dst(%dma_wait3A_827 : memref<632x64xf32, #tpu.memory_space<vmem_shared>>)
      tpu.yield
    }) : () -> ()
    "tpu.region"() ({
      %run_scoped3A = tpu.sem_alloc : memref<!tpu.dma_semaphore, #tpu.memory_space<semaphore_mem>>
      %dma_start3A_822 = arith.constant 0 : i32
      %dma_start3A_823 = tpu.memref_slice %arg32[%multiple_of3A, %dma_start3A_822] : memref<10008x16xf32, #tpu.memory_space<vmem_shared>> -> memref<632x16xf32, #tpu.memory_space<vmem_shared>>
      %dma_start3A_824 = arith.constant 0 : i32
      %dma_start3A_825 = tpu.memref_slice %arg6[%multiple_of3A, %dma_start3A_824] : memref<10008x16xf32, #tpu.memory_space<hbm>> -> memref<632x16xf32, #tpu.memory_space<hbm>>
      tpu.enqueue_dma source(%dma_start3A_825 : memref<632x16xf32, #tpu.memory_space<hbm>>) target(%dma_start3A_823 : memref<632x16xf32, #tpu.memory_space<vmem_shared>>) target_semaphore(%run_scoped3A : memref<!tpu.dma_semaphore, #tpu.memory_space<semaphore_mem>>)
      %dma_wait3A_826 = arith.constant 0 : i32
      %dma_wait3A_827 = tpu.memref_slice %arg32[%multiple_of3A, %dma_wait3A_826] : memref<10008x16xf32, #tpu.memory_space<vmem_shared>> -> memref<632x16xf32, #tpu.memory_space<vmem_shared>>
      %dma_wait3A_828 = arith.constant 0 : i32
      %dma_wait3A_829 = tpu.memref_slice %arg6[%multiple_of3A, %dma_wait3A_828] : memref<10008x16xf32, #tpu.memory_space<hbm>> -> memref<632x16xf32, #tpu.memory_space<hbm>>
      tpu.wait_dma2 semaphore(%run_scoped3A : memref<!tpu.dma_semaphore, #tpu.memory_space<semaphore_mem>>) src(%dma_wait3A_829 : memref<632x16xf32, #tpu.memory_space<hbm>>) dst(%dma_wait3A_827 : memref<632x16xf32, #tpu.memory_space<vmem_shared>>)
      tpu.yield
    }) : () -> ()
    %broadcast_in_dim3A = arith.constant 1.000000e+00 : f32
    %broadcast_in_dim3A_4 = vector.broadcast %broadcast_in_dim3A : f32 to vector<16xf32>
    %swap3A = arith.constant 0 : i32
    %swap3A_5 = arith.index_cast %swap3A : i32 to index
    %swap3A_6 = arith.constant 0 : index
    %swap3A_7 = tpu.vector_load %arg31[%swap3A_5, %swap3A_6] {strides = array<i32>} : memref<80x16xf32, #tpu.memory_space<vmem>>, vector<1x16xf32>,
    %swap3A_8 = vector.shape_cast %swap3A_7 : vector<1x16xf32> to vector<16xf32>
    %swap3A_9 = vector.shape_cast %broadcast_in_dim3A_4 : vector<16xf32> to vector<1x16xf32>
    tpu.vector_store %arg31[%swap3A_5, %swap3A_6], %swap3A_9 {strides = array<i32>} : memref<80x16xf32, #tpu.memory_space<vmem>>, vector<1x16xf32>,
    %broadcast_in_dim3A_10 = arith.constant 1.000000e+00 : f32
    %broadcast_in_dim3A_11 = vector.broadcast %broadcast_in_dim3A_10 : f32 to vector<16xf32>
    %swap3A_12 = arith.constant 1 : i32
    %swap3A_13 = arith.index_cast %swap3A_12 : i32 to index
    %swap3A_14 = arith.constant 0 : index
    %swap3A_15 = tpu.vector_load %arg31[%swap3A_13, %swap3A_14] {strides = array<i32>} : memref<80x16xf32, #tpu.memory_space<vmem>>, vector<1x16xf32>,
    %swap3A_16 = vector.shape_cast %swap3A_15 : vector<1x16xf32> to vector<16xf32>
    %swap3A_17 = vector.shape_cast %broadcast_in_dim3A_11 : vector<16xf32> to vector<1x16xf32>
    tpu.vector_store %arg31[%swap3A_13, %swap3A_14], %swap3A_17 {strides = array<i32>} : memref<80x16xf32, #tpu.memory_space<vmem>>, vector<1x16xf32>,
    %broadcast_in_dim3A_18 = arith.constant 1.000000e+00 : f32
    %broadcast_in_dim3A_19 = vector.broadcast %broadcast_in_dim3A_18 : f32 to vector<16xf32>
    %swap3A_20 = arith.constant 2 : i32
    %swap3A_21 = arith.index_cast %swap3A_20 : i32 to index
    %swap3A_22 = arith.constant 0 : index
    %swap3A_23 = tpu.vector_load %arg31[%swap3A_21, %swap3A_22] {strides = array<i32>} : memref<80x16xf32, #tpu.memory_space<vmem>>, vector<1x16xf32>,
    %swap3A_24 = vector.shape_cast %swap3A_23 : vector<1x16xf32> to vector<16xf32>
    %swap3A_25 = vector.shape_cast %broadcast_in_dim3A_19 : vector<16xf32> to vector<1x16xf32>
    tpu.vector_store %arg31[%swap3A_21, %swap3A_22], %swap3A_25 {strides = array<i32>} : memref<80x16xf32, #tpu.memory_space<vmem>>, vector<1x16xf32>,
    %broadcast_in_dim3A_26 = arith.constant 1.000000e+00 : f32
    %broadcast_in_dim3A_27 = vector.broadcast %broadcast_in_dim3A_26 : f32 to vector<16xf32>
    %swap3A_28 = arith.constant 3 : i32
    %swap3A_29 = arith.index_cast %swap3A_28 : i32 to index
    %swap3A_30 = arith.constant 0 : index
    %swap3A_31 = tpu.vector_load %arg31[%swap3A_29, %swap3A_30] {strides = array<i32>} : memref<80x16xf32, #tpu.memory_space<vmem>>, vector<1x16xf32>,
    %swap3A_32 = vector.shape_cast %swap3A_31 : vector<1x16xf32> to vector<16xf32>
    %swap3A_33 = vector.shape_cast %broadcast_in_dim3A_27 : vector<16xf32> to vector<1x16xf32>
    tpu.vector_store %arg31[%swap3A_29, %swap3A_30], %swap3A_33 {strides = array<i32>} : memref<80x16xf32, #tpu.memory_space<vmem>>, vector<1x16xf32>,
    %broadcast_in_dim3A_34 = arith.constant 1.000000e+00 : f32
    %broadcast_in_dim3A_35 = vector.broadcast %broadcast_in_dim3A_34 : f32 to vector<16xf32>
    %swap3A_36 = arith.constant 4 : i32
    %swap3A_37 = arith.index_cast %swap3A_36 : i32 to index
    %swap3A_38 = arith.constant 0 : index
    %swap3A_39 = tpu.vector_load %arg31[%swap3A_37, %swap3A_38] {strides = array<i32>} : memref<80x16xf32, #tpu.memory_space<vmem>>, vector<1x16xf32>,
    %swap3A_40 = vector.shape_cast %swap3A_39 : vector<1x16xf32> to vector<16xf32>
    %swap3A_41 = vector.shape_cast %broadcast_in_dim3A_35 : vector<16xf32> to vector<1x16xf32>
    tpu.vector_store %arg31[%swap3A_37, %swap3A_38], %swap3A_41 {strides = array<i32>} : memref<80x16xf32, #tpu.memory_space<vmem>>, vector<1x16xf32>,
    %broadcast_in_dim3A_42 = arith.constant 1.000000e+00 : f32
    %broadcast_in_dim3A_43 = vector.broadcast %broadcast_in_dim3A_42 : f32 to vector<16xf32>
    %swap3A_44 = arith.constant 5 : i32
    %swap3A_45 = arith.index_cast %swap3A_44 : i32 to index
    %swap3A_46 = arith.constant 0 : index
    %swap3A_47 = tpu.vector_load %arg31[%swap3A_45, %swap3A_46] {strides = array<i32>} : memref<80x16xf32, #tpu.memory_space<vmem>>, vector<1x16xf32>,
    %swap3A_48 = vector.shape_cast %swap3A_47 : vector<1x16xf32> to vector<16xf32>
    %swap3A_49 = vector.shape_cast %broadcast_in_dim3A_43 : vector<16xf32> to vector<1x16xf32>
    tpu.vector_store %arg31[%swap3A_45, %swap3A_46], %swap3A_49 {strides = array<i32>} : memref<80x16xf32, #tpu.memory_space<vmem>>, vector<1x16xf32>,
    %broadcast_in_dim3A_50 = arith.constant 1.000000e+00 : f32
    %broadcast_in_dim3A_51 = vector.broadcast %broadcast_in_dim3A_50 : f32 to vector<16xf32>
    %swap3A_52 = arith.constant 6 : i32
    %swap3A_53 = arith.index_cast %swap3A_52 : i32 to index
    %swap3A_54 = arith.constant 0 : index
    %swap3A_55 = tpu.vector_load %arg31[%swap3A_53, %swap3A_54] {strides = array<i32>} : memref<80x16xf32, #tpu.memory_space<vmem>>, vector<1x16xf32>,
    %swap3A_56 = vector.shape_cast %swap3A_55 : vector<1x16xf32> to vector<16xf32>
    %swap3A_57 = vector.shape_cast %broadcast_in_dim3A_51 : vector<16xf32> to vector<1x16xf32>
    tpu.vector_store %arg31[%swap3A_53, %swap3A_54], %swap3A_57 {strides = array<i32>} : memref<80x16xf32, #tpu.memory_space<vmem>>, vector<1x16xf32>,
    %broadcast_in_dim3A_58 = arith.constant 1.000000e+00 : f32
    %broadcast_in_dim3A_59 = vector.broadcast %broadcast_in_dim3A_58 : f32 to vector<16xf32>
    %swap3A_60 = arith.constant 7 : i32
    %swap3A_61 = arith.index_cast %swap3A_60 : i32 to index
    %swap3A_62 = arith.constant 0 : index
    %swap3A_63 = tpu.vector_load %arg31[%swap3A_61, %swap3A_62] {strides = array<i32>} : memref<80x16xf32, #tpu.memory_space<vmem>>, vector<1x16xf32>,
    %swap3A_64 = vector.shape_cast %swap3A_63 : vector<1x16xf32> to vector<16xf32>
    %swap3A_65 = vector.shape_cast %broadcast_in_dim3A_59 : vector<16xf32> to vector<1x16xf32>
    tpu.vector_store %arg31[%swap3A_61, %swap3A_62], %swap3A_65 {strides = array<i32>} : memref<80x16xf32, #tpu.memory_space<vmem>>, vector<1x16xf32>,
    %broadcast_in_dim3A_66 = arith.constant 1.000000e+00 : f32
    %broadcast_in_dim3A_67 = vector.broadcast %broadcast_in_dim3A_66 : f32 to vector<16xf32>
    %swap3A_68 = arith.constant 8 : i32
    %swap3A_69 = arith.index_cast %swap3A_68 : i32 to index
    %swap3A_70 = arith.constant 0 : index
    %swap3A_71 = tpu.vector_load %arg31[%swap3A_69, %swap3A_70] {strides = array<i32>} : memref<80x16xf32, #tpu.memory_space<vmem>>, vector<1x16xf32>,
    %swap3A_72 = vector.shape_cast %swap3A_71 : vector<1x16xf32> to vector<16xf32>
    %swap3A_73 = vector.shape_cast %broadcast_in_dim3A_67 : vector<16xf32> to vector<1x16xf32>
    tpu.vector_store %arg31[%swap3A_69, %swap3A_70], %swap3A_73 {strides = array<i32>} : memref<80x16xf32, #tpu.memory_space<vmem>>, vector<1x16xf32>,
    %broadcast_in_dim3A_74 = arith.constant 1.000000e+00 : f32
    %broadcast_in_dim3A_75 = vector.broadcast %broadcast_in_dim3A_74 : f32 to vector<16xf32>
    %swap3A_76 = arith.constant 9 : i32
    %swap3A_77 = arith.index_cast %swap3A_76 : i32 to index
    %swap3A_78 = arith.constant 0 : index
    %swap3A_79 = tpu.vector_load %arg31[%swap3A_77, %swap3A_78] {strides = array<i32>} : memref<80x16xf32, #tpu.memory_space<vmem>>, vector<1x16xf32>,
    %swap3A_80 = vector.shape_cast %swap3A_79 : vector<1x16xf32> to vector<16xf32>
    %swap3A_81 = vector.shape_cast %broadcast_in_dim3A_75 : vector<16xf32> to vector<1x16xf32>
    tpu.vector_store %arg31[%swap3A_77, %swap3A_78], %swap3A_81 {strides = array<i32>} : memref<80x16xf32, #tpu.memory_space<vmem>>, vector<1x16xf32>,
    %broadcast_in_dim3A_82 = arith.constant 1.000000e+00 : f32
    %broadcast_in_dim3A_83 = vector.broadcast %broadcast_in_dim3A_82 : f32 to vector<16xf32>
    %swap3A_84 = arith.constant 10 : i32
    %swap3A_85 = arith.index_cast %swap3A_84 : i32 to index
    %swap3A_86 = arith.constant 0 : index
    %swap3A_87 = tpu.vector_load %arg31[%swap3A_85, %swap3A_86] {strides = array<i32>} : memref<80x16xf32, #tpu.memory_space<vmem>>, vector<1x16xf32>,
    %swap3A_88 = vector.shape_cast %swap3A_87 : vector<1x16xf32> to vector<16xf32>
    %swap3A_89 = vector.shape_cast %broadcast_in_dim3A_83 : vector<16xf32> to vector<1x16xf32>
    tpu.vector_store %arg31[%swap3A_85, %swap3A_86], %swap3A_89 {strides = array<i32>} : memref<80x16xf32, #tpu.memory_space<vmem>>, vector<1x16xf32>,
    %broadcast_in_dim3A_90 = arith.constant 1.000000e+00 : f32
    %broadcast_in_dim3A_91 = vector.broadcast %broadcast_in_dim3A_90 : f32 to vector<16xf32>
    %swap3A_92 = arith.constant 11 : i32
    %swap3A_93 = arith.index_cast %swap3A_92 : i32 to index
    %swap3A_94 = arith.constant 0 : index
    %swap3A_95 = tpu.vector_load %arg31[%swap3A_93, %swap3A_94] {strides = array<i32>} : memref<80x16xf32, #tpu.memory_space<vmem>>, vector<1x16xf32>,
    %swap3A_96 = vector.shape_cast %swap3A_95 : vector<1x16xf32> to vector<16xf32>
    %swap3A_97 = vector.shape_cast %broadcast_in_dim3A_91 : vector<16xf32> to vector<1x16xf32>
    tpu.vector_store %arg31[%swap3A_93, %swap3A_94], %swap3A_97 {strides = array<i32>} : memref<80x16xf32, #tpu.memory_space<vmem>>, vector<1x16xf32>,
    %broadcast_in_dim3A_98 = arith.constant 1.000000e+00 : f32
    %broadcast_in_dim3A_99 = vector.broadcast %broadcast_in_dim3A_98 : f32 to vector<16xf32>
    %swap3A_100 = arith.constant 12 : i32
    %swap3A_101 = arith.index_cast %swap3A_100 : i32 to index
    %swap3A_102 = arith.constant 0 : index
    %swap3A_103 = tpu.vector_load %arg31[%swap3A_101, %swap3A_102] {strides = array<i32>} : memref<80x16xf32, #tpu.memory_space<vmem>>, vector<1x16xf32>,
    %swap3A_104 = vector.shape_cast %swap3A_103 : vector<1x16xf32> to vector<16xf32>
    %swap3A_105 = vector.shape_cast %broadcast_in_dim3A_99 : vector<16xf32> to vector<1x16xf32>
    tpu.vector_store %arg31[%swap3A_101, %swap3A_102], %swap3A_105 {strides = array<i32>} : memref<80x16xf32, #tpu.memory_space<vmem>>, vector<1x16xf32>,
    %broadcast_in_dim3A_106 = arith.constant 1.000000e+00 : f32
    %broadcast_in_dim3A_107 = vector.broadcast %broadcast_in_dim3A_106 : f32 to vector<16xf32>
    %swap3A_108 = arith.constant 13 : i32
    %swap3A_109 = arith.index_cast %swap3A_108 : i32 to index
    %swap3A_110 = arith.constant 0 : index
    %swap3A_111 = tpu.vector_load %arg31[%swap3A_109, %swap3A_110] {strides = array<i32>} : memref<80x16xf32, #tpu.memory_space<vmem>>, vector<1x16xf32>,
    %swap3A_112 = vector.shape_cast %swap3A_111 : vector<1x16xf32> to vector<16xf32>
    %swap3A_113 = vector.shape_cast %broadcast_in_dim3A_107 : vector<16xf32> to vector<1x16xf32>
    tpu.vector_store %arg31[%swap3A_109, %swap3A_110], %swap3A_113 {strides = array<i32>} : memref<80x16xf32, #tpu.memory_space<vmem>>, vector<1x16xf32>,
    %broadcast_in_dim3A_114 = arith.constant 1.000000e+00 : f32
    %broadcast_in_dim3A_115 = vector.broadcast %broadcast_in_dim3A_114 : f32 to vector<16xf32>
    %swap3A_116 = arith.constant 14 : i32
    %swap3A_117 = arith.index_cast %swap3A_116 : i32 to index
    %swap3A_118 = arith.constant 0 : index
    %swap3A_119 = tpu.vector_load %arg31[%swap3A_117, %swap3A_118] {strides = array<i32>} : memref<80x16xf32, #tpu.memory_space<vmem>>, vector<1x16xf32>,
    %swap3A_120 = vector.shape_cast %swap3A_119 : vector<1x16xf32> to vector<16xf32>
    %swap3A_121 = vector.shape_cast %broadcast_in_dim3A_115 : vector<16xf32> to vector<1x16xf32>
    tpu.vector_store %arg31[%swap3A_117, %swap3A_118], %swap3A_121 {strides = array<i32>} : memref<80x16xf32, #tpu.memory_space<vmem>>, vector<1x16xf32>,
    %broadcast_in_dim3A_122 = arith.constant 1.000000e+00 : f32
    %broadcast_in_dim3A_123 = vector.broadcast %broadcast_in_dim3A_122 : f32 to vector<16xf32>
    %swap3A_124 = arith.constant 15 : i32
    %swap3A_125 = arith.index_cast %swap3A_124 : i32 to index
    %swap3A_126 = arith.constant 0 : index
    %swap3A_127 = tpu.vector_load %arg31[%swap3A_125, %swap3A_126] {strides = array<i32>} : memref<80x16xf32, #tpu.memory_space<vmem>>, vector<1x16xf32>,
    %swap3A_128 = vector.shape_cast %swap3A_127 : vector<1x16xf32> to vector<16xf32>
    %swap3A_129 = vector.shape_cast %broadcast_in_dim3A_123 : vector<16xf32> to vector<1x16xf32>
    tpu.vector_store %arg31[%swap3A_125, %swap3A_126], %swap3A_129 {strides = array<i32>} : memref<80x16xf32, #tpu.memory_space<vmem>>, vector<1x16xf32>,
    %broadcast_in_dim3A_130 = arith.constant 1.000000e+00 : f32
    %broadcast_in_dim3A_131 = vector.broadcast %broadcast_in_dim3A_130 : f32 to vector<16xf32>
    %swap3A_132 = arith.constant 16 : i32
    %swap3A_133 = arith.index_cast %swap3A_132 : i32 to index
    %swap3A_134 = arith.constant 0 : index
    %swap3A_135 = tpu.vector_load %arg31[%swap3A_133, %swap3A_134] {strides = array<i32>} : memref<80x16xf32, #tpu.memory_space<vmem>>, vector<1x16xf32>,
    %swap3A_136 = vector.shape_cast %swap3A_135 : vector<1x16xf32> to vector<16xf32>
    %swap3A_137 = vector.shape_cast %broadcast_in_dim3A_131 : vector<16xf32> to vector<1x16xf32>
    tpu.vector_store %arg31[%swap3A_133, %swap3A_134], %swap3A_137 {strides = array<i32>} : memref<80x16xf32, #tpu.memory_space<vmem>>, vector<1x16xf32>,
    %broadcast_in_dim3A_138 = arith.constant 1.000000e+00 : f32
    %broadcast_in_dim3A_139 = vector.broadcast %broadcast_in_dim3A_138 : f32 to vector<16xf32>
    %swap3A_140 = arith.constant 17 : i32
    %swap3A_141 = arith.index_cast %swap3A_140 : i32 to index
    %swap3A_142 = arith.constant 0 : index
    %swap3A_143 = tpu.vector_load %arg31[%swap3A_141, %swap3A_142] {strides = array<i32>} : memref<80x16xf32, #tpu.memory_space<vmem>>, vector<1x16xf32>,
    %swap3A_144 = vector.shape_cast %swap3A_143 : vector<1x16xf32> to vector<16xf32>
    %swap3A_145 = vector.shape_cast %broadcast_in_dim3A_139 : vector<16xf32> to vector<1x16xf32>
    tpu.vector_store %arg31[%swap3A_141, %swap3A_142], %swap3A_145 {strides = array<i32>} : memref<80x16xf32, #tpu.memory_space<vmem>>, vector<1x16xf32>,
    %broadcast_in_dim3A_146 = arith.constant 1.000000e+00 : f32
    %broadcast_in_dim3A_147 = vector.broadcast %broadcast_in_dim3A_146 : f32 to vector<16xf32>
    %swap3A_148 = arith.constant 18 : i32
    %swap3A_149 = arith.index_cast %swap3A_148 : i32 to index
    %swap3A_150 = arith.constant 0 : index
    %swap3A_151 = tpu.vector_load %arg31[%swap3A_149, %swap3A_150] {strides = array<i32>} : memref<80x16xf32, #tpu.memory_space<vmem>>, vector<1x16xf32>,
    %swap3A_152 = vector.shape_cast %swap3A_151 : vector<1x16xf32> to vector<16xf32>
    %swap3A_153 = vector.shape_cast %broadcast_in_dim3A_147 : vector<16xf32> to vector<1x16xf32>
    tpu.vector_store %arg31[%swap3A_149, %swap3A_150], %swap3A_153 {strides = array<i32>} : memref<80x16xf32, #tpu.memory_space<vmem>>, vector<1x16xf32>,
    %broadcast_in_dim3A_154 = arith.constant 1.000000e+00 : f32
    %broadcast_in_dim3A_155 = vector.broadcast %broadcast_in_dim3A_154 : f32 to vector<16xf32>
    %swap3A_156 = arith.constant 19 : i32
    %swap3A_157 = arith.index_cast %swap3A_156 : i32 to index
    %swap3A_158 = arith.constant 0 : index
    %swap3A_159 = tpu.vector_load %arg31[%swap3A_157, %swap3A_158] {strides = array<i32>} : memref<80x16xf32, #tpu.memory_space<vmem>>, vector<1x16xf32>,
    %swap3A_160 = vector.shape_cast %swap3A_159 : vector<1x16xf32> to vector<16xf32>
    %swap3A_161 = vector.shape_cast %broadcast_in_dim3A_155 : vector<16xf32> to vector<1x16xf32>
    tpu.vector_store %arg31[%swap3A_157, %swap3A_158], %swap3A_161 {strides = array<i32>} : memref<80x16xf32, #tpu.memory_space<vmem>>, vector<1x16xf32>,
    %broadcast_in_dim3A_162 = arith.constant 1.000000e+00 : f32
    %broadcast_in_dim3A_163 = vector.broadcast %broadcast_in_dim3A_162 : f32 to vector<16xf32>
    %swap3A_164 = arith.constant 20 : i32
    %swap3A_165 = arith.index_cast %swap3A_164 : i32 to index
    %swap3A_166 = arith.constant 0 : index
    %swap3A_167 = tpu.vector_load %arg31[%swap3A_165, %swap3A_166] {strides = array<i32>} : memref<80x16xf32, #tpu.memory_space<vmem>>, vector<1x16xf32>,
    %swap3A_168 = vector.shape_cast %swap3A_167 : vector<1x16xf32> to vector<16xf32>
    %swap3A_169 = vector.shape_cast %broadcast_in_dim3A_163 : vector<16xf32> to vector<1x16xf32>
    tpu.vector_store %arg31[%swap3A_165, %swap3A_166], %swap3A_169 {strides = array<i32>} : memref<80x16xf32, #tpu.memory_space<vmem>>, vector<1x16xf32>,
    %broadcast_in_dim3A_170 = arith.constant 1.000000e+00 : f32
    %broadcast_in_dim3A_171 = vector.broadcast %broadcast_in_dim3A_170 : f32 to vector<16xf32>
    %swap3A_172 = arith.constant 21 : i32
    %swap3A_173 = arith.index_cast %swap3A_172 : i32 to index
    %swap3A_174 = arith.constant 0 : index
    %swap3A_175 = tpu.vector_load %arg31[%swap3A_173, %swap3A_174] {strides = array<i32>} : memref<80x16xf32, #tpu.memory_space<vmem>>, vector<1x16xf32>,
    %swap3A_176 = vector.shape_cast %swap3A_175 : vector<1x16xf32> to vector<16xf32>
    %swap3A_177 = vector.shape_cast %broadcast_in_dim3A_171 : vector<16xf32> to vector<1x16xf32>
    tpu.vector_store %arg31[%swap3A_173, %swap3A_174], %swap3A_177 {strides = array<i32>} : memref<80x16xf32, #tpu.memory_space<vmem>>, vector<1x16xf32>,
    %broadcast_in_dim3A_178 = arith.constant 1.000000e+00 : f32
    %broadcast_in_dim3A_179 = vector.broadcast %broadcast_in_dim3A_178 : f32 to vector<16xf32>
    %swap3A_180 = arith.constant 22 : i32
    %swap3A_181 = arith.index_cast %swap3A_180 : i32 to index
    %swap3A_182 = arith.constant 0 : index
    %swap3A_183 = tpu.vector_load %arg31[%swap3A_181, %swap3A_182] {strides = array<i32>} : memref<80x16xf32, #tpu.memory_space<vmem>>, vector<1x16xf32>,
    %swap3A_184 = vector.shape_cast %swap3A_183 : vector<1x16xf32> to vector<16xf32>
    %swap3A_185 = vector.shape_cast %broadcast_in_dim3A_179 : vector<16xf32> to vector<1x16xf32>
    tpu.vector_store %arg31[%swap3A_181, %swap3A_182], %swap3A_185 {strides = array<i32>} : memref<80x16xf32, #tpu.memory_space<vmem>>, vector<1x16xf32>,
    %broadcast_in_dim3A_186 = arith.constant 1.000000e+00 : f32
    %broadcast_in_dim3A_187 = vector.broadcast %broadcast_in_dim3A_186 : f32 to vector<16xf32>
    %swap3A_188 = arith.constant 23 : i32
    %swap3A_189 = arith.index_cast %swap3A_188 : i32 to index
    %swap3A_190 = arith.constant 0 : index
    %swap3A_191 = tpu.vector_load %arg31[%swap3A_189, %swap3A_190] {strides = array<i32>} : memref<80x16xf32, #tpu.memory_space<vmem>>, vector<1x16xf32>,
    %swap3A_192 = vector.shape_cast %swap3A_191 : vector<1x16xf32> to vector<16xf32>
    %swap3A_193 = vector.shape_cast %broadcast_in_dim3A_187 : vector<16xf32> to vector<1x16xf32>
    tpu.vector_store %arg31[%swap3A_189, %swap3A_190], %swap3A_193 {strides = array<i32>} : memref<80x16xf32, #tpu.memory_space<vmem>>, vector<1x16xf32>,
    %broadcast_in_dim3A_194 = arith.constant 1.000000e+00 : f32
    %broadcast_in_dim3A_195 = vector.broadcast %broadcast_in_dim3A_194 : f32 to vector<16xf32>
    %swap3A_196 = arith.constant 24 : i32
    %swap3A_197 = arith.index_cast %swap3A_196 : i32 to index
    %swap3A_198 = arith.constant 0 : index
    %swap3A_199 = tpu.vector_load %arg31[%swap3A_197, %swap3A_198] {strides = array<i32>} : memref<80x16xf32, #tpu.memory_space<vmem>>, vector<1x16xf32>,
    %swap3A_200 = vector.shape_cast %swap3A_199 : vector<1x16xf32> to vector<16xf32>
    %swap3A_201 = vector.shape_cast %broadcast_in_dim3A_195 : vector<16xf32> to vector<1x16xf32>
    tpu.vector_store %arg31[%swap3A_197, %swap3A_198], %swap3A_201 {strides = array<i32>} : memref<80x16xf32, #tpu.memory_space<vmem>>, vector<1x16xf32>,
    %broadcast_in_dim3A_202 = arith.constant 1.000000e+00 : f32
    %broadcast_in_dim3A_203 = vector.broadcast %broadcast_in_dim3A_202 : f32 to vector<16xf32>
    %swap3A_204 = arith.constant 25 : i32
    %swap3A_205 = arith.index_cast %swap3A_204 : i32 to index
    %swap3A_206 = arith.constant 0 : index
    %swap3A_207 = tpu.vector_load %arg31[%swap3A_205, %swap3A_206] {strides = array<i32>} : memref<80x16xf32, #tpu.memory_space<vmem>>, vector<1x16xf32>,
    %swap3A_208 = vector.shape_cast %swap3A_207 : vector<1x16xf32> to vector<16xf32>
    %swap3A_209 = vector.shape_cast %broadcast_in_dim3A_203 : vector<16xf32> to vector<1x16xf32>
    tpu.vector_store %arg31[%swap3A_205, %swap3A_206], %swap3A_209 {strides = array<i32>} : memref<80x16xf32, #tpu.memory_space<vmem>>, vector<1x16xf32>,
    %broadcast_in_dim3A_210 = arith.constant 1.000000e+00 : f32
    %broadcast_in_dim3A_211 = vector.broadcast %broadcast_in_dim3A_210 : f32 to vector<16xf32>
    %swap3A_212 = arith.constant 26 : i32
    %swap3A_213 = arith.index_cast %swap3A_212 : i32 to index
    %swap3A_214 = arith.constant 0 : index
    %swap3A_215 = tpu.vector_load %arg31[%swap3A_213, %swap3A_214] {strides = array<i32>} : memref<80x16xf32, #tpu.memory_space<vmem>>, vector<1x16xf32>,
    %swap3A_216 = vector.shape_cast %swap3A_215 : vector<1x16xf32> to vector<16xf32>
    %swap3A_217 = vector.shape_cast %broadcast_in_dim3A_211 : vector<16xf32> to vector<1x16xf32>
    tpu.vector_store %arg31[%swap3A_213, %swap3A_214], %swap3A_217 {strides = array<i32>} : memref<80x16xf32, #tpu.memory_space<vmem>>, vector<1x16xf32>,
    %broadcast_in_dim3A_218 = arith.constant 1.000000e+00 : f32
    %broadcast_in_dim3A_219 = vector.broadcast %broadcast_in_dim3A_218 : f32 to vector<16xf32>
    %swap3A_220 = arith.constant 27 : i32
    %swap3A_221 = arith.index_cast %swap3A_220 : i32 to index
    %swap3A_222 = arith.constant 0 : index
    %swap3A_223 = tpu.vector_load %arg31[%swap3A_221, %swap3A_222] {strides = array<i32>} : memref<80x16xf32, #tpu.memory_space<vmem>>, vector<1x16xf32>,
    %swap3A_224 = vector.shape_cast %swap3A_223 : vector<1x16xf32> to vector<16xf32>
    %swap3A_225 = vector.shape_cast %broadcast_in_dim3A_219 : vector<16xf32> to vector<1x16xf32>
    tpu.vector_store %arg31[%swap3A_221, %swap3A_222], %swap3A_225 {strides = array<i32>} : memref<80x16xf32, #tpu.memory_space<vmem>>, vector<1x16xf32>,
    %broadcast_in_dim3A_226 = arith.constant 1.000000e+00 : f32
    %broadcast_in_dim3A_227 = vector.broadcast %broadcast_in_dim3A_226 : f32 to vector<16xf32>
    %swap3A_228 = arith.constant 28 : i32
    %swap3A_229 = arith.index_cast %swap3A_228 : i32 to index
    %swap3A_230 = arith.constant 0 : index
    %swap3A_231 = tpu.vector_load %arg31[%swap3A_229, %swap3A_230] {strides = array<i32>} : memref<80x16xf32, #tpu.memory_space<vmem>>, vector<1x16xf32>,
    %swap3A_232 = vector.shape_cast %swap3A_231 : vector<1x16xf32> to vector<16xf32>
    %swap3A_233 = vector.shape_cast %broadcast_in_dim3A_227 : vector<16xf32> to vector<1x16xf32>
    tpu.vector_store %arg31[%swap3A_229, %swap3A_230], %swap3A_233 {strides = array<i32>} : memref<80x16xf32, #tpu.memory_space<vmem>>, vector<1x16xf32>,
    %broadcast_in_dim3A_234 = arith.constant 1.000000e+00 : f32
    %broadcast_in_dim3A_235 = vector.broadcast %broadcast_in_dim3A_234 : f32 to vector<16xf32>
    %swap3A_236 = arith.constant 29 : i32
    %swap3A_237 = arith.index_cast %swap3A_236 : i32 to index
    %swap3A_238 = arith.constant 0 : index
    %swap3A_239 = tpu.vector_load %arg31[%swap3A_237, %swap3A_238] {strides = array<i32>} : memref<80x16xf32, #tpu.memory_space<vmem>>, vector<1x16xf32>,
    %swap3A_240 = vector.shape_cast %swap3A_239 : vector<1x16xf32> to vector<16xf32>
    %swap3A_241 = vector.shape_cast %broadcast_in_dim3A_235 : vector<16xf32> to vector<1x16xf32>
    tpu.vector_store %arg31[%swap3A_237, %swap3A_238], %swap3A_241 {strides = array<i32>} : memref<80x16xf32, #tpu.memory_space<vmem>>, vector<1x16xf32>,
    %broadcast_in_dim3A_242 = arith.constant 1.000000e+00 : f32
    %broadcast_in_dim3A_243 = vector.broadcast %broadcast_in_dim3A_242 : f32 to vector<16xf32>
    %swap3A_244 = arith.constant 30 : i32
    %swap3A_245 = arith.index_cast %swap3A_244 : i32 to index
    %swap3A_246 = arith.constant 0 : index
    %swap3A_247 = tpu.vector_load %arg31[%swap3A_245, %swap3A_246] {strides = array<i32>} : memref<80x16xf32, #tpu.memory_space<vmem>>, vector<1x16xf32>,
    %swap3A_248 = vector.shape_cast %swap3A_247 : vector<1x16xf32> to vector<16xf32>
    %swap3A_249 = vector.shape_cast %broadcast_in_dim3A_243 : vector<16xf32> to vector<1x16xf32>
    tpu.vector_store %arg31[%swap3A_245, %swap3A_246], %swap3A_249 {strides = array<i32>} : memref<80x16xf32, #tpu.memory_space<vmem>>, vector<1x16xf32>,
    %broadcast_in_dim3A_250 = arith.constant 1.000000e+00 : f32
    %broadcast_in_dim3A_251 = vector.broadcast %broadcast_in_dim3A_250 : f32 to vector<16xf32>
    %swap3A_252 = arith.constant 31 : i32
    %swap3A_253 = arith.index_cast %swap3A_252 : i32 to index
    %swap3A_254 = arith.constant 0 : index
    %swap3A_255 = tpu.vector_load %arg31[%swap3A_253, %swap3A_254] {strides = array<i32>} : memref<80x16xf32, #tpu.memory_space<vmem>>, vector<1x16xf32>,
    %swap3A_256 = vector.shape_cast %swap3A_255 : vector<1x16xf32> to vector<16xf32>
    %swap3A_257 = vector.shape_cast %broadcast_in_dim3A_251 : vector<16xf32> to vector<1x16xf32>
    tpu.vector_store %arg31[%swap3A_253, %swap3A_254], %swap3A_257 {strides = array<i32>} : memref<80x16xf32, #tpu.memory_space<vmem>>, vector<1x16xf32>,
    %broadcast_in_dim3A_258 = arith.constant 1.000000e+00 : f32
    %broadcast_in_dim3A_259 = vector.broadcast %broadcast_in_dim3A_258 : f32 to vector<16xf32>
    %swap3A_260 = arith.constant 32 : i32
    %swap3A_261 = arith.index_cast %swap3A_260 : i32 to index
    %swap3A_262 = arith.constant 0 : index
    %swap3A_263 = tpu.vector_load %arg31[%swap3A_261, %swap3A_262] {strides = array<i32>} : memref<80x16xf32, #tpu.memory_space<vmem>>, vector<1x16xf32>,
    %swap3A_264 = vector.shape_cast %swap3A_263 : vector<1x16xf32> to vector<16xf32>
    %swap3A_265 = vector.shape_cast %broadcast_in_dim3A_259 : vector<16xf32> to vector<1x16xf32>
    tpu.vector_store %arg31[%swap3A_261, %swap3A_262], %swap3A_265 {strides = array<i32>} : memref<80x16xf32, #tpu.memory_space<vmem>>, vector<1x16xf32>,
    %broadcast_in_dim3A_266 = arith.constant 1.000000e+00 : f32
    %broadcast_in_dim3A_267 = vector.broadcast %broadcast_in_dim3A_266 : f32 to vector<16xf32>
    %swap3A_268 = arith.constant 33 : i32
    %swap3A_269 = arith.index_cast %swap3A_268 : i32 to index
    %swap3A_270 = arith.constant 0 : index
    %swap3A_271 = tpu.vector_load %arg31[%swap3A_269, %swap3A_270] {strides = array<i32>} : memref<80x16xf32, #tpu.memory_space<vmem>>, vector<1x16xf32>,
    %swap3A_272 = vector.shape_cast %swap3A_271 : vector<1x16xf32> to vector<16xf32>
    %swap3A_273 = vector.shape_cast %broadcast_in_dim3A_267 : vector<16xf32> to vector<1x16xf32>
    tpu.vector_store %arg31[%swap3A_269, %swap3A_270], %swap3A_273 {strides = array<i32>} : memref<80x16xf32, #tpu.memory_space<vmem>>, vector<1x16xf32>,
    %broadcast_in_dim3A_274 = arith.constant 1.000000e+00 : f32
    %broadcast_in_dim3A_275 = vector.broadcast %broadcast_in_dim3A_274 : f32 to vector<16xf32>
    %swap3A_276 = arith.constant 34 : i32
    %swap3A_277 = arith.index_cast %swap3A_276 : i32 to index
    %swap3A_278 = arith.constant 0 : index
    %swap3A_279 = tpu.vector_load %arg31[%swap3A_277, %swap3A_278] {strides = array<i32>} : memref<80x16xf32, #tpu.memory_space<vmem>>, vector<1x16xf32>,
    %swap3A_280 = vector.shape_cast %swap3A_279 : vector<1x16xf32> to vector<16xf32>
    %swap3A_281 = vector.shape_cast %broadcast_in_dim3A_275 : vector<16xf32> to vector<1x16xf32>
    tpu.vector_store %arg31[%swap3A_277, %swap3A_278], %swap3A_281 {strides = array<i32>} : memref<80x16xf32, #tpu.memory_space<vmem>>, vector<1x16xf32>,
    %broadcast_in_dim3A_282 = arith.constant 1.000000e+00 : f32
    %broadcast_in_dim3A_283 = vector.broadcast %broadcast_in_dim3A_282 : f32 to vector<16xf32>
    %swap3A_284 = arith.constant 35 : i32
    %swap3A_285 = arith.index_cast %swap3A_284 : i32 to index
    %swap3A_286 = arith.constant 0 : index
    %swap3A_287 = tpu.vector_load %arg31[%swap3A_285, %swap3A_286] {strides = array<i32>} : memref<80x16xf32, #tpu.memory_space<vmem>>, vector<1x16xf32>,
    %swap3A_288 = vector.shape_cast %swap3A_287 : vector<1x16xf32> to vector<16xf32>
    %swap3A_289 = vector.shape_cast %broadcast_in_dim3A_283 : vector<16xf32> to vector<1x16xf32>
    tpu.vector_store %arg31[%swap3A_285, %swap3A_286], %swap3A_289 {strides = array<i32>} : memref<80x16xf32, #tpu.memory_space<vmem>>, vector<1x16xf32>,
    %broadcast_in_dim3A_290 = arith.constant 1.000000e+00 : f32
    %broadcast_in_dim3A_291 = vector.broadcast %broadcast_in_dim3A_290 : f32 to vector<16xf32>
    %swap3A_292 = arith.constant 36 : i32
    %swap3A_293 = arith.index_cast %swap3A_292 : i32 to index
    %swap3A_294 = arith.constant 0 : index
    %swap3A_295 = tpu.vector_load %arg31[%swap3A_293, %swap3A_294] {strides = array<i32>} : memref<80x16xf32, #tpu.memory_space<vmem>>, vector<1x16xf32>,
    %swap3A_296 = vector.shape_cast %swap3A_295 : vector<1x16xf32> to vector<16xf32>
    %swap3A_297 = vector.shape_cast %broadcast_in_dim3A_291 : vector<16xf32> to vector<1x16xf32>
    tpu.vector_store %arg31[%swap3A_293, %swap3A_294], %swap3A_297 {strides = array<i32>} : memref<80x16xf32, #tpu.memory_space<vmem>>, vector<1x16xf32>,
    %broadcast_in_dim3A_298 = arith.constant 1.000000e+00 : f32
    %broadcast_in_dim3A_299 = vector.broadcast %broadcast_in_dim3A_298 : f32 to vector<16xf32>
    %swap3A_300 = arith.constant 37 : i32
    %swap3A_301 = arith.index_cast %swap3A_300 : i32 to index
    %swap3A_302 = arith.constant 0 : index
    %swap3A_303 = tpu.vector_load %arg31[%swap3A_301, %swap3A_302] {strides = array<i32>} : memref<80x16xf32, #tpu.memory_space<vmem>>, vector<1x16xf32>,
    %swap3A_304 = vector.shape_cast %swap3A_303 : vector<1x16xf32> to vector<16xf32>
    %swap3A_305 = vector.shape_cast %broadcast_in_dim3A_299 : vector<16xf32> to vector<1x16xf32>
    tpu.vector_store %arg31[%swap3A_301, %swap3A_302], %swap3A_305 {strides = array<i32>} : memref<80x16xf32, #tpu.memory_space<vmem>>, vector<1x16xf32>,
    %broadcast_in_dim3A_306 = arith.constant 1.000000e+00 : f32
    %broadcast_in_dim3A_307 = vector.broadcast %broadcast_in_dim3A_306 : f32 to vector<16xf32>
    %swap3A_308 = arith.constant 38 : i32
    %swap3A_309 = arith.index_cast %swap3A_308 : i32 to index
    %swap3A_310 = arith.constant 0 : index
    %swap3A_311 = tpu.vector_load %arg31[%swap3A_309, %swap3A_310] {strides = array<i32>} : memref<80x16xf32, #tpu.memory_space<vmem>>, vector<1x16xf32>,
    %swap3A_312 = vector.shape_cast %swap3A_311 : vector<1x16xf32> to vector<16xf32>
    %swap3A_313 = vector.shape_cast %broadcast_in_dim3A_307 : vector<16xf32> to vector<1x16xf32>
    tpu.vector_store %arg31[%swap3A_309, %swap3A_310], %swap3A_313 {strides = array<i32>} : memref<80x16xf32, #tpu.memory_space<vmem>>, vector<1x16xf32>,
    %broadcast_in_dim3A_314 = arith.constant 1.000000e+00 : f32
    %broadcast_in_dim3A_315 = vector.broadcast %broadcast_in_dim3A_314 : f32 to vector<16xf32>
    %swap3A_316 = arith.constant 39 : i32
    %swap3A_317 = arith.index_cast %swap3A_316 : i32 to index
    %swap3A_318 = arith.constant 0 : index
    %swap3A_319 = tpu.vector_load %arg31[%swap3A_317, %swap3A_318] {strides = array<i32>} : memref<80x16xf32, #tpu.memory_space<vmem>>, vector<1x16xf32>,
    %swap3A_320 = vector.shape_cast %swap3A_319 : vector<1x16xf32> to vector<16xf32>
    %swap3A_321 = vector.shape_cast %broadcast_in_dim3A_315 : vector<16xf32> to vector<1x16xf32>
    tpu.vector_store %arg31[%swap3A_317, %swap3A_318], %swap3A_321 {strides = array<i32>} : memref<80x16xf32, #tpu.memory_space<vmem>>, vector<1x16xf32>,
    %broadcast_in_dim3A_322 = arith.constant 1.000000e+00 : f32
    %broadcast_in_dim3A_323 = vector.broadcast %broadcast_in_dim3A_322 : f32 to vector<16xf32>
    %swap3A_324 = arith.constant 40 : i32
    %swap3A_325 = arith.index_cast %swap3A_324 : i32 to index
    %swap3A_326 = arith.constant 0 : index
    %swap3A_327 = tpu.vector_load %arg31[%swap3A_325, %swap3A_326] {strides = array<i32>} : memref<80x16xf32, #tpu.memory_space<vmem>>, vector<1x16xf32>,
    %swap3A_328 = vector.shape_cast %swap3A_327 : vector<1x16xf32> to vector<16xf32>
    %swap3A_329 = vector.shape_cast %broadcast_in_dim3A_323 : vector<16xf32> to vector<1x16xf32>
    tpu.vector_store %arg31[%swap3A_325, %swap3A_326], %swap3A_329 {strides = array<i32>} : memref<80x16xf32, #tpu.memory_space<vmem>>, vector<1x16xf32>,
    %broadcast_in_dim3A_330 = arith.constant 1.000000e+00 : f32
    %broadcast_in_dim3A_331 = vector.broadcast %broadcast_in_dim3A_330 : f32 to vector<16xf32>
    %swap3A_332 = arith.constant 41 : i32
    %swap3A_333 = arith.index_cast %swap3A_332 : i32 to index
    %swap3A_334 = arith.constant 0 : index
    %swap3A_335 = tpu.vector_load %arg31[%swap3A_333, %swap3A_334] {strides = array<i32>} : memref<80x16xf32, #tpu.memory_space<vmem>>, vector<1x16xf32>,
    %swap3A_336 = vector.shape_cast %swap3A_335 : vector<1x16xf32> to vector<16xf32>
    %swap3A_337 = vector.shape_cast %broadcast_in_dim3A_331 : vector<16xf32> to vector<1x16xf32>
    tpu.vector_store %arg31[%swap3A_333, %swap3A_334], %swap3A_337 {strides = array<i32>} : memref<80x16xf32, #tpu.memory_space<vmem>>, vector<1x16xf32>,
    %broadcast_in_dim3A_338 = arith.constant 1.000000e+00 : f32
    %broadcast_in_dim3A_339 = vector.broadcast %broadcast_in_dim3A_338 : f32 to vector<16xf32>
    %swap3A_340 = arith.constant 42 : i32
    %swap3A_341 = arith.index_cast %swap3A_340 : i32 to index
    %swap3A_342 = arith.constant 0 : index
    %swap3A_343 = tpu.vector_load %arg31[%swap3A_341, %swap3A_342] {strides = array<i32>} : memref<80x16xf32, #tpu.memory_space<vmem>>, vector<1x16xf32>,
    %swap3A_344 = vector.shape_cast %swap3A_343 : vector<1x16xf32> to vector<16xf32>
    %swap3A_345 = vector.shape_cast %broadcast_in_dim3A_339 : vector<16xf32> to vector<1x16xf32>
    tpu.vector_store %arg31[%swap3A_341, %swap3A_342], %swap3A_345 {strides = array<i32>} : memref<80x16xf32, #tpu.memory_space<vmem>>, vector<1x16xf32>,
    %broadcast_in_dim3A_346 = arith.constant 1.000000e+00 : f32
    %broadcast_in_dim3A_347 = vector.broadcast %broadcast_in_dim3A_346 : f32 to vector<16xf32>
    %swap3A_348 = arith.constant 43 : i32
    %swap3A_349 = arith.index_cast %swap3A_348 : i32 to index
    %swap3A_350 = arith.constant 0 : index
    %swap3A_351 = tpu.vector_load %arg31[%swap3A_349, %swap3A_350] {strides = array<i32>} : memref<80x16xf32, #tpu.memory_space<vmem>>, vector<1x16xf32>,
    %swap3A_352 = vector.shape_cast %swap3A_351 : vector<1x16xf32> to vector<16xf32>
    %swap3A_353 = vector.shape_cast %broadcast_in_dim3A_347 : vector<16xf32> to vector<1x16xf32>
    tpu.vector_store %arg31[%swap3A_349, %swap3A_350], %swap3A_353 {strides = array<i32>} : memref<80x16xf32, #tpu.memory_space<vmem>>, vector<1x16xf32>,
    %broadcast_in_dim3A_354 = arith.constant 1.000000e+00 : f32
    %broadcast_in_dim3A_355 = vector.broadcast %broadcast_in_dim3A_354 : f32 to vector<16xf32>
    %swap3A_356 = arith.constant 44 : i32
    %swap3A_357 = arith.index_cast %swap3A_356 : i32 to index
    %swap3A_358 = arith.constant 0 : index
    %swap3A_359 = tpu.vector_load %arg31[%swap3A_357, %swap3A_358] {strides = array<i32>} : memref<80x16xf32, #tpu.memory_space<vmem>>, vector<1x16xf32>,
    %swap3A_360 = vector.shape_cast %swap3A_359 : vector<1x16xf32> to vector<16xf32>
    %swap3A_361 = vector.shape_cast %broadcast_in_dim3A_355 : vector<16xf32> to vector<1x16xf32>
    tpu.vector_store %arg31[%swap3A_357, %swap3A_358], %swap3A_361 {strides = array<i32>} : memref<80x16xf32, #tpu.memory_space<vmem>>, vector<1x16xf32>,
    %broadcast_in_dim3A_362 = arith.constant 1.000000e+00 : f32
    %broadcast_in_dim3A_363 = vector.broadcast %broadcast_in_dim3A_362 : f32 to vector<16xf32>
    %swap3A_364 = arith.constant 45 : i32
    %swap3A_365 = arith.index_cast %swap3A_364 : i32 to index
    %swap3A_366 = arith.constant 0 : index
    %swap3A_367 = tpu.vector_load %arg31[%swap3A_365, %swap3A_366] {strides = array<i32>} : memref<80x16xf32, #tpu.memory_space<vmem>>, vector<1x16xf32>,
    %swap3A_368 = vector.shape_cast %swap3A_367 : vector<1x16xf32> to vector<16xf32>
    %swap3A_369 = vector.shape_cast %broadcast_in_dim3A_363 : vector<16xf32> to vector<1x16xf32>
    tpu.vector_store %arg31[%swap3A_365, %swap3A_366], %swap3A_369 {strides = array<i32>} : memref<80x16xf32, #tpu.memory_space<vmem>>, vector<1x16xf32>,
    %broadcast_in_dim3A_370 = arith.constant 1.000000e+00 : f32
    %broadcast_in_dim3A_371 = vector.broadcast %broadcast_in_dim3A_370 : f32 to vector<16xf32>
    %swap3A_372 = arith.constant 46 : i32
    %swap3A_373 = arith.index_cast %swap3A_372 : i32 to index
    %swap3A_374 = arith.constant 0 : index
    %swap3A_375 = tpu.vector_load %arg31[%swap3A_373, %swap3A_374] {strides = array<i32>} : memref<80x16xf32, #tpu.memory_space<vmem>>, vector<1x16xf32>,
    %swap3A_376 = vector.shape_cast %swap3A_375 : vector<1x16xf32> to vector<16xf32>
    %swap3A_377 = vector.shape_cast %broadcast_in_dim3A_371 : vector<16xf32> to vector<1x16xf32>
    tpu.vector_store %arg31[%swap3A_373, %swap3A_374], %swap3A_377 {strides = array<i32>} : memref<80x16xf32, #tpu.memory_space<vmem>>, vector<1x16xf32>,
    %broadcast_in_dim3A_378 = arith.constant 1.000000e+00 : f32
    %broadcast_in_dim3A_379 = vector.broadcast %broadcast_in_dim3A_378 : f32 to vector<16xf32>
    %swap3A_380 = arith.constant 47 : i32
    %swap3A_381 = arith.index_cast %swap3A_380 : i32 to index
    %swap3A_382 = arith.constant 0 : index
    %swap3A_383 = tpu.vector_load %arg31[%swap3A_381, %swap3A_382] {strides = array<i32>} : memref<80x16xf32, #tpu.memory_space<vmem>>, vector<1x16xf32>,
    %swap3A_384 = vector.shape_cast %swap3A_383 : vector<1x16xf32> to vector<16xf32>
    %swap3A_385 = vector.shape_cast %broadcast_in_dim3A_379 : vector<16xf32> to vector<1x16xf32>
    tpu.vector_store %arg31[%swap3A_381, %swap3A_382], %swap3A_385 {strides = array<i32>} : memref<80x16xf32, #tpu.memory_space<vmem>>, vector<1x16xf32>,
    %broadcast_in_dim3A_386 = arith.constant 1.000000e+00 : f32
    %broadcast_in_dim3A_387 = vector.broadcast %broadcast_in_dim3A_386 : f32 to vector<16xf32>
    %swap3A_388 = arith.constant 48 : i32
    %swap3A_389 = arith.index_cast %swap3A_388 : i32 to index
    %swap3A_390 = arith.constant 0 : index
    %swap3A_391 = tpu.vector_load %arg31[%swap3A_389, %swap3A_390] {strides = array<i32>} : memref<80x16xf32, #tpu.memory_space<vmem>>, vector<1x16xf32>,
    %swap3A_392 = vector.shape_cast %swap3A_391 : vector<1x16xf32> to vector<16xf32>
    %swap3A_393 = vector.shape_cast %broadcast_in_dim3A_387 : vector<16xf32> to vector<1x16xf32>
    tpu.vector_store %arg31[%swap3A_389, %swap3A_390], %swap3A_393 {strides = array<i32>} : memref<80x16xf32, #tpu.memory_space<vmem>>, vector<1x16xf32>,
    %broadcast_in_dim3A_394 = arith.constant 1.000000e+00 : f32
    %broadcast_in_dim3A_395 = vector.broadcast %broadcast_in_dim3A_394 : f32 to vector<16xf32>
    %swap3A_396 = arith.constant 49 : i32
    %swap3A_397 = arith.index_cast %swap3A_396 : i32 to index
    %swap3A_398 = arith.constant 0 : index
    %swap3A_399 = tpu.vector_load %arg31[%swap3A_397, %swap3A_398] {strides = array<i32>} : memref<80x16xf32, #tpu.memory_space<vmem>>, vector<1x16xf32>,
    %swap3A_400 = vector.shape_cast %swap3A_399 : vector<1x16xf32> to vector<16xf32>
    %swap3A_401 = vector.shape_cast %broadcast_in_dim3A_395 : vector<16xf32> to vector<1x16xf32>
    tpu.vector_store %arg31[%swap3A_397, %swap3A_398], %swap3A_401 {strides = array<i32>} : memref<80x16xf32, #tpu.memory_space<vmem>>, vector<1x16xf32>,
    %broadcast_in_dim3A_402 = arith.constant 1.000000e+00 : f32
    %broadcast_in_dim3A_403 = vector.broadcast %broadcast_in_dim3A_402 : f32 to vector<16xf32>
    %swap3A_404 = arith.constant 50 : i32
    %swap3A_405 = arith.index_cast %swap3A_404 : i32 to index
    %swap3A_406 = arith.constant 0 : index
    %swap3A_407 = tpu.vector_load %arg31[%swap3A_405, %swap3A_406] {strides = array<i32>} : memref<80x16xf32, #tpu.memory_space<vmem>>, vector<1x16xf32>,
    %swap3A_408 = vector.shape_cast %swap3A_407 : vector<1x16xf32> to vector<16xf32>
    %swap3A_409 = vector.shape_cast %broadcast_in_dim3A_403 : vector<16xf32> to vector<1x16xf32>
    tpu.vector_store %arg31[%swap3A_405, %swap3A_406], %swap3A_409 {strides = array<i32>} : memref<80x16xf32, #tpu.memory_space<vmem>>, vector<1x16xf32>,
    %broadcast_in_dim3A_410 = arith.constant 1.000000e+00 : f32
    %broadcast_in_dim3A_411 = vector.broadcast %broadcast_in_dim3A_410 : f32 to vector<16xf32>
    %swap3A_412 = arith.constant 51 : i32
    %swap3A_413 = arith.index_cast %swap3A_412 : i32 to index
    %swap3A_414 = arith.constant 0 : index
    %swap3A_415 = tpu.vector_load %arg31[%swap3A_413, %swap3A_414] {strides = array<i32>} : memref<80x16xf32, #tpu.memory_space<vmem>>, vector<1x16xf32>,
    %swap3A_416 = vector.shape_cast %swap3A_415 : vector<1x16xf32> to vector<16xf32>
    %swap3A_417 = vector.shape_cast %broadcast_in_dim3A_411 : vector<16xf32> to vector<1x16xf32>
    tpu.vector_store %arg31[%swap3A_413, %swap3A_414], %swap3A_417 {strides = array<i32>} : memref<80x16xf32, #tpu.memory_space<vmem>>, vector<1x16xf32>,
    %broadcast_in_dim3A_418 = arith.constant 1.000000e+00 : f32
    %broadcast_in_dim3A_419 = vector.broadcast %broadcast_in_dim3A_418 : f32 to vector<16xf32>
    %swap3A_420 = arith.constant 52 : i32
    %swap3A_421 = arith.index_cast %swap3A_420 : i32 to index
    %swap3A_422 = arith.constant 0 : index
    %swap3A_423 = tpu.vector_load %arg31[%swap3A_421, %swap3A_422] {strides = array<i32>} : memref<80x16xf32, #tpu.memory_space<vmem>>, vector<1x16xf32>,
    %swap3A_424 = vector.shape_cast %swap3A_423 : vector<1x16xf32> to vector<16xf32>
    %swap3A_425 = vector.shape_cast %broadcast_in_dim3A_419 : vector<16xf32> to vector<1x16xf32>
    tpu.vector_store %arg31[%swap3A_421, %swap3A_422], %swap3A_425 {strides = array<i32>} : memref<80x16xf32, #tpu.memory_space<vmem>>, vector<1x16xf32>,
    %broadcast_in_dim3A_426 = arith.constant 1.000000e+00 : f32
    %broadcast_in_dim3A_427 = vector.broadcast %broadcast_in_dim3A_426 : f32 to vector<16xf32>
    %swap3A_428 = arith.constant 53 : i32
    %swap3A_429 = arith.index_cast %swap3A_428 : i32 to index
    %swap3A_430 = arith.constant 0 : index
    %swap3A_431 = tpu.vector_load %arg31[%swap3A_429, %swap3A_430] {strides = array<i32>} : memref<80x16xf32, #tpu.memory_space<vmem>>, vector<1x16xf32>,
    %swap3A_432 = vector.shape_cast %swap3A_431 : vector<1x16xf32> to vector<16xf32>
    %swap3A_433 = vector.shape_cast %broadcast_in_dim3A_427 : vector<16xf32> to vector<1x16xf32>
    tpu.vector_store %arg31[%swap3A_429, %swap3A_430], %swap3A_433 {strides = array<i32>} : memref<80x16xf32, #tpu.memory_space<vmem>>, vector<1x16xf32>,
    %broadcast_in_dim3A_434 = arith.constant 1.000000e+00 : f32
    %broadcast_in_dim3A_435 = vector.broadcast %broadcast_in_dim3A_434 : f32 to vector<16xf32>
    %swap3A_436 = arith.constant 54 : i32
    %swap3A_437 = arith.index_cast %swap3A_436 : i32 to index
    %swap3A_438 = arith.constant 0 : index
    %swap3A_439 = tpu.vector_load %arg31[%swap3A_437, %swap3A_438] {strides = array<i32>} : memref<80x16xf32, #tpu.memory_space<vmem>>, vector<1x16xf32>,
    %swap3A_440 = vector.shape_cast %swap3A_439 : vector<1x16xf32> to vector<16xf32>
    %swap3A_441 = vector.shape_cast %broadcast_in_dim3A_435 : vector<16xf32> to vector<1x16xf32>
    tpu.vector_store %arg31[%swap3A_437, %swap3A_438], %swap3A_441 {strides = array<i32>} : memref<80x16xf32, #tpu.memory_space<vmem>>, vector<1x16xf32>,
    %broadcast_in_dim3A_442 = arith.constant 1.000000e+00 : f32
    %broadcast_in_dim3A_443 = vector.broadcast %broadcast_in_dim3A_442 : f32 to vector<16xf32>
    %swap3A_444 = arith.constant 55 : i32
    %swap3A_445 = arith.index_cast %swap3A_444 : i32 to index
    %swap3A_446 = arith.constant 0 : index
    %swap3A_447 = tpu.vector_load %arg31[%swap3A_445, %swap3A_446] {strides = array<i32>} : memref<80x16xf32, #tpu.memory_space<vmem>>, vector<1x16xf32>,
    %swap3A_448 = vector.shape_cast %swap3A_447 : vector<1x16xf32> to vector<16xf32>
    %swap3A_449 = vector.shape_cast %broadcast_in_dim3A_443 : vector<16xf32> to vector<1x16xf32>
    tpu.vector_store %arg31[%swap3A_445, %swap3A_446], %swap3A_449 {strides = array<i32>} : memref<80x16xf32, #tpu.memory_space<vmem>>, vector<1x16xf32>,
    %broadcast_in_dim3A_450 = arith.constant 1.000000e+00 : f32
    %broadcast_in_dim3A_451 = vector.broadcast %broadcast_in_dim3A_450 : f32 to vector<16xf32>
    %swap3A_452 = arith.constant 56 : i32
    %swap3A_453 = arith.index_cast %swap3A_452 : i32 to index
    %swap3A_454 = arith.constant 0 : index
    %swap3A_455 = tpu.vector_load %arg31[%swap3A_453, %swap3A_454] {strides = array<i32>} : memref<80x16xf32, #tpu.memory_space<vmem>>, vector<1x16xf32>,
    %swap3A_456 = vector.shape_cast %swap3A_455 : vector<1x16xf32> to vector<16xf32>
    %swap3A_457 = vector.shape_cast %broadcast_in_dim3A_451 : vector<16xf32> to vector<1x16xf32>
    tpu.vector_store %arg31[%swap3A_453, %swap3A_454], %swap3A_457 {strides = array<i32>} : memref<80x16xf32, #tpu.memory_space<vmem>>, vector<1x16xf32>,
    %broadcast_in_dim3A_458 = arith.constant 1.000000e+00 : f32
    %broadcast_in_dim3A_459 = vector.broadcast %broadcast_in_dim3A_458 : f32 to vector<16xf32>
    %swap3A_460 = arith.constant 57 : i32
    %swap3A_461 = arith.index_cast %swap3A_460 : i32 to index
    %swap3A_462 = arith.constant 0 : index
    %swap3A_463 = tpu.vector_load %arg31[%swap3A_461, %swap3A_462] {strides = array<i32>} : memref<80x16xf32, #tpu.memory_space<vmem>>, vector<1x16xf32>,
    %swap3A_464 = vector.shape_cast %swap3A_463 : vector<1x16xf32> to vector<16xf32>
    %swap3A_465 = vector.shape_cast %broadcast_in_dim3A_459 : vector<16xf32> to vector<1x16xf32>
    tpu.vector_store %arg31[%swap3A_461, %swap3A_462], %swap3A_465 {strides = array<i32>} : memref<80x16xf32, #tpu.memory_space<vmem>>, vector<1x16xf32>,
    %broadcast_in_dim3A_466 = arith.constant 1.000000e+00 : f32
    %broadcast_in_dim3A_467 = vector.broadcast %broadcast_in_dim3A_466 : f32 to vector<16xf32>
    %swap3A_468 = arith.constant 58 : i32
    %swap3A_469 = arith.index_cast %swap3A_468 : i32 to index
    %swap3A_470 = arith.constant 0 : index
    %swap3A_471 = tpu.vector_load %arg31[%swap3A_469, %swap3A_470] {strides = array<i32>} : memref<80x16xf32, #tpu.memory_space<vmem>>, vector<1x16xf32>,
    %swap3A_472 = vector.shape_cast %swap3A_471 : vector<1x16xf32> to vector<16xf32>
    %swap3A_473 = vector.shape_cast %broadcast_in_dim3A_467 : vector<16xf32> to vector<1x16xf32>
    tpu.vector_store %arg31[%swap3A_469, %swap3A_470], %swap3A_473 {strides = array<i32>} : memref<80x16xf32, #tpu.memory_space<vmem>>, vector<1x16xf32>,
    %broadcast_in_dim3A_474 = arith.constant 1.000000e+00 : f32
    %broadcast_in_dim3A_475 = vector.broadcast %broadcast_in_dim3A_474 : f32 to vector<16xf32>
    %swap3A_476 = arith.constant 59 : i32
    %swap3A_477 = arith.index_cast %swap3A_476 : i32 to index
    %swap3A_478 = arith.constant 0 : index
    %swap3A_479 = tpu.vector_load %arg31[%swap3A_477, %swap3A_478] {strides = array<i32>} : memref<80x16xf32, #tpu.memory_space<vmem>>, vector<1x16xf32>,
    %swap3A_480 = vector.shape_cast %swap3A_479 : vector<1x16xf32> to vector<16xf32>
    %swap3A_481 = vector.shape_cast %broadcast_in_dim3A_475 : vector<16xf32> to vector<1x16xf32>
    tpu.vector_store %arg31[%swap3A_477, %swap3A_478], %swap3A_481 {strides = array<i32>} : memref<80x16xf32, #tpu.memory_space<vmem>>, vector<1x16xf32>,
    %broadcast_in_dim3A_482 = arith.constant 1.000000e+00 : f32
    %broadcast_in_dim3A_483 = vector.broadcast %broadcast_in_dim3A_482 : f32 to vector<16xf32>
    %swap3A_484 = arith.constant 60 : i32
    %swap3A_485 = arith.index_cast %swap3A_484 : i32 to index
    %swap3A_486 = arith.constant 0 : index
    %swap3A_487 = tpu.vector_load %arg31[%swap3A_485, %swap3A_486] {strides = array<i32>} : memref<80x16xf32, #tpu.memory_space<vmem>>, vector<1x16xf32>,
    %swap3A_488 = vector.shape_cast %swap3A_487 : vector<1x16xf32> to vector<16xf32>
    %swap3A_489 = vector.shape_cast %broadcast_in_dim3A_483 : vector<16xf32> to vector<1x16xf32>
    tpu.vector_store %arg31[%swap3A_485, %swap3A_486], %swap3A_489 {strides = array<i32>} : memref<80x16xf32, #tpu.memory_space<vmem>>, vector<1x16xf32>,
    %broadcast_in_dim3A_490 = arith.constant 1.000000e+00 : f32
    %broadcast_in_dim3A_491 = vector.broadcast %broadcast_in_dim3A_490 : f32 to vector<16xf32>
    %swap3A_492 = arith.constant 61 : i32
    %swap3A_493 = arith.index_cast %swap3A_492 : i32 to index
    %swap3A_494 = arith.constant 0 : index
    %swap3A_495 = tpu.vector_load %arg31[%swap3A_493, %swap3A_494] {strides = array<i32>} : memref<80x16xf32, #tpu.memory_space<vmem>>, vector<1x16xf32>,
    %swap3A_496 = vector.shape_cast %swap3A_495 : vector<1x16xf32> to vector<16xf32>
    %swap3A_497 = vector.shape_cast %broadcast_in_dim3A_491 : vector<16xf32> to vector<1x16xf32>
    tpu.vector_store %arg31[%swap3A_493, %swap3A_494], %swap3A_497 {strides = array<i32>} : memref<80x16xf32, #tpu.memory_space<vmem>>, vector<1x16xf32>,
    %broadcast_in_dim3A_498 = arith.constant 1.000000e+00 : f32
    %broadcast_in_dim3A_499 = vector.broadcast %broadcast_in_dim3A_498 : f32 to vector<16xf32>
    %swap3A_500 = arith.constant 62 : i32
    %swap3A_501 = arith.index_cast %swap3A_500 : i32 to index
    %swap3A_502 = arith.constant 0 : index
    %swap3A_503 = tpu.vector_load %arg31[%swap3A_501, %swap3A_502] {strides = array<i32>} : memref<80x16xf32, #tpu.memory_space<vmem>>, vector<1x16xf32>,
    %swap3A_504 = vector.shape_cast %swap3A_503 : vector<1x16xf32> to vector<16xf32>
    %swap3A_505 = vector.shape_cast %broadcast_in_dim3A_499 : vector<16xf32> to vector<1x16xf32>
    tpu.vector_store %arg31[%swap3A_501, %swap3A_502], %swap3A_505 {strides = array<i32>} : memref<80x16xf32, #tpu.memory_space<vmem>>, vector<1x16xf32>,
    %broadcast_in_dim3A_506 = arith.constant 1.000000e+00 : f32
    %broadcast_in_dim3A_507 = vector.broadcast %broadcast_in_dim3A_506 : f32 to vector<16xf32>
    %swap3A_508 = arith.constant 63 : i32
    %swap3A_509 = arith.index_cast %swap3A_508 : i32 to index
    %swap3A_510 = arith.constant 0 : index
    %swap3A_511 = tpu.vector_load %arg31[%swap3A_509, %swap3A_510] {strides = array<i32>} : memref<80x16xf32, #tpu.memory_space<vmem>>, vector<1x16xf32>,
    %swap3A_512 = vector.shape_cast %swap3A_511 : vector<1x16xf32> to vector<16xf32>
    %swap3A_513 = vector.shape_cast %broadcast_in_dim3A_507 : vector<16xf32> to vector<1x16xf32>
    tpu.vector_store %arg31[%swap3A_509, %swap3A_510], %swap3A_513 {strides = array<i32>} : memref<80x16xf32, #tpu.memory_space<vmem>>, vector<1x16xf32>,
    %broadcast_in_dim3A_514 = arith.constant 1.000000e+00 : f32
    %broadcast_in_dim3A_515 = vector.broadcast %broadcast_in_dim3A_514 : f32 to vector<16xf32>
    %swap3A_516 = arith.constant 64 : i32
    %swap3A_517 = arith.index_cast %swap3A_516 : i32 to index
    %swap3A_518 = arith.constant 0 : index
    %swap3A_519 = tpu.vector_load %arg31[%swap3A_517, %swap3A_518] {strides = array<i32>} : memref<80x16xf32, #tpu.memory_space<vmem>>, vector<1x16xf32>,
    %swap3A_520 = vector.shape_cast %swap3A_519 : vector<1x16xf32> to vector<16xf32>
    %swap3A_521 = vector.shape_cast %broadcast_in_dim3A_515 : vector<16xf32> to vector<1x16xf32>
    tpu.vector_store %arg31[%swap3A_517, %swap3A_518], %swap3A_521 {strides = array<i32>} : memref<80x16xf32, #tpu.memory_space<vmem>>, vector<1x16xf32>,
    %broadcast_in_dim3A_522 = arith.constant 1.000000e+00 : f32
    %broadcast_in_dim3A_523 = vector.broadcast %broadcast_in_dim3A_522 : f32 to vector<16xf32>
    %swap3A_524 = arith.constant 65 : i32
    %swap3A_525 = arith.index_cast %swap3A_524 : i32 to index
    %swap3A_526 = arith.constant 0 : index
    %swap3A_527 = tpu.vector_load %arg31[%swap3A_525, %swap3A_526] {strides = array<i32>} : memref<80x16xf32, #tpu.memory_space<vmem>>, vector<1x16xf32>,
    %swap3A_528 = vector.shape_cast %swap3A_527 : vector<1x16xf32> to vector<16xf32>
    %swap3A_529 = vector.shape_cast %broadcast_in_dim3A_523 : vector<16xf32> to vector<1x16xf32>
    tpu.vector_store %arg31[%swap3A_525, %swap3A_526], %swap3A_529 {strides = array<i32>} : memref<80x16xf32, #tpu.memory_space<vmem>>, vector<1x16xf32>,
    %broadcast_in_dim3A_530 = arith.constant 1.000000e+00 : f32
    %broadcast_in_dim3A_531 = vector.broadcast %broadcast_in_dim3A_530 : f32 to vector<16xf32>
    %swap3A_532 = arith.constant 66 : i32
    %swap3A_533 = arith.index_cast %swap3A_532 : i32 to index
    %swap3A_534 = arith.constant 0 : index
    %swap3A_535 = tpu.vector_load %arg31[%swap3A_533, %swap3A_534] {strides = array<i32>} : memref<80x16xf32, #tpu.memory_space<vmem>>, vector<1x16xf32>,
    %swap3A_536 = vector.shape_cast %swap3A_535 : vector<1x16xf32> to vector<16xf32>
    %swap3A_537 = vector.shape_cast %broadcast_in_dim3A_531 : vector<16xf32> to vector<1x16xf32>
    tpu.vector_store %arg31[%swap3A_533, %swap3A_534], %swap3A_537 {strides = array<i32>} : memref<80x16xf32, #tpu.memory_space<vmem>>, vector<1x16xf32>,
    %broadcast_in_dim3A_538 = arith.constant 1.000000e+00 : f32
    %broadcast_in_dim3A_539 = vector.broadcast %broadcast_in_dim3A_538 : f32 to vector<16xf32>
    %swap3A_540 = arith.constant 67 : i32
    %swap3A_541 = arith.index_cast %swap3A_540 : i32 to index
    %swap3A_542 = arith.constant 0 : index
    %swap3A_543 = tpu.vector_load %arg31[%swap3A_541, %swap3A_542] {strides = array<i32>} : memref<80x16xf32, #tpu.memory_space<vmem>>, vector<1x16xf32>,
    %swap3A_544 = vector.shape_cast %swap3A_543 : vector<1x16xf32> to vector<16xf32>
    %swap3A_545 = vector.shape_cast %broadcast_in_dim3A_539 : vector<16xf32> to vector<1x16xf32>
    tpu.vector_store %arg31[%swap3A_541, %swap3A_542], %swap3A_545 {strides = array<i32>} : memref<80x16xf32, #tpu.memory_space<vmem>>, vector<1x16xf32>,
    %broadcast_in_dim3A_546 = arith.constant 1.000000e+00 : f32
    %broadcast_in_dim3A_547 = vector.broadcast %broadcast_in_dim3A_546 : f32 to vector<16xf32>
    %swap3A_548 = arith.constant 68 : i32
    %swap3A_549 = arith.index_cast %swap3A_548 : i32 to index
    %swap3A_550 = arith.constant 0 : index
    %swap3A_551 = tpu.vector_load %arg31[%swap3A_549, %swap3A_550] {strides = array<i32>} : memref<80x16xf32, #tpu.memory_space<vmem>>, vector<1x16xf32>,
    %swap3A_552 = vector.shape_cast %swap3A_551 : vector<1x16xf32> to vector<16xf32>
    %swap3A_553 = vector.shape_cast %broadcast_in_dim3A_547 : vector<16xf32> to vector<1x16xf32>
    tpu.vector_store %arg31[%swap3A_549, %swap3A_550], %swap3A_553 {strides = array<i32>} : memref<80x16xf32, #tpu.memory_space<vmem>>, vector<1x16xf32>,
    %broadcast_in_dim3A_554 = arith.constant 1.000000e+00 : f32
    %broadcast_in_dim3A_555 = vector.broadcast %broadcast_in_dim3A_554 : f32 to vector<16xf32>
    %swap3A_556 = arith.constant 69 : i32
    %swap3A_557 = arith.index_cast %swap3A_556 : i32 to index
    %swap3A_558 = arith.constant 0 : index
    %swap3A_559 = tpu.vector_load %arg31[%swap3A_557, %swap3A_558] {strides = array<i32>} : memref<80x16xf32, #tpu.memory_space<vmem>>, vector<1x16xf32>,
    %swap3A_560 = vector.shape_cast %swap3A_559 : vector<1x16xf32> to vector<16xf32>
    %swap3A_561 = vector.shape_cast %broadcast_in_dim3A_555 : vector<16xf32> to vector<1x16xf32>
    tpu.vector_store %arg31[%swap3A_557, %swap3A_558], %swap3A_561 {strides = array<i32>} : memref<80x16xf32, #tpu.memory_space<vmem>>, vector<1x16xf32>,
    %broadcast_in_dim3A_562 = arith.constant 1.000000e+00 : f32
    %broadcast_in_dim3A_563 = vector.broadcast %broadcast_in_dim3A_562 : f32 to vector<16xf32>
    %swap3A_564 = arith.constant 70 : i32
    %swap3A_565 = arith.index_cast %swap3A_564 : i32 to index
    %swap3A_566 = arith.constant 0 : index
    %swap3A_567 = tpu.vector_load %arg31[%swap3A_565, %swap3A_566] {strides = array<i32>} : memref<80x16xf32, #tpu.memory_space<vmem>>, vector<1x16xf32>,
    %swap3A_568 = vector.shape_cast %swap3A_567 : vector<1x16xf32> to vector<16xf32>
    %swap3A_569 = vector.shape_cast %broadcast_in_dim3A_563 : vector<16xf32> to vector<1x16xf32>
    tpu.vector_store %arg31[%swap3A_565, %swap3A_566], %swap3A_569 {strides = array<i32>} : memref<80x16xf32, #tpu.memory_space<vmem>>, vector<1x16xf32>,
    %broadcast_in_dim3A_570 = arith.constant 1.000000e+00 : f32
    %broadcast_in_dim3A_571 = vector.broadcast %broadcast_in_dim3A_570 : f32 to vector<16xf32>
    %swap3A_572 = arith.constant 71 : i32
    %swap3A_573 = arith.index_cast %swap3A_572 : i32 to index
    %swap3A_574 = arith.constant 0 : index
    %swap3A_575 = tpu.vector_load %arg31[%swap3A_573, %swap3A_574] {strides = array<i32>} : memref<80x16xf32, #tpu.memory_space<vmem>>, vector<1x16xf32>,
    %swap3A_576 = vector.shape_cast %swap3A_575 : vector<1x16xf32> to vector<16xf32>
    %swap3A_577 = vector.shape_cast %broadcast_in_dim3A_571 : vector<16xf32> to vector<1x16xf32>
    tpu.vector_store %arg31[%swap3A_573, %swap3A_574], %swap3A_577 {strides = array<i32>} : memref<80x16xf32, #tpu.memory_space<vmem>>, vector<1x16xf32>,
    %broadcast_in_dim3A_578 = arith.constant 1.000000e+00 : f32
    %broadcast_in_dim3A_579 = vector.broadcast %broadcast_in_dim3A_578 : f32 to vector<16xf32>
    %swap3A_580 = arith.constant 72 : i32
    %swap3A_581 = arith.index_cast %swap3A_580 : i32 to index
    %swap3A_582 = arith.constant 0 : index
    %swap3A_583 = tpu.vector_load %arg31[%swap3A_581, %swap3A_582] {strides = array<i32>} : memref<80x16xf32, #tpu.memory_space<vmem>>, vector<1x16xf32>,
    %swap3A_584 = vector.shape_cast %swap3A_583 : vector<1x16xf32> to vector<16xf32>
    %swap3A_585 = vector.shape_cast %broadcast_in_dim3A_579 : vector<16xf32> to vector<1x16xf32>
    tpu.vector_store %arg31[%swap3A_581, %swap3A_582], %swap3A_585 {strides = array<i32>} : memref<80x16xf32, #tpu.memory_space<vmem>>, vector<1x16xf32>,
    %broadcast_in_dim3A_586 = arith.constant 1.000000e+00 : f32
    %broadcast_in_dim3A_587 = vector.broadcast %broadcast_in_dim3A_586 : f32 to vector<16xf32>
    %swap3A_588 = arith.constant 73 : i32
    %swap3A_589 = arith.index_cast %swap3A_588 : i32 to index
    %swap3A_590 = arith.constant 0 : index
    %swap3A_591 = tpu.vector_load %arg31[%swap3A_589, %swap3A_590] {strides = array<i32>} : memref<80x16xf32, #tpu.memory_space<vmem>>, vector<1x16xf32>,
    %swap3A_592 = vector.shape_cast %swap3A_591 : vector<1x16xf32> to vector<16xf32>
    %swap3A_593 = vector.shape_cast %broadcast_in_dim3A_587 : vector<16xf32> to vector<1x16xf32>
    tpu.vector_store %arg31[%swap3A_589, %swap3A_590], %swap3A_593 {strides = array<i32>} : memref<80x16xf32, #tpu.memory_space<vmem>>, vector<1x16xf32>,
    %broadcast_in_dim3A_594 = arith.constant 1.000000e+00 : f32
    %broadcast_in_dim3A_595 = vector.broadcast %broadcast_in_dim3A_594 : f32 to vector<16xf32>
    %swap3A_596 = arith.constant 74 : i32
    %swap3A_597 = arith.index_cast %swap3A_596 : i32 to index
    %swap3A_598 = arith.constant 0 : index
    %swap3A_599 = tpu.vector_load %arg31[%swap3A_597, %swap3A_598] {strides = array<i32>} : memref<80x16xf32, #tpu.memory_space<vmem>>, vector<1x16xf32>,
    %swap3A_600 = vector.shape_cast %swap3A_599 : vector<1x16xf32> to vector<16xf32>
    %swap3A_601 = vector.shape_cast %broadcast_in_dim3A_595 : vector<16xf32> to vector<1x16xf32>
    tpu.vector_store %arg31[%swap3A_597, %swap3A_598], %swap3A_601 {strides = array<i32>} : memref<80x16xf32, #tpu.memory_space<vmem>>, vector<1x16xf32>,
    %broadcast_in_dim3A_602 = arith.constant 1.000000e+00 : f32
    %broadcast_in_dim3A_603 = vector.broadcast %broadcast_in_dim3A_602 : f32 to vector<16xf32>
    %swap3A_604 = arith.constant 75 : i32
    %swap3A_605 = arith.index_cast %swap3A_604 : i32 to index
    %swap3A_606 = arith.constant 0 : index
    %swap3A_607 = tpu.vector_load %arg31[%swap3A_605, %swap3A_606] {strides = array<i32>} : memref<80x16xf32, #tpu.memory_space<vmem>>, vector<1x16xf32>,
    %swap3A_608 = vector.shape_cast %swap3A_607 : vector<1x16xf32> to vector<16xf32>
    %swap3A_609 = vector.shape_cast %broadcast_in_dim3A_603 : vector<16xf32> to vector<1x16xf32>
    tpu.vector_store %arg31[%swap3A_605, %swap3A_606], %swap3A_609 {strides = array<i32>} : memref<80x16xf32, #tpu.memory_space<vmem>>, vector<1x16xf32>,
    %broadcast_in_dim3A_610 = arith.constant 1.000000e+00 : f32
    %broadcast_in_dim3A_611 = vector.broadcast %broadcast_in_dim3A_610 : f32 to vector<16xf32>
    %swap3A_612 = arith.constant 76 : i32
    %swap3A_613 = arith.index_cast %swap3A_612 : i32 to index
    %swap3A_614 = arith.constant 0 : index
    %swap3A_615 = tpu.vector_load %arg31[%swap3A_613, %swap3A_614] {strides = array<i32>} : memref<80x16xf32, #tpu.memory_space<vmem>>, vector<1x16xf32>,
    %swap3A_616 = vector.shape_cast %swap3A_615 : vector<1x16xf32> to vector<16xf32>
    %swap3A_617 = vector.shape_cast %broadcast_in_dim3A_611 : vector<16xf32> to vector<1x16xf32>
    tpu.vector_store %arg31[%swap3A_613, %swap3A_614], %swap3A_617 {strides = array<i32>} : memref<80x16xf32, #tpu.memory_space<vmem>>, vector<1x16xf32>,
    %broadcast_in_dim3A_618 = arith.constant 1.000000e+00 : f32
    %broadcast_in_dim3A_619 = vector.broadcast %broadcast_in_dim3A_618 : f32 to vector<16xf32>
    %swap3A_620 = arith.constant 77 : i32
    %swap3A_621 = arith.index_cast %swap3A_620 : i32 to index
    %swap3A_622 = arith.constant 0 : index
    %swap3A_623 = tpu.vector_load %arg31[%swap3A_621, %swap3A_622] {strides = array<i32>} : memref<80x16xf32, #tpu.memory_space<vmem>>, vector<1x16xf32>,
    %swap3A_624 = vector.shape_cast %swap3A_623 : vector<1x16xf32> to vector<16xf32>
    %swap3A_625 = vector.shape_cast %broadcast_in_dim3A_619 : vector<16xf32> to vector<1x16xf32>
    tpu.vector_store %arg31[%swap3A_621, %swap3A_622], %swap3A_625 {strides = array<i32>} : memref<80x16xf32, #tpu.memory_space<vmem>>, vector<1x16xf32>,
    %broadcast_in_dim3A_626 = arith.constant 1.000000e+00 : f32
    %broadcast_in_dim3A_627 = vector.broadcast %broadcast_in_dim3A_626 : f32 to vector<16xf32>
    %swap3A_628 = arith.constant 78 : i32
    %swap3A_629 = arith.index_cast %swap3A_628 : i32 to index
    %swap3A_630 = arith.constant 0 : index
    %swap3A_631 = tpu.vector_load %arg31[%swap3A_629, %swap3A_630] {strides = array<i32>} : memref<80x16xf32, #tpu.memory_space<vmem>>, vector<1x16xf32>,
    %swap3A_632 = vector.shape_cast %swap3A_631 : vector<1x16xf32> to vector<16xf32>
    %swap3A_633 = vector.shape_cast %broadcast_in_dim3A_627 : vector<16xf32> to vector<1x16xf32>
    tpu.vector_store %arg31[%swap3A_629, %swap3A_630], %swap3A_633 {strides = array<i32>} : memref<80x16xf32, #tpu.memory_space<vmem>>, vector<1x16xf32>,
    %broadcast_in_dim3A_634 = arith.constant 1.000000e+00 : f32
    %broadcast_in_dim3A_635 = vector.broadcast %broadcast_in_dim3A_634 : f32 to vector<16xf32>
    %swap3A_636 = arith.constant 79 : i32
    %swap3A_637 = arith.index_cast %swap3A_636 : i32 to index
    %swap3A_638 = arith.constant 0 : index
    %swap3A_639 = tpu.vector_load %arg31[%swap3A_637, %swap3A_638] {strides = array<i32>} : memref<80x16xf32, #tpu.memory_space<vmem>>, vector<1x16xf32>,
    %swap3A_640 = vector.shape_cast %swap3A_639 : vector<1x16xf32> to vector<16xf32>
    %swap3A_641 = vector.shape_cast %broadcast_in_dim3A_635 : vector<16xf32> to vector<1x16xf32>
    tpu.vector_store %arg31[%swap3A_637, %swap3A_638], %swap3A_641 {strides = array<i32>} : memref<80x16xf32, #tpu.memory_space<vmem>>, vector<1x16xf32>,
    %dma_start3A = arith.constant 0 : i32
    %dma_start3A_642 = arith.constant 0 : i32
    %dma_start3A_643 = tpu.memref_slice %arg9[%dma_start3A, %dma_start3A_642] : memref<250x80xi32, #tpu.memory_space<vmem>> -> memref<1x80xi32, #tpu.memory_space<vmem>>
    %dma_start3A_644 = tpu.memref_squeeze %dma_start3A_643 : memref<1x80xi32, #tpu.memory_space<vmem>> -> memref<80xi32, #tpu.memory_space<vmem>>
    %dma_start3A_645 = arith.constant 0 : i32
    %dma_start3A_646 = arith.constant 0 : i32
    %dma_start3A_647 = tpu.memref_slice %arg2[%dma_start3A_645, %dma_start3A_646] : memref<20000x64xf32, #tpu.memory_space<hbm>> -> memref<20000x64xf32, #tpu.memory_space<hbm>>
    tpu.enqueue_indirect_dma source(%dma_start3A_647 : memref<20000x64xf32, #tpu.memory_space<hbm>>) target(%arg11 : memref<80x64xf32, #tpu.memory_space<vmem>>) offsets(%dma_start3A_644 : memref<80xi32, #tpu.memory_space<vmem>>) semaphore(%arg18 : memref<!tpu.dma_semaphore, #tpu.memory_space<semaphore_mem>>)
    %dma_start3A_648 = arith.constant 1 : i32
    %dma_start3A_649 = arith.constant 0 : i32
    %dma_start3A_650 = tpu.memref_slice %arg9[%dma_start3A_648, %dma_start3A_649] : memref<250x80xi32, #tpu.memory_space<vmem>> -> memref<1x80xi32, #tpu.memory_space<vmem>>
    %dma_start3A_651 = tpu.memref_squeeze %dma_start3A_650 : memref<1x80xi32, #tpu.memory_space<vmem>> -> memref<80xi32, #tpu.memory_space<vmem>>
    %dma_start3A_652 = arith.constant 0 : i32
    %dma_start3A_653 = arith.constant 0 : i32
    %dma_start3A_654 = tpu.memref_slice %arg2[%dma_start3A_652, %dma_start3A_653] : memref<20000x64xf32, #tpu.memory_space<hbm>> -> memref<20000x64xf32, #tpu.memory_space<hbm>>
    tpu.enqueue_indirect_dma source(%dma_start3A_654 : memref<20000x64xf32, #tpu.memory_space<hbm>>) target(%arg12 : memref<80x64xf32, #tpu.memory_space<vmem>>) offsets(%dma_start3A_651 : memref<80xi32, #tpu.memory_space<vmem>>) semaphore(%arg19 : memref<!tpu.dma_semaphore, #tpu.memory_space<semaphore_mem>>)
    %dma_start3A_655 = arith.constant 2 : i32
    %dma_start3A_656 = arith.constant 0 : i32
    %dma_start3A_657 = tpu.memref_slice %arg9[%dma_start3A_655, %dma_start3A_656] : memref<250x80xi32, #tpu.memory_space<vmem>> -> memref<1x80xi32, #tpu.memory_space<vmem>>
    %dma_start3A_658 = tpu.memref_squeeze %dma_start3A_657 : memref<1x80xi32, #tpu.memory_space<vmem>> -> memref<80xi32, #tpu.memory_space<vmem>>
    %dma_start3A_659 = arith.constant 0 : i32
    %dma_start3A_660 = arith.constant 0 : i32
    %dma_start3A_661 = tpu.memref_slice %arg2[%dma_start3A_659, %dma_start3A_660] : memref<20000x64xf32, #tpu.memory_space<hbm>> -> memref<20000x64xf32, #tpu.memory_space<hbm>>
    tpu.enqueue_indirect_dma source(%dma_start3A_661 : memref<20000x64xf32, #tpu.memory_space<hbm>>) target(%arg13 : memref<80x64xf32, #tpu.memory_space<vmem>>) offsets(%dma_start3A_658 : memref<80xi32, #tpu.memory_space<vmem>>) semaphore(%arg20 : memref<!tpu.dma_semaphore, #tpu.memory_space<semaphore_mem>>)
    %barrier3A = arith.constant 0 : index
    tpu.barrier barrier_id(%barrier3A)
    %scan3A = arith.constant 0 : i32
    %scan3A_662 = arith.constant 0 : i32
    %scan3A_663 = arith.constant 41 : i32
    %scan3A_664 = arith.addi %scan3A_662, %scan3A_663 : i32
    %scan3A_665 = arith.constant 1 : i32
    scf.for %scan3A_822 = %scan3A_662 to %scan3A_664 step %scan3A_665  : i32 {
      %mul3A_823 = arith.constant 6 : i32
      %mul3A_824 = arith.muli %scan3A_822, %mul3A_823 : i32
      %add3A_825 = arith.constant 0 : i32
      %add3A_826 = arith.addi %mul3A_824, %add3A_825 : i32
      %dma_wait3A_827 = arith.constant 0 : i32
      %dma_wait3A_828 = tpu.memref_slice %arg9[%add3A_826, %dma_wait3A_827] : memref<250x80xi32, #tpu.memory_space<vmem>> -> memref<1x80xi32, #tpu.memory_space<vmem>>
      %dma_wait3A_829 = tpu.memref_squeeze %dma_wait3A_828 : memref<1x80xi32, #tpu.memory_space<vmem>> -> memref<80xi32, #tpu.memory_space<vmem>>
      %dma_wait3A_830 = arith.constant 0 : i32
      %dma_wait3A_831 = arith.constant 0 : i32
      %dma_wait3A_832 = tpu.memref_slice %arg2[%dma_wait3A_830, %dma_wait3A_831] : memref<20000x64xf32, #tpu.memory_space<hbm>> -> memref<20000x64xf32, #tpu.memory_space<hbm>>
      tpu.wait_indirect_dma semaphore(%arg18 : memref<!tpu.dma_semaphore, #tpu.memory_space<semaphore_mem>>) src(%dma_wait3A_832 : memref<20000x64xf32, #tpu.memory_space<hbm>>) dst(%arg11 : memref<80x64xf32, #tpu.memory_space<vmem>>)
      %dma_start3A_833 = arith.constant 0 : i32
      %dma_start3A_834 = tpu.memref_slice %arg10[%add3A_826, %dma_start3A_833] : memref<250x80xi32, #tpu.memory_space<vmem>> -> memref<1x80xi32, #tpu.memory_space<vmem>>
      %dma_start3A_835 = tpu.memref_squeeze %dma_start3A_834 : memref<1x80xi32, #tpu.memory_space<vmem>> -> memref<80xi32, #tpu.memory_space<vmem>>
      %dma_start3A_836 = arith.constant 0 : i32
      %dma_start3A_837 = arith.constant 0 : i32
      %dma_start3A_838 = tpu.memref_slice %arg17[%dma_start3A_836, %dma_start3A_837] : memref<10008x64xf32, #tpu.memory_space<vmem_shared>> -> memref<10008x64xf32, #tpu.memory_space<vmem_shared>>
      tpu.enqueue_indirect_dma source(%arg11 : memref<80x64xf32, #tpu.memory_space<vmem>>) target(%dma_start3A_838 : memref<10008x64xf32, #tpu.memory_space<vmem_shared>>) offsets(%dma_start3A_835 : memref<80xi32, #tpu.memory_space<vmem>>) semaphore(%arg24 : memref<!tpu.dma_semaphore, #tpu.memory_space<semaphore_mem>>) {add = true}
      %jit3A = arith.constant 2 : i32
      %eq3A_839 = arith.constant 0 : i32
      %eq3A_840 = arith.cmpi eq, %jit3A, %eq3A_839 : i32
      %jit3A_841 = arith.constant 1 : i32
      %select_n3A = arith.select %eq3A_840, %jit3A_841, %jit3A : i32
      %rem3A = arith.remsi %add3A_826, %select_n3A : i32
      %ne3A = arith.constant 0 : i32
      %ne3A_842 = arith.cmpi ne, %rem3A, %ne3A : i32
      %lt3A = arith.constant 0 : i32
      %lt3A_843 = arith.cmpi slt, %rem3A, %lt3A : i32
      %lt3A_844 = arith.constant 0 : i32
      %lt3A_845 = arith.cmpi slt, %select_n3A, %lt3A_844 : i32
      %ne3A_846 = arith.xori %lt3A_843, %lt3A_845 : i1
      %and3A = arith.andi %ne3A_846, %ne3A_842 : i1
      %add3A_847 = arith.addi %rem3A, %select_n3A : i32
      %select_n3A_848 = arith.select %and3A, %add3A_847, %rem3A : i32
      %eq3A_849 = arith.cmpi eq, %select_n3A_848, %arg0 : i32
      %convert_element_type3A_850 = arith.extui %eq3A_849 : i1 to i32
      %cond3A_851 = arith.constant 0 : i32
      %cond3A_852 = arith.cmpi ne, %convert_element_type3A_850, %cond3A_851 : i32
      scf.if %cond3A_852 {
        %dma_start3A_1104 = arith.constant 0 : i32
        %dma_start3A_1105 = tpu.memref_slice %arg10[%add3A_826, %dma_start3A_1104] : memref<250x80xi32, #tpu.memory_space<vmem>> -> memref<1x80xi32, #tpu.memory_space<vmem>>
        %dma_start3A_1106 = tpu.memref_squeeze %dma_start3A_1105 : memref<1x80xi32, #tpu.memory_space<vmem>> -> memref<80xi32, #tpu.memory_space<vmem>>
        %dma_start3A_1107 = arith.constant 0 : i32
        %dma_start3A_1108 = arith.constant 0 : i32
        %dma_start3A_1109 = tpu.memref_slice %arg32[%dma_start3A_1107, %dma_start3A_1108] : memref<10008x16xf32, #tpu.memory_space<vmem_shared>> -> memref<10008x16xf32, #tpu.memory_space<vmem_shared>>
        tpu.enqueue_indirect_dma source(%arg31 : memref<80x16xf32, #tpu.memory_space<vmem>>) target(%dma_start3A_1109 : memref<10008x16xf32, #tpu.memory_space<vmem_shared>>) offsets(%dma_start3A_1106 : memref<80xi32, #tpu.memory_space<vmem>>) semaphore(%arg30 : memref<!tpu.dma_semaphore, #tpu.memory_space<semaphore_mem>>) {add = true}
        %ge3A_1110 = arith.constant 4 : i32
        %ge3A_1111 = arith.cmpi sge, %add3A_826, %ge3A_1110 : i32
        %convert_element_type3A_1112 = arith.extui %ge3A_1111 : i1 to i32
        %cond3A_1113 = arith.constant 0 : i32
        %cond3A_1114 = arith.cmpi ne, %convert_element_type3A_1112, %cond3A_1113 : i32
        scf.if %cond3A_1114 {
          %dma_wait3A_1115 = arith.constant 0 : i32
          %dma_wait3A_1116 = tpu.memref_slice %arg10[%add3A_826, %dma_wait3A_1115] : memref<250x80xi32, #tpu.memory_space<vmem>> -> memref<1x80xi32, #tpu.memory_space<vmem>>
          %dma_wait3A_1117 = tpu.memref_squeeze %dma_wait3A_1116 : memref<1x80xi32, #tpu.memory_space<vmem>> -> memref<80xi32, #tpu.memory_space<vmem>>
          %dma_wait3A_1118 = arith.constant 0 : i32
          %dma_wait3A_1119 = arith.constant 0 : i32
          %dma_wait3A_1120 = tpu.memref_slice %arg32[%dma_wait3A_1118, %dma_wait3A_1119] : memref<10008x16xf32, #tpu.memory_space<vmem_shared>> -> memref<10008x16xf32, #tpu.memory_space<vmem_shared>>
          tpu.wait_indirect_dma semaphore(%arg30 : memref<!tpu.dma_semaphore, #tpu.memory_space<semaphore_mem>>) src(%arg31 : memref<80x16xf32, #tpu.memory_space<vmem>>) dst(%dma_wait3A_1120 : memref<10008x16xf32, #tpu.memory_space<vmem_shared>>)
        } else {
        }
      } else {
      }
      %ge3A = arith.constant 3 : i32
      %ge3A_853 = arith.cmpi sge, %add3A_826, %ge3A : i32
      %convert_element_type3A_854 = arith.extui %ge3A_853 : i1 to i32
      %cond3A_855 = arith.constant 0 : i32
      %cond3A_856 = arith.cmpi ne, %convert_element_type3A_854, %cond3A_855 : i32
      scf.if %cond3A_856 {
        %dma_wait3A_1104 = arith.constant 0 : i32
        %dma_wait3A_1105 = tpu.memref_slice %arg10[%add3A_826, %dma_wait3A_1104] : memref<250x80xi32, #tpu.memory_space<vmem>> -> memref<1x80xi32, #tpu.memory_space<vmem>>
        %dma_wait3A_1106 = tpu.memref_squeeze %dma_wait3A_1105 : memref<1x80xi32, #tpu.memory_space<vmem>> -> memref<80xi32, #tpu.memory_space<vmem>>
        %dma_wait3A_1107 = arith.constant 0 : i32
        %dma_wait3A_1108 = arith.constant 0 : i32
        %dma_wait3A_1109 = tpu.memref_slice %arg17[%dma_wait3A_1107, %dma_wait3A_1108] : memref<10008x64xf32, #tpu.memory_space<vmem_shared>> -> memref<10008x64xf32, #tpu.memory_space<vmem_shared>>
        tpu.wait_indirect_dma semaphore(%arg27 : memref<!tpu.dma_semaphore, #tpu.memory_space<semaphore_mem>>) src(%arg14 : memref<80x64xf32, #tpu.memory_space<vmem>>) dst(%dma_wait3A_1109 : memref<10008x64xf32, #tpu.memory_space<vmem_shared>>)
      } else {
      }
      %add3A_857 = arith.constant 3 : i32
      %add3A_858 = arith.addi %add3A_826, %add3A_857 : i32
      %lt3A_859 = arith.constant 250 : i32
      %lt3A_860 = arith.cmpi slt, %add3A_858, %lt3A_859 : i32
      %convert_element_type3A_861 = arith.extui %lt3A_860 : i1 to i32
      %cond3A_862 = arith.constant 0 : i32
      %cond3A_863 = arith.cmpi ne, %convert_element_type3A_861, %cond3A_862 : i32
      scf.if %cond3A_863 {
        %add3A_1104 = arith.constant 3 : i32
        %add3A_1105 = arith.addi %add3A_826, %add3A_1104 : i32
        %min3A_1106 = arith.constant 249 : i32
        %min3A_1107 = arith.minsi %add3A_1105, %min3A_1106 : i32
        %dma_start3A_1108 = arith.constant 0 : i32
        %dma_start3A_1109 = tpu.memref_slice %arg9[%min3A_1107, %dma_start3A_1108] : memref<250x80xi32, #tpu.memory_space<vmem>> -> memref<1x80xi32, #tpu.memory_space<vmem>>
        %dma_start3A_1110 = tpu.memref_squeeze %dma_start3A_1109 : memref<1x80xi32, #tpu.memory_space<vmem>> -> memref<80xi32, #tpu.memory_space<vmem>>
        %dma_start3A_1111 = arith.constant 0 : i32
        %dma_start3A_1112 = arith.constant 0 : i32
        %dma_start3A_1113 = tpu.memref_slice %arg2[%dma_start3A_1111, %dma_start3A_1112] : memref<20000x64xf32, #tpu.memory_space<hbm>> -> memref<20000x64xf32, #tpu.memory_space<hbm>>
        tpu.enqueue_indirect_dma source(%dma_start3A_1113 : memref<20000x64xf32, #tpu.memory_space<hbm>>) target(%arg14 : memref<80x64xf32, #tpu.memory_space<vmem>>) offsets(%dma_start3A_1110 : memref<80xi32, #tpu.memory_space<vmem>>) semaphore(%arg21 : memref<!tpu.dma_semaphore, #tpu.memory_space<semaphore_mem>>)
      } else {
      }
      %mul3A_864 = arith.constant 6 : i32
      %mul3A_865 = arith.muli %scan3A_822, %mul3A_864 : i32
      %add3A_866 = arith.constant 1 : i32
      %add3A_867 = arith.addi %mul3A_865, %add3A_866 : i32
      %dma_wait3A_868 = arith.constant 0 : i32
      %dma_wait3A_869 = tpu.memref_slice %arg9[%add3A_867, %dma_wait3A_868] : memref<250x80xi32, #tpu.memory_space<vmem>> -> memref<1x80xi32, #tpu.memory_space<vmem>>
      %dma_wait3A_870 = tpu.memref_squeeze %dma_wait3A_869 : memref<1x80xi32, #tpu.memory_space<vmem>> -> memref<80xi32, #tpu.memory_space<vmem>>
      %dma_wait3A_871 = arith.constant 0 : i32
      %dma_wait3A_872 = arith.constant 0 : i32
      %dma_wait3A_873 = tpu.memref_slice %arg2[%dma_wait3A_871, %dma_wait3A_872] : memref<20000x64xf32, #tpu.memory_space<hbm>> -> memref<20000x64xf32, #tpu.memory_space<hbm>>
      tpu.wait_indirect_dma semaphore(%arg19 : memref<!tpu.dma_semaphore, #tpu.memory_space<semaphore_mem>>) src(%dma_wait3A_873 : memref<20000x64xf32, #tpu.memory_space<hbm>>) dst(%arg12 : memref<80x64xf32, #tpu.memory_space<vmem>>)
      %dma_start3A_874 = arith.constant 0 : i32
      %dma_start3A_875 = tpu.memref_slice %arg10[%add3A_867, %dma_start3A_874] : memref<250x80xi32, #tpu.memory_space<vmem>> -> memref<1x80xi32, #tpu.memory_space<vmem>>
      %dma_start3A_876 = tpu.memref_squeeze %dma_start3A_875 : memref<1x80xi32, #tpu.memory_space<vmem>> -> memref<80xi32, #tpu.memory_space<vmem>>
      %dma_start3A_877 = arith.constant 0 : i32
      %dma_start3A_878 = arith.constant 0 : i32
      %dma_start3A_879 = tpu.memref_slice %arg17[%dma_start3A_877, %dma_start3A_878] : memref<10008x64xf32, #tpu.memory_space<vmem_shared>> -> memref<10008x64xf32, #tpu.memory_space<vmem_shared>>
      tpu.enqueue_indirect_dma source(%arg12 : memref<80x64xf32, #tpu.memory_space<vmem>>) target(%dma_start3A_879 : memref<10008x64xf32, #tpu.memory_space<vmem_shared>>) offsets(%dma_start3A_876 : memref<80xi32, #tpu.memory_space<vmem>>) semaphore(%arg25 : memref<!tpu.dma_semaphore, #tpu.memory_space<semaphore_mem>>) {add = true}
      %jit3A_880 = arith.constant 2 : i32
      %eq3A_881 = arith.constant 0 : i32
      %eq3A_882 = arith.cmpi eq, %jit3A_880, %eq3A_881 : i32
      %jit3A_883 = arith.constant 1 : i32
      %select_n3A_884 = arith.select %eq3A_882, %jit3A_883, %jit3A_880 : i32
      %rem3A_885 = arith.remsi %add3A_867, %select_n3A_884 : i32
      %ne3A_886 = arith.constant 0 : i32
      %ne3A_887 = arith.cmpi ne, %rem3A_885, %ne3A_886 : i32
      %lt3A_888 = arith.constant 0 : i32
      %lt3A_889 = arith.cmpi slt, %rem3A_885, %lt3A_888 : i32
      %lt3A_890 = arith.constant 0 : i32
      %lt3A_891 = arith.cmpi slt, %select_n3A_884, %lt3A_890 : i32
      %ne3A_892 = arith.xori %lt3A_889, %lt3A_891 : i1
      %and3A_893 = arith.andi %ne3A_892, %ne3A_887 : i1
      %add3A_894 = arith.addi %rem3A_885, %select_n3A_884 : i32
      %select_n3A_895 = arith.select %and3A_893, %add3A_894, %rem3A_885 : i32
      %eq3A_896 = arith.cmpi eq, %select_n3A_895, %arg0 : i32
      %convert_element_type3A_897 = arith.extui %eq3A_896 : i1 to i32
      %cond3A_898 = arith.constant 0 : i32
      %cond3A_899 = arith.cmpi ne, %convert_element_type3A_897, %cond3A_898 : i32
      scf.if %cond3A_899 {
        %dma_start3A_1104 = arith.constant 0 : i32
        %dma_start3A_1105 = tpu.memref_slice %arg10[%add3A_867, %dma_start3A_1104] : memref<250x80xi32, #tpu.memory_space<vmem>> -> memref<1x80xi32, #tpu.memory_space<vmem>>
        %dma_start3A_1106 = tpu.memref_squeeze %dma_start3A_1105 : memref<1x80xi32, #tpu.memory_space<vmem>> -> memref<80xi32, #tpu.memory_space<vmem>>
        %dma_start3A_1107 = arith.constant 0 : i32
        %dma_start3A_1108 = arith.constant 0 : i32
        %dma_start3A_1109 = tpu.memref_slice %arg32[%dma_start3A_1107, %dma_start3A_1108] : memref<10008x16xf32, #tpu.memory_space<vmem_shared>> -> memref<10008x16xf32, #tpu.memory_space<vmem_shared>>
        tpu.enqueue_indirect_dma source(%arg31 : memref<80x16xf32, #tpu.memory_space<vmem>>) target(%dma_start3A_1109 : memref<10008x16xf32, #tpu.memory_space<vmem_shared>>) offsets(%dma_start3A_1106 : memref<80xi32, #tpu.memory_space<vmem>>) semaphore(%arg30 : memref<!tpu.dma_semaphore, #tpu.memory_space<semaphore_mem>>) {add = true}
        %ge3A_1110 = arith.constant 4 : i32
        %ge3A_1111 = arith.cmpi sge, %add3A_867, %ge3A_1110 : i32
        %convert_element_type3A_1112 = arith.extui %ge3A_1111 : i1 to i32
        %cond3A_1113 = arith.constant 0 : i32
        %cond3A_1114 = arith.cmpi ne, %convert_element_type3A_1112, %cond3A_1113 : i32
        scf.if %cond3A_1114 {
          %dma_wait3A_1115 = arith.constant 0 : i32
          %dma_wait3A_1116 = tpu.memref_slice %arg10[%add3A_867, %dma_wait3A_1115] : memref<250x80xi32, #tpu.memory_space<vmem>> -> memref<1x80xi32, #tpu.memory_space<vmem>>
          %dma_wait3A_1117 = tpu.memref_squeeze %dma_wait3A_1116 : memref<1x80xi32, #tpu.memory_space<vmem>> -> memref<80xi32, #tpu.memory_space<vmem>>
          %dma_wait3A_1118 = arith.constant 0 : i32
          %dma_wait3A_1119 = arith.constant 0 : i32
          %dma_wait3A_1120 = tpu.memref_slice %arg32[%dma_wait3A_1118, %dma_wait3A_1119] : memref<10008x16xf32, #tpu.memory_space<vmem_shared>> -> memref<10008x16xf32, #tpu.memory_space<vmem_shared>>
          tpu.wait_indirect_dma semaphore(%arg30 : memref<!tpu.dma_semaphore, #tpu.memory_space<semaphore_mem>>) src(%arg31 : memref<80x16xf32, #tpu.memory_space<vmem>>) dst(%dma_wait3A_1120 : memref<10008x16xf32, #tpu.memory_space<vmem_shared>>)
        } else {
        }
      } else {
      }
      %ge3A_900 = arith.constant 3 : i32
      %ge3A_901 = arith.cmpi sge, %add3A_867, %ge3A_900 : i32
      %convert_element_type3A_902 = arith.extui %ge3A_901 : i1 to i32
      %cond3A_903 = arith.constant 0 : i32
      %cond3A_904 = arith.cmpi ne, %convert_element_type3A_902, %cond3A_903 : i32
      scf.if %cond3A_904 {
        %dma_wait3A_1104 = arith.constant 0 : i32
        %dma_wait3A_1105 = tpu.memref_slice %arg10[%add3A_867, %dma_wait3A_1104] : memref<250x80xi32, #tpu.memory_space<vmem>> -> memref<1x80xi32, #tpu.memory_space<vmem>>
        %dma_wait3A_1106 = tpu.memref_squeeze %dma_wait3A_1105 : memref<1x80xi32, #tpu.memory_space<vmem>> -> memref<80xi32, #tpu.memory_space<vmem>>
        %dma_wait3A_1107 = arith.constant 0 : i32
        %dma_wait3A_1108 = arith.constant 0 : i32
        %dma_wait3A_1109 = tpu.memref_slice %arg17[%dma_wait3A_1107, %dma_wait3A_1108] : memref<10008x64xf32, #tpu.memory_space<vmem_shared>> -> memref<10008x64xf32, #tpu.memory_space<vmem_shared>>
        tpu.wait_indirect_dma semaphore(%arg28 : memref<!tpu.dma_semaphore, #tpu.memory_space<semaphore_mem>>) src(%arg15 : memref<80x64xf32, #tpu.memory_space<vmem>>) dst(%dma_wait3A_1109 : memref<10008x64xf32, #tpu.memory_space<vmem_shared>>)
      } else {
      }
      %add3A_905 = arith.constant 3 : i32
      %add3A_906 = arith.addi %add3A_867, %add3A_905 : i32
      %lt3A_907 = arith.constant 250 : i32
      %lt3A_908 = arith.cmpi slt, %add3A_906, %lt3A_907 : i32
      %convert_element_type3A_909 = arith.extui %lt3A_908 : i1 to i32
      %cond3A_910 = arith.constant 0 : i32
      %cond3A_911 = arith.cmpi ne, %convert_element_type3A_909, %cond3A_910 : i32
      scf.if %cond3A_911 {
        %add3A_1104 = arith.constant 3 : i32
        %add3A_1105 = arith.addi %add3A_867, %add3A_1104 : i32
        %min3A_1106 = arith.constant 249 : i32
        %min3A_1107 = arith.minsi %add3A_1105, %min3A_1106 : i32
        %dma_start3A_1108 = arith.constant 0 : i32
        %dma_start3A_1109 = tpu.memref_slice %arg9[%min3A_1107, %dma_start3A_1108] : memref<250x80xi32, #tpu.memory_space<vmem>> -> memref<1x80xi32, #tpu.memory_space<vmem>>
        %dma_start3A_1110 = tpu.memref_squeeze %dma_start3A_1109 : memref<1x80xi32, #tpu.memory_space<vmem>> -> memref<80xi32, #tpu.memory_space<vmem>>
        %dma_start3A_1111 = arith.constant 0 : i32
        %dma_start3A_1112 = arith.constant 0 : i32
        %dma_start3A_1113 = tpu.memref_slice %arg2[%dma_start3A_1111, %dma_start3A_1112] : memref<20000x64xf32, #tpu.memory_space<hbm>> -> memref<20000x64xf32, #tpu.memory_space<hbm>>
        tpu.enqueue_indirect_dma source(%dma_start3A_1113 : memref<20000x64xf32, #tpu.memory_space<hbm>>) target(%arg15 : memref<80x64xf32, #tpu.memory_space<vmem>>) offsets(%dma_start3A_1110 : memref<80xi32, #tpu.memory_space<vmem>>) semaphore(%arg22 : memref<!tpu.dma_semaphore, #tpu.memory_space<semaphore_mem>>)
      } else {
      }
      %mul3A_912 = arith.constant 6 : i32
      %mul3A_913 = arith.muli %scan3A_822, %mul3A_912 : i32
      %add3A_914 = arith.constant 2 : i32
      %add3A_915 = arith.addi %mul3A_913, %add3A_914 : i32
      %dma_wait3A_916 = arith.constant 0 : i32
      %dma_wait3A_917 = tpu.memref_slice %arg9[%add3A_915, %dma_wait3A_916] : memref<250x80xi32, #tpu.memory_space<vmem>> -> memref<1x80xi32, #tpu.memory_space<vmem>>
      %dma_wait3A_918 = tpu.memref_squeeze %dma_wait3A_917 : memref<1x80xi32, #tpu.memory_space<vmem>> -> memref<80xi32, #tpu.memory_space<vmem>>
      %dma_wait3A_919 = arith.constant 0 : i32
      %dma_wait3A_920 = arith.constant 0 : i32
      %dma_wait3A_921 = tpu.memref_slice %arg2[%dma_wait3A_919, %dma_wait3A_920] : memref<20000x64xf32, #tpu.memory_space<hbm>> -> memref<20000x64xf32, #tpu.memory_space<hbm>>
      tpu.wait_indirect_dma semaphore(%arg20 : memref<!tpu.dma_semaphore, #tpu.memory_space<semaphore_mem>>) src(%dma_wait3A_921 : memref<20000x64xf32, #tpu.memory_space<hbm>>) dst(%arg13 : memref<80x64xf32, #tpu.memory_space<vmem>>)
      %dma_start3A_922 = arith.constant 0 : i32
      %dma_start3A_923 = tpu.memref_slice %arg10[%add3A_915, %dma_start3A_922] : memref<250x80xi32, #tpu.memory_space<vmem>> -> memref<1x80xi32, #tpu.memory_space<vmem>>
      %dma_start3A_924 = tpu.memref_squeeze %dma_start3A_923 : memref<1x80xi32, #tpu.memory_space<vmem>> -> memref<80xi32, #tpu.memory_space<vmem>>
      %dma_start3A_925 = arith.constant 0 : i32
      %dma_start3A_926 = arith.constant 0 : i32
      %dma_start3A_927 = tpu.memref_slice %arg17[%dma_start3A_925, %dma_start3A_926] : memref<10008x64xf32, #tpu.memory_space<vmem_shared>> -> memref<10008x64xf32, #tpu.memory_space<vmem_shared>>
      tpu.enqueue_indirect_dma source(%arg13 : memref<80x64xf32, #tpu.memory_space<vmem>>) target(%dma_start3A_927 : memref<10008x64xf32, #tpu.memory_space<vmem_shared>>) offsets(%dma_start3A_924 : memref<80xi32, #tpu.memory_space<vmem>>) semaphore(%arg26 : memref<!tpu.dma_semaphore, #tpu.memory_space<semaphore_mem>>) {add = true}
      %jit3A_928 = arith.constant 2 : i32
      %eq3A_929 = arith.constant 0 : i32
      %eq3A_930 = arith.cmpi eq, %jit3A_928, %eq3A_929 : i32
      %jit3A_931 = arith.constant 1 : i32
      %select_n3A_932 = arith.select %eq3A_930, %jit3A_931, %jit3A_928 : i32
      %rem3A_933 = arith.remsi %add3A_915, %select_n3A_932 : i32
      %ne3A_934 = arith.constant 0 : i32
      %ne3A_935 = arith.cmpi ne, %rem3A_933, %ne3A_934 : i32
      %lt3A_936 = arith.constant 0 : i32
      %lt3A_937 = arith.cmpi slt, %rem3A_933, %lt3A_936 : i32
      %lt3A_938 = arith.constant 0 : i32
      %lt3A_939 = arith.cmpi slt, %select_n3A_932, %lt3A_938 : i32
      %ne3A_940 = arith.xori %lt3A_937, %lt3A_939 : i1
      %and3A_941 = arith.andi %ne3A_940, %ne3A_935 : i1
      %add3A_942 = arith.addi %rem3A_933, %select_n3A_932 : i32
      %select_n3A_943 = arith.select %and3A_941, %add3A_942, %rem3A_933 : i32
      %eq3A_944 = arith.cmpi eq, %select_n3A_943, %arg0 : i32
      %convert_element_type3A_945 = arith.extui %eq3A_944 : i1 to i32
      %cond3A_946 = arith.constant 0 : i32
      %cond3A_947 = arith.cmpi ne, %convert_element_type3A_945, %cond3A_946 : i32
      scf.if %cond3A_947 {
        %dma_start3A_1104 = arith.constant 0 : i32
        %dma_start3A_1105 = tpu.memref_slice %arg10[%add3A_915, %dma_start3A_1104] : memref<250x80xi32, #tpu.memory_space<vmem>> -> memref<1x80xi32, #tpu.memory_space<vmem>>
        %dma_start3A_1106 = tpu.memref_squeeze %dma_start3A_1105 : memref<1x80xi32, #tpu.memory_space<vmem>> -> memref<80xi32, #tpu.memory_space<vmem>>
        %dma_start3A_1107 = arith.constant 0 : i32
        %dma_start3A_1108 = arith.constant 0 : i32
        %dma_start3A_1109 = tpu.memref_slice %arg32[%dma_start3A_1107, %dma_start3A_1108] : memref<10008x16xf32, #tpu.memory_space<vmem_shared>> -> memref<10008x16xf32, #tpu.memory_space<vmem_shared>>
        tpu.enqueue_indirect_dma source(%arg31 : memref<80x16xf32, #tpu.memory_space<vmem>>) target(%dma_start3A_1109 : memref<10008x16xf32, #tpu.memory_space<vmem_shared>>) offsets(%dma_start3A_1106 : memref<80xi32, #tpu.memory_space<vmem>>) semaphore(%arg30 : memref<!tpu.dma_semaphore, #tpu.memory_space<semaphore_mem>>) {add = true}
        %ge3A_1110 = arith.constant 4 : i32
        %ge3A_1111 = arith.cmpi sge, %add3A_915, %ge3A_1110 : i32
        %convert_element_type3A_1112 = arith.extui %ge3A_1111 : i1 to i32
        %cond3A_1113 = arith.constant 0 : i32
        %cond3A_1114 = arith.cmpi ne, %convert_element_type3A_1112, %cond3A_1113 : i32
        scf.if %cond3A_1114 {
          %dma_wait3A_1115 = arith.constant 0 : i32
          %dma_wait3A_1116 = tpu.memref_slice %arg10[%add3A_915, %dma_wait3A_1115] : memref<250x80xi32, #tpu.memory_space<vmem>> -> memref<1x80xi32, #tpu.memory_space<vmem>>
          %dma_wait3A_1117 = tpu.memref_squeeze %dma_wait3A_1116 : memref<1x80xi32, #tpu.memory_space<vmem>> -> memref<80xi32, #tpu.memory_space<vmem>>
          %dma_wait3A_1118 = arith.constant 0 : i32
          %dma_wait3A_1119 = arith.constant 0 : i32
          %dma_wait3A_1120 = tpu.memref_slice %arg32[%dma_wait3A_1118, %dma_wait3A_1119] : memref<10008x16xf32, #tpu.memory_space<vmem_shared>> -> memref<10008x16xf32, #tpu.memory_space<vmem_shared>>
          tpu.wait_indirect_dma semaphore(%arg30 : memref<!tpu.dma_semaphore, #tpu.memory_space<semaphore_mem>>) src(%arg31 : memref<80x16xf32, #tpu.memory_space<vmem>>) dst(%dma_wait3A_1120 : memref<10008x16xf32, #tpu.memory_space<vmem_shared>>)
        } else {
        }
      } else {
      }
      %ge3A_948 = arith.constant 3 : i32
      %ge3A_949 = arith.cmpi sge, %add3A_915, %ge3A_948 : i32
      %convert_element_type3A_950 = arith.extui %ge3A_949 : i1 to i32
      %cond3A_951 = arith.constant 0 : i32
      %cond3A_952 = arith.cmpi ne, %convert_element_type3A_950, %cond3A_951 : i32
      scf.if %cond3A_952 {
        %dma_wait3A_1104 = arith.constant 0 : i32
        %dma_wait3A_1105 = tpu.memref_slice %arg10[%add3A_915, %dma_wait3A_1104] : memref<250x80xi32, #tpu.memory_space<vmem>> -> memref<1x80xi32, #tpu.memory_space<vmem>>
        %dma_wait3A_1106 = tpu.memref_squeeze %dma_wait3A_1105 : memref<1x80xi32, #tpu.memory_space<vmem>> -> memref<80xi32, #tpu.memory_space<vmem>>
        %dma_wait3A_1107 = arith.constant 0 : i32
        %dma_wait3A_1108 = arith.constant 0 : i32
        %dma_wait3A_1109 = tpu.memref_slice %arg17[%dma_wait3A_1107, %dma_wait3A_1108] : memref<10008x64xf32, #tpu.memory_space<vmem_shared>> -> memref<10008x64xf32, #tpu.memory_space<vmem_shared>>
        tpu.wait_indirect_dma semaphore(%arg29 : memref<!tpu.dma_semaphore, #tpu.memory_space<semaphore_mem>>) src(%arg16 : memref<80x64xf32, #tpu.memory_space<vmem>>) dst(%dma_wait3A_1109 : memref<10008x64xf32, #tpu.memory_space<vmem_shared>>)
      } else {
      }
      %add3A_953 = arith.constant 3 : i32
      %add3A_954 = arith.addi %add3A_915, %add3A_953 : i32
      %lt3A_955 = arith.constant 250 : i32
      %lt3A_956 = arith.cmpi slt, %add3A_954, %lt3A_955 : i32
      %convert_element_type3A_957 = arith.extui %lt3A_956 : i1 to i32
      %cond3A_958 = arith.constant 0 : i32
      %cond3A_959 = arith.cmpi ne, %convert_element_type3A_957, %cond3A_958 : i32
      scf.if %cond3A_959 {
        %add3A_1104 = arith.constant 3 : i32
        %add3A_1105 = arith.addi %add3A_915, %add3A_1104 : i32
        %min3A_1106 = arith.constant 249 : i32
        %min3A_1107 = arith.minsi %add3A_1105, %min3A_1106 : i32
        %dma_start3A_1108 = arith.constant 0 : i32
        %dma_start3A_1109 = tpu.memref_slice %arg9[%min3A_1107, %dma_start3A_1108] : memref<250x80xi32, #tpu.memory_space<vmem>> -> memref<1x80xi32, #tpu.memory_space<vmem>>
        %dma_start3A_1110 = tpu.memref_squeeze %dma_start3A_1109 : memref<1x80xi32, #tpu.memory_space<vmem>> -> memref<80xi32, #tpu.memory_space<vmem>>
        %dma_start3A_1111 = arith.constant 0 : i32
        %dma_start3A_1112 = arith.constant 0 : i32
        %dma_start3A_1113 = tpu.memref_slice %arg2[%dma_start3A_1111, %dma_start3A_1112] : memref<20000x64xf32, #tpu.memory_space<hbm>> -> memref<20000x64xf32, #tpu.memory_space<hbm>>
        tpu.enqueue_indirect_dma source(%dma_start3A_1113 : memref<20000x64xf32, #tpu.memory_space<hbm>>) target(%arg16 : memref<80x64xf32, #tpu.memory_space<vmem>>) offsets(%dma_start3A_1110 : memref<80xi32, #tpu.memory_space<vmem>>) semaphore(%arg23 : memref<!tpu.dma_semaphore, #tpu.memory_space<semaphore_mem>>)
      } else {
      }
      %mul3A_960 = arith.constant 6 : i32
      %mul3A_961 = arith.muli %scan3A_822, %mul3A_960 : i32
      %add3A_962 = arith.constant 3 : i32
      %add3A_963 = arith.addi %mul3A_961, %add3A_962 : i32
      %dma_wait3A_964 = arith.constant 0 : i32
      %dma_wait3A_965 = tpu.memref_slice %arg9[%add3A_963, %dma_wait3A_964] : memref<250x80xi32, #tpu.memory_space<vmem>> -> memref<1x80xi32, #tpu.memory_space<vmem>>
      %dma_wait3A_966 = tpu.memref_squeeze %dma_wait3A_965 : memref<1x80xi32, #tpu.memory_space<vmem>> -> memref<80xi32, #tpu.memory_space<vmem>>
      %dma_wait3A_967 = arith.constant 0 : i32
      %dma_wait3A_968 = arith.constant 0 : i32
      %dma_wait3A_969 = tpu.memref_slice %arg2[%dma_wait3A_967, %dma_wait3A_968] : memref<20000x64xf32, #tpu.memory_space<hbm>> -> memref<20000x64xf32, #tpu.memory_space<hbm>>
      tpu.wait_indirect_dma semaphore(%arg21 : memref<!tpu.dma_semaphore, #tpu.memory_space<semaphore_mem>>) src(%dma_wait3A_969 : memref<20000x64xf32, #tpu.memory_space<hbm>>) dst(%arg14 : memref<80x64xf32, #tpu.memory_space<vmem>>)
      %dma_start3A_970 = arith.constant 0 : i32
      %dma_start3A_971 = tpu.memref_slice %arg10[%add3A_963, %dma_start3A_970] : memref<250x80xi32, #tpu.memory_space<vmem>> -> memref<1x80xi32, #tpu.memory_space<vmem>>
      %dma_start3A_972 = tpu.memref_squeeze %dma_start3A_971 : memref<1x80xi32, #tpu.memory_space<vmem>> -> memref<80xi32, #tpu.memory_space<vmem>>
      %dma_start3A_973 = arith.constant 0 : i32
      %dma_start3A_974 = arith.constant 0 : i32
      %dma_start3A_975 = tpu.memref_slice %arg17[%dma_start3A_973, %dma_start3A_974] : memref<10008x64xf32, #tpu.memory_space<vmem_shared>> -> memref<10008x64xf32, #tpu.memory_space<vmem_shared>>
      tpu.enqueue_indirect_dma source(%arg14 : memref<80x64xf32, #tpu.memory_space<vmem>>) target(%dma_start3A_975 : memref<10008x64xf32, #tpu.memory_space<vmem_shared>>) offsets(%dma_start3A_972 : memref<80xi32, #tpu.memory_space<vmem>>) semaphore(%arg27 : memref<!tpu.dma_semaphore, #tpu.memory_space<semaphore_mem>>) {add = true}
      %jit3A_976 = arith.constant 2 : i32
      %eq3A_977 = arith.constant 0 : i32
      %eq3A_978 = arith.cmpi eq, %jit3A_976, %eq3A_977 : i32
      %jit3A_979 = arith.constant 1 : i32
      %select_n3A_980 = arith.select %eq3A_978, %jit3A_979, %jit3A_976 : i32
      %rem3A_981 = arith.remsi %add3A_963, %select_n3A_980 : i32
      %ne3A_982 = arith.constant 0 : i32
      %ne3A_983 = arith.cmpi ne, %rem3A_981, %ne3A_982 : i32
      %lt3A_984 = arith.constant 0 : i32
      %lt3A_985 = arith.cmpi slt, %rem3A_981, %lt3A_984 : i32
      %lt3A_986 = arith.constant 0 : i32
      %lt3A_987 = arith.cmpi slt, %select_n3A_980, %lt3A_986 : i32
      %ne3A_988 = arith.xori %lt3A_985, %lt3A_987 : i1
      %and3A_989 = arith.andi %ne3A_988, %ne3A_983 : i1
      %add3A_990 = arith.addi %rem3A_981, %select_n3A_980 : i32
      %select_n3A_991 = arith.select %and3A_989, %add3A_990, %rem3A_981 : i32
      %eq3A_992 = arith.cmpi eq, %select_n3A_991, %arg0 : i32
      %convert_element_type3A_993 = arith.extui %eq3A_992 : i1 to i32
      %cond3A_994 = arith.constant 0 : i32
      %cond3A_995 = arith.cmpi ne, %convert_element_type3A_993, %cond3A_994 : i32
      scf.if %cond3A_995 {
        %dma_start3A_1104 = arith.constant 0 : i32
        %dma_start3A_1105 = tpu.memref_slice %arg10[%add3A_963, %dma_start3A_1104] : memref<250x80xi32, #tpu.memory_space<vmem>> -> memref<1x80xi32, #tpu.memory_space<vmem>>
        %dma_start3A_1106 = tpu.memref_squeeze %dma_start3A_1105 : memref<1x80xi32, #tpu.memory_space<vmem>> -> memref<80xi32, #tpu.memory_space<vmem>>
        %dma_start3A_1107 = arith.constant 0 : i32
        %dma_start3A_1108 = arith.constant 0 : i32
        %dma_start3A_1109 = tpu.memref_slice %arg32[%dma_start3A_1107, %dma_start3A_1108] : memref<10008x16xf32, #tpu.memory_space<vmem_shared>> -> memref<10008x16xf32, #tpu.memory_space<vmem_shared>>
        tpu.enqueue_indirect_dma source(%arg31 : memref<80x16xf32, #tpu.memory_space<vmem>>) target(%dma_start3A_1109 : memref<10008x16xf32, #tpu.memory_space<vmem_shared>>) offsets(%dma_start3A_1106 : memref<80xi32, #tpu.memory_space<vmem>>) semaphore(%arg30 : memref<!tpu.dma_semaphore, #tpu.memory_space<semaphore_mem>>) {add = true}
        %ge3A_1110 = arith.constant 4 : i32
        %ge3A_1111 = arith.cmpi sge, %add3A_963, %ge3A_1110 : i32
        %convert_element_type3A_1112 = arith.extui %ge3A_1111 : i1 to i32
        %cond3A_1113 = arith.constant 0 : i32
        %cond3A_1114 = arith.cmpi ne, %convert_element_type3A_1112, %cond3A_1113 : i32
        scf.if %cond3A_1114 {
          %dma_wait3A_1115 = arith.constant 0 : i32
          %dma_wait3A_1116 = tpu.memref_slice %arg10[%add3A_963, %dma_wait3A_1115] : memref<250x80xi32, #tpu.memory_space<vmem>> -> memref<1x80xi32, #tpu.memory_space<vmem>>
          %dma_wait3A_1117 = tpu.memref_squeeze %dma_wait3A_1116 : memref<1x80xi32, #tpu.memory_space<vmem>> -> memref<80xi32, #tpu.memory_space<vmem>>
          %dma_wait3A_1118 = arith.constant 0 : i32
          %dma_wait3A_1119 = arith.constant 0 : i32
          %dma_wait3A_1120 = tpu.memref_slice %arg32[%dma_wait3A_1118, %dma_wait3A_1119] : memref<10008x16xf32, #tpu.memory_space<vmem_shared>> -> memref<10008x16xf32, #tpu.memory_space<vmem_shared>>
          tpu.wait_indirect_dma semaphore(%arg30 : memref<!tpu.dma_semaphore, #tpu.memory_space<semaphore_mem>>) src(%arg31 : memref<80x16xf32, #tpu.memory_space<vmem>>) dst(%dma_wait3A_1120 : memref<10008x16xf32, #tpu.memory_space<vmem_shared>>)
        } else {
        }
      } else {
      }
      %ge3A_996 = arith.constant 3 : i32
      %ge3A_997 = arith.cmpi sge, %add3A_963, %ge3A_996 : i32
      %convert_element_type3A_998 = arith.extui %ge3A_997 : i1 to i32
      %cond3A_999 = arith.constant 0 : i32
      %cond3A_1000 = arith.cmpi ne, %convert_element_type3A_998, %cond3A_999 : i32
      scf.if %cond3A_1000 {
        %dma_wait3A_1104 = arith.constant 0 : i32
        %dma_wait3A_1105 = tpu.memref_slice %arg10[%add3A_963, %dma_wait3A_1104] : memref<250x80xi32, #tpu.memory_space<vmem>> -> memref<1x80xi32, #tpu.memory_space<vmem>>
        %dma_wait3A_1106 = tpu.memref_squeeze %dma_wait3A_1105 : memref<1x80xi32, #tpu.memory_space<vmem>> -> memref<80xi32, #tpu.memory_space<vmem>>
        %dma_wait3A_1107 = arith.constant 0 : i32
        %dma_wait3A_1108 = arith.constant 0 : i32
        %dma_wait3A_1109 = tpu.memref_slice %arg17[%dma_wait3A_1107, %dma_wait3A_1108] : memref<10008x64xf32, #tpu.memory_space<vmem_shared>> -> memref<10008x64xf32, #tpu.memory_space<vmem_shared>>
        tpu.wait_indirect_dma semaphore(%arg24 : memref<!tpu.dma_semaphore, #tpu.memory_space<semaphore_mem>>) src(%arg11 : memref<80x64xf32, #tpu.memory_space<vmem>>) dst(%dma_wait3A_1109 : memref<10008x64xf32, #tpu.memory_space<vmem_shared>>)
      } else {
      }
      %add3A_1001 = arith.constant 3 : i32
      %add3A_1002 = arith.addi %add3A_963, %add3A_1001 : i32
      %lt3A_1003 = arith.constant 250 : i32
      %lt3A_1004 = arith.cmpi slt, %add3A_1002, %lt3A_1003 : i32
      %convert_element_type3A_1005 = arith.extui %lt3A_1004 : i1 to i32
      %cond3A_1006 = arith.constant 0 : i32
      %cond3A_1007 = arith.cmpi ne, %convert_element_type3A_1005, %cond3A_1006 : i32
      scf.if %cond3A_1007 {
        %add3A_1104 = arith.constant 3 : i32
        %add3A_1105 = arith.addi %add3A_963, %add3A_1104 : i32
        %min3A_1106 = arith.constant 249 : i32
        %min3A_1107 = arith.minsi %add3A_1105, %min3A_1106 : i32
        %dma_start3A_1108 = arith.constant 0 : i32
        %dma_start3A_1109 = tpu.memref_slice %arg9[%min3A_1107, %dma_start3A_1108] : memref<250x80xi32, #tpu.memory_space<vmem>> -> memref<1x80xi32, #tpu.memory_space<vmem>>
        %dma_start3A_1110 = tpu.memref_squeeze %dma_start3A_1109 : memref<1x80xi32, #tpu.memory_space<vmem>> -> memref<80xi32, #tpu.memory_space<vmem>>
        %dma_start3A_1111 = arith.constant 0 : i32
        %dma_start3A_1112 = arith.constant 0 : i32
        %dma_start3A_1113 = tpu.memref_slice %arg2[%dma_start3A_1111, %dma_start3A_1112] : memref<20000x64xf32, #tpu.memory_space<hbm>> -> memref<20000x64xf32, #tpu.memory_space<hbm>>
        tpu.enqueue_indirect_dma source(%dma_start3A_1113 : memref<20000x64xf32, #tpu.memory_space<hbm>>) target(%arg11 : memref<80x64xf32, #tpu.memory_space<vmem>>) offsets(%dma_start3A_1110 : memref<80xi32, #tpu.memory_space<vmem>>) semaphore(%arg18 : memref<!tpu.dma_semaphore, #tpu.memory_space<semaphore_mem>>)
      } else {
      }
      %mul3A_1008 = arith.constant 6 : i32
      %mul3A_1009 = arith.muli %scan3A_822, %mul3A_1008 : i32
      %add3A_1010 = arith.constant 4 : i32
      %add3A_1011 = arith.addi %mul3A_1009, %add3A_1010 : i32
      %dma_wait3A_1012 = arith.constant 0 : i32
      %dma_wait3A_1013 = tpu.memref_slice %arg9[%add3A_1011, %dma_wait3A_1012] : memref<250x80xi32, #tpu.memory_space<vmem>> -> memref<1x80xi32, #tpu.memory_space<vmem>>
      %dma_wait3A_1014 = tpu.memref_squeeze %dma_wait3A_1013 : memref<1x80xi32, #tpu.memory_space<vmem>> -> memref<80xi32, #tpu.memory_space<vmem>>
      %dma_wait3A_1015 = arith.constant 0 : i32
      %dma_wait3A_1016 = arith.constant 0 : i32
      %dma_wait3A_1017 = tpu.memref_slice %arg2[%dma_wait3A_1015, %dma_wait3A_1016] : memref<20000x64xf32, #tpu.memory_space<hbm>> -> memref<20000x64xf32, #tpu.memory_space<hbm>>
      tpu.wait_indirect_dma semaphore(%arg22 : memref<!tpu.dma_semaphore, #tpu.memory_space<semaphore_mem>>) src(%dma_wait3A_1017 : memref<20000x64xf32, #tpu.memory_space<hbm>>) dst(%arg15 : memref<80x64xf32, #tpu.memory_space<vmem>>)
      %dma_start3A_1018 = arith.constant 0 : i32
      %dma_start3A_1019 = tpu.memref_slice %arg10[%add3A_1011, %dma_start3A_1018] : memref<250x80xi32, #tpu.memory_space<vmem>> -> memref<1x80xi32, #tpu.memory_space<vmem>>
      %dma_start3A_1020 = tpu.memref_squeeze %dma_start3A_1019 : memref<1x80xi32, #tpu.memory_space<vmem>> -> memref<80xi32, #tpu.memory_space<vmem>>
      %dma_start3A_1021 = arith.constant 0 : i32
      %dma_start3A_1022 = arith.constant 0 : i32
      %dma_start3A_1023 = tpu.memref_slice %arg17[%dma_start3A_1021, %dma_start3A_1022] : memref<10008x64xf32, #tpu.memory_space<vmem_shared>> -> memref<10008x64xf32, #tpu.memory_space<vmem_shared>>
      tpu.enqueue_indirect_dma source(%arg15 : memref<80x64xf32, #tpu.memory_space<vmem>>) target(%dma_start3A_1023 : memref<10008x64xf32, #tpu.memory_space<vmem_shared>>) offsets(%dma_start3A_1020 : memref<80xi32, #tpu.memory_space<vmem>>) semaphore(%arg28 : memref<!tpu.dma_semaphore, #tpu.memory_space<semaphore_mem>>) {add = true}
      %jit3A_1024 = arith.constant 2 : i32
      %eq3A_1025 = arith.constant 0 : i32
      %eq3A_1026 = arith.cmpi eq, %jit3A_1024, %eq3A_1025 : i32
      %jit3A_1027 = arith.constant 1 : i32
      %select_n3A_1028 = arith.select %eq3A_1026, %jit3A_1027, %jit3A_1024 : i32
      %rem3A_1029 = arith.remsi %add3A_1011, %select_n3A_1028 : i32
      %ne3A_1030 = arith.constant 0 : i32
      %ne3A_1031 = arith.cmpi ne, %rem3A_1029, %ne3A_1030 : i32
      %lt3A_1032 = arith.constant 0 : i32
      %lt3A_1033 = arith.cmpi slt, %rem3A_1029, %lt3A_1032 : i32
      %lt3A_1034 = arith.constant 0 : i32
      %lt3A_1035 = arith.cmpi slt, %select_n3A_1028, %lt3A_1034 : i32
      %ne3A_1036 = arith.xori %lt3A_1033, %lt3A_1035 : i1
      %and3A_1037 = arith.andi %ne3A_1036, %ne3A_1031 : i1
      %add3A_1038 = arith.addi %rem3A_1029, %select_n3A_1028 : i32
      %select_n3A_1039 = arith.select %and3A_1037, %add3A_1038, %rem3A_1029 : i32
      %eq3A_1040 = arith.cmpi eq, %select_n3A_1039, %arg0 : i32
      %convert_element_type3A_1041 = arith.extui %eq3A_1040 : i1 to i32
      %cond3A_1042 = arith.constant 0 : i32
      %cond3A_1043 = arith.cmpi ne, %convert_element_type3A_1041, %cond3A_1042 : i32
      scf.if %cond3A_1043 {
        %dma_start3A_1104 = arith.constant 0 : i32
        %dma_start3A_1105 = tpu.memref_slice %arg10[%add3A_1011, %dma_start3A_1104] : memref<250x80xi32, #tpu.memory_space<vmem>> -> memref<1x80xi32, #tpu.memory_space<vmem>>
        %dma_start3A_1106 = tpu.memref_squeeze %dma_start3A_1105 : memref<1x80xi32, #tpu.memory_space<vmem>> -> memref<80xi32, #tpu.memory_space<vmem>>
        %dma_start3A_1107 = arith.constant 0 : i32
        %dma_start3A_1108 = arith.constant 0 : i32
        %dma_start3A_1109 = tpu.memref_slice %arg32[%dma_start3A_1107, %dma_start3A_1108] : memref<10008x16xf32, #tpu.memory_space<vmem_shared>> -> memref<10008x16xf32, #tpu.memory_space<vmem_shared>>
        tpu.enqueue_indirect_dma source(%arg31 : memref<80x16xf32, #tpu.memory_space<vmem>>) target(%dma_start3A_1109 : memref<10008x16xf32, #tpu.memory_space<vmem_shared>>) offsets(%dma_start3A_1106 : memref<80xi32, #tpu.memory_space<vmem>>) semaphore(%arg30 : memref<!tpu.dma_semaphore, #tpu.memory_space<semaphore_mem>>) {add = true}
        %ge3A_1110 = arith.constant 4 : i32
        %ge3A_1111 = arith.cmpi sge, %add3A_1011, %ge3A_1110 : i32
        %convert_element_type3A_1112 = arith.extui %ge3A_1111 : i1 to i32
        %cond3A_1113 = arith.constant 0 : i32
        %cond3A_1114 = arith.cmpi ne, %convert_element_type3A_1112, %cond3A_1113 : i32
        scf.if %cond3A_1114 {
          %dma_wait3A_1115 = arith.constant 0 : i32
          %dma_wait3A_1116 = tpu.memref_slice %arg10[%add3A_1011, %dma_wait3A_1115] : memref<250x80xi32, #tpu.memory_space<vmem>> -> memref<1x80xi32, #tpu.memory_space<vmem>>
          %dma_wait3A_1117 = tpu.memref_squeeze %dma_wait3A_1116 : memref<1x80xi32, #tpu.memory_space<vmem>> -> memref<80xi32, #tpu.memory_space<vmem>>
          %dma_wait3A_1118 = arith.constant 0 : i32
          %dma_wait3A_1119 = arith.constant 0 : i32
          %dma_wait3A_1120 = tpu.memref_slice %arg32[%dma_wait3A_1118, %dma_wait3A_1119] : memref<10008x16xf32, #tpu.memory_space<vmem_shared>> -> memref<10008x16xf32, #tpu.memory_space<vmem_shared>>
          tpu.wait_indirect_dma semaphore(%arg30 : memref<!tpu.dma_semaphore, #tpu.memory_space<semaphore_mem>>) src(%arg31 : memref<80x16xf32, #tpu.memory_space<vmem>>) dst(%dma_wait3A_1120 : memref<10008x16xf32, #tpu.memory_space<vmem_shared>>)
        } else {
        }
      } else {
      }
      %ge3A_1044 = arith.constant 3 : i32
      %ge3A_1045 = arith.cmpi sge, %add3A_1011, %ge3A_1044 : i32
      %convert_element_type3A_1046 = arith.extui %ge3A_1045 : i1 to i32
      %cond3A_1047 = arith.constant 0 : i32
      %cond3A_1048 = arith.cmpi ne, %convert_element_type3A_1046, %cond3A_1047 : i32
      scf.if %cond3A_1048 {
        %dma_wait3A_1104 = arith.constant 0 : i32
        %dma_wait3A_1105 = tpu.memref_slice %arg10[%add3A_1011, %dma_wait3A_1104] : memref<250x80xi32, #tpu.memory_space<vmem>> -> memref<1x80xi32, #tpu.memory_space<vmem>>
        %dma_wait3A_1106 = tpu.memref_squeeze %dma_wait3A_1105 : memref<1x80xi32, #tpu.memory_space<vmem>> -> memref<80xi32, #tpu.memory_space<vmem>>
        %dma_wait3A_1107 = arith.constant 0 : i32
        %dma_wait3A_1108 = arith.constant 0 : i32
        %dma_wait3A_1109 = tpu.memref_slice %arg17[%dma_wait3A_1107, %dma_wait3A_1108] : memref<10008x64xf32, #tpu.memory_space<vmem_shared>> -> memref<10008x64xf32, #tpu.memory_space<vmem_shared>>
        tpu.wait_indirect_dma semaphore(%arg25 : memref<!tpu.dma_semaphore, #tpu.memory_space<semaphore_mem>>) src(%arg12 : memref<80x64xf32, #tpu.memory_space<vmem>>) dst(%dma_wait3A_1109 : memref<10008x64xf32, #tpu.memory_space<vmem_shared>>)
      } else {
      }
      %add3A_1049 = arith.constant 3 : i32
      %add3A_1050 = arith.addi %add3A_1011, %add3A_1049 : i32
      %lt3A_1051 = arith.constant 250 : i32
      %lt3A_1052 = arith.cmpi slt, %add3A_1050, %lt3A_1051 : i32
      %convert_element_type3A_1053 = arith.extui %lt3A_1052 : i1 to i32
      %cond3A_1054 = arith.constant 0 : i32
      %cond3A_1055 = arith.cmpi ne, %convert_element_type3A_1053, %cond3A_1054 : i32
      scf.if %cond3A_1055 {
        %add3A_1104 = arith.constant 3 : i32
        %add3A_1105 = arith.addi %add3A_1011, %add3A_1104 : i32
        %min3A_1106 = arith.constant 249 : i32
        %min3A_1107 = arith.minsi %add3A_1105, %min3A_1106 : i32
        %dma_start3A_1108 = arith.constant 0 : i32
        %dma_start3A_1109 = tpu.memref_slice %arg9[%min3A_1107, %dma_start3A_1108] : memref<250x80xi32, #tpu.memory_space<vmem>> -> memref<1x80xi32, #tpu.memory_space<vmem>>
        %dma_start3A_1110 = tpu.memref_squeeze %dma_start3A_1109 : memref<1x80xi32, #tpu.memory_space<vmem>> -> memref<80xi32, #tpu.memory_space<vmem>>
        %dma_start3A_1111 = arith.constant 0 : i32
        %dma_start3A_1112 = arith.constant 0 : i32
        %dma_start3A_1113 = tpu.memref_slice %arg2[%dma_start3A_1111, %dma_start3A_1112] : memref<20000x64xf32, #tpu.memory_space<hbm>> -> memref<20000x64xf32, #tpu.memory_space<hbm>>
        tpu.enqueue_indirect_dma source(%dma_start3A_1113 : memref<20000x64xf32, #tpu.memory_space<hbm>>) target(%arg12 : memref<80x64xf32, #tpu.memory_space<vmem>>) offsets(%dma_start3A_1110 : memref<80xi32, #tpu.memory_space<vmem>>) semaphore(%arg19 : memref<!tpu.dma_semaphore, #tpu.memory_space<semaphore_mem>>)
      } else {
      }
      %mul3A_1056 = arith.constant 6 : i32
      %mul3A_1057 = arith.muli %scan3A_822, %mul3A_1056 : i32
      %add3A_1058 = arith.constant 5 : i32
      %add3A_1059 = arith.addi %mul3A_1057, %add3A_1058 : i32
      %dma_wait3A_1060 = arith.constant 0 : i32
      %dma_wait3A_1061 = tpu.memref_slice %arg9[%add3A_1059, %dma_wait3A_1060] : memref<250x80xi32, #tpu.memory_space<vmem>> -> memref<1x80xi32, #tpu.memory_space<vmem>>
      %dma_wait3A_1062 = tpu.memref_squeeze %dma_wait3A_1061 : memref<1x80xi32, #tpu.memory_space<vmem>> -> memref<80xi32, #tpu.memory_space<vmem>>
      %dma_wait3A_1063 = arith.constant 0 : i32
      %dma_wait3A_1064 = arith.constant 0 : i32
      %dma_wait3A_1065 = tpu.memref_slice %arg2[%dma_wait3A_1063, %dma_wait3A_1064] : memref<20000x64xf32, #tpu.memory_space<hbm>> -> memref<20000x64xf32, #tpu.memory_space<hbm>>
      tpu.wait_indirect_dma semaphore(%arg23 : memref<!tpu.dma_semaphore, #tpu.memory_space<semaphore_mem>>) src(%dma_wait3A_1065 : memref<20000x64xf32, #tpu.memory_space<hbm>>) dst(%arg16 : memref<80x64xf32, #tpu.memory_space<vmem>>)
      %dma_start3A_1066 = arith.constant 0 : i32
      %dma_start3A_1067 = tpu.memref_slice %arg10[%add3A_1059, %dma_start3A_1066] : memref<250x80xi32, #tpu.memory_space<vmem>> -> memref<1x80xi32, #tpu.memory_space<vmem>>
      %dma_start3A_1068 = tpu.memref_squeeze %dma_start3A_1067 : memref<1x80xi32, #tpu.memory_space<vmem>> -> memref<80xi32, #tpu.memory_space<vmem>>
      %dma_start3A_1069 = arith.constant 0 : i32
      %dma_start3A_1070 = arith.constant 0 : i32
      %dma_start3A_1071 = tpu.memref_slice %arg17[%dma_start3A_1069, %dma_start3A_1070] : memref<10008x64xf32, #tpu.memory_space<vmem_shared>> -> memref<10008x64xf32, #tpu.memory_space<vmem_shared>>
      tpu.enqueue_indirect_dma source(%arg16 : memref<80x64xf32, #tpu.memory_space<vmem>>) target(%dma_start3A_1071 : memref<10008x64xf32, #tpu.memory_space<vmem_shared>>) offsets(%dma_start3A_1068 : memref<80xi32, #tpu.memory_space<vmem>>) semaphore(%arg29 : memref<!tpu.dma_semaphore, #tpu.memory_space<semaphore_mem>>) {add = true}
      %jit3A_1072 = arith.constant 2 : i32
      %eq3A_1073 = arith.constant 0 : i32
      %eq3A_1074 = arith.cmpi eq, %jit3A_1072, %eq3A_1073 : i32
      %jit3A_1075 = arith.constant 1 : i32
      %select_n3A_1076 = arith.select %eq3A_1074, %jit3A_1075, %jit3A_1072 : i32
      %rem3A_1077 = arith.remsi %add3A_1059, %select_n3A_1076 : i32
      %ne3A_1078 = arith.constant 0 : i32
      %ne3A_1079 = arith.cmpi ne, %rem3A_1077, %ne3A_1078 : i32
      %lt3A_1080 = arith.constant 0 : i32
      %lt3A_1081 = arith.cmpi slt, %rem3A_1077, %lt3A_1080 : i32
      %lt3A_1082 = arith.constant 0 : i32
      %lt3A_1083 = arith.cmpi slt, %select_n3A_1076, %lt3A_1082 : i32
      %ne3A_1084 = arith.xori %lt3A_1081, %lt3A_1083 : i1
      %and3A_1085 = arith.andi %ne3A_1084, %ne3A_1079 : i1
      %add3A_1086 = arith.addi %rem3A_1077, %select_n3A_1076 : i32
      %select_n3A_1087 = arith.select %and3A_1085, %add3A_1086, %rem3A_1077 : i32
      %eq3A_1088 = arith.cmpi eq, %select_n3A_1087, %arg0 : i32
      %convert_element_type3A_1089 = arith.extui %eq3A_1088 : i1 to i32
      %cond3A_1090 = arith.constant 0 : i32
      %cond3A_1091 = arith.cmpi ne, %convert_element_type3A_1089, %cond3A_1090 : i32
      scf.if %cond3A_1091 {
        %dma_start3A_1104 = arith.constant 0 : i32
        %dma_start3A_1105 = tpu.memref_slice %arg10[%add3A_1059, %dma_start3A_1104] : memref<250x80xi32, #tpu.memory_space<vmem>> -> memref<1x80xi32, #tpu.memory_space<vmem>>
        %dma_start3A_1106 = tpu.memref_squeeze %dma_start3A_1105 : memref<1x80xi32, #tpu.memory_space<vmem>> -> memref<80xi32, #tpu.memory_space<vmem>>
        %dma_start3A_1107 = arith.constant 0 : i32
        %dma_start3A_1108 = arith.constant 0 : i32
        %dma_start3A_1109 = tpu.memref_slice %arg32[%dma_start3A_1107, %dma_start3A_1108] : memref<10008x16xf32, #tpu.memory_space<vmem_shared>> -> memref<10008x16xf32, #tpu.memory_space<vmem_shared>>
        tpu.enqueue_indirect_dma source(%arg31 : memref<80x16xf32, #tpu.memory_space<vmem>>) target(%dma_start3A_1109 : memref<10008x16xf32, #tpu.memory_space<vmem_shared>>) offsets(%dma_start3A_1106 : memref<80xi32, #tpu.memory_space<vmem>>) semaphore(%arg30 : memref<!tpu.dma_semaphore, #tpu.memory_space<semaphore_mem>>) {add = true}
        %ge3A_1110 = arith.constant 4 : i32
        %ge3A_1111 = arith.cmpi sge, %add3A_1059, %ge3A_1110 : i32
        %convert_element_type3A_1112 = arith.extui %ge3A_1111 : i1 to i32
        %cond3A_1113 = arith.constant 0 : i32
        %cond3A_1114 = arith.cmpi ne, %convert_element_type3A_1112, %cond3A_1113 : i32
        scf.if %cond3A_1114 {
          %dma_wait3A_1115 = arith.constant 0 : i32
          %dma_wait3A_1116 = tpu.memref_slice %arg10[%add3A_1059, %dma_wait3A_1115] : memref<250x80xi32, #tpu.memory_space<vmem>> -> memref<1x80xi32, #tpu.memory_space<vmem>>
          %dma_wait3A_1117 = tpu.memref_squeeze %dma_wait3A_1116 : memref<1x80xi32, #tpu.memory_space<vmem>> -> memref<80xi32, #tpu.memory_space<vmem>>
          %dma_wait3A_1118 = arith.constant 0 : i32
          %dma_wait3A_1119 = arith.constant 0 : i32
          %dma_wait3A_1120 = tpu.memref_slice %arg32[%dma_wait3A_1118, %dma_wait3A_1119] : memref<10008x16xf32, #tpu.memory_space<vmem_shared>> -> memref<10008x16xf32, #tpu.memory_space<vmem_shared>>
          tpu.wait_indirect_dma semaphore(%arg30 : memref<!tpu.dma_semaphore, #tpu.memory_space<semaphore_mem>>) src(%arg31 : memref<80x16xf32, #tpu.memory_space<vmem>>) dst(%dma_wait3A_1120 : memref<10008x16xf32, #tpu.memory_space<vmem_shared>>)
        } else {
        }
      } else {
      }
      %ge3A_1092 = arith.constant 3 : i32
      %ge3A_1093 = arith.cmpi sge, %add3A_1059, %ge3A_1092 : i32
      %convert_element_type3A_1094 = arith.extui %ge3A_1093 : i1 to i32
      %cond3A_1095 = arith.constant 0 : i32
      %cond3A_1096 = arith.cmpi ne, %convert_element_type3A_1094, %cond3A_1095 : i32
      scf.if %cond3A_1096 {
        %dma_wait3A_1104 = arith.constant 0 : i32
        %dma_wait3A_1105 = tpu.memref_slice %arg10[%add3A_1059, %dma_wait3A_1104] : memref<250x80xi32, #tpu.memory_space<vmem>> -> memref<1x80xi32, #tpu.memory_space<vmem>>
        %dma_wait3A_1106 = tpu.memref_squeeze %dma_wait3A_1105 : memref<1x80xi32, #tpu.memory_space<vmem>> -> memref<80xi32, #tpu.memory_space<vmem>>
        %dma_wait3A_1107 = arith.constant 0 : i32
        %dma_wait3A_1108 = arith.constant 0 : i32
        %dma_wait3A_1109 = tpu.memref_slice %arg17[%dma_wait3A_1107, %dma_wait3A_1108] : memref<10008x64xf32, #tpu.memory_space<vmem_shared>> -> memref<10008x64xf32, #tpu.memory_space<vmem_shared>>
        tpu.wait_indirect_dma semaphore(%arg26 : memref<!tpu.dma_semaphore, #tpu.memory_space<semaphore_mem>>) src(%arg13 : memref<80x64xf32, #tpu.memory_space<vmem>>) dst(%dma_wait3A_1109 : memref<10008x64xf32, #tpu.memory_space<vmem_shared>>)
      } else {
      }
      %add3A_1097 = arith.constant 3 : i32
      %add3A_1098 = arith.addi %add3A_1059, %add3A_1097 : i32
      %lt3A_1099 = arith.constant 250 : i32
      %lt3A_1100 = arith.cmpi slt, %add3A_1098, %lt3A_1099 : i32
      %convert_element_type3A_1101 = arith.extui %lt3A_1100 : i1 to i32
      %cond3A_1102 = arith.constant 0 : i32
      %cond3A_1103 = arith.cmpi ne, %convert_element_type3A_1101, %cond3A_1102 : i32
      scf.if %cond3A_1103 {
        %add3A_1104 = arith.constant 3 : i32
        %add3A_1105 = arith.addi %add3A_1059, %add3A_1104 : i32
        %min3A_1106 = arith.constant 249 : i32
        %min3A_1107 = arith.minsi %add3A_1105, %min3A_1106 : i32
        %dma_start3A_1108 = arith.constant 0 : i32
        %dma_start3A_1109 = tpu.memref_slice %arg9[%min3A_1107, %dma_start3A_1108] : memref<250x80xi32, #tpu.memory_space<vmem>> -> memref<1x80xi32, #tpu.memory_space<vmem>>
        %dma_start3A_1110 = tpu.memref_squeeze %dma_start3A_1109 : memref<1x80xi32, #tpu.memory_space<vmem>> -> memref<80xi32, #tpu.memory_space<vmem>>
        %dma_start3A_1111 = arith.constant 0 : i32
        %dma_start3A_1112 = arith.constant 0 : i32
        %dma_start3A_1113 = tpu.memref_slice %arg2[%dma_start3A_1111, %dma_start3A_1112] : memref<20000x64xf32, #tpu.memory_space<hbm>> -> memref<20000x64xf32, #tpu.memory_space<hbm>>
        tpu.enqueue_indirect_dma source(%dma_start3A_1113 : memref<20000x64xf32, #tpu.memory_space<hbm>>) target(%arg13 : memref<80x64xf32, #tpu.memory_space<vmem>>) offsets(%dma_start3A_1110 : memref<80xi32, #tpu.memory_space<vmem>>) semaphore(%arg20 : memref<!tpu.dma_semaphore, #tpu.memory_space<semaphore_mem>>)
      } else {
      }
    }
    %scan3A_666 = arith.constant 41 : i32
    %dma_wait3A = arith.constant 246 : i32
    %dma_wait3A_667 = arith.constant 0 : i32
    %dma_wait3A_668 = tpu.memref_slice %arg9[%dma_wait3A, %dma_wait3A_667] : memref<250x80xi32, #tpu.memory_space<vmem>> -> memref<1x80xi32, #tpu.memory_space<vmem>>
    %dma_wait3A_669 = tpu.memref_squeeze %dma_wait3A_668 : memref<1x80xi32, #tpu.memory_space<vmem>> -> memref<80xi32, #tpu.memory_space<vmem>>
    %dma_wait3A_670 = arith.constant 0 : i32
    %dma_wait3A_671 = arith.constant 0 : i32
    %dma_wait3A_672 = tpu.memref_slice %arg2[%dma_wait3A_670, %dma_wait3A_671] : memref<20000x64xf32, #tpu.memory_space<hbm>> -> memref<20000x64xf32, #tpu.memory_space<hbm>>
    tpu.wait_indirect_dma semaphore(%arg18 : memref<!tpu.dma_semaphore, #tpu.memory_space<semaphore_mem>>) src(%dma_wait3A_672 : memref<20000x64xf32, #tpu.memory_space<hbm>>) dst(%arg11 : memref<80x64xf32, #tpu.memory_space<vmem>>)
    %dma_start3A_673 = arith.constant 246 : i32
    %dma_start3A_674 = arith.constant 0 : i32
    %dma_start3A_675 = tpu.memref_slice %arg10[%dma_start3A_673, %dma_start3A_674] : memref<250x80xi32, #tpu.memory_space<vmem>> -> memref<1x80xi32, #tpu.memory_space<vmem>>
    %dma_start3A_676 = tpu.memref_squeeze %dma_start3A_675 : memref<1x80xi32, #tpu.memory_space<vmem>> -> memref<80xi32, #tpu.memory_space<vmem>>
    %dma_start3A_677 = arith.constant 0 : i32
    %dma_start3A_678 = arith.constant 0 : i32
    %dma_start3A_679 = tpu.memref_slice %arg17[%dma_start3A_677, %dma_start3A_678] : memref<10008x64xf32, #tpu.memory_space<vmem_shared>> -> memref<10008x64xf32, #tpu.memory_space<vmem_shared>>
    tpu.enqueue_indirect_dma source(%arg11 : memref<80x64xf32, #tpu.memory_space<vmem>>) target(%dma_start3A_679 : memref<10008x64xf32, #tpu.memory_space<vmem_shared>>) offsets(%dma_start3A_676 : memref<80xi32, #tpu.memory_space<vmem>>) semaphore(%arg24 : memref<!tpu.dma_semaphore, #tpu.memory_space<semaphore_mem>>) {add = true}
    %eq3A = arith.constant 0 : i32
    %eq3A_680 = arith.cmpi eq, %arg0, %eq3A : i32
    %convert_element_type3A = arith.extui %eq3A_680 : i1 to i32
    %cond3A = arith.constant 0 : i32
    %cond3A_681 = arith.cmpi ne, %convert_element_type3A, %cond3A : i32
    scf.if %cond3A_681 {
      %dma_start3A_822 = arith.constant 246 : i32
      %dma_start3A_823 = arith.constant 0 : i32
      %dma_start3A_824 = tpu.memref_slice %arg10[%dma_start3A_822, %dma_start3A_823] : memref<250x80xi32, #tpu.memory_space<vmem>> -> memref<1x80xi32, #tpu.memory_space<vmem>>
      %dma_start3A_825 = tpu.memref_squeeze %dma_start3A_824 : memref<1x80xi32, #tpu.memory_space<vmem>> -> memref<80xi32, #tpu.memory_space<vmem>>
      %dma_start3A_826 = arith.constant 0 : i32
      %dma_start3A_827 = arith.constant 0 : i32
      %dma_start3A_828 = tpu.memref_slice %arg32[%dma_start3A_826, %dma_start3A_827] : memref<10008x16xf32, #tpu.memory_space<vmem_shared>> -> memref<10008x16xf32, #tpu.memory_space<vmem_shared>>
      tpu.enqueue_indirect_dma source(%arg31 : memref<80x16xf32, #tpu.memory_space<vmem>>) target(%dma_start3A_828 : memref<10008x16xf32, #tpu.memory_space<vmem_shared>>) offsets(%dma_start3A_825 : memref<80xi32, #tpu.memory_space<vmem>>) semaphore(%arg30 : memref<!tpu.dma_semaphore, #tpu.memory_space<semaphore_mem>>) {add = true}
      %dma_wait3A_829 = arith.constant 246 : i32
      %dma_wait3A_830 = arith.constant 0 : i32
      %dma_wait3A_831 = tpu.memref_slice %arg10[%dma_wait3A_829, %dma_wait3A_830] : memref<250x80xi32, #tpu.memory_space<vmem>> -> memref<1x80xi32, #tpu.memory_space<vmem>>
      %dma_wait3A_832 = tpu.memref_squeeze %dma_wait3A_831 : memref<1x80xi32, #tpu.memory_space<vmem>> -> memref<80xi32, #tpu.memory_space<vmem>>
      %dma_wait3A_833 = arith.constant 0 : i32
      %dma_wait3A_834 = arith.constant 0 : i32
      %dma_wait3A_835 = tpu.memref_slice %arg32[%dma_wait3A_833, %dma_wait3A_834] : memref<10008x16xf32, #tpu.memory_space<vmem_shared>> -> memref<10008x16xf32, #tpu.memory_space<vmem_shared>>
      tpu.wait_indirect_dma semaphore(%arg30 : memref<!tpu.dma_semaphore, #tpu.memory_space<semaphore_mem>>) src(%arg31 : memref<80x16xf32, #tpu.memory_space<vmem>>) dst(%dma_wait3A_835 : memref<10008x16xf32, #tpu.memory_space<vmem_shared>>)
    } else {
    }
    %dma_wait3A_682 = arith.constant 246 : i32
    %dma_wait3A_683 = arith.constant 0 : i32
    %dma_wait3A_684 = tpu.memref_slice %arg10[%dma_wait3A_682, %dma_wait3A_683] : memref<250x80xi32, #tpu.memory_space<vmem>> -> memref<1x80xi32, #tpu.memory_space<vmem>>
    %dma_wait3A_685 = tpu.memref_squeeze %dma_wait3A_684 : memref<1x80xi32, #tpu.memory_space<vmem>> -> memref<80xi32, #tpu.memory_space<vmem>>
    %dma_wait3A_686 = arith.constant 0 : i32
    %dma_wait3A_687 = arith.constant 0 : i32
    %dma_wait3A_688 = tpu.memref_slice %arg17[%dma_wait3A_686, %dma_wait3A_687] : memref<10008x64xf32, #tpu.memory_space<vmem_shared>> -> memref<10008x64xf32, #tpu.memory_space<vmem_shared>>
    tpu.wait_indirect_dma semaphore(%arg27 : memref<!tpu.dma_semaphore, #tpu.memory_space<semaphore_mem>>) src(%arg14 : memref<80x64xf32, #tpu.memory_space<vmem>>) dst(%dma_wait3A_688 : memref<10008x64xf32, #tpu.memory_space<vmem_shared>>)
    %min3A_689 = arith.constant 249 : i32
    %min3A_690 = arith.constant 249 : i32
    %min3A_691 = arith.minsi %min3A_689, %min3A_690 : i32
    %dma_start3A_692 = arith.constant 0 : i32
    %dma_start3A_693 = tpu.memref_slice %arg9[%min3A_691, %dma_start3A_692] : memref<250x80xi32, #tpu.memory_space<vmem>> -> memref<1x80xi32, #tpu.memory_space<vmem>>
    %dma_start3A_694 = tpu.memref_squeeze %dma_start3A_693 : memref<1x80xi32, #tpu.memory_space<vmem>> -> memref<80xi32, #tpu.memory_space<vmem>>
    %dma_start3A_695 = arith.constant 0 : i32
    %dma_start3A_696 = arith.constant 0 : i32
    %dma_start3A_697 = tpu.memref_slice %arg2[%dma_start3A_695, %dma_start3A_696] : memref<20000x64xf32, #tpu.memory_space<hbm>> -> memref<20000x64xf32, #tpu.memory_space<hbm>>
    tpu.enqueue_indirect_dma source(%dma_start3A_697 : memref<20000x64xf32, #tpu.memory_space<hbm>>) target(%arg14 : memref<80x64xf32, #tpu.memory_space<vmem>>) offsets(%dma_start3A_694 : memref<80xi32, #tpu.memory_space<vmem>>) semaphore(%arg21 : memref<!tpu.dma_semaphore, #tpu.memory_space<semaphore_mem>>)
    %dma_wait3A_698 = arith.constant 247 : i32
    %dma_wait3A_699 = arith.constant 0 : i32
    %dma_wait3A_700 = tpu.memref_slice %arg9[%dma_wait3A_698, %dma_wait3A_699] : memref<250x80xi32, #tpu.memory_space<vmem>> -> memref<1x80xi32, #tpu.memory_space<vmem>>
    %dma_wait3A_701 = tpu.memref_squeeze %dma_wait3A_700 : memref<1x80xi32, #tpu.memory_space<vmem>> -> memref<80xi32, #tpu.memory_space<vmem>>
    %dma_wait3A_702 = arith.constant 0 : i32
    %dma_wait3A_703 = arith.constant 0 : i32
    %dma_wait3A_704 = tpu.memref_slice %arg2[%dma_wait3A_702, %dma_wait3A_703] : memref<20000x64xf32, #tpu.memory_space<hbm>> -> memref<20000x64xf32, #tpu.memory_space<hbm>>
    tpu.wait_indirect_dma semaphore(%arg19 : memref<!tpu.dma_semaphore, #tpu.memory_space<semaphore_mem>>) src(%dma_wait3A_704 : memref<20000x64xf32, #tpu.memory_space<hbm>>) dst(%arg12 : memref<80x64xf32, #tpu.memory_space<vmem>>)
    %dma_start3A_705 = arith.constant 247 : i32
    %dma_start3A_706 = arith.constant 0 : i32
    %dma_start3A_707 = tpu.memref_slice %arg10[%dma_start3A_705, %dma_start3A_706] : memref<250x80xi32, #tpu.memory_space<vmem>> -> memref<1x80xi32, #tpu.memory_space<vmem>>
    %dma_start3A_708 = tpu.memref_squeeze %dma_start3A_707 : memref<1x80xi32, #tpu.memory_space<vmem>> -> memref<80xi32, #tpu.memory_space<vmem>>
    %dma_start3A_709 = arith.constant 0 : i32
    %dma_start3A_710 = arith.constant 0 : i32
    %dma_start3A_711 = tpu.memref_slice %arg17[%dma_start3A_709, %dma_start3A_710] : memref<10008x64xf32, #tpu.memory_space<vmem_shared>> -> memref<10008x64xf32, #tpu.memory_space<vmem_shared>>
    tpu.enqueue_indirect_dma source(%arg12 : memref<80x64xf32, #tpu.memory_space<vmem>>) target(%dma_start3A_711 : memref<10008x64xf32, #tpu.memory_space<vmem_shared>>) offsets(%dma_start3A_708 : memref<80xi32, #tpu.memory_space<vmem>>) semaphore(%arg25 : memref<!tpu.dma_semaphore, #tpu.memory_space<semaphore_mem>>) {add = true}
    %eq3A_712 = arith.constant 1 : i32
    %eq3A_713 = arith.cmpi eq, %arg0, %eq3A_712 : i32
    %convert_element_type3A_714 = arith.extui %eq3A_713 : i1 to i32
    %cond3A_715 = arith.constant 0 : i32
    %cond3A_716 = arith.cmpi ne, %convert_element_type3A_714, %cond3A_715 : i32
    scf.if %cond3A_716 {
      %dma_start3A_822 = arith.constant 247 : i32
      %dma_start3A_823 = arith.constant 0 : i32
      %dma_start3A_824 = tpu.memref_slice %arg10[%dma_start3A_822, %dma_start3A_823] : memref<250x80xi32, #tpu.memory_space<vmem>> -> memref<1x80xi32, #tpu.memory_space<vmem>>
      %dma_start3A_825 = tpu.memref_squeeze %dma_start3A_824 : memref<1x80xi32, #tpu.memory_space<vmem>> -> memref<80xi32, #tpu.memory_space<vmem>>
      %dma_start3A_826 = arith.constant 0 : i32
      %dma_start3A_827 = arith.constant 0 : i32
      %dma_start3A_828 = tpu.memref_slice %arg32[%dma_start3A_826, %dma_start3A_827] : memref<10008x16xf32, #tpu.memory_space<vmem_shared>> -> memref<10008x16xf32, #tpu.memory_space<vmem_shared>>
      tpu.enqueue_indirect_dma source(%arg31 : memref<80x16xf32, #tpu.memory_space<vmem>>) target(%dma_start3A_828 : memref<10008x16xf32, #tpu.memory_space<vmem_shared>>) offsets(%dma_start3A_825 : memref<80xi32, #tpu.memory_space<vmem>>) semaphore(%arg30 : memref<!tpu.dma_semaphore, #tpu.memory_space<semaphore_mem>>) {add = true}
      %dma_wait3A_829 = arith.constant 247 : i32
      %dma_wait3A_830 = arith.constant 0 : i32
      %dma_wait3A_831 = tpu.memref_slice %arg10[%dma_wait3A_829, %dma_wait3A_830] : memref<250x80xi32, #tpu.memory_space<vmem>> -> memref<1x80xi32, #tpu.memory_space<vmem>>
      %dma_wait3A_832 = tpu.memref_squeeze %dma_wait3A_831 : memref<1x80xi32, #tpu.memory_space<vmem>> -> memref<80xi32, #tpu.memory_space<vmem>>
      %dma_wait3A_833 = arith.constant 0 : i32
      %dma_wait3A_834 = arith.constant 0 : i32
      %dma_wait3A_835 = tpu.memref_slice %arg32[%dma_wait3A_833, %dma_wait3A_834] : memref<10008x16xf32, #tpu.memory_space<vmem_shared>> -> memref<10008x16xf32, #tpu.memory_space<vmem_shared>>
      tpu.wait_indirect_dma semaphore(%arg30 : memref<!tpu.dma_semaphore, #tpu.memory_space<semaphore_mem>>) src(%arg31 : memref<80x16xf32, #tpu.memory_space<vmem>>) dst(%dma_wait3A_835 : memref<10008x16xf32, #tpu.memory_space<vmem_shared>>)
    } else {
    }
    %dma_wait3A_717 = arith.constant 247 : i32
    %dma_wait3A_718 = arith.constant 0 : i32
    %dma_wait3A_719 = tpu.memref_slice %arg10[%dma_wait3A_717, %dma_wait3A_718] : memref<250x80xi32, #tpu.memory_space<vmem>> -> memref<1x80xi32, #tpu.memory_space<vmem>>
    %dma_wait3A_720 = tpu.memref_squeeze %dma_wait3A_719 : memref<1x80xi32, #tpu.memory_space<vmem>> -> memref<80xi32, #tpu.memory_space<vmem>>
    %dma_wait3A_721 = arith.constant 0 : i32
    %dma_wait3A_722 = arith.constant 0 : i32
    %dma_wait3A_723 = tpu.memref_slice %arg17[%dma_wait3A_721, %dma_wait3A_722] : memref<10008x64xf32, #tpu.memory_space<vmem_shared>> -> memref<10008x64xf32, #tpu.memory_space<vmem_shared>>
    tpu.wait_indirect_dma semaphore(%arg28 : memref<!tpu.dma_semaphore, #tpu.memory_space<semaphore_mem>>) src(%arg15 : memref<80x64xf32, #tpu.memory_space<vmem>>) dst(%dma_wait3A_723 : memref<10008x64xf32, #tpu.memory_space<vmem_shared>>)
    %dma_wait3A_724 = arith.constant 248 : i32
    %dma_wait3A_725 = arith.constant 0 : i32
    %dma_wait3A_726 = tpu.memref_slice %arg9[%dma_wait3A_724, %dma_wait3A_725] : memref<250x80xi32, #tpu.memory_space<vmem>> -> memref<1x80xi32, #tpu.memory_space<vmem>>
    %dma_wait3A_727 = tpu.memref_squeeze %dma_wait3A_726 : memref<1x80xi32, #tpu.memory_space<vmem>> -> memref<80xi32, #tpu.memory_space<vmem>>
    %dma_wait3A_728 = arith.constant 0 : i32
    %dma_wait3A_729 = arith.constant 0 : i32
    %dma_wait3A_730 = tpu.memref_slice %arg2[%dma_wait3A_728, %dma_wait3A_729] : memref<20000x64xf32, #tpu.memory_space<hbm>> -> memref<20000x64xf32, #tpu.memory_space<hbm>>
    tpu.wait_indirect_dma semaphore(%arg20 : memref<!tpu.dma_semaphore, #tpu.memory_space<semaphore_mem>>) src(%dma_wait3A_730 : memref<20000x64xf32, #tpu.memory_space<hbm>>) dst(%arg13 : memref<80x64xf32, #tpu.memory_space<vmem>>)
    %dma_start3A_731 = arith.constant 248 : i32
    %dma_start3A_732 = arith.constant 0 : i32
    %dma_start3A_733 = tpu.memref_slice %arg10[%dma_start3A_731, %dma_start3A_732] : memref<250x80xi32, #tpu.memory_space<vmem>> -> memref<1x80xi32, #tpu.memory_space<vmem>>
    %dma_start3A_734 = tpu.memref_squeeze %dma_start3A_733 : memref<1x80xi32, #tpu.memory_space<vmem>> -> memref<80xi32, #tpu.memory_space<vmem>>
    %dma_start3A_735 = arith.constant 0 : i32
    %dma_start3A_736 = arith.constant 0 : i32
    %dma_start3A_737 = tpu.memref_slice %arg17[%dma_start3A_735, %dma_start3A_736] : memref<10008x64xf32, #tpu.memory_space<vmem_shared>> -> memref<10008x64xf32, #tpu.memory_space<vmem_shared>>
    tpu.enqueue_indirect_dma source(%arg13 : memref<80x64xf32, #tpu.memory_space<vmem>>) target(%dma_start3A_737 : memref<10008x64xf32, #tpu.memory_space<vmem_shared>>) offsets(%dma_start3A_734 : memref<80xi32, #tpu.memory_space<vmem>>) semaphore(%arg26 : memref<!tpu.dma_semaphore, #tpu.memory_space<semaphore_mem>>) {add = true}
    %eq3A_738 = arith.constant 0 : i32
    %eq3A_739 = arith.cmpi eq, %arg0, %eq3A_738 : i32
    %convert_element_type3A_740 = arith.extui %eq3A_739 : i1 to i32
    %cond3A_741 = arith.constant 0 : i32
    %cond3A_742 = arith.cmpi ne, %convert_element_type3A_740, %cond3A_741 : i32
    scf.if %cond3A_742 {
      %dma_start3A_822 = arith.constant 248 : i32
      %dma_start3A_823 = arith.constant 0 : i32
      %dma_start3A_824 = tpu.memref_slice %arg10[%dma_start3A_822, %dma_start3A_823] : memref<250x80xi32, #tpu.memory_space<vmem>> -> memref<1x80xi32, #tpu.memory_space<vmem>>
      %dma_start3A_825 = tpu.memref_squeeze %dma_start3A_824 : memref<1x80xi32, #tpu.memory_space<vmem>> -> memref<80xi32, #tpu.memory_space<vmem>>
      %dma_start3A_826 = arith.constant 0 : i32
      %dma_start3A_827 = arith.constant 0 : i32
      %dma_start3A_828 = tpu.memref_slice %arg32[%dma_start3A_826, %dma_start3A_827] : memref<10008x16xf32, #tpu.memory_space<vmem_shared>> -> memref<10008x16xf32, #tpu.memory_space<vmem_shared>>
      tpu.enqueue_indirect_dma source(%arg31 : memref<80x16xf32, #tpu.memory_space<vmem>>) target(%dma_start3A_828 : memref<10008x16xf32, #tpu.memory_space<vmem_shared>>) offsets(%dma_start3A_825 : memref<80xi32, #tpu.memory_space<vmem>>) semaphore(%arg30 : memref<!tpu.dma_semaphore, #tpu.memory_space<semaphore_mem>>) {add = true}
      %dma_wait3A_829 = arith.constant 248 : i32
      %dma_wait3A_830 = arith.constant 0 : i32
      %dma_wait3A_831 = tpu.memref_slice %arg10[%dma_wait3A_829, %dma_wait3A_830] : memref<250x80xi32, #tpu.memory_space<vmem>> -> memref<1x80xi32, #tpu.memory_space<vmem>>
      %dma_wait3A_832 = tpu.memref_squeeze %dma_wait3A_831 : memref<1x80xi32, #tpu.memory_space<vmem>> -> memref<80xi32, #tpu.memory_space<vmem>>
      %dma_wait3A_833 = arith.constant 0 : i32
      %dma_wait3A_834 = arith.constant 0 : i32
      %dma_wait3A_835 = tpu.memref_slice %arg32[%dma_wait3A_833, %dma_wait3A_834] : memref<10008x16xf32, #tpu.memory_space<vmem_shared>> -> memref<10008x16xf32, #tpu.memory_space<vmem_shared>>
      tpu.wait_indirect_dma semaphore(%arg30 : memref<!tpu.dma_semaphore, #tpu.memory_space<semaphore_mem>>) src(%arg31 : memref<80x16xf32, #tpu.memory_space<vmem>>) dst(%dma_wait3A_835 : memref<10008x16xf32, #tpu.memory_space<vmem_shared>>)
    } else {
    }
    %dma_wait3A_743 = arith.constant 248 : i32
    %dma_wait3A_744 = arith.constant 0 : i32
    %dma_wait3A_745 = tpu.memref_slice %arg10[%dma_wait3A_743, %dma_wait3A_744] : memref<250x80xi32, #tpu.memory_space<vmem>> -> memref<1x80xi32, #tpu.memory_space<vmem>>
    %dma_wait3A_746 = tpu.memref_squeeze %dma_wait3A_745 : memref<1x80xi32, #tpu.memory_space<vmem>> -> memref<80xi32, #tpu.memory_space<vmem>>
    %dma_wait3A_747 = arith.constant 0 : i32
    %dma_wait3A_748 = arith.constant 0 : i32
    %dma_wait3A_749 = tpu.memref_slice %arg17[%dma_wait3A_747, %dma_wait3A_748] : memref<10008x64xf32, #tpu.memory_space<vmem_shared>> -> memref<10008x64xf32, #tpu.memory_space<vmem_shared>>
    tpu.wait_indirect_dma semaphore(%arg29 : memref<!tpu.dma_semaphore, #tpu.memory_space<semaphore_mem>>) src(%arg16 : memref<80x64xf32, #tpu.memory_space<vmem>>) dst(%dma_wait3A_749 : memref<10008x64xf32, #tpu.memory_space<vmem_shared>>)
    %dma_wait3A_750 = arith.constant 249 : i32
    %dma_wait3A_751 = arith.constant 0 : i32
    %dma_wait3A_752 = tpu.memref_slice %arg9[%dma_wait3A_750, %dma_wait3A_751] : memref<250x80xi32, #tpu.memory_space<vmem>> -> memref<1x80xi32, #tpu.memory_space<vmem>>
    %dma_wait3A_753 = tpu.memref_squeeze %dma_wait3A_752 : memref<1x80xi32, #tpu.memory_space<vmem>> -> memref<80xi32, #tpu.memory_space<vmem>>
    %dma_wait3A_754 = arith.constant 0 : i32
    %dma_wait3A_755 = arith.constant 0 : i32
    %dma_wait3A_756 = tpu.memref_slice %arg2[%dma_wait3A_754, %dma_wait3A_755] : memref<20000x64xf32, #tpu.memory_space<hbm>> -> memref<20000x64xf32, #tpu.memory_space<hbm>>
    tpu.wait_indirect_dma semaphore(%arg21 : memref<!tpu.dma_semaphore, #tpu.memory_space<semaphore_mem>>) src(%dma_wait3A_756 : memref<20000x64xf32, #tpu.memory_space<hbm>>) dst(%arg14 : memref<80x64xf32, #tpu.memory_space<vmem>>)
    %dma_start3A_757 = arith.constant 249 : i32
    %dma_start3A_758 = arith.constant 0 : i32
    %dma_start3A_759 = tpu.memref_slice %arg10[%dma_start3A_757, %dma_start3A_758] : memref<250x80xi32, #tpu.memory_space<vmem>> -> memref<1x80xi32, #tpu.memory_space<vmem>>
    %dma_start3A_760 = tpu.memref_squeeze %dma_start3A_759 : memref<1x80xi32, #tpu.memory_space<vmem>> -> memref<80xi32, #tpu.memory_space<vmem>>
    %dma_start3A_761 = arith.constant 0 : i32
    %dma_start3A_762 = arith.constant 0 : i32
    %dma_start3A_763 = tpu.memref_slice %arg17[%dma_start3A_761, %dma_start3A_762] : memref<10008x64xf32, #tpu.memory_space<vmem_shared>> -> memref<10008x64xf32, #tpu.memory_space<vmem_shared>>
    tpu.enqueue_indirect_dma source(%arg14 : memref<80x64xf32, #tpu.memory_space<vmem>>) target(%dma_start3A_763 : memref<10008x64xf32, #tpu.memory_space<vmem_shared>>) offsets(%dma_start3A_760 : memref<80xi32, #tpu.memory_space<vmem>>) semaphore(%arg27 : memref<!tpu.dma_semaphore, #tpu.memory_space<semaphore_mem>>) {add = true}
    %eq3A_764 = arith.constant 1 : i32
    %eq3A_765 = arith.cmpi eq, %arg0, %eq3A_764 : i32
    %convert_element_type3A_766 = arith.extui %eq3A_765 : i1 to i32
    %cond3A_767 = arith.constant 0 : i32
    %cond3A_768 = arith.cmpi ne, %convert_element_type3A_766, %cond3A_767 : i32
    scf.if %cond3A_768 {
      %dma_start3A_822 = arith.constant 249 : i32
      %dma_start3A_823 = arith.constant 0 : i32
      %dma_start3A_824 = tpu.memref_slice %arg10[%dma_start3A_822, %dma_start3A_823] : memref<250x80xi32, #tpu.memory_space<vmem>> -> memref<1x80xi32, #tpu.memory_space<vmem>>
      %dma_start3A_825 = tpu.memref_squeeze %dma_start3A_824 : memref<1x80xi32, #tpu.memory_space<vmem>> -> memref<80xi32, #tpu.memory_space<vmem>>
      %dma_start3A_826 = arith.constant 0 : i32
      %dma_start3A_827 = arith.constant 0 : i32
      %dma_start3A_828 = tpu.memref_slice %arg32[%dma_start3A_826, %dma_start3A_827] : memref<10008x16xf32, #tpu.memory_space<vmem_shared>> -> memref<10008x16xf32, #tpu.memory_space<vmem_shared>>
      tpu.enqueue_indirect_dma source(%arg31 : memref<80x16xf32, #tpu.memory_space<vmem>>) target(%dma_start3A_828 : memref<10008x16xf32, #tpu.memory_space<vmem_shared>>) offsets(%dma_start3A_825 : memref<80xi32, #tpu.memory_space<vmem>>) semaphore(%arg30 : memref<!tpu.dma_semaphore, #tpu.memory_space<semaphore_mem>>) {add = true}
      %dma_wait3A_829 = arith.constant 249 : i32
      %dma_wait3A_830 = arith.constant 0 : i32
      %dma_wait3A_831 = tpu.memref_slice %arg10[%dma_wait3A_829, %dma_wait3A_830] : memref<250x80xi32, #tpu.memory_space<vmem>> -> memref<1x80xi32, #tpu.memory_space<vmem>>
      %dma_wait3A_832 = tpu.memref_squeeze %dma_wait3A_831 : memref<1x80xi32, #tpu.memory_space<vmem>> -> memref<80xi32, #tpu.memory_space<vmem>>
      %dma_wait3A_833 = arith.constant 0 : i32
      %dma_wait3A_834 = arith.constant 0 : i32
      %dma_wait3A_835 = tpu.memref_slice %arg32[%dma_wait3A_833, %dma_wait3A_834] : memref<10008x16xf32, #tpu.memory_space<vmem_shared>> -> memref<10008x16xf32, #tpu.memory_space<vmem_shared>>
      tpu.wait_indirect_dma semaphore(%arg30 : memref<!tpu.dma_semaphore, #tpu.memory_space<semaphore_mem>>) src(%arg31 : memref<80x16xf32, #tpu.memory_space<vmem>>) dst(%dma_wait3A_835 : memref<10008x16xf32, #tpu.memory_space<vmem_shared>>)
    } else {
    }
    %dma_wait3A_769 = arith.constant 249 : i32
    %dma_wait3A_770 = arith.constant 0 : i32
    %dma_wait3A_771 = tpu.memref_slice %arg10[%dma_wait3A_769, %dma_wait3A_770] : memref<250x80xi32, #tpu.memory_space<vmem>> -> memref<1x80xi32, #tpu.memory_space<vmem>>
    %dma_wait3A_772 = tpu.memref_squeeze %dma_wait3A_771 : memref<1x80xi32, #tpu.memory_space<vmem>> -> memref<80xi32, #tpu.memory_space<vmem>>
    %dma_wait3A_773 = arith.constant 0 : i32
    %dma_wait3A_774 = arith.constant 0 : i32
    %dma_wait3A_775 = tpu.memref_slice %arg17[%dma_wait3A_773, %dma_wait3A_774] : memref<10008x64xf32, #tpu.memory_space<vmem_shared>> -> memref<10008x64xf32, #tpu.memory_space<vmem_shared>>
    tpu.wait_indirect_dma semaphore(%arg24 : memref<!tpu.dma_semaphore, #tpu.memory_space<semaphore_mem>>) src(%arg11 : memref<80x64xf32, #tpu.memory_space<vmem>>) dst(%dma_wait3A_775 : memref<10008x64xf32, #tpu.memory_space<vmem_shared>>)
    %dma_wait3A_776 = arith.constant 0 : i32
    %dma_wait3A_777 = arith.constant 0 : i32
    %dma_wait3A_778 = tpu.memref_slice %arg10[%dma_wait3A_776, %dma_wait3A_777] : memref<250x80xi32, #tpu.memory_space<vmem>> -> memref<1x80xi32, #tpu.memory_space<vmem>>
    %dma_wait3A_779 = tpu.memref_squeeze %dma_wait3A_778 : memref<1x80xi32, #tpu.memory_space<vmem>> -> memref<80xi32, #tpu.memory_space<vmem>>
    %dma_wait3A_780 = arith.constant 0 : i32
    %dma_wait3A_781 = arith.constant 0 : i32
    %dma_wait3A_782 = tpu.memref_slice %arg17[%dma_wait3A_780, %dma_wait3A_781] : memref<10008x64xf32, #tpu.memory_space<vmem_shared>> -> memref<10008x64xf32, #tpu.memory_space<vmem_shared>>
    tpu.wait_indirect_dma semaphore(%arg25 : memref<!tpu.dma_semaphore, #tpu.memory_space<semaphore_mem>>) src(%arg12 : memref<80x64xf32, #tpu.memory_space<vmem>>) dst(%dma_wait3A_782 : memref<10008x64xf32, #tpu.memory_space<vmem_shared>>)
    %dma_wait3A_783 = arith.constant 0 : i32
    %dma_wait3A_784 = arith.constant 0 : i32
    %dma_wait3A_785 = tpu.memref_slice %arg10[%dma_wait3A_783, %dma_wait3A_784] : memref<250x80xi32, #tpu.memory_space<vmem>> -> memref<1x80xi32, #tpu.memory_space<vmem>>
    %dma_wait3A_786 = tpu.memref_squeeze %dma_wait3A_785 : memref<1x80xi32, #tpu.memory_space<vmem>> -> memref<80xi32, #tpu.memory_space<vmem>>
    %dma_wait3A_787 = arith.constant 0 : i32
    %dma_wait3A_788 = arith.constant 0 : i32
    %dma_wait3A_789 = tpu.memref_slice %arg17[%dma_wait3A_787, %dma_wait3A_788] : memref<10008x64xf32, #tpu.memory_space<vmem_shared>> -> memref<10008x64xf32, #tpu.memory_space<vmem_shared>>
    tpu.wait_indirect_dma semaphore(%arg26 : memref<!tpu.dma_semaphore, #tpu.memory_space<semaphore_mem>>) src(%arg13 : memref<80x64xf32, #tpu.memory_space<vmem>>) dst(%dma_wait3A_789 : memref<10008x64xf32, #tpu.memory_space<vmem_shared>>)
    %dma_wait3A_790 = arith.constant 0 : i32
    %dma_wait3A_791 = arith.constant 0 : i32
    %dma_wait3A_792 = tpu.memref_slice %arg10[%dma_wait3A_790, %dma_wait3A_791] : memref<250x80xi32, #tpu.memory_space<vmem>> -> memref<1x80xi32, #tpu.memory_space<vmem>>
    %dma_wait3A_793 = tpu.memref_squeeze %dma_wait3A_792 : memref<1x80xi32, #tpu.memory_space<vmem>> -> memref<80xi32, #tpu.memory_space<vmem>>
    %dma_wait3A_794 = arith.constant 0 : i32
    %dma_wait3A_795 = arith.constant 0 : i32
    %dma_wait3A_796 = tpu.memref_slice %arg17[%dma_wait3A_794, %dma_wait3A_795] : memref<10008x64xf32, #tpu.memory_space<vmem_shared>> -> memref<10008x64xf32, #tpu.memory_space<vmem_shared>>
    tpu.wait_indirect_dma semaphore(%arg27 : memref<!tpu.dma_semaphore, #tpu.memory_space<semaphore_mem>>) src(%arg14 : memref<80x64xf32, #tpu.memory_space<vmem>>) dst(%dma_wait3A_796 : memref<10008x64xf32, #tpu.memory_space<vmem_shared>>)
    %dma_wait3A_797 = arith.constant 0 : i32
    %dma_wait3A_798 = arith.constant 0 : i32
    %dma_wait3A_799 = tpu.memref_slice %arg10[%dma_wait3A_797, %dma_wait3A_798] : memref<250x80xi32, #tpu.memory_space<vmem>> -> memref<1x80xi32, #tpu.memory_space<vmem>>
    %dma_wait3A_800 = tpu.memref_squeeze %dma_wait3A_799 : memref<1x80xi32, #tpu.memory_space<vmem>> -> memref<80xi32, #tpu.memory_space<vmem>>
    %dma_wait3A_801 = arith.constant 0 : i32
    %dma_wait3A_802 = arith.constant 0 : i32
    %dma_wait3A_803 = tpu.memref_slice %arg32[%dma_wait3A_801, %dma_wait3A_802] : memref<10008x16xf32, #tpu.memory_space<vmem_shared>> -> memref<10008x16xf32, #tpu.memory_space<vmem_shared>>
    tpu.wait_indirect_dma semaphore(%arg30 : memref<!tpu.dma_semaphore, #tpu.memory_space<semaphore_mem>>) src(%arg31 : memref<80x16xf32, #tpu.memory_space<vmem>>) dst(%dma_wait3A_803 : memref<10008x16xf32, #tpu.memory_space<vmem_shared>>)
    %dma_wait3A_804 = arith.constant 0 : i32
    %dma_wait3A_805 = arith.constant 0 : i32
    %dma_wait3A_806 = tpu.memref_slice %arg10[%dma_wait3A_804, %dma_wait3A_805] : memref<250x80xi32, #tpu.memory_space<vmem>> -> memref<1x80xi32, #tpu.memory_space<vmem>>
    %dma_wait3A_807 = tpu.memref_squeeze %dma_wait3A_806 : memref<1x80xi32, #tpu.memory_space<vmem>> -> memref<80xi32, #tpu.memory_space<vmem>>
    %dma_wait3A_808 = arith.constant 0 : i32
    %dma_wait3A_809 = arith.constant 0 : i32
    %dma_wait3A_810 = tpu.memref_slice %arg32[%dma_wait3A_808, %dma_wait3A_809] : memref<10008x16xf32, #tpu.memory_space<vmem_shared>> -> memref<10008x16xf32, #tpu.memory_space<vmem_shared>>
    tpu.wait_indirect_dma semaphore(%arg30 : memref<!tpu.dma_semaphore, #tpu.memory_space<semaphore_mem>>) src(%arg31 : memref<80x16xf32, #tpu.memory_space<vmem>>) dst(%dma_wait3A_810 : memref<10008x16xf32, #tpu.memory_space<vmem_shared>>)
    %barrier3A_811 = arith.constant 0 : index
    tpu.barrier barrier_id(%barrier3A_811)
    %eq3A_812 = arith.constant 0 : i32
    %eq3A_813 = arith.cmpi eq, %arg0, %eq3A_812 : i32
    %convert_element_type3A_814 = arith.extui %eq3A_813 : i1 to i32
    %cond3A_815 = arith.constant 0 : i32
    %cond3A_816 = arith.cmpi ne, %convert_element_type3A_814, %cond3A_815 : i32
    scf.if %cond3A_816 {
      "tpu.region"() ({
        %run_scoped3A = tpu.sem_alloc : memref<!tpu.dma_semaphore, #tpu.memory_space<semaphore_mem>>
        %dma_start3A_822 = arith.constant 0 : i32
        %dma_start3A_823 = tpu.memref_slice %arg7[%multiple_of3A, %dma_start3A_822] : memref<10008x128xf32, #tpu.memory_space<hbm>> -> memref<632x64xf32, #tpu.memory_space<hbm>>
        %dma_start3A_824 = arith.constant 0 : i32
        %dma_start3A_825 = tpu.memref_slice %arg17[%multiple_of3A, %dma_start3A_824] : memref<10008x64xf32, #tpu.memory_space<vmem_shared>> -> memref<632x64xf32, #tpu.memory_space<vmem_shared>>
        tpu.enqueue_dma source(%dma_start3A_825 : memref<632x64xf32, #tpu.memory_space<vmem_shared>>) target(%dma_start3A_823 : memref<632x64xf32, #tpu.memory_space<hbm>>) target_semaphore(%run_scoped3A : memref<!tpu.dma_semaphore, #tpu.memory_space<semaphore_mem>>)
        %dma_wait3A_826 = arith.constant 0 : i32
        %dma_wait3A_827 = tpu.memref_slice %arg7[%multiple_of3A, %dma_wait3A_826] : memref<10008x128xf32, #tpu.memory_space<hbm>> -> memref<632x64xf32, #tpu.memory_space<hbm>>
        %dma_wait3A_828 = arith.constant 0 : i32
        %dma_wait3A_829 = tpu.memref_slice %arg17[%multiple_of3A, %dma_wait3A_828] : memref<10008x64xf32, #tpu.memory_space<vmem_shared>> -> memref<632x64xf32, #tpu.memory_space<vmem_shared>>
        tpu.wait_dma2 semaphore(%run_scoped3A : memref<!tpu.dma_semaphore, #tpu.memory_space<semaphore_mem>>) src(%dma_wait3A_829 : memref<632x64xf32, #tpu.memory_space<vmem_shared>>) dst(%dma_wait3A_827 : memref<632x64xf32, #tpu.memory_space<hbm>>)
        tpu.yield
      }) : () -> ()
      "tpu.region"() ({
        %run_scoped3A = tpu.sem_alloc : memref<!tpu.dma_semaphore, #tpu.memory_space<semaphore_mem>>
        %dma_start3A_822 = arith.constant 0 : i32
        %dma_start3A_823 = tpu.memref_slice %arg8[%multiple_of3A, %dma_start3A_822] : memref<10008x32xf32, #tpu.memory_space<hbm>> -> memref<632x16xf32, #tpu.memory_space<hbm>>
        %dma_start3A_824 = arith.constant 0 : i32
        %dma_start3A_825 = tpu.memref_slice %arg32[%multiple_of3A, %dma_start3A_824] : memref<10008x16xf32, #tpu.memory_space<vmem_shared>> -> memref<632x16xf32, #tpu.memory_space<vmem_shared>>
        tpu.enqueue_dma source(%dma_start3A_825 : memref<632x16xf32, #tpu.memory_space<vmem_shared>>) target(%dma_start3A_823 : memref<632x16xf32, #tpu.memory_space<hbm>>) target_semaphore(%run_scoped3A : memref<!tpu.dma_semaphore, #tpu.memory_space<semaphore_mem>>)
        %dma_wait3A_826 = arith.constant 0 : i32
        %dma_wait3A_827 = tpu.memref_slice %arg8[%multiple_of3A, %dma_wait3A_826] : memref<10008x32xf32, #tpu.memory_space<hbm>> -> memref<632x16xf32, #tpu.memory_space<hbm>>
        %dma_wait3A_828 = arith.constant 0 : i32
        %dma_wait3A_829 = tpu.memref_slice %arg32[%multiple_of3A, %dma_wait3A_828] : memref<10008x16xf32, #tpu.memory_space<vmem_shared>> -> memref<632x16xf32, #tpu.memory_space<vmem_shared>>
        tpu.wait_dma2 semaphore(%run_scoped3A : memref<!tpu.dma_semaphore, #tpu.memory_space<semaphore_mem>>) src(%dma_wait3A_829 : memref<632x16xf32, #tpu.memory_space<vmem_shared>>) dst(%dma_wait3A_827 : memref<632x16xf32, #tpu.memory_space<hbm>>)
        tpu.yield
      }) : () -> ()
    } else {
    }
    %eq3A_817 = arith.constant 1 : i32
    %eq3A_818 = arith.cmpi eq, %arg0, %eq3A_817 : i32
    %convert_element_type3A_819 = arith.extui %eq3A_818 : i1 to i32
    %cond3A_820 = arith.constant 0 : i32
    %cond3A_821 = arith.cmpi ne, %convert_element_type3A_819, %cond3A_820 : i32
    scf.if %cond3A_821 {
      "tpu.region"() ({
        %run_scoped3A = tpu.sem_alloc : memref<!tpu.dma_semaphore, #tpu.memory_space<semaphore_mem>>
        %dma_start3A_822 = arith.constant 64 : i32
        %dma_start3A_823 = tpu.memref_slice %arg7[%multiple_of3A, %dma_start3A_822] : memref<10008x128xf32, #tpu.memory_space<hbm>> -> memref<632x64xf32, #tpu.memory_space<hbm>>
        %dma_start3A_824 = arith.constant 0 : i32
        %dma_start3A_825 = tpu.memref_slice %arg17[%multiple_of3A, %dma_start3A_824] : memref<10008x64xf32, #tpu.memory_space<vmem_shared>> -> memref<632x64xf32, #tpu.memory_space<vmem_shared>>
        tpu.enqueue_dma source(%dma_start3A_825 : memref<632x64xf32, #tpu.memory_space<vmem_shared>>) target(%dma_start3A_823 : memref<632x64xf32, #tpu.memory_space<hbm>>) target_semaphore(%run_scoped3A : memref<!tpu.dma_semaphore, #tpu.memory_space<semaphore_mem>>)
        %dma_wait3A_826 = arith.constant 64 : i32
        %dma_wait3A_827 = tpu.memref_slice %arg7[%multiple_of3A, %dma_wait3A_826] : memref<10008x128xf32, #tpu.memory_space<hbm>> -> memref<632x64xf32, #tpu.memory_space<hbm>>
        %dma_wait3A_828 = arith.constant 0 : i32
        %dma_wait3A_829 = tpu.memref_slice %arg17[%multiple_of3A, %dma_wait3A_828] : memref<10008x64xf32, #tpu.memory_space<vmem_shared>> -> memref<632x64xf32, #tpu.memory_space<vmem_shared>>
        tpu.wait_dma2 semaphore(%run_scoped3A : memref<!tpu.dma_semaphore, #tpu.memory_space<semaphore_mem>>) src(%dma_wait3A_829 : memref<632x64xf32, #tpu.memory_space<vmem_shared>>) dst(%dma_wait3A_827 : memref<632x64xf32, #tpu.memory_space<hbm>>)
        tpu.yield
      }) : () -> ()
      "tpu.region"() ({
        %run_scoped3A = tpu.sem_alloc : memref<!tpu.dma_semaphore, #tpu.memory_space<semaphore_mem>>
        %dma_start3A_822 = arith.constant 16 : i32
        %dma_start3A_823 = tpu.memref_slice %arg8[%multiple_of3A, %dma_start3A_822] : memref<10008x32xf32, #tpu.memory_space<hbm>> -> memref<632x16xf32, #tpu.memory_space<hbm>>
        %dma_start3A_824 = arith.constant 0 : i32
        %dma_start3A_825 = tpu.memref_slice %arg32[%multiple_of3A, %dma_start3A_824] : memref<10008x16xf32, #tpu.memory_space<vmem_shared>> -> memref<632x16xf32, #tpu.memory_space<vmem_shared>>
        tpu.enqueue_dma source(%dma_start3A_825 : memref<632x16xf32, #tpu.memory_space<vmem_shared>>) target(%dma_start3A_823 : memref<632x16xf32, #tpu.memory_space<hbm>>) target_semaphore(%run_scoped3A : memref<!tpu.dma_semaphore, #tpu.memory_space<semaphore_mem>>)
        %dma_wait3A_826 = arith.constant 16 : i32
        %dma_wait3A_827 = tpu.memref_slice %arg8[%multiple_of3A, %dma_wait3A_826] : memref<10008x32xf32, #tpu.memory_space<hbm>> -> memref<632x16xf32, #tpu.memory_space<hbm>>
        %dma_wait3A_828 = arith.constant 0 : i32
        %dma_wait3A_829 = tpu.memref_slice %arg32[%multiple_of3A, %dma_wait3A_828] : memref<10008x16xf32, #tpu.memory_space<vmem_shared>> -> memref<632x16xf32, #tpu.memory_space<vmem_shared>>
        tpu.wait_dma2 semaphore(%run_scoped3A : memref<!tpu.dma_semaphore, #tpu.memory_space<semaphore_mem>>) src(%dma_wait3A_829 : memref<632x16xf32, #tpu.memory_space<vmem_shared>>) dst(%dma_wait3A_827 : memref<632x16xf32, #tpu.memory_space<hbm>>)
        tpu.yield
      }) : () -> ()
    } else {
    }
    return
  }
}

#map = affine_map<(d0, d1) -> (0, 0)>
#map1 = affine_map<(d0, d1) -> (0, 0, 0)>
module attributes {stable_mosaic.version = 14 : i64} {
  func.func @body(%arg0: i32, %arg1: i32, %arg2: memref<40000x32xf32, #tpu.memory_space<hbm>>, %arg3: memref<32x250x80xi32, #tpu.memory_space<hbm>>, %arg4: memref<16x250x80xi32, #tpu.memory_space<hbm>>, %arg5: memref<10008x32xf32, #tpu.memory_space<hbm>>, %arg6: memref<10008x16xf32, #tpu.memory_space<hbm>>, %arg7: memref<10008x128xf32, #tpu.memory_space<hbm>>, %arg8: memref<250x80xi32, #tpu.memory_space<vmem>>, %arg9: memref<250x80xi32, #tpu.memory_space<vmem>>, %arg10: memref<80x32xf32, #tpu.memory_space<vmem>>, %arg11: memref<80x32xf32, #tpu.memory_space<vmem>>, %arg12: memref<80x32xf32, #tpu.memory_space<vmem>>, %arg13: memref<80x32xf32, #tpu.memory_space<vmem>>, %arg14: memref<80x32xf32, #tpu.memory_space<vmem>>, %arg15: memref<80x32xf32, #tpu.memory_space<vmem>>, %arg16: memref<10008x32xf32, #tpu.memory_space<vmem_shared>>, %arg17: memref<!tpu.dma_semaphore, #tpu.memory_space<semaphore_mem>>, %arg18: memref<!tpu.dma_semaphore, #tpu.memory_space<semaphore_mem>>, %arg19: memref<!tpu.dma_semaphore, #tpu.memory_space<semaphore_mem>>, %arg20: memref<!tpu.dma_semaphore, #tpu.memory_space<semaphore_mem>>, %arg21: memref<!tpu.dma_semaphore, #tpu.memory_space<semaphore_mem>>, %arg22: memref<!tpu.dma_semaphore, #tpu.memory_space<semaphore_mem>>, %arg23: memref<!tpu.dma_semaphore, #tpu.memory_space<semaphore_mem>>, %arg24: memref<!tpu.dma_semaphore, #tpu.memory_space<semaphore_mem>>, %arg25: memref<!tpu.dma_semaphore, #tpu.memory_space<semaphore_mem>>, %arg26: memref<!tpu.dma_semaphore, #tpu.memory_space<semaphore_mem>>, %arg27: memref<!tpu.dma_semaphore, #tpu.memory_space<semaphore_mem>>, %arg28: memref<!tpu.dma_semaphore, #tpu.memory_space<semaphore_mem>>, %arg29: memref<!tpu.dma_semaphore, #tpu.memory_space<semaphore_mem>>) attributes {dimension_semantics = [#tpu.dimension_semantics<core_parallel>, #tpu.dimension_semantics<subcore_parallel>], iteration_bounds = array<i64: 2, 16>, scalar_prefetch = 0 : i64, scratch_operands = 22 : i64, tpu.core_type = #tpu.core_type<sc_vector_subcore>, window_params = [{transform_indices = #map}, {transform_indices = #map1}, {transform_indices = #map1}, {transform_indices = #map}, {transform_indices = #map}, {transform_indices = #map}]} {
    %mul3A = arith.constant 16 : i32
    %mul3A_0 = arith.muli %arg0, %mul3A : i32
    %add3A = arith.addi %mul3A_0, %arg1 : i32
    "tpu.region"() ({
      %run_scoped3A = tpu.sem_alloc : memref<!tpu.dma_semaphore, #tpu.memory_space<semaphore_mem>>
      %dma_start3A_150 = arith.constant 0 : i32
      %dma_start3A_151 = arith.constant 0 : i32
      %dma_start3A_152 = tpu.memref_slice %arg3[%add3A, %dma_start3A_150, %dma_start3A_151] : memref<32x250x80xi32, #tpu.memory_space<hbm>> -> memref<1x250x80xi32, #tpu.memory_space<hbm>>
      %dma_start3A_153 = tpu.memref_squeeze %dma_start3A_152 : memref<1x250x80xi32, #tpu.memory_space<hbm>> -> memref<250x80xi32, #tpu.memory_space<hbm>>
      %dma_start3A_154 = arith.constant 0 : i32
      %dma_start3A_155 = arith.constant 0 : i32
      %dma_start3A_156 = tpu.memref_slice %arg3[%add3A, %dma_start3A_154, %dma_start3A_155] : memref<32x250x80xi32, #tpu.memory_space<hbm>> -> memref<1x250x80xi32, #tpu.memory_space<hbm>>
      %dma_start3A_157 = tpu.memref_squeeze %dma_start3A_156 : memref<1x250x80xi32, #tpu.memory_space<hbm>> -> memref<250x80xi32, #tpu.memory_space<hbm>>
      tpu.enqueue_dma source(%dma_start3A_157 : memref<250x80xi32, #tpu.memory_space<hbm>>) target(%arg8 : memref<250x80xi32, #tpu.memory_space<vmem>>) target_semaphore(%run_scoped3A : memref<!tpu.dma_semaphore, #tpu.memory_space<semaphore_mem>>)
      %dma_wait3A_158 = arith.constant 0 : i32
      %dma_wait3A_159 = arith.constant 0 : i32
      %dma_wait3A_160 = tpu.memref_slice %arg3[%add3A, %dma_wait3A_158, %dma_wait3A_159] : memref<32x250x80xi32, #tpu.memory_space<hbm>> -> memref<1x250x80xi32, #tpu.memory_space<hbm>>
      %dma_wait3A_161 = tpu.memref_squeeze %dma_wait3A_160 : memref<1x250x80xi32, #tpu.memory_space<hbm>> -> memref<250x80xi32, #tpu.memory_space<hbm>>
      %dma_wait3A_162 = arith.constant 0 : i32
      %dma_wait3A_163 = arith.constant 0 : i32
      %dma_wait3A_164 = tpu.memref_slice %arg3[%add3A, %dma_wait3A_162, %dma_wait3A_163] : memref<32x250x80xi32, #tpu.memory_space<hbm>> -> memref<1x250x80xi32, #tpu.memory_space<hbm>>
      %dma_wait3A_165 = tpu.memref_squeeze %dma_wait3A_164 : memref<1x250x80xi32, #tpu.memory_space<hbm>> -> memref<250x80xi32, #tpu.memory_space<hbm>>
      tpu.wait_dma2 semaphore(%run_scoped3A : memref<!tpu.dma_semaphore, #tpu.memory_space<semaphore_mem>>) src(%dma_wait3A_165 : memref<250x80xi32, #tpu.memory_space<hbm>>) dst(%arg8 : memref<250x80xi32, #tpu.memory_space<vmem>>)
      tpu.yield
    }) : () -> ()
    "tpu.region"() ({
      %run_scoped3A = tpu.sem_alloc : memref<!tpu.dma_semaphore, #tpu.memory_space<semaphore_mem>>
      %dma_start3A_150 = arith.constant 0 : i32
      %dma_start3A_151 = arith.constant 0 : i32
      %dma_start3A_152 = tpu.memref_slice %arg4[%arg1, %dma_start3A_150, %dma_start3A_151] : memref<16x250x80xi32, #tpu.memory_space<hbm>> -> memref<1x250x80xi32, #tpu.memory_space<hbm>>
      %dma_start3A_153 = tpu.memref_squeeze %dma_start3A_152 : memref<1x250x80xi32, #tpu.memory_space<hbm>> -> memref<250x80xi32, #tpu.memory_space<hbm>>
      %dma_start3A_154 = arith.constant 0 : i32
      %dma_start3A_155 = arith.constant 0 : i32
      %dma_start3A_156 = tpu.memref_slice %arg4[%arg1, %dma_start3A_154, %dma_start3A_155] : memref<16x250x80xi32, #tpu.memory_space<hbm>> -> memref<1x250x80xi32, #tpu.memory_space<hbm>>
      %dma_start3A_157 = tpu.memref_squeeze %dma_start3A_156 : memref<1x250x80xi32, #tpu.memory_space<hbm>> -> memref<250x80xi32, #tpu.memory_space<hbm>>
      tpu.enqueue_dma source(%dma_start3A_157 : memref<250x80xi32, #tpu.memory_space<hbm>>) target(%arg9 : memref<250x80xi32, #tpu.memory_space<vmem>>) target_semaphore(%run_scoped3A : memref<!tpu.dma_semaphore, #tpu.memory_space<semaphore_mem>>)
      %dma_wait3A_158 = arith.constant 0 : i32
      %dma_wait3A_159 = arith.constant 0 : i32
      %dma_wait3A_160 = tpu.memref_slice %arg4[%arg1, %dma_wait3A_158, %dma_wait3A_159] : memref<16x250x80xi32, #tpu.memory_space<hbm>> -> memref<1x250x80xi32, #tpu.memory_space<hbm>>
      %dma_wait3A_161 = tpu.memref_squeeze %dma_wait3A_160 : memref<1x250x80xi32, #tpu.memory_space<hbm>> -> memref<250x80xi32, #tpu.memory_space<hbm>>
      %dma_wait3A_162 = arith.constant 0 : i32
      %dma_wait3A_163 = arith.constant 0 : i32
      %dma_wait3A_164 = tpu.memref_slice %arg4[%arg1, %dma_wait3A_162, %dma_wait3A_163] : memref<16x250x80xi32, #tpu.memory_space<hbm>> -> memref<1x250x80xi32, #tpu.memory_space<hbm>>
      %dma_wait3A_165 = tpu.memref_squeeze %dma_wait3A_164 : memref<1x250x80xi32, #tpu.memory_space<hbm>> -> memref<250x80xi32, #tpu.memory_space<hbm>>
      tpu.wait_dma2 semaphore(%run_scoped3A : memref<!tpu.dma_semaphore, #tpu.memory_space<semaphore_mem>>) src(%dma_wait3A_165 : memref<250x80xi32, #tpu.memory_space<hbm>>) dst(%arg9 : memref<250x80xi32, #tpu.memory_space<vmem>>)
      tpu.yield
    }) : () -> ()
    %mul3A_1 = arith.constant 632 : i32
    %mul3A_2 = arith.muli %arg1, %mul3A_1 : i32
    %min3A = arith.constant 9376 : i32
    %min3A_3 = arith.minsi %mul3A_2, %min3A : i32
    %multiple_of3A = tpu.assume_multiple %min3A_3, 8 : i32
    "tpu.region"() ({
      %run_scoped3A = tpu.sem_alloc : memref<!tpu.dma_semaphore, #tpu.memory_space<semaphore_mem>>
      %dma_start3A_150 = arith.constant 0 : i32
      %dma_start3A_151 = tpu.memref_slice %arg16[%multiple_of3A, %dma_start3A_150] : memref<10008x32xf32, #tpu.memory_space<vmem_shared>> -> memref<632x32xf32, #tpu.memory_space<vmem_shared>>
      %dma_start3A_152 = arith.constant 0 : i32
      %dma_start3A_153 = tpu.memref_slice %arg5[%multiple_of3A, %dma_start3A_152] : memref<10008x32xf32, #tpu.memory_space<hbm>> -> memref<632x32xf32, #tpu.memory_space<hbm>>
      tpu.enqueue_dma source(%dma_start3A_153 : memref<632x32xf32, #tpu.memory_space<hbm>>) target(%dma_start3A_151 : memref<632x32xf32, #tpu.memory_space<vmem_shared>>) target_semaphore(%run_scoped3A : memref<!tpu.dma_semaphore, #tpu.memory_space<semaphore_mem>>)
      %dma_wait3A_154 = arith.constant 0 : i32
      %dma_wait3A_155 = tpu.memref_slice %arg16[%multiple_of3A, %dma_wait3A_154] : memref<10008x32xf32, #tpu.memory_space<vmem_shared>> -> memref<632x32xf32, #tpu.memory_space<vmem_shared>>
      %dma_wait3A_156 = arith.constant 0 : i32
      %dma_wait3A_157 = tpu.memref_slice %arg5[%multiple_of3A, %dma_wait3A_156] : memref<10008x32xf32, #tpu.memory_space<hbm>> -> memref<632x32xf32, #tpu.memory_space<hbm>>
      tpu.wait_dma2 semaphore(%run_scoped3A : memref<!tpu.dma_semaphore, #tpu.memory_space<semaphore_mem>>) src(%dma_wait3A_157 : memref<632x32xf32, #tpu.memory_space<hbm>>) dst(%dma_wait3A_155 : memref<632x32xf32, #tpu.memory_space<vmem_shared>>)
      tpu.yield
    }) : () -> ()
    %dma_start3A = arith.constant 0 : i32
    %dma_start3A_4 = arith.constant 0 : i32
    %dma_start3A_5 = tpu.memref_slice %arg8[%dma_start3A, %dma_start3A_4] : memref<250x80xi32, #tpu.memory_space<vmem>> -> memref<1x80xi32, #tpu.memory_space<vmem>>
    %dma_start3A_6 = tpu.memref_squeeze %dma_start3A_5 : memref<1x80xi32, #tpu.memory_space<vmem>> -> memref<80xi32, #tpu.memory_space<vmem>>
    %dma_start3A_7 = arith.constant 0 : i32
    %dma_start3A_8 = arith.constant 0 : i32
    %dma_start3A_9 = tpu.memref_slice %arg2[%dma_start3A_7, %dma_start3A_8] : memref<40000x32xf32, #tpu.memory_space<hbm>> -> memref<40000x32xf32, #tpu.memory_space<hbm>>
    tpu.enqueue_indirect_dma source(%dma_start3A_9 : memref<40000x32xf32, #tpu.memory_space<hbm>>) target(%arg10 : memref<80x32xf32, #tpu.memory_space<vmem>>) offsets(%dma_start3A_6 : memref<80xi32, #tpu.memory_space<vmem>>) semaphore(%arg17 : memref<!tpu.dma_semaphore, #tpu.memory_space<semaphore_mem>>)
    %dma_start3A_10 = arith.constant 1 : i32
    %dma_start3A_11 = arith.constant 0 : i32
    %dma_start3A_12 = tpu.memref_slice %arg8[%dma_start3A_10, %dma_start3A_11] : memref<250x80xi32, #tpu.memory_space<vmem>> -> memref<1x80xi32, #tpu.memory_space<vmem>>
    %dma_start3A_13 = tpu.memref_squeeze %dma_start3A_12 : memref<1x80xi32, #tpu.memory_space<vmem>> -> memref<80xi32, #tpu.memory_space<vmem>>
    %dma_start3A_14 = arith.constant 0 : i32
    %dma_start3A_15 = arith.constant 0 : i32
    %dma_start3A_16 = tpu.memref_slice %arg2[%dma_start3A_14, %dma_start3A_15] : memref<40000x32xf32, #tpu.memory_space<hbm>> -> memref<40000x32xf32, #tpu.memory_space<hbm>>
    tpu.enqueue_indirect_dma source(%dma_start3A_16 : memref<40000x32xf32, #tpu.memory_space<hbm>>) target(%arg11 : memref<80x32xf32, #tpu.memory_space<vmem>>) offsets(%dma_start3A_13 : memref<80xi32, #tpu.memory_space<vmem>>) semaphore(%arg18 : memref<!tpu.dma_semaphore, #tpu.memory_space<semaphore_mem>>)
    %dma_start3A_17 = arith.constant 2 : i32
    %dma_start3A_18 = arith.constant 0 : i32
    %dma_start3A_19 = tpu.memref_slice %arg8[%dma_start3A_17, %dma_start3A_18] : memref<250x80xi32, #tpu.memory_space<vmem>> -> memref<1x80xi32, #tpu.memory_space<vmem>>
    %dma_start3A_20 = tpu.memref_squeeze %dma_start3A_19 : memref<1x80xi32, #tpu.memory_space<vmem>> -> memref<80xi32, #tpu.memory_space<vmem>>
    %dma_start3A_21 = arith.constant 0 : i32
    %dma_start3A_22 = arith.constant 0 : i32
    %dma_start3A_23 = tpu.memref_slice %arg2[%dma_start3A_21, %dma_start3A_22] : memref<40000x32xf32, #tpu.memory_space<hbm>> -> memref<40000x32xf32, #tpu.memory_space<hbm>>
    tpu.enqueue_indirect_dma source(%dma_start3A_23 : memref<40000x32xf32, #tpu.memory_space<hbm>>) target(%arg12 : memref<80x32xf32, #tpu.memory_space<vmem>>) offsets(%dma_start3A_20 : memref<80xi32, #tpu.memory_space<vmem>>) semaphore(%arg19 : memref<!tpu.dma_semaphore, #tpu.memory_space<semaphore_mem>>)
    %barrier3A = arith.constant 0 : index
    tpu.barrier barrier_id(%barrier3A)
    %scan3A = arith.constant 0 : i32
    %scan3A_24 = arith.constant 0 : i32
    %scan3A_25 = arith.constant 41 : i32
    %scan3A_26 = arith.addi %scan3A_24, %scan3A_25 : i32
    %scan3A_27 = arith.constant 1 : i32
    scf.for %scan3A_150 = %scan3A_24 to %scan3A_26 step %scan3A_27  : i32 {
      %mul3A_151 = arith.constant 6 : i32
      %mul3A_152 = arith.muli %scan3A_150, %mul3A_151 : i32
      %add3A_153 = arith.constant 0 : i32
      %add3A_154 = arith.addi %mul3A_152, %add3A_153 : i32
      %dma_wait3A_155 = arith.constant 0 : i32
      %dma_wait3A_156 = tpu.memref_slice %arg8[%add3A_154, %dma_wait3A_155] : memref<250x80xi32, #tpu.memory_space<vmem>> -> memref<1x80xi32, #tpu.memory_space<vmem>>
      %dma_wait3A_157 = tpu.memref_squeeze %dma_wait3A_156 : memref<1x80xi32, #tpu.memory_space<vmem>> -> memref<80xi32, #tpu.memory_space<vmem>>
      %dma_wait3A_158 = arith.constant 0 : i32
      %dma_wait3A_159 = arith.constant 0 : i32
      %dma_wait3A_160 = tpu.memref_slice %arg2[%dma_wait3A_158, %dma_wait3A_159] : memref<40000x32xf32, #tpu.memory_space<hbm>> -> memref<40000x32xf32, #tpu.memory_space<hbm>>
      tpu.wait_indirect_dma semaphore(%arg17 : memref<!tpu.dma_semaphore, #tpu.memory_space<semaphore_mem>>) src(%dma_wait3A_160 : memref<40000x32xf32, #tpu.memory_space<hbm>>) dst(%arg10 : memref<80x32xf32, #tpu.memory_space<vmem>>)
      %dma_start3A_161 = arith.constant 0 : i32
      %dma_start3A_162 = tpu.memref_slice %arg9[%add3A_154, %dma_start3A_161] : memref<250x80xi32, #tpu.memory_space<vmem>> -> memref<1x80xi32, #tpu.memory_space<vmem>>
      %dma_start3A_163 = tpu.memref_squeeze %dma_start3A_162 : memref<1x80xi32, #tpu.memory_space<vmem>> -> memref<80xi32, #tpu.memory_space<vmem>>
      %dma_start3A_164 = arith.constant 0 : i32
      %dma_start3A_165 = arith.constant 0 : i32
      %dma_start3A_166 = tpu.memref_slice %arg16[%dma_start3A_164, %dma_start3A_165] : memref<10008x32xf32, #tpu.memory_space<vmem_shared>> -> memref<10008x32xf32, #tpu.memory_space<vmem_shared>>
      tpu.enqueue_indirect_dma source(%arg10 : memref<80x32xf32, #tpu.memory_space<vmem>>) target(%dma_start3A_166 : memref<10008x32xf32, #tpu.memory_space<vmem_shared>>) offsets(%dma_start3A_163 : memref<80xi32, #tpu.memory_space<vmem>>) semaphore(%arg23 : memref<!tpu.dma_semaphore, #tpu.memory_space<semaphore_mem>>) {add = true}
      %ge3A = arith.constant 3 : i32
      %ge3A_167 = arith.cmpi sge, %add3A_154, %ge3A : i32
      %convert_element_type3A_168 = arith.extui %ge3A_167 : i1 to i32
      %cond3A_169 = arith.constant 0 : i32
      %cond3A_170 = arith.cmpi ne, %convert_element_type3A_168, %cond3A_169 : i32
      scf.if %cond3A_170 {
        %dma_wait3A_317 = arith.constant 0 : i32
        %dma_wait3A_318 = tpu.memref_slice %arg9[%add3A_154, %dma_wait3A_317] : memref<250x80xi32, #tpu.memory_space<vmem>> -> memref<1x80xi32, #tpu.memory_space<vmem>>
        %dma_wait3A_319 = tpu.memref_squeeze %dma_wait3A_318 : memref<1x80xi32, #tpu.memory_space<vmem>> -> memref<80xi32, #tpu.memory_space<vmem>>
        %dma_wait3A_320 = arith.constant 0 : i32
        %dma_wait3A_321 = arith.constant 0 : i32
        %dma_wait3A_322 = tpu.memref_slice %arg16[%dma_wait3A_320, %dma_wait3A_321] : memref<10008x32xf32, #tpu.memory_space<vmem_shared>> -> memref<10008x32xf32, #tpu.memory_space<vmem_shared>>
        tpu.wait_indirect_dma semaphore(%arg26 : memref<!tpu.dma_semaphore, #tpu.memory_space<semaphore_mem>>) src(%arg13 : memref<80x32xf32, #tpu.memory_space<vmem>>) dst(%dma_wait3A_322 : memref<10008x32xf32, #tpu.memory_space<vmem_shared>>)
      } else {
      }
      %add3A_171 = arith.constant 3 : i32
      %add3A_172 = arith.addi %add3A_154, %add3A_171 : i32
      %lt3A = arith.constant 250 : i32
      %lt3A_173 = arith.cmpi slt, %add3A_172, %lt3A : i32
      %convert_element_type3A_174 = arith.extui %lt3A_173 : i1 to i32
      %cond3A_175 = arith.constant 0 : i32
      %cond3A_176 = arith.cmpi ne, %convert_element_type3A_174, %cond3A_175 : i32
      scf.if %cond3A_176 {
        %add3A_317 = arith.constant 3 : i32
        %add3A_318 = arith.addi %add3A_154, %add3A_317 : i32
        %min3A_319 = arith.constant 249 : i32
        %min3A_320 = arith.minsi %add3A_318, %min3A_319 : i32
        %dma_start3A_321 = arith.constant 0 : i32
        %dma_start3A_322 = tpu.memref_slice %arg8[%min3A_320, %dma_start3A_321] : memref<250x80xi32, #tpu.memory_space<vmem>> -> memref<1x80xi32, #tpu.memory_space<vmem>>
        %dma_start3A_323 = tpu.memref_squeeze %dma_start3A_322 : memref<1x80xi32, #tpu.memory_space<vmem>> -> memref<80xi32, #tpu.memory_space<vmem>>
        %dma_start3A_324 = arith.constant 0 : i32
        %dma_start3A_325 = arith.constant 0 : i32
        %dma_start3A_326 = tpu.memref_slice %arg2[%dma_start3A_324, %dma_start3A_325] : memref<40000x32xf32, #tpu.memory_space<hbm>> -> memref<40000x32xf32, #tpu.memory_space<hbm>>
        tpu.enqueue_indirect_dma source(%dma_start3A_326 : memref<40000x32xf32, #tpu.memory_space<hbm>>) target(%arg13 : memref<80x32xf32, #tpu.memory_space<vmem>>) offsets(%dma_start3A_323 : memref<80xi32, #tpu.memory_space<vmem>>) semaphore(%arg20 : memref<!tpu.dma_semaphore, #tpu.memory_space<semaphore_mem>>)
      } else {
      }
      %mul3A_177 = arith.constant 6 : i32
      %mul3A_178 = arith.muli %scan3A_150, %mul3A_177 : i32
      %add3A_179 = arith.constant 1 : i32
      %add3A_180 = arith.addi %mul3A_178, %add3A_179 : i32
      %dma_wait3A_181 = arith.constant 0 : i32
      %dma_wait3A_182 = tpu.memref_slice %arg8[%add3A_180, %dma_wait3A_181] : memref<250x80xi32, #tpu.memory_space<vmem>> -> memref<1x80xi32, #tpu.memory_space<vmem>>
      %dma_wait3A_183 = tpu.memref_squeeze %dma_wait3A_182 : memref<1x80xi32, #tpu.memory_space<vmem>> -> memref<80xi32, #tpu.memory_space<vmem>>
      %dma_wait3A_184 = arith.constant 0 : i32
      %dma_wait3A_185 = arith.constant 0 : i32
      %dma_wait3A_186 = tpu.memref_slice %arg2[%dma_wait3A_184, %dma_wait3A_185] : memref<40000x32xf32, #tpu.memory_space<hbm>> -> memref<40000x32xf32, #tpu.memory_space<hbm>>
      tpu.wait_indirect_dma semaphore(%arg18 : memref<!tpu.dma_semaphore, #tpu.memory_space<semaphore_mem>>) src(%dma_wait3A_186 : memref<40000x32xf32, #tpu.memory_space<hbm>>) dst(%arg11 : memref<80x32xf32, #tpu.memory_space<vmem>>)
      %dma_start3A_187 = arith.constant 0 : i32
      %dma_start3A_188 = tpu.memref_slice %arg9[%add3A_180, %dma_start3A_187] : memref<250x80xi32, #tpu.memory_space<vmem>> -> memref<1x80xi32, #tpu.memory_space<vmem>>
      %dma_start3A_189 = tpu.memref_squeeze %dma_start3A_188 : memref<1x80xi32, #tpu.memory_space<vmem>> -> memref<80xi32, #tpu.memory_space<vmem>>
      %dma_start3A_190 = arith.constant 0 : i32
      %dma_start3A_191 = arith.constant 0 : i32
      %dma_start3A_192 = tpu.memref_slice %arg16[%dma_start3A_190, %dma_start3A_191] : memref<10008x32xf32, #tpu.memory_space<vmem_shared>> -> memref<10008x32xf32, #tpu.memory_space<vmem_shared>>
      tpu.enqueue_indirect_dma source(%arg11 : memref<80x32xf32, #tpu.memory_space<vmem>>) target(%dma_start3A_192 : memref<10008x32xf32, #tpu.memory_space<vmem_shared>>) offsets(%dma_start3A_189 : memref<80xi32, #tpu.memory_space<vmem>>) semaphore(%arg24 : memref<!tpu.dma_semaphore, #tpu.memory_space<semaphore_mem>>) {add = true}
      %ge3A_193 = arith.constant 3 : i32
      %ge3A_194 = arith.cmpi sge, %add3A_180, %ge3A_193 : i32
      %convert_element_type3A_195 = arith.extui %ge3A_194 : i1 to i32
      %cond3A_196 = arith.constant 0 : i32
      %cond3A_197 = arith.cmpi ne, %convert_element_type3A_195, %cond3A_196 : i32
      scf.if %cond3A_197 {
        %dma_wait3A_317 = arith.constant 0 : i32
        %dma_wait3A_318 = tpu.memref_slice %arg9[%add3A_180, %dma_wait3A_317] : memref<250x80xi32, #tpu.memory_space<vmem>> -> memref<1x80xi32, #tpu.memory_space<vmem>>
        %dma_wait3A_319 = tpu.memref_squeeze %dma_wait3A_318 : memref<1x80xi32, #tpu.memory_space<vmem>> -> memref<80xi32, #tpu.memory_space<vmem>>
        %dma_wait3A_320 = arith.constant 0 : i32
        %dma_wait3A_321 = arith.constant 0 : i32
        %dma_wait3A_322 = tpu.memref_slice %arg16[%dma_wait3A_320, %dma_wait3A_321] : memref<10008x32xf32, #tpu.memory_space<vmem_shared>> -> memref<10008x32xf32, #tpu.memory_space<vmem_shared>>
        tpu.wait_indirect_dma semaphore(%arg27 : memref<!tpu.dma_semaphore, #tpu.memory_space<semaphore_mem>>) src(%arg14 : memref<80x32xf32, #tpu.memory_space<vmem>>) dst(%dma_wait3A_322 : memref<10008x32xf32, #tpu.memory_space<vmem_shared>>)
      } else {
      }
      %add3A_198 = arith.constant 3 : i32
      %add3A_199 = arith.addi %add3A_180, %add3A_198 : i32
      %lt3A_200 = arith.constant 250 : i32
      %lt3A_201 = arith.cmpi slt, %add3A_199, %lt3A_200 : i32
      %convert_element_type3A_202 = arith.extui %lt3A_201 : i1 to i32
      %cond3A_203 = arith.constant 0 : i32
      %cond3A_204 = arith.cmpi ne, %convert_element_type3A_202, %cond3A_203 : i32
      scf.if %cond3A_204 {
        %add3A_317 = arith.constant 3 : i32
        %add3A_318 = arith.addi %add3A_180, %add3A_317 : i32
        %min3A_319 = arith.constant 249 : i32
        %min3A_320 = arith.minsi %add3A_318, %min3A_319 : i32
        %dma_start3A_321 = arith.constant 0 : i32
        %dma_start3A_322 = tpu.memref_slice %arg8[%min3A_320, %dma_start3A_321] : memref<250x80xi32, #tpu.memory_space<vmem>> -> memref<1x80xi32, #tpu.memory_space<vmem>>
        %dma_start3A_323 = tpu.memref_squeeze %dma_start3A_322 : memref<1x80xi32, #tpu.memory_space<vmem>> -> memref<80xi32, #tpu.memory_space<vmem>>
        %dma_start3A_324 = arith.constant 0 : i32
        %dma_start3A_325 = arith.constant 0 : i32
        %dma_start3A_326 = tpu.memref_slice %arg2[%dma_start3A_324, %dma_start3A_325] : memref<40000x32xf32, #tpu.memory_space<hbm>> -> memref<40000x32xf32, #tpu.memory_space<hbm>>
        tpu.enqueue_indirect_dma source(%dma_start3A_326 : memref<40000x32xf32, #tpu.memory_space<hbm>>) target(%arg14 : memref<80x32xf32, #tpu.memory_space<vmem>>) offsets(%dma_start3A_323 : memref<80xi32, #tpu.memory_space<vmem>>) semaphore(%arg21 : memref<!tpu.dma_semaphore, #tpu.memory_space<semaphore_mem>>)
      } else {
      }
      %mul3A_205 = arith.constant 6 : i32
      %mul3A_206 = arith.muli %scan3A_150, %mul3A_205 : i32
      %add3A_207 = arith.constant 2 : i32
      %add3A_208 = arith.addi %mul3A_206, %add3A_207 : i32
      %dma_wait3A_209 = arith.constant 0 : i32
      %dma_wait3A_210 = tpu.memref_slice %arg8[%add3A_208, %dma_wait3A_209] : memref<250x80xi32, #tpu.memory_space<vmem>> -> memref<1x80xi32, #tpu.memory_space<vmem>>
      %dma_wait3A_211 = tpu.memref_squeeze %dma_wait3A_210 : memref<1x80xi32, #tpu.memory_space<vmem>> -> memref<80xi32, #tpu.memory_space<vmem>>
      %dma_wait3A_212 = arith.constant 0 : i32
      %dma_wait3A_213 = arith.constant 0 : i32
      %dma_wait3A_214 = tpu.memref_slice %arg2[%dma_wait3A_212, %dma_wait3A_213] : memref<40000x32xf32, #tpu.memory_space<hbm>> -> memref<40000x32xf32, #tpu.memory_space<hbm>>
      tpu.wait_indirect_dma semaphore(%arg19 : memref<!tpu.dma_semaphore, #tpu.memory_space<semaphore_mem>>) src(%dma_wait3A_214 : memref<40000x32xf32, #tpu.memory_space<hbm>>) dst(%arg12 : memref<80x32xf32, #tpu.memory_space<vmem>>)
      %dma_start3A_215 = arith.constant 0 : i32
      %dma_start3A_216 = tpu.memref_slice %arg9[%add3A_208, %dma_start3A_215] : memref<250x80xi32, #tpu.memory_space<vmem>> -> memref<1x80xi32, #tpu.memory_space<vmem>>
      %dma_start3A_217 = tpu.memref_squeeze %dma_start3A_216 : memref<1x80xi32, #tpu.memory_space<vmem>> -> memref<80xi32, #tpu.memory_space<vmem>>
      %dma_start3A_218 = arith.constant 0 : i32
      %dma_start3A_219 = arith.constant 0 : i32
      %dma_start3A_220 = tpu.memref_slice %arg16[%dma_start3A_218, %dma_start3A_219] : memref<10008x32xf32, #tpu.memory_space<vmem_shared>> -> memref<10008x32xf32, #tpu.memory_space<vmem_shared>>
      tpu.enqueue_indirect_dma source(%arg12 : memref<80x32xf32, #tpu.memory_space<vmem>>) target(%dma_start3A_220 : memref<10008x32xf32, #tpu.memory_space<vmem_shared>>) offsets(%dma_start3A_217 : memref<80xi32, #tpu.memory_space<vmem>>) semaphore(%arg25 : memref<!tpu.dma_semaphore, #tpu.memory_space<semaphore_mem>>) {add = true}
      %ge3A_221 = arith.constant 3 : i32
      %ge3A_222 = arith.cmpi sge, %add3A_208, %ge3A_221 : i32
      %convert_element_type3A_223 = arith.extui %ge3A_222 : i1 to i32
      %cond3A_224 = arith.constant 0 : i32
      %cond3A_225 = arith.cmpi ne, %convert_element_type3A_223, %cond3A_224 : i32
      scf.if %cond3A_225 {
        %dma_wait3A_317 = arith.constant 0 : i32
        %dma_wait3A_318 = tpu.memref_slice %arg9[%add3A_208, %dma_wait3A_317] : memref<250x80xi32, #tpu.memory_space<vmem>> -> memref<1x80xi32, #tpu.memory_space<vmem>>
        %dma_wait3A_319 = tpu.memref_squeeze %dma_wait3A_318 : memref<1x80xi32, #tpu.memory_space<vmem>> -> memref<80xi32, #tpu.memory_space<vmem>>
        %dma_wait3A_320 = arith.constant 0 : i32
        %dma_wait3A_321 = arith.constant 0 : i32
        %dma_wait3A_322 = tpu.memref_slice %arg16[%dma_wait3A_320, %dma_wait3A_321] : memref<10008x32xf32, #tpu.memory_space<vmem_shared>> -> memref<10008x32xf32, #tpu.memory_space<vmem_shared>>
        tpu.wait_indirect_dma semaphore(%arg28 : memref<!tpu.dma_semaphore, #tpu.memory_space<semaphore_mem>>) src(%arg15 : memref<80x32xf32, #tpu.memory_space<vmem>>) dst(%dma_wait3A_322 : memref<10008x32xf32, #tpu.memory_space<vmem_shared>>)
      } else {
      }
      %add3A_226 = arith.constant 3 : i32
      %add3A_227 = arith.addi %add3A_208, %add3A_226 : i32
      %lt3A_228 = arith.constant 250 : i32
      %lt3A_229 = arith.cmpi slt, %add3A_227, %lt3A_228 : i32
      %convert_element_type3A_230 = arith.extui %lt3A_229 : i1 to i32
      %cond3A_231 = arith.constant 0 : i32
      %cond3A_232 = arith.cmpi ne, %convert_element_type3A_230, %cond3A_231 : i32
      scf.if %cond3A_232 {
        %add3A_317 = arith.constant 3 : i32
        %add3A_318 = arith.addi %add3A_208, %add3A_317 : i32
        %min3A_319 = arith.constant 249 : i32
        %min3A_320 = arith.minsi %add3A_318, %min3A_319 : i32
        %dma_start3A_321 = arith.constant 0 : i32
        %dma_start3A_322 = tpu.memref_slice %arg8[%min3A_320, %dma_start3A_321] : memref<250x80xi32, #tpu.memory_space<vmem>> -> memref<1x80xi32, #tpu.memory_space<vmem>>
        %dma_start3A_323 = tpu.memref_squeeze %dma_start3A_322 : memref<1x80xi32, #tpu.memory_space<vmem>> -> memref<80xi32, #tpu.memory_space<vmem>>
        %dma_start3A_324 = arith.constant 0 : i32
        %dma_start3A_325 = arith.constant 0 : i32
        %dma_start3A_326 = tpu.memref_slice %arg2[%dma_start3A_324, %dma_start3A_325] : memref<40000x32xf32, #tpu.memory_space<hbm>> -> memref<40000x32xf32, #tpu.memory_space<hbm>>
        tpu.enqueue_indirect_dma source(%dma_start3A_326 : memref<40000x32xf32, #tpu.memory_space<hbm>>) target(%arg15 : memref<80x32xf32, #tpu.memory_space<vmem>>) offsets(%dma_start3A_323 : memref<80xi32, #tpu.memory_space<vmem>>) semaphore(%arg22 : memref<!tpu.dma_semaphore, #tpu.memory_space<semaphore_mem>>)
      } else {
      }
      %mul3A_233 = arith.constant 6 : i32
      %mul3A_234 = arith.muli %scan3A_150, %mul3A_233 : i32
      %add3A_235 = arith.constant 3 : i32
      %add3A_236 = arith.addi %mul3A_234, %add3A_235 : i32
      %dma_wait3A_237 = arith.constant 0 : i32
      %dma_wait3A_238 = tpu.memref_slice %arg8[%add3A_236, %dma_wait3A_237] : memref<250x80xi32, #tpu.memory_space<vmem>> -> memref<1x80xi32, #tpu.memory_space<vmem>>
      %dma_wait3A_239 = tpu.memref_squeeze %dma_wait3A_238 : memref<1x80xi32, #tpu.memory_space<vmem>> -> memref<80xi32, #tpu.memory_space<vmem>>
      %dma_wait3A_240 = arith.constant 0 : i32
      %dma_wait3A_241 = arith.constant 0 : i32
      %dma_wait3A_242 = tpu.memref_slice %arg2[%dma_wait3A_240, %dma_wait3A_241] : memref<40000x32xf32, #tpu.memory_space<hbm>> -> memref<40000x32xf32, #tpu.memory_space<hbm>>
      tpu.wait_indirect_dma semaphore(%arg20 : memref<!tpu.dma_semaphore, #tpu.memory_space<semaphore_mem>>) src(%dma_wait3A_242 : memref<40000x32xf32, #tpu.memory_space<hbm>>) dst(%arg13 : memref<80x32xf32, #tpu.memory_space<vmem>>)
      %dma_start3A_243 = arith.constant 0 : i32
      %dma_start3A_244 = tpu.memref_slice %arg9[%add3A_236, %dma_start3A_243] : memref<250x80xi32, #tpu.memory_space<vmem>> -> memref<1x80xi32, #tpu.memory_space<vmem>>
      %dma_start3A_245 = tpu.memref_squeeze %dma_start3A_244 : memref<1x80xi32, #tpu.memory_space<vmem>> -> memref<80xi32, #tpu.memory_space<vmem>>
      %dma_start3A_246 = arith.constant 0 : i32
      %dma_start3A_247 = arith.constant 0 : i32
      %dma_start3A_248 = tpu.memref_slice %arg16[%dma_start3A_246, %dma_start3A_247] : memref<10008x32xf32, #tpu.memory_space<vmem_shared>> -> memref<10008x32xf32, #tpu.memory_space<vmem_shared>>
      tpu.enqueue_indirect_dma source(%arg13 : memref<80x32xf32, #tpu.memory_space<vmem>>) target(%dma_start3A_248 : memref<10008x32xf32, #tpu.memory_space<vmem_shared>>) offsets(%dma_start3A_245 : memref<80xi32, #tpu.memory_space<vmem>>) semaphore(%arg26 : memref<!tpu.dma_semaphore, #tpu.memory_space<semaphore_mem>>) {add = true}
      %ge3A_249 = arith.constant 3 : i32
      %ge3A_250 = arith.cmpi sge, %add3A_236, %ge3A_249 : i32
      %convert_element_type3A_251 = arith.extui %ge3A_250 : i1 to i32
      %cond3A_252 = arith.constant 0 : i32
      %cond3A_253 = arith.cmpi ne, %convert_element_type3A_251, %cond3A_252 : i32
      scf.if %cond3A_253 {
        %dma_wait3A_317 = arith.constant 0 : i32
        %dma_wait3A_318 = tpu.memref_slice %arg9[%add3A_236, %dma_wait3A_317] : memref<250x80xi32, #tpu.memory_space<vmem>> -> memref<1x80xi32, #tpu.memory_space<vmem>>
        %dma_wait3A_319 = tpu.memref_squeeze %dma_wait3A_318 : memref<1x80xi32, #tpu.memory_space<vmem>> -> memref<80xi32, #tpu.memory_space<vmem>>
        %dma_wait3A_320 = arith.constant 0 : i32
        %dma_wait3A_321 = arith.constant 0 : i32
        %dma_wait3A_322 = tpu.memref_slice %arg16[%dma_wait3A_320, %dma_wait3A_321] : memref<10008x32xf32, #tpu.memory_space<vmem_shared>> -> memref<10008x32xf32, #tpu.memory_space<vmem_shared>>
        tpu.wait_indirect_dma semaphore(%arg23 : memref<!tpu.dma_semaphore, #tpu.memory_space<semaphore_mem>>) src(%arg10 : memref<80x32xf32, #tpu.memory_space<vmem>>) dst(%dma_wait3A_322 : memref<10008x32xf32, #tpu.memory_space<vmem_shared>>)
      } else {
      }
      %add3A_254 = arith.constant 3 : i32
      %add3A_255 = arith.addi %add3A_236, %add3A_254 : i32
      %lt3A_256 = arith.constant 250 : i32
      %lt3A_257 = arith.cmpi slt, %add3A_255, %lt3A_256 : i32
      %convert_element_type3A_258 = arith.extui %lt3A_257 : i1 to i32
      %cond3A_259 = arith.constant 0 : i32
      %cond3A_260 = arith.cmpi ne, %convert_element_type3A_258, %cond3A_259 : i32
      scf.if %cond3A_260 {
        %add3A_317 = arith.constant 3 : i32
        %add3A_318 = arith.addi %add3A_236, %add3A_317 : i32
        %min3A_319 = arith.constant 249 : i32
        %min3A_320 = arith.minsi %add3A_318, %min3A_319 : i32
        %dma_start3A_321 = arith.constant 0 : i32
        %dma_start3A_322 = tpu.memref_slice %arg8[%min3A_320, %dma_start3A_321] : memref<250x80xi32, #tpu.memory_space<vmem>> -> memref<1x80xi32, #tpu.memory_space<vmem>>
        %dma_start3A_323 = tpu.memref_squeeze %dma_start3A_322 : memref<1x80xi32, #tpu.memory_space<vmem>> -> memref<80xi32, #tpu.memory_space<vmem>>
        %dma_start3A_324 = arith.constant 0 : i32
        %dma_start3A_325 = arith.constant 0 : i32
        %dma_start3A_326 = tpu.memref_slice %arg2[%dma_start3A_324, %dma_start3A_325] : memref<40000x32xf32, #tpu.memory_space<hbm>> -> memref<40000x32xf32, #tpu.memory_space<hbm>>
        tpu.enqueue_indirect_dma source(%dma_start3A_326 : memref<40000x32xf32, #tpu.memory_space<hbm>>) target(%arg10 : memref<80x32xf32, #tpu.memory_space<vmem>>) offsets(%dma_start3A_323 : memref<80xi32, #tpu.memory_space<vmem>>) semaphore(%arg17 : memref<!tpu.dma_semaphore, #tpu.memory_space<semaphore_mem>>)
      } else {
      }
      %mul3A_261 = arith.constant 6 : i32
      %mul3A_262 = arith.muli %scan3A_150, %mul3A_261 : i32
      %add3A_263 = arith.constant 4 : i32
      %add3A_264 = arith.addi %mul3A_262, %add3A_263 : i32
      %dma_wait3A_265 = arith.constant 0 : i32
      %dma_wait3A_266 = tpu.memref_slice %arg8[%add3A_264, %dma_wait3A_265] : memref<250x80xi32, #tpu.memory_space<vmem>> -> memref<1x80xi32, #tpu.memory_space<vmem>>
      %dma_wait3A_267 = tpu.memref_squeeze %dma_wait3A_266 : memref<1x80xi32, #tpu.memory_space<vmem>> -> memref<80xi32, #tpu.memory_space<vmem>>
      %dma_wait3A_268 = arith.constant 0 : i32
      %dma_wait3A_269 = arith.constant 0 : i32
      %dma_wait3A_270 = tpu.memref_slice %arg2[%dma_wait3A_268, %dma_wait3A_269] : memref<40000x32xf32, #tpu.memory_space<hbm>> -> memref<40000x32xf32, #tpu.memory_space<hbm>>
      tpu.wait_indirect_dma semaphore(%arg21 : memref<!tpu.dma_semaphore, #tpu.memory_space<semaphore_mem>>) src(%dma_wait3A_270 : memref<40000x32xf32, #tpu.memory_space<hbm>>) dst(%arg14 : memref<80x32xf32, #tpu.memory_space<vmem>>)
      %dma_start3A_271 = arith.constant 0 : i32
      %dma_start3A_272 = tpu.memref_slice %arg9[%add3A_264, %dma_start3A_271] : memref<250x80xi32, #tpu.memory_space<vmem>> -> memref<1x80xi32, #tpu.memory_space<vmem>>
      %dma_start3A_273 = tpu.memref_squeeze %dma_start3A_272 : memref<1x80xi32, #tpu.memory_space<vmem>> -> memref<80xi32, #tpu.memory_space<vmem>>
      %dma_start3A_274 = arith.constant 0 : i32
      %dma_start3A_275 = arith.constant 0 : i32
      %dma_start3A_276 = tpu.memref_slice %arg16[%dma_start3A_274, %dma_start3A_275] : memref<10008x32xf32, #tpu.memory_space<vmem_shared>> -> memref<10008x32xf32, #tpu.memory_space<vmem_shared>>
      tpu.enqueue_indirect_dma source(%arg14 : memref<80x32xf32, #tpu.memory_space<vmem>>) target(%dma_start3A_276 : memref<10008x32xf32, #tpu.memory_space<vmem_shared>>) offsets(%dma_start3A_273 : memref<80xi32, #tpu.memory_space<vmem>>) semaphore(%arg27 : memref<!tpu.dma_semaphore, #tpu.memory_space<semaphore_mem>>) {add = true}
      %ge3A_277 = arith.constant 3 : i32
      %ge3A_278 = arith.cmpi sge, %add3A_264, %ge3A_277 : i32
      %convert_element_type3A_279 = arith.extui %ge3A_278 : i1 to i32
      %cond3A_280 = arith.constant 0 : i32
      %cond3A_281 = arith.cmpi ne, %convert_element_type3A_279, %cond3A_280 : i32
      scf.if %cond3A_281 {
        %dma_wait3A_317 = arith.constant 0 : i32
        %dma_wait3A_318 = tpu.memref_slice %arg9[%add3A_264, %dma_wait3A_317] : memref<250x80xi32, #tpu.memory_space<vmem>> -> memref<1x80xi32, #tpu.memory_space<vmem>>
        %dma_wait3A_319 = tpu.memref_squeeze %dma_wait3A_318 : memref<1x80xi32, #tpu.memory_space<vmem>> -> memref<80xi32, #tpu.memory_space<vmem>>
        %dma_wait3A_320 = arith.constant 0 : i32
        %dma_wait3A_321 = arith.constant 0 : i32
        %dma_wait3A_322 = tpu.memref_slice %arg16[%dma_wait3A_320, %dma_wait3A_321] : memref<10008x32xf32, #tpu.memory_space<vmem_shared>> -> memref<10008x32xf32, #tpu.memory_space<vmem_shared>>
        tpu.wait_indirect_dma semaphore(%arg24 : memref<!tpu.dma_semaphore, #tpu.memory_space<semaphore_mem>>) src(%arg11 : memref<80x32xf32, #tpu.memory_space<vmem>>) dst(%dma_wait3A_322 : memref<10008x32xf32, #tpu.memory_space<vmem_shared>>)
      } else {
      }
      %add3A_282 = arith.constant 3 : i32
      %add3A_283 = arith.addi %add3A_264, %add3A_282 : i32
      %lt3A_284 = arith.constant 250 : i32
      %lt3A_285 = arith.cmpi slt, %add3A_283, %lt3A_284 : i32
      %convert_element_type3A_286 = arith.extui %lt3A_285 : i1 to i32
      %cond3A_287 = arith.constant 0 : i32
      %cond3A_288 = arith.cmpi ne, %convert_element_type3A_286, %cond3A_287 : i32
      scf.if %cond3A_288 {
        %add3A_317 = arith.constant 3 : i32
        %add3A_318 = arith.addi %add3A_264, %add3A_317 : i32
        %min3A_319 = arith.constant 249 : i32
        %min3A_320 = arith.minsi %add3A_318, %min3A_319 : i32
        %dma_start3A_321 = arith.constant 0 : i32
        %dma_start3A_322 = tpu.memref_slice %arg8[%min3A_320, %dma_start3A_321] : memref<250x80xi32, #tpu.memory_space<vmem>> -> memref<1x80xi32, #tpu.memory_space<vmem>>
        %dma_start3A_323 = tpu.memref_squeeze %dma_start3A_322 : memref<1x80xi32, #tpu.memory_space<vmem>> -> memref<80xi32, #tpu.memory_space<vmem>>
        %dma_start3A_324 = arith.constant 0 : i32
        %dma_start3A_325 = arith.constant 0 : i32
        %dma_start3A_326 = tpu.memref_slice %arg2[%dma_start3A_324, %dma_start3A_325] : memref<40000x32xf32, #tpu.memory_space<hbm>> -> memref<40000x32xf32, #tpu.memory_space<hbm>>
        tpu.enqueue_indirect_dma source(%dma_start3A_326 : memref<40000x32xf32, #tpu.memory_space<hbm>>) target(%arg11 : memref<80x32xf32, #tpu.memory_space<vmem>>) offsets(%dma_start3A_323 : memref<80xi32, #tpu.memory_space<vmem>>) semaphore(%arg18 : memref<!tpu.dma_semaphore, #tpu.memory_space<semaphore_mem>>)
      } else {
      }
      %mul3A_289 = arith.constant 6 : i32
      %mul3A_290 = arith.muli %scan3A_150, %mul3A_289 : i32
      %add3A_291 = arith.constant 5 : i32
      %add3A_292 = arith.addi %mul3A_290, %add3A_291 : i32
      %dma_wait3A_293 = arith.constant 0 : i32
      %dma_wait3A_294 = tpu.memref_slice %arg8[%add3A_292, %dma_wait3A_293] : memref<250x80xi32, #tpu.memory_space<vmem>> -> memref<1x80xi32, #tpu.memory_space<vmem>>
      %dma_wait3A_295 = tpu.memref_squeeze %dma_wait3A_294 : memref<1x80xi32, #tpu.memory_space<vmem>> -> memref<80xi32, #tpu.memory_space<vmem>>
      %dma_wait3A_296 = arith.constant 0 : i32
      %dma_wait3A_297 = arith.constant 0 : i32
      %dma_wait3A_298 = tpu.memref_slice %arg2[%dma_wait3A_296, %dma_wait3A_297] : memref<40000x32xf32, #tpu.memory_space<hbm>> -> memref<40000x32xf32, #tpu.memory_space<hbm>>
      tpu.wait_indirect_dma semaphore(%arg22 : memref<!tpu.dma_semaphore, #tpu.memory_space<semaphore_mem>>) src(%dma_wait3A_298 : memref<40000x32xf32, #tpu.memory_space<hbm>>) dst(%arg15 : memref<80x32xf32, #tpu.memory_space<vmem>>)
      %dma_start3A_299 = arith.constant 0 : i32
      %dma_start3A_300 = tpu.memref_slice %arg9[%add3A_292, %dma_start3A_299] : memref<250x80xi32, #tpu.memory_space<vmem>> -> memref<1x80xi32, #tpu.memory_space<vmem>>
      %dma_start3A_301 = tpu.memref_squeeze %dma_start3A_300 : memref<1x80xi32, #tpu.memory_space<vmem>> -> memref<80xi32, #tpu.memory_space<vmem>>
      %dma_start3A_302 = arith.constant 0 : i32
      %dma_start3A_303 = arith.constant 0 : i32
      %dma_start3A_304 = tpu.memref_slice %arg16[%dma_start3A_302, %dma_start3A_303] : memref<10008x32xf32, #tpu.memory_space<vmem_shared>> -> memref<10008x32xf32, #tpu.memory_space<vmem_shared>>
      tpu.enqueue_indirect_dma source(%arg15 : memref<80x32xf32, #tpu.memory_space<vmem>>) target(%dma_start3A_304 : memref<10008x32xf32, #tpu.memory_space<vmem_shared>>) offsets(%dma_start3A_301 : memref<80xi32, #tpu.memory_space<vmem>>) semaphore(%arg28 : memref<!tpu.dma_semaphore, #tpu.memory_space<semaphore_mem>>) {add = true}
      %ge3A_305 = arith.constant 3 : i32
      %ge3A_306 = arith.cmpi sge, %add3A_292, %ge3A_305 : i32
      %convert_element_type3A_307 = arith.extui %ge3A_306 : i1 to i32
      %cond3A_308 = arith.constant 0 : i32
      %cond3A_309 = arith.cmpi ne, %convert_element_type3A_307, %cond3A_308 : i32
      scf.if %cond3A_309 {
        %dma_wait3A_317 = arith.constant 0 : i32
        %dma_wait3A_318 = tpu.memref_slice %arg9[%add3A_292, %dma_wait3A_317] : memref<250x80xi32, #tpu.memory_space<vmem>> -> memref<1x80xi32, #tpu.memory_space<vmem>>
        %dma_wait3A_319 = tpu.memref_squeeze %dma_wait3A_318 : memref<1x80xi32, #tpu.memory_space<vmem>> -> memref<80xi32, #tpu.memory_space<vmem>>
        %dma_wait3A_320 = arith.constant 0 : i32
        %dma_wait3A_321 = arith.constant 0 : i32
        %dma_wait3A_322 = tpu.memref_slice %arg16[%dma_wait3A_320, %dma_wait3A_321] : memref<10008x32xf32, #tpu.memory_space<vmem_shared>> -> memref<10008x32xf32, #tpu.memory_space<vmem_shared>>
        tpu.wait_indirect_dma semaphore(%arg25 : memref<!tpu.dma_semaphore, #tpu.memory_space<semaphore_mem>>) src(%arg12 : memref<80x32xf32, #tpu.memory_space<vmem>>) dst(%dma_wait3A_322 : memref<10008x32xf32, #tpu.memory_space<vmem_shared>>)
      } else {
      }
      %add3A_310 = arith.constant 3 : i32
      %add3A_311 = arith.addi %add3A_292, %add3A_310 : i32
      %lt3A_312 = arith.constant 250 : i32
      %lt3A_313 = arith.cmpi slt, %add3A_311, %lt3A_312 : i32
      %convert_element_type3A_314 = arith.extui %lt3A_313 : i1 to i32
      %cond3A_315 = arith.constant 0 : i32
      %cond3A_316 = arith.cmpi ne, %convert_element_type3A_314, %cond3A_315 : i32
      scf.if %cond3A_316 {
        %add3A_317 = arith.constant 3 : i32
        %add3A_318 = arith.addi %add3A_292, %add3A_317 : i32
        %min3A_319 = arith.constant 249 : i32
        %min3A_320 = arith.minsi %add3A_318, %min3A_319 : i32
        %dma_start3A_321 = arith.constant 0 : i32
        %dma_start3A_322 = tpu.memref_slice %arg8[%min3A_320, %dma_start3A_321] : memref<250x80xi32, #tpu.memory_space<vmem>> -> memref<1x80xi32, #tpu.memory_space<vmem>>
        %dma_start3A_323 = tpu.memref_squeeze %dma_start3A_322 : memref<1x80xi32, #tpu.memory_space<vmem>> -> memref<80xi32, #tpu.memory_space<vmem>>
        %dma_start3A_324 = arith.constant 0 : i32
        %dma_start3A_325 = arith.constant 0 : i32
        %dma_start3A_326 = tpu.memref_slice %arg2[%dma_start3A_324, %dma_start3A_325] : memref<40000x32xf32, #tpu.memory_space<hbm>> -> memref<40000x32xf32, #tpu.memory_space<hbm>>
        tpu.enqueue_indirect_dma source(%dma_start3A_326 : memref<40000x32xf32, #tpu.memory_space<hbm>>) target(%arg12 : memref<80x32xf32, #tpu.memory_space<vmem>>) offsets(%dma_start3A_323 : memref<80xi32, #tpu.memory_space<vmem>>) semaphore(%arg19 : memref<!tpu.dma_semaphore, #tpu.memory_space<semaphore_mem>>)
      } else {
      }
    }
    %scan3A_28 = arith.constant 41 : i32
    %dma_wait3A = arith.constant 246 : i32
    %dma_wait3A_29 = arith.constant 0 : i32
    %dma_wait3A_30 = tpu.memref_slice %arg8[%dma_wait3A, %dma_wait3A_29] : memref<250x80xi32, #tpu.memory_space<vmem>> -> memref<1x80xi32, #tpu.memory_space<vmem>>
    %dma_wait3A_31 = tpu.memref_squeeze %dma_wait3A_30 : memref<1x80xi32, #tpu.memory_space<vmem>> -> memref<80xi32, #tpu.memory_space<vmem>>
    %dma_wait3A_32 = arith.constant 0 : i32
    %dma_wait3A_33 = arith.constant 0 : i32
    %dma_wait3A_34 = tpu.memref_slice %arg2[%dma_wait3A_32, %dma_wait3A_33] : memref<40000x32xf32, #tpu.memory_space<hbm>> -> memref<40000x32xf32, #tpu.memory_space<hbm>>
    tpu.wait_indirect_dma semaphore(%arg17 : memref<!tpu.dma_semaphore, #tpu.memory_space<semaphore_mem>>) src(%dma_wait3A_34 : memref<40000x32xf32, #tpu.memory_space<hbm>>) dst(%arg10 : memref<80x32xf32, #tpu.memory_space<vmem>>)
    %dma_start3A_35 = arith.constant 246 : i32
    %dma_start3A_36 = arith.constant 0 : i32
    %dma_start3A_37 = tpu.memref_slice %arg9[%dma_start3A_35, %dma_start3A_36] : memref<250x80xi32, #tpu.memory_space<vmem>> -> memref<1x80xi32, #tpu.memory_space<vmem>>
    %dma_start3A_38 = tpu.memref_squeeze %dma_start3A_37 : memref<1x80xi32, #tpu.memory_space<vmem>> -> memref<80xi32, #tpu.memory_space<vmem>>
    %dma_start3A_39 = arith.constant 0 : i32
    %dma_start3A_40 = arith.constant 0 : i32
    %dma_start3A_41 = tpu.memref_slice %arg16[%dma_start3A_39, %dma_start3A_40] : memref<10008x32xf32, #tpu.memory_space<vmem_shared>> -> memref<10008x32xf32, #tpu.memory_space<vmem_shared>>
    tpu.enqueue_indirect_dma source(%arg10 : memref<80x32xf32, #tpu.memory_space<vmem>>) target(%dma_start3A_41 : memref<10008x32xf32, #tpu.memory_space<vmem_shared>>) offsets(%dma_start3A_38 : memref<80xi32, #tpu.memory_space<vmem>>) semaphore(%arg23 : memref<!tpu.dma_semaphore, #tpu.memory_space<semaphore_mem>>) {add = true}
    %dma_wait3A_42 = arith.constant 246 : i32
    %dma_wait3A_43 = arith.constant 0 : i32
    %dma_wait3A_44 = tpu.memref_slice %arg9[%dma_wait3A_42, %dma_wait3A_43] : memref<250x80xi32, #tpu.memory_space<vmem>> -> memref<1x80xi32, #tpu.memory_space<vmem>>
    %dma_wait3A_45 = tpu.memref_squeeze %dma_wait3A_44 : memref<1x80xi32, #tpu.memory_space<vmem>> -> memref<80xi32, #tpu.memory_space<vmem>>
    %dma_wait3A_46 = arith.constant 0 : i32
    %dma_wait3A_47 = arith.constant 0 : i32
    %dma_wait3A_48 = tpu.memref_slice %arg16[%dma_wait3A_46, %dma_wait3A_47] : memref<10008x32xf32, #tpu.memory_space<vmem_shared>> -> memref<10008x32xf32, #tpu.memory_space<vmem_shared>>
    tpu.wait_indirect_dma semaphore(%arg26 : memref<!tpu.dma_semaphore, #tpu.memory_space<semaphore_mem>>) src(%arg13 : memref<80x32xf32, #tpu.memory_space<vmem>>) dst(%dma_wait3A_48 : memref<10008x32xf32, #tpu.memory_space<vmem_shared>>)
    %min3A_49 = arith.constant 249 : i32
    %min3A_50 = arith.constant 249 : i32
    %min3A_51 = arith.minsi %min3A_49, %min3A_50 : i32
    %dma_start3A_52 = arith.constant 0 : i32
    %dma_start3A_53 = tpu.memref_slice %arg8[%min3A_51, %dma_start3A_52] : memref<250x80xi32, #tpu.memory_space<vmem>> -> memref<1x80xi32, #tpu.memory_space<vmem>>
    %dma_start3A_54 = tpu.memref_squeeze %dma_start3A_53 : memref<1x80xi32, #tpu.memory_space<vmem>> -> memref<80xi32, #tpu.memory_space<vmem>>
    %dma_start3A_55 = arith.constant 0 : i32
    %dma_start3A_56 = arith.constant 0 : i32
    %dma_start3A_57 = tpu.memref_slice %arg2[%dma_start3A_55, %dma_start3A_56] : memref<40000x32xf32, #tpu.memory_space<hbm>> -> memref<40000x32xf32, #tpu.memory_space<hbm>>
    tpu.enqueue_indirect_dma source(%dma_start3A_57 : memref<40000x32xf32, #tpu.memory_space<hbm>>) target(%arg13 : memref<80x32xf32, #tpu.memory_space<vmem>>) offsets(%dma_start3A_54 : memref<80xi32, #tpu.memory_space<vmem>>) semaphore(%arg20 : memref<!tpu.dma_semaphore, #tpu.memory_space<semaphore_mem>>)
    %dma_wait3A_58 = arith.constant 247 : i32
    %dma_wait3A_59 = arith.constant 0 : i32
    %dma_wait3A_60 = tpu.memref_slice %arg8[%dma_wait3A_58, %dma_wait3A_59] : memref<250x80xi32, #tpu.memory_space<vmem>> -> memref<1x80xi32, #tpu.memory_space<vmem>>
    %dma_wait3A_61 = tpu.memref_squeeze %dma_wait3A_60 : memref<1x80xi32, #tpu.memory_space<vmem>> -> memref<80xi32, #tpu.memory_space<vmem>>
    %dma_wait3A_62 = arith.constant 0 : i32
    %dma_wait3A_63 = arith.constant 0 : i32
    %dma_wait3A_64 = tpu.memref_slice %arg2[%dma_wait3A_62, %dma_wait3A_63] : memref<40000x32xf32, #tpu.memory_space<hbm>> -> memref<40000x32xf32, #tpu.memory_space<hbm>>
    tpu.wait_indirect_dma semaphore(%arg18 : memref<!tpu.dma_semaphore, #tpu.memory_space<semaphore_mem>>) src(%dma_wait3A_64 : memref<40000x32xf32, #tpu.memory_space<hbm>>) dst(%arg11 : memref<80x32xf32, #tpu.memory_space<vmem>>)
    %dma_start3A_65 = arith.constant 247 : i32
    %dma_start3A_66 = arith.constant 0 : i32
    %dma_start3A_67 = tpu.memref_slice %arg9[%dma_start3A_65, %dma_start3A_66] : memref<250x80xi32, #tpu.memory_space<vmem>> -> memref<1x80xi32, #tpu.memory_space<vmem>>
    %dma_start3A_68 = tpu.memref_squeeze %dma_start3A_67 : memref<1x80xi32, #tpu.memory_space<vmem>> -> memref<80xi32, #tpu.memory_space<vmem>>
    %dma_start3A_69 = arith.constant 0 : i32
    %dma_start3A_70 = arith.constant 0 : i32
    %dma_start3A_71 = tpu.memref_slice %arg16[%dma_start3A_69, %dma_start3A_70] : memref<10008x32xf32, #tpu.memory_space<vmem_shared>> -> memref<10008x32xf32, #tpu.memory_space<vmem_shared>>
    tpu.enqueue_indirect_dma source(%arg11 : memref<80x32xf32, #tpu.memory_space<vmem>>) target(%dma_start3A_71 : memref<10008x32xf32, #tpu.memory_space<vmem_shared>>) offsets(%dma_start3A_68 : memref<80xi32, #tpu.memory_space<vmem>>) semaphore(%arg24 : memref<!tpu.dma_semaphore, #tpu.memory_space<semaphore_mem>>) {add = true}
    %dma_wait3A_72 = arith.constant 247 : i32
    %dma_wait3A_73 = arith.constant 0 : i32
    %dma_wait3A_74 = tpu.memref_slice %arg9[%dma_wait3A_72, %dma_wait3A_73] : memref<250x80xi32, #tpu.memory_space<vmem>> -> memref<1x80xi32, #tpu.memory_space<vmem>>
    %dma_wait3A_75 = tpu.memref_squeeze %dma_wait3A_74 : memref<1x80xi32, #tpu.memory_space<vmem>> -> memref<80xi32, #tpu.memory_space<vmem>>
    %dma_wait3A_76 = arith.constant 0 : i32
    %dma_wait3A_77 = arith.constant 0 : i32
    %dma_wait3A_78 = tpu.memref_slice %arg16[%dma_wait3A_76, %dma_wait3A_77] : memref<10008x32xf32, #tpu.memory_space<vmem_shared>> -> memref<10008x32xf32, #tpu.memory_space<vmem_shared>>
    tpu.wait_indirect_dma semaphore(%arg27 : memref<!tpu.dma_semaphore, #tpu.memory_space<semaphore_mem>>) src(%arg14 : memref<80x32xf32, #tpu.memory_space<vmem>>) dst(%dma_wait3A_78 : memref<10008x32xf32, #tpu.memory_space<vmem_shared>>)
    %dma_wait3A_79 = arith.constant 248 : i32
    %dma_wait3A_80 = arith.constant 0 : i32
    %dma_wait3A_81 = tpu.memref_slice %arg8[%dma_wait3A_79, %dma_wait3A_80] : memref<250x80xi32, #tpu.memory_space<vmem>> -> memref<1x80xi32, #tpu.memory_space<vmem>>
    %dma_wait3A_82 = tpu.memref_squeeze %dma_wait3A_81 : memref<1x80xi32, #tpu.memory_space<vmem>> -> memref<80xi32, #tpu.memory_space<vmem>>
    %dma_wait3A_83 = arith.constant 0 : i32
    %dma_wait3A_84 = arith.constant 0 : i32
    %dma_wait3A_85 = tpu.memref_slice %arg2[%dma_wait3A_83, %dma_wait3A_84] : memref<40000x32xf32, #tpu.memory_space<hbm>> -> memref<40000x32xf32, #tpu.memory_space<hbm>>
    tpu.wait_indirect_dma semaphore(%arg19 : memref<!tpu.dma_semaphore, #tpu.memory_space<semaphore_mem>>) src(%dma_wait3A_85 : memref<40000x32xf32, #tpu.memory_space<hbm>>) dst(%arg12 : memref<80x32xf32, #tpu.memory_space<vmem>>)
    %dma_start3A_86 = arith.constant 248 : i32
    %dma_start3A_87 = arith.constant 0 : i32
    %dma_start3A_88 = tpu.memref_slice %arg9[%dma_start3A_86, %dma_start3A_87] : memref<250x80xi32, #tpu.memory_space<vmem>> -> memref<1x80xi32, #tpu.memory_space<vmem>>
    %dma_start3A_89 = tpu.memref_squeeze %dma_start3A_88 : memref<1x80xi32, #tpu.memory_space<vmem>> -> memref<80xi32, #tpu.memory_space<vmem>>
    %dma_start3A_90 = arith.constant 0 : i32
    %dma_start3A_91 = arith.constant 0 : i32
    %dma_start3A_92 = tpu.memref_slice %arg16[%dma_start3A_90, %dma_start3A_91] : memref<10008x32xf32, #tpu.memory_space<vmem_shared>> -> memref<10008x32xf32, #tpu.memory_space<vmem_shared>>
    tpu.enqueue_indirect_dma source(%arg12 : memref<80x32xf32, #tpu.memory_space<vmem>>) target(%dma_start3A_92 : memref<10008x32xf32, #tpu.memory_space<vmem_shared>>) offsets(%dma_start3A_89 : memref<80xi32, #tpu.memory_space<vmem>>) semaphore(%arg25 : memref<!tpu.dma_semaphore, #tpu.memory_space<semaphore_mem>>) {add = true}
    %dma_wait3A_93 = arith.constant 248 : i32
    %dma_wait3A_94 = arith.constant 0 : i32
    %dma_wait3A_95 = tpu.memref_slice %arg9[%dma_wait3A_93, %dma_wait3A_94] : memref<250x80xi32, #tpu.memory_space<vmem>> -> memref<1x80xi32, #tpu.memory_space<vmem>>
    %dma_wait3A_96 = tpu.memref_squeeze %dma_wait3A_95 : memref<1x80xi32, #tpu.memory_space<vmem>> -> memref<80xi32, #tpu.memory_space<vmem>>
    %dma_wait3A_97 = arith.constant 0 : i32
    %dma_wait3A_98 = arith.constant 0 : i32
    %dma_wait3A_99 = tpu.memref_slice %arg16[%dma_wait3A_97, %dma_wait3A_98] : memref<10008x32xf32, #tpu.memory_space<vmem_shared>> -> memref<10008x32xf32, #tpu.memory_space<vmem_shared>>
    tpu.wait_indirect_dma semaphore(%arg28 : memref<!tpu.dma_semaphore, #tpu.memory_space<semaphore_mem>>) src(%arg15 : memref<80x32xf32, #tpu.memory_space<vmem>>) dst(%dma_wait3A_99 : memref<10008x32xf32, #tpu.memory_space<vmem_shared>>)
    %dma_wait3A_100 = arith.constant 249 : i32
    %dma_wait3A_101 = arith.constant 0 : i32
    %dma_wait3A_102 = tpu.memref_slice %arg8[%dma_wait3A_100, %dma_wait3A_101] : memref<250x80xi32, #tpu.memory_space<vmem>> -> memref<1x80xi32, #tpu.memory_space<vmem>>
    %dma_wait3A_103 = tpu.memref_squeeze %dma_wait3A_102 : memref<1x80xi32, #tpu.memory_space<vmem>> -> memref<80xi32, #tpu.memory_space<vmem>>
    %dma_wait3A_104 = arith.constant 0 : i32
    %dma_wait3A_105 = arith.constant 0 : i32
    %dma_wait3A_106 = tpu.memref_slice %arg2[%dma_wait3A_104, %dma_wait3A_105] : memref<40000x32xf32, #tpu.memory_space<hbm>> -> memref<40000x32xf32, #tpu.memory_space<hbm>>
    tpu.wait_indirect_dma semaphore(%arg20 : memref<!tpu.dma_semaphore, #tpu.memory_space<semaphore_mem>>) src(%dma_wait3A_106 : memref<40000x32xf32, #tpu.memory_space<hbm>>) dst(%arg13 : memref<80x32xf32, #tpu.memory_space<vmem>>)
    %dma_start3A_107 = arith.constant 249 : i32
    %dma_start3A_108 = arith.constant 0 : i32
    %dma_start3A_109 = tpu.memref_slice %arg9[%dma_start3A_107, %dma_start3A_108] : memref<250x80xi32, #tpu.memory_space<vmem>> -> memref<1x80xi32, #tpu.memory_space<vmem>>
    %dma_start3A_110 = tpu.memref_squeeze %dma_start3A_109 : memref<1x80xi32, #tpu.memory_space<vmem>> -> memref<80xi32, #tpu.memory_space<vmem>>
    %dma_start3A_111 = arith.constant 0 : i32
    %dma_start3A_112 = arith.constant 0 : i32
    %dma_start3A_113 = tpu.memref_slice %arg16[%dma_start3A_111, %dma_start3A_112] : memref<10008x32xf32, #tpu.memory_space<vmem_shared>> -> memref<10008x32xf32, #tpu.memory_space<vmem_shared>>
    tpu.enqueue_indirect_dma source(%arg13 : memref<80x32xf32, #tpu.memory_space<vmem>>) target(%dma_start3A_113 : memref<10008x32xf32, #tpu.memory_space<vmem_shared>>) offsets(%dma_start3A_110 : memref<80xi32, #tpu.memory_space<vmem>>) semaphore(%arg26 : memref<!tpu.dma_semaphore, #tpu.memory_space<semaphore_mem>>) {add = true}
    %dma_wait3A_114 = arith.constant 249 : i32
    %dma_wait3A_115 = arith.constant 0 : i32
    %dma_wait3A_116 = tpu.memref_slice %arg9[%dma_wait3A_114, %dma_wait3A_115] : memref<250x80xi32, #tpu.memory_space<vmem>> -> memref<1x80xi32, #tpu.memory_space<vmem>>
    %dma_wait3A_117 = tpu.memref_squeeze %dma_wait3A_116 : memref<1x80xi32, #tpu.memory_space<vmem>> -> memref<80xi32, #tpu.memory_space<vmem>>
    %dma_wait3A_118 = arith.constant 0 : i32
    %dma_wait3A_119 = arith.constant 0 : i32
    %dma_wait3A_120 = tpu.memref_slice %arg16[%dma_wait3A_118, %dma_wait3A_119] : memref<10008x32xf32, #tpu.memory_space<vmem_shared>> -> memref<10008x32xf32, #tpu.memory_space<vmem_shared>>
    tpu.wait_indirect_dma semaphore(%arg23 : memref<!tpu.dma_semaphore, #tpu.memory_space<semaphore_mem>>) src(%arg10 : memref<80x32xf32, #tpu.memory_space<vmem>>) dst(%dma_wait3A_120 : memref<10008x32xf32, #tpu.memory_space<vmem_shared>>)
    %dma_wait3A_121 = arith.constant 0 : i32
    %dma_wait3A_122 = arith.constant 0 : i32
    %dma_wait3A_123 = tpu.memref_slice %arg9[%dma_wait3A_121, %dma_wait3A_122] : memref<250x80xi32, #tpu.memory_space<vmem>> -> memref<1x80xi32, #tpu.memory_space<vmem>>
    %dma_wait3A_124 = tpu.memref_squeeze %dma_wait3A_123 : memref<1x80xi32, #tpu.memory_space<vmem>> -> memref<80xi32, #tpu.memory_space<vmem>>
    %dma_wait3A_125 = arith.constant 0 : i32
    %dma_wait3A_126 = arith.constant 0 : i32
    %dma_wait3A_127 = tpu.memref_slice %arg16[%dma_wait3A_125, %dma_wait3A_126] : memref<10008x32xf32, #tpu.memory_space<vmem_shared>> -> memref<10008x32xf32, #tpu.memory_space<vmem_shared>>
    tpu.wait_indirect_dma semaphore(%arg24 : memref<!tpu.dma_semaphore, #tpu.memory_space<semaphore_mem>>) src(%arg11 : memref<80x32xf32, #tpu.memory_space<vmem>>) dst(%dma_wait3A_127 : memref<10008x32xf32, #tpu.memory_space<vmem_shared>>)
    %dma_wait3A_128 = arith.constant 0 : i32
    %dma_wait3A_129 = arith.constant 0 : i32
    %dma_wait3A_130 = tpu.memref_slice %arg9[%dma_wait3A_128, %dma_wait3A_129] : memref<250x80xi32, #tpu.memory_space<vmem>> -> memref<1x80xi32, #tpu.memory_space<vmem>>
    %dma_wait3A_131 = tpu.memref_squeeze %dma_wait3A_130 : memref<1x80xi32, #tpu.memory_space<vmem>> -> memref<80xi32, #tpu.memory_space<vmem>>
    %dma_wait3A_132 = arith.constant 0 : i32
    %dma_wait3A_133 = arith.constant 0 : i32
    %dma_wait3A_134 = tpu.memref_slice %arg16[%dma_wait3A_132, %dma_wait3A_133] : memref<10008x32xf32, #tpu.memory_space<vmem_shared>> -> memref<10008x32xf32, #tpu.memory_space<vmem_shared>>
    tpu.wait_indirect_dma semaphore(%arg25 : memref<!tpu.dma_semaphore, #tpu.memory_space<semaphore_mem>>) src(%arg12 : memref<80x32xf32, #tpu.memory_space<vmem>>) dst(%dma_wait3A_134 : memref<10008x32xf32, #tpu.memory_space<vmem_shared>>)
    %dma_wait3A_135 = arith.constant 0 : i32
    %dma_wait3A_136 = arith.constant 0 : i32
    %dma_wait3A_137 = tpu.memref_slice %arg9[%dma_wait3A_135, %dma_wait3A_136] : memref<250x80xi32, #tpu.memory_space<vmem>> -> memref<1x80xi32, #tpu.memory_space<vmem>>
    %dma_wait3A_138 = tpu.memref_squeeze %dma_wait3A_137 : memref<1x80xi32, #tpu.memory_space<vmem>> -> memref<80xi32, #tpu.memory_space<vmem>>
    %dma_wait3A_139 = arith.constant 0 : i32
    %dma_wait3A_140 = arith.constant 0 : i32
    %dma_wait3A_141 = tpu.memref_slice %arg16[%dma_wait3A_139, %dma_wait3A_140] : memref<10008x32xf32, #tpu.memory_space<vmem_shared>> -> memref<10008x32xf32, #tpu.memory_space<vmem_shared>>
    tpu.wait_indirect_dma semaphore(%arg26 : memref<!tpu.dma_semaphore, #tpu.memory_space<semaphore_mem>>) src(%arg13 : memref<80x32xf32, #tpu.memory_space<vmem>>) dst(%dma_wait3A_141 : memref<10008x32xf32, #tpu.memory_space<vmem_shared>>)
    %barrier3A_142 = arith.constant 0 : index
    tpu.barrier barrier_id(%barrier3A_142)
    %eq3A = arith.constant 0 : i32
    %eq3A_143 = arith.cmpi eq, %arg0, %eq3A : i32
    %convert_element_type3A = arith.extui %eq3A_143 : i1 to i32
    %cond3A = arith.constant 0 : i32
    %cond3A_144 = arith.cmpi ne, %convert_element_type3A, %cond3A : i32
    scf.if %cond3A_144 {
      "tpu.region"() ({
        %run_scoped3A = tpu.sem_alloc : memref<!tpu.dma_semaphore, #tpu.memory_space<semaphore_mem>>
        %dma_start3A_150 = arith.constant 0 : i32
        %dma_start3A_151 = tpu.memref_slice %arg7[%multiple_of3A, %dma_start3A_150] : memref<10008x128xf32, #tpu.memory_space<hbm>> -> memref<632x32xf32, #tpu.memory_space<hbm>>
        %dma_start3A_152 = arith.constant 0 : i32
        %dma_start3A_153 = tpu.memref_slice %arg16[%multiple_of3A, %dma_start3A_152] : memref<10008x32xf32, #tpu.memory_space<vmem_shared>> -> memref<632x32xf32, #tpu.memory_space<vmem_shared>>
        tpu.enqueue_dma source(%dma_start3A_153 : memref<632x32xf32, #tpu.memory_space<vmem_shared>>) target(%dma_start3A_151 : memref<632x32xf32, #tpu.memory_space<hbm>>) target_semaphore(%run_scoped3A : memref<!tpu.dma_semaphore, #tpu.memory_space<semaphore_mem>>)
        %dma_wait3A_154 = arith.constant 0 : i32
        %dma_wait3A_155 = tpu.memref_slice %arg7[%multiple_of3A, %dma_wait3A_154] : memref<10008x128xf32, #tpu.memory_space<hbm>> -> memref<632x32xf32, #tpu.memory_space<hbm>>
        %dma_wait3A_156 = arith.constant 0 : i32
        %dma_wait3A_157 = tpu.memref_slice %arg16[%multiple_of3A, %dma_wait3A_156] : memref<10008x32xf32, #tpu.memory_space<vmem_shared>> -> memref<632x32xf32, #tpu.memory_space<vmem_shared>>
        tpu.wait_dma2 semaphore(%run_scoped3A : memref<!tpu.dma_semaphore, #tpu.memory_space<semaphore_mem>>) src(%dma_wait3A_157 : memref<632x32xf32, #tpu.memory_space<vmem_shared>>) dst(%dma_wait3A_155 : memref<632x32xf32, #tpu.memory_space<hbm>>)
        tpu.yield
      }) : () -> ()
    } else {
    }
    %eq3A_145 = arith.constant 1 : i32
    %eq3A_146 = arith.cmpi eq, %arg0, %eq3A_145 : i32
    %convert_element_type3A_147 = arith.extui %eq3A_146 : i1 to i32
    %cond3A_148 = arith.constant 0 : i32
    %cond3A_149 = arith.cmpi ne, %convert_element_type3A_147, %cond3A_148 : i32
    scf.if %cond3A_149 {
      "tpu.region"() ({
        %run_scoped3A = tpu.sem_alloc : memref<!tpu.dma_semaphore, #tpu.memory_space<semaphore_mem>>
        %dma_start3A_150 = arith.constant 32 : i32
        %dma_start3A_151 = tpu.memref_slice %arg7[%multiple_of3A, %dma_start3A_150] : memref<10008x128xf32, #tpu.memory_space<hbm>> -> memref<632x32xf32, #tpu.memory_space<hbm>>
        %dma_start3A_152 = arith.constant 0 : i32
        %dma_start3A_153 = tpu.memref_slice %arg16[%multiple_of3A, %dma_start3A_152] : memref<10008x32xf32, #tpu.memory_space<vmem_shared>> -> memref<632x32xf32, #tpu.memory_space<vmem_shared>>
        tpu.enqueue_dma source(%dma_start3A_153 : memref<632x32xf32, #tpu.memory_space<vmem_shared>>) target(%dma_start3A_151 : memref<632x32xf32, #tpu.memory_space<hbm>>) target_semaphore(%run_scoped3A : memref<!tpu.dma_semaphore, #tpu.memory_space<semaphore_mem>>)
        %dma_wait3A_154 = arith.constant 32 : i32
        %dma_wait3A_155 = tpu.memref_slice %arg7[%multiple_of3A, %dma_wait3A_154] : memref<10008x128xf32, #tpu.memory_space<hbm>> -> memref<632x32xf32, #tpu.memory_space<hbm>>
        %dma_wait3A_156 = arith.constant 0 : i32
        %dma_wait3A_157 = tpu.memref_slice %arg16[%multiple_of3A, %dma_wait3A_156] : memref<10008x32xf32, #tpu.memory_space<vmem_shared>> -> memref<632x32xf32, #tpu.memory_space<vmem_shared>>
        tpu.wait_dma2 semaphore(%run_scoped3A : memref<!tpu.dma_semaphore, #tpu.memory_space<semaphore_mem>>) src(%dma_wait3A_157 : memref<632x32xf32, #tpu.memory_space<vmem_shared>>) dst(%dma_wait3A_155 : memref<632x32xf32, #tpu.memory_space<hbm>>)
        tpu.yield
      }) : () -> ()
    } else {
    }
    return
  }
}

#map = affine_map<(d0, d1) -> (0, 0)>
#map1 = affine_map<(d0, d1) -> (0, 0, 0)>
module attributes {stable_mosaic.version = 14 : i64} {
  func.func @body(%arg0: i32, %arg1: i32, %arg2: memref<20000x64xf32, #tpu.memory_space<hbm>>, %arg3: memref<32x250x80xi32, #tpu.memory_space<hbm>>, %arg4: memref<16x250x80xi32, #tpu.memory_space<hbm>>, %arg5: memref<10008x64xf32, #tpu.memory_space<hbm>>, %arg6: memref<10008x16xf32, #tpu.memory_space<hbm>>, %arg7: memref<10008x128xf32, #tpu.memory_space<hbm>>, %arg8: memref<250x80xi32, #tpu.memory_space<vmem>>, %arg9: memref<250x80xi32, #tpu.memory_space<vmem>>, %arg10: memref<80x64xf32, #tpu.memory_space<vmem>>, %arg11: memref<80x64xf32, #tpu.memory_space<vmem>>, %arg12: memref<80x64xf32, #tpu.memory_space<vmem>>, %arg13: memref<80x64xf32, #tpu.memory_space<vmem>>, %arg14: memref<80x64xf32, #tpu.memory_space<vmem>>, %arg15: memref<80x64xf32, #tpu.memory_space<vmem>>, %arg16: memref<10008x64xf32, #tpu.memory_space<vmem_shared>>, %arg17: memref<!tpu.dma_semaphore, #tpu.memory_space<semaphore_mem>>, %arg18: memref<!tpu.dma_semaphore, #tpu.memory_space<semaphore_mem>>, %arg19: memref<!tpu.dma_semaphore, #tpu.memory_space<semaphore_mem>>, %arg20: memref<!tpu.dma_semaphore, #tpu.memory_space<semaphore_mem>>, %arg21: memref<!tpu.dma_semaphore, #tpu.memory_space<semaphore_mem>>, %arg22: memref<!tpu.dma_semaphore, #tpu.memory_space<semaphore_mem>>, %arg23: memref<!tpu.dma_semaphore, #tpu.memory_space<semaphore_mem>>, %arg24: memref<!tpu.dma_semaphore, #tpu.memory_space<semaphore_mem>>, %arg25: memref<!tpu.dma_semaphore, #tpu.memory_space<semaphore_mem>>, %arg26: memref<!tpu.dma_semaphore, #tpu.memory_space<semaphore_mem>>, %arg27: memref<!tpu.dma_semaphore, #tpu.memory_space<semaphore_mem>>, %arg28: memref<!tpu.dma_semaphore, #tpu.memory_space<semaphore_mem>>, %arg29: memref<!tpu.dma_semaphore, #tpu.memory_space<semaphore_mem>>) attributes {dimension_semantics = [#tpu.dimension_semantics<core_parallel>, #tpu.dimension_semantics<subcore_parallel>], iteration_bounds = array<i64: 2, 16>, scalar_prefetch = 0 : i64, scratch_operands = 22 : i64, tpu.core_type = #tpu.core_type<sc_vector_subcore>, window_params = [{transform_indices = #map}, {transform_indices = #map1}, {transform_indices = #map1}, {transform_indices = #map}, {transform_indices = #map}, {transform_indices = #map}]} {
    %mul3A = arith.constant 16 : i32
    %mul3A_0 = arith.muli %arg0, %mul3A : i32
    %add3A = arith.addi %mul3A_0, %arg1 : i32
    "tpu.region"() ({
      %run_scoped3A = tpu.sem_alloc : memref<!tpu.dma_semaphore, #tpu.memory_space<semaphore_mem>>
      %dma_start3A_150 = arith.constant 0 : i32
      %dma_start3A_151 = arith.constant 0 : i32
      %dma_start3A_152 = tpu.memref_slice %arg3[%add3A, %dma_start3A_150, %dma_start3A_151] : memref<32x250x80xi32, #tpu.memory_space<hbm>> -> memref<1x250x80xi32, #tpu.memory_space<hbm>>
      %dma_start3A_153 = tpu.memref_squeeze %dma_start3A_152 : memref<1x250x80xi32, #tpu.memory_space<hbm>> -> memref<250x80xi32, #tpu.memory_space<hbm>>
      %dma_start3A_154 = arith.constant 0 : i32
      %dma_start3A_155 = arith.constant 0 : i32
      %dma_start3A_156 = tpu.memref_slice %arg3[%add3A, %dma_start3A_154, %dma_start3A_155] : memref<32x250x80xi32, #tpu.memory_space<hbm>> -> memref<1x250x80xi32, #tpu.memory_space<hbm>>
      %dma_start3A_157 = tpu.memref_squeeze %dma_start3A_156 : memref<1x250x80xi32, #tpu.memory_space<hbm>> -> memref<250x80xi32, #tpu.memory_space<hbm>>
      tpu.enqueue_dma source(%dma_start3A_157 : memref<250x80xi32, #tpu.memory_space<hbm>>) target(%arg8 : memref<250x80xi32, #tpu.memory_space<vmem>>) target_semaphore(%run_scoped3A : memref<!tpu.dma_semaphore, #tpu.memory_space<semaphore_mem>>)
      %dma_wait3A_158 = arith.constant 0 : i32
      %dma_wait3A_159 = arith.constant 0 : i32
      %dma_wait3A_160 = tpu.memref_slice %arg3[%add3A, %dma_wait3A_158, %dma_wait3A_159] : memref<32x250x80xi32, #tpu.memory_space<hbm>> -> memref<1x250x80xi32, #tpu.memory_space<hbm>>
      %dma_wait3A_161 = tpu.memref_squeeze %dma_wait3A_160 : memref<1x250x80xi32, #tpu.memory_space<hbm>> -> memref<250x80xi32, #tpu.memory_space<hbm>>
      %dma_wait3A_162 = arith.constant 0 : i32
      %dma_wait3A_163 = arith.constant 0 : i32
      %dma_wait3A_164 = tpu.memref_slice %arg3[%add3A, %dma_wait3A_162, %dma_wait3A_163] : memref<32x250x80xi32, #tpu.memory_space<hbm>> -> memref<1x250x80xi32, #tpu.memory_space<hbm>>
      %dma_wait3A_165 = tpu.memref_squeeze %dma_wait3A_164 : memref<1x250x80xi32, #tpu.memory_space<hbm>> -> memref<250x80xi32, #tpu.memory_space<hbm>>
      tpu.wait_dma2 semaphore(%run_scoped3A : memref<!tpu.dma_semaphore, #tpu.memory_space<semaphore_mem>>) src(%dma_wait3A_165 : memref<250x80xi32, #tpu.memory_space<hbm>>) dst(%arg8 : memref<250x80xi32, #tpu.memory_space<vmem>>)
      tpu.yield
    }) : () -> ()
    "tpu.region"() ({
      %run_scoped3A = tpu.sem_alloc : memref<!tpu.dma_semaphore, #tpu.memory_space<semaphore_mem>>
      %dma_start3A_150 = arith.constant 0 : i32
      %dma_start3A_151 = arith.constant 0 : i32
      %dma_start3A_152 = tpu.memref_slice %arg4[%arg1, %dma_start3A_150, %dma_start3A_151] : memref<16x250x80xi32, #tpu.memory_space<hbm>> -> memref<1x250x80xi32, #tpu.memory_space<hbm>>
      %dma_start3A_153 = tpu.memref_squeeze %dma_start3A_152 : memref<1x250x80xi32, #tpu.memory_space<hbm>> -> memref<250x80xi32, #tpu.memory_space<hbm>>
      %dma_start3A_154 = arith.constant 0 : i32
      %dma_start3A_155 = arith.constant 0 : i32
      %dma_start3A_156 = tpu.memref_slice %arg4[%arg1, %dma_start3A_154, %dma_start3A_155] : memref<16x250x80xi32, #tpu.memory_space<hbm>> -> memref<1x250x80xi32, #tpu.memory_space<hbm>>
      %dma_start3A_157 = tpu.memref_squeeze %dma_start3A_156 : memref<1x250x80xi32, #tpu.memory_space<hbm>> -> memref<250x80xi32, #tpu.memory_space<hbm>>
      tpu.enqueue_dma source(%dma_start3A_157 : memref<250x80xi32, #tpu.memory_space<hbm>>) target(%arg9 : memref<250x80xi32, #tpu.memory_space<vmem>>) target_semaphore(%run_scoped3A : memref<!tpu.dma_semaphore, #tpu.memory_space<semaphore_mem>>)
      %dma_wait3A_158 = arith.constant 0 : i32
      %dma_wait3A_159 = arith.constant 0 : i32
      %dma_wait3A_160 = tpu.memref_slice %arg4[%arg1, %dma_wait3A_158, %dma_wait3A_159] : memref<16x250x80xi32, #tpu.memory_space<hbm>> -> memref<1x250x80xi32, #tpu.memory_space<hbm>>
      %dma_wait3A_161 = tpu.memref_squeeze %dma_wait3A_160 : memref<1x250x80xi32, #tpu.memory_space<hbm>> -> memref<250x80xi32, #tpu.memory_space<hbm>>
      %dma_wait3A_162 = arith.constant 0 : i32
      %dma_wait3A_163 = arith.constant 0 : i32
      %dma_wait3A_164 = tpu.memref_slice %arg4[%arg1, %dma_wait3A_162, %dma_wait3A_163] : memref<16x250x80xi32, #tpu.memory_space<hbm>> -> memref<1x250x80xi32, #tpu.memory_space<hbm>>
      %dma_wait3A_165 = tpu.memref_squeeze %dma_wait3A_164 : memref<1x250x80xi32, #tpu.memory_space<hbm>> -> memref<250x80xi32, #tpu.memory_space<hbm>>
      tpu.wait_dma2 semaphore(%run_scoped3A : memref<!tpu.dma_semaphore, #tpu.memory_space<semaphore_mem>>) src(%dma_wait3A_165 : memref<250x80xi32, #tpu.memory_space<hbm>>) dst(%arg9 : memref<250x80xi32, #tpu.memory_space<vmem>>)
      tpu.yield
    }) : () -> ()
    %mul3A_1 = arith.constant 632 : i32
    %mul3A_2 = arith.muli %arg1, %mul3A_1 : i32
    %min3A = arith.constant 9376 : i32
    %min3A_3 = arith.minsi %mul3A_2, %min3A : i32
    %multiple_of3A = tpu.assume_multiple %min3A_3, 8 : i32
    "tpu.region"() ({
      %run_scoped3A = tpu.sem_alloc : memref<!tpu.dma_semaphore, #tpu.memory_space<semaphore_mem>>
      %dma_start3A_150 = arith.constant 0 : i32
      %dma_start3A_151 = tpu.memref_slice %arg16[%multiple_of3A, %dma_start3A_150] : memref<10008x64xf32, #tpu.memory_space<vmem_shared>> -> memref<632x64xf32, #tpu.memory_space<vmem_shared>>
      %dma_start3A_152 = arith.constant 0 : i32
      %dma_start3A_153 = tpu.memref_slice %arg5[%multiple_of3A, %dma_start3A_152] : memref<10008x64xf32, #tpu.memory_space<hbm>> -> memref<632x64xf32, #tpu.memory_space<hbm>>
      tpu.enqueue_dma source(%dma_start3A_153 : memref<632x64xf32, #tpu.memory_space<hbm>>) target(%dma_start3A_151 : memref<632x64xf32, #tpu.memory_space<vmem_shared>>) target_semaphore(%run_scoped3A : memref<!tpu.dma_semaphore, #tpu.memory_space<semaphore_mem>>)
      %dma_wait3A_154 = arith.constant 0 : i32
      %dma_wait3A_155 = tpu.memref_slice %arg16[%multiple_of3A, %dma_wait3A_154] : memref<10008x64xf32, #tpu.memory_space<vmem_shared>> -> memref<632x64xf32, #tpu.memory_space<vmem_shared>>
      %dma_wait3A_156 = arith.constant 0 : i32
      %dma_wait3A_157 = tpu.memref_slice %arg5[%multiple_of3A, %dma_wait3A_156] : memref<10008x64xf32, #tpu.memory_space<hbm>> -> memref<632x64xf32, #tpu.memory_space<hbm>>
      tpu.wait_dma2 semaphore(%run_scoped3A : memref<!tpu.dma_semaphore, #tpu.memory_space<semaphore_mem>>) src(%dma_wait3A_157 : memref<632x64xf32, #tpu.memory_space<hbm>>) dst(%dma_wait3A_155 : memref<632x64xf32, #tpu.memory_space<vmem_shared>>)
      tpu.yield
    }) : () -> ()
    %dma_start3A = arith.constant 0 : i32
    %dma_start3A_4 = arith.constant 0 : i32
    %dma_start3A_5 = tpu.memref_slice %arg8[%dma_start3A, %dma_start3A_4] : memref<250x80xi32, #tpu.memory_space<vmem>> -> memref<1x80xi32, #tpu.memory_space<vmem>>
    %dma_start3A_6 = tpu.memref_squeeze %dma_start3A_5 : memref<1x80xi32, #tpu.memory_space<vmem>> -> memref<80xi32, #tpu.memory_space<vmem>>
    %dma_start3A_7 = arith.constant 0 : i32
    %dma_start3A_8 = arith.constant 0 : i32
    %dma_start3A_9 = tpu.memref_slice %arg2[%dma_start3A_7, %dma_start3A_8] : memref<20000x64xf32, #tpu.memory_space<hbm>> -> memref<20000x64xf32, #tpu.memory_space<hbm>>
    tpu.enqueue_indirect_dma source(%dma_start3A_9 : memref<20000x64xf32, #tpu.memory_space<hbm>>) target(%arg10 : memref<80x64xf32, #tpu.memory_space<vmem>>) offsets(%dma_start3A_6 : memref<80xi32, #tpu.memory_space<vmem>>) semaphore(%arg17 : memref<!tpu.dma_semaphore, #tpu.memory_space<semaphore_mem>>)
    %dma_start3A_10 = arith.constant 1 : i32
    %dma_start3A_11 = arith.constant 0 : i32
    %dma_start3A_12 = tpu.memref_slice %arg8[%dma_start3A_10, %dma_start3A_11] : memref<250x80xi32, #tpu.memory_space<vmem>> -> memref<1x80xi32, #tpu.memory_space<vmem>>
    %dma_start3A_13 = tpu.memref_squeeze %dma_start3A_12 : memref<1x80xi32, #tpu.memory_space<vmem>> -> memref<80xi32, #tpu.memory_space<vmem>>
    %dma_start3A_14 = arith.constant 0 : i32
    %dma_start3A_15 = arith.constant 0 : i32
    %dma_start3A_16 = tpu.memref_slice %arg2[%dma_start3A_14, %dma_start3A_15] : memref<20000x64xf32, #tpu.memory_space<hbm>> -> memref<20000x64xf32, #tpu.memory_space<hbm>>
    tpu.enqueue_indirect_dma source(%dma_start3A_16 : memref<20000x64xf32, #tpu.memory_space<hbm>>) target(%arg11 : memref<80x64xf32, #tpu.memory_space<vmem>>) offsets(%dma_start3A_13 : memref<80xi32, #tpu.memory_space<vmem>>) semaphore(%arg18 : memref<!tpu.dma_semaphore, #tpu.memory_space<semaphore_mem>>)
    %dma_start3A_17 = arith.constant 2 : i32
    %dma_start3A_18 = arith.constant 0 : i32
    %dma_start3A_19 = tpu.memref_slice %arg8[%dma_start3A_17, %dma_start3A_18] : memref<250x80xi32, #tpu.memory_space<vmem>> -> memref<1x80xi32, #tpu.memory_space<vmem>>
    %dma_start3A_20 = tpu.memref_squeeze %dma_start3A_19 : memref<1x80xi32, #tpu.memory_space<vmem>> -> memref<80xi32, #tpu.memory_space<vmem>>
    %dma_start3A_21 = arith.constant 0 : i32
    %dma_start3A_22 = arith.constant 0 : i32
    %dma_start3A_23 = tpu.memref_slice %arg2[%dma_start3A_21, %dma_start3A_22] : memref<20000x64xf32, #tpu.memory_space<hbm>> -> memref<20000x64xf32, #tpu.memory_space<hbm>>
    tpu.enqueue_indirect_dma source(%dma_start3A_23 : memref<20000x64xf32, #tpu.memory_space<hbm>>) target(%arg12 : memref<80x64xf32, #tpu.memory_space<vmem>>) offsets(%dma_start3A_20 : memref<80xi32, #tpu.memory_space<vmem>>) semaphore(%arg19 : memref<!tpu.dma_semaphore, #tpu.memory_space<semaphore_mem>>)
    %barrier3A = arith.constant 0 : index
    tpu.barrier barrier_id(%barrier3A)
    %scan3A = arith.constant 0 : i32
    %scan3A_24 = arith.constant 0 : i32
    %scan3A_25 = arith.constant 41 : i32
    %scan3A_26 = arith.addi %scan3A_24, %scan3A_25 : i32
    %scan3A_27 = arith.constant 1 : i32
    scf.for %scan3A_150 = %scan3A_24 to %scan3A_26 step %scan3A_27  : i32 {
      %mul3A_151 = arith.constant 6 : i32
      %mul3A_152 = arith.muli %scan3A_150, %mul3A_151 : i32
      %add3A_153 = arith.constant 0 : i32
      %add3A_154 = arith.addi %mul3A_152, %add3A_153 : i32
      %dma_wait3A_155 = arith.constant 0 : i32
      %dma_wait3A_156 = tpu.memref_slice %arg8[%add3A_154, %dma_wait3A_155] : memref<250x80xi32, #tpu.memory_space<vmem>> -> memref<1x80xi32, #tpu.memory_space<vmem>>
      %dma_wait3A_157 = tpu.memref_squeeze %dma_wait3A_156 : memref<1x80xi32, #tpu.memory_space<vmem>> -> memref<80xi32, #tpu.memory_space<vmem>>
      %dma_wait3A_158 = arith.constant 0 : i32
      %dma_wait3A_159 = arith.constant 0 : i32
      %dma_wait3A_160 = tpu.memref_slice %arg2[%dma_wait3A_158, %dma_wait3A_159] : memref<20000x64xf32, #tpu.memory_space<hbm>> -> memref<20000x64xf32, #tpu.memory_space<hbm>>
      tpu.wait_indirect_dma semaphore(%arg17 : memref<!tpu.dma_semaphore, #tpu.memory_space<semaphore_mem>>) src(%dma_wait3A_160 : memref<20000x64xf32, #tpu.memory_space<hbm>>) dst(%arg10 : memref<80x64xf32, #tpu.memory_space<vmem>>)
      %dma_start3A_161 = arith.constant 0 : i32
      %dma_start3A_162 = tpu.memref_slice %arg9[%add3A_154, %dma_start3A_161] : memref<250x80xi32, #tpu.memory_space<vmem>> -> memref<1x80xi32, #tpu.memory_space<vmem>>
      %dma_start3A_163 = tpu.memref_squeeze %dma_start3A_162 : memref<1x80xi32, #tpu.memory_space<vmem>> -> memref<80xi32, #tpu.memory_space<vmem>>
      %dma_start3A_164 = arith.constant 0 : i32
      %dma_start3A_165 = arith.constant 0 : i32
      %dma_start3A_166 = tpu.memref_slice %arg16[%dma_start3A_164, %dma_start3A_165] : memref<10008x64xf32, #tpu.memory_space<vmem_shared>> -> memref<10008x64xf32, #tpu.memory_space<vmem_shared>>
      tpu.enqueue_indirect_dma source(%arg10 : memref<80x64xf32, #tpu.memory_space<vmem>>) target(%dma_start3A_166 : memref<10008x64xf32, #tpu.memory_space<vmem_shared>>) offsets(%dma_start3A_163 : memref<80xi32, #tpu.memory_space<vmem>>) semaphore(%arg23 : memref<!tpu.dma_semaphore, #tpu.memory_space<semaphore_mem>>) {add = true}
      %ge3A = arith.constant 3 : i32
      %ge3A_167 = arith.cmpi sge, %add3A_154, %ge3A : i32
      %convert_element_type3A_168 = arith.extui %ge3A_167 : i1 to i32
      %cond3A_169 = arith.constant 0 : i32
      %cond3A_170 = arith.cmpi ne, %convert_element_type3A_168, %cond3A_169 : i32
      scf.if %cond3A_170 {
        %dma_wait3A_317 = arith.constant 0 : i32
        %dma_wait3A_318 = tpu.memref_slice %arg9[%add3A_154, %dma_wait3A_317] : memref<250x80xi32, #tpu.memory_space<vmem>> -> memref<1x80xi32, #tpu.memory_space<vmem>>
        %dma_wait3A_319 = tpu.memref_squeeze %dma_wait3A_318 : memref<1x80xi32, #tpu.memory_space<vmem>> -> memref<80xi32, #tpu.memory_space<vmem>>
        %dma_wait3A_320 = arith.constant 0 : i32
        %dma_wait3A_321 = arith.constant 0 : i32
        %dma_wait3A_322 = tpu.memref_slice %arg16[%dma_wait3A_320, %dma_wait3A_321] : memref<10008x64xf32, #tpu.memory_space<vmem_shared>> -> memref<10008x64xf32, #tpu.memory_space<vmem_shared>>
        tpu.wait_indirect_dma semaphore(%arg26 : memref<!tpu.dma_semaphore, #tpu.memory_space<semaphore_mem>>) src(%arg13 : memref<80x64xf32, #tpu.memory_space<vmem>>) dst(%dma_wait3A_322 : memref<10008x64xf32, #tpu.memory_space<vmem_shared>>)
      } else {
      }
      %add3A_171 = arith.constant 3 : i32
      %add3A_172 = arith.addi %add3A_154, %add3A_171 : i32
      %lt3A = arith.constant 250 : i32
      %lt3A_173 = arith.cmpi slt, %add3A_172, %lt3A : i32
      %convert_element_type3A_174 = arith.extui %lt3A_173 : i1 to i32
      %cond3A_175 = arith.constant 0 : i32
      %cond3A_176 = arith.cmpi ne, %convert_element_type3A_174, %cond3A_175 : i32
      scf.if %cond3A_176 {
        %add3A_317 = arith.constant 3 : i32
        %add3A_318 = arith.addi %add3A_154, %add3A_317 : i32
        %min3A_319 = arith.constant 249 : i32
        %min3A_320 = arith.minsi %add3A_318, %min3A_319 : i32
        %dma_start3A_321 = arith.constant 0 : i32
        %dma_start3A_322 = tpu.memref_slice %arg8[%min3A_320, %dma_start3A_321] : memref<250x80xi32, #tpu.memory_space<vmem>> -> memref<1x80xi32, #tpu.memory_space<vmem>>
        %dma_start3A_323 = tpu.memref_squeeze %dma_start3A_322 : memref<1x80xi32, #tpu.memory_space<vmem>> -> memref<80xi32, #tpu.memory_space<vmem>>
        %dma_start3A_324 = arith.constant 0 : i32
        %dma_start3A_325 = arith.constant 0 : i32
        %dma_start3A_326 = tpu.memref_slice %arg2[%dma_start3A_324, %dma_start3A_325] : memref<20000x64xf32, #tpu.memory_space<hbm>> -> memref<20000x64xf32, #tpu.memory_space<hbm>>
        tpu.enqueue_indirect_dma source(%dma_start3A_326 : memref<20000x64xf32, #tpu.memory_space<hbm>>) target(%arg13 : memref<80x64xf32, #tpu.memory_space<vmem>>) offsets(%dma_start3A_323 : memref<80xi32, #tpu.memory_space<vmem>>) semaphore(%arg20 : memref<!tpu.dma_semaphore, #tpu.memory_space<semaphore_mem>>)
      } else {
      }
      %mul3A_177 = arith.constant 6 : i32
      %mul3A_178 = arith.muli %scan3A_150, %mul3A_177 : i32
      %add3A_179 = arith.constant 1 : i32
      %add3A_180 = arith.addi %mul3A_178, %add3A_179 : i32
      %dma_wait3A_181 = arith.constant 0 : i32
      %dma_wait3A_182 = tpu.memref_slice %arg8[%add3A_180, %dma_wait3A_181] : memref<250x80xi32, #tpu.memory_space<vmem>> -> memref<1x80xi32, #tpu.memory_space<vmem>>
      %dma_wait3A_183 = tpu.memref_squeeze %dma_wait3A_182 : memref<1x80xi32, #tpu.memory_space<vmem>> -> memref<80xi32, #tpu.memory_space<vmem>>
      %dma_wait3A_184 = arith.constant 0 : i32
      %dma_wait3A_185 = arith.constant 0 : i32
      %dma_wait3A_186 = tpu.memref_slice %arg2[%dma_wait3A_184, %dma_wait3A_185] : memref<20000x64xf32, #tpu.memory_space<hbm>> -> memref<20000x64xf32, #tpu.memory_space<hbm>>
      tpu.wait_indirect_dma semaphore(%arg18 : memref<!tpu.dma_semaphore, #tpu.memory_space<semaphore_mem>>) src(%dma_wait3A_186 : memref<20000x64xf32, #tpu.memory_space<hbm>>) dst(%arg11 : memref<80x64xf32, #tpu.memory_space<vmem>>)
      %dma_start3A_187 = arith.constant 0 : i32
      %dma_start3A_188 = tpu.memref_slice %arg9[%add3A_180, %dma_start3A_187] : memref<250x80xi32, #tpu.memory_space<vmem>> -> memref<1x80xi32, #tpu.memory_space<vmem>>
      %dma_start3A_189 = tpu.memref_squeeze %dma_start3A_188 : memref<1x80xi32, #tpu.memory_space<vmem>> -> memref<80xi32, #tpu.memory_space<vmem>>
      %dma_start3A_190 = arith.constant 0 : i32
      %dma_start3A_191 = arith.constant 0 : i32
      %dma_start3A_192 = tpu.memref_slice %arg16[%dma_start3A_190, %dma_start3A_191] : memref<10008x64xf32, #tpu.memory_space<vmem_shared>> -> memref<10008x64xf32, #tpu.memory_space<vmem_shared>>
      tpu.enqueue_indirect_dma source(%arg11 : memref<80x64xf32, #tpu.memory_space<vmem>>) target(%dma_start3A_192 : memref<10008x64xf32, #tpu.memory_space<vmem_shared>>) offsets(%dma_start3A_189 : memref<80xi32, #tpu.memory_space<vmem>>) semaphore(%arg24 : memref<!tpu.dma_semaphore, #tpu.memory_space<semaphore_mem>>) {add = true}
      %ge3A_193 = arith.constant 3 : i32
      %ge3A_194 = arith.cmpi sge, %add3A_180, %ge3A_193 : i32
      %convert_element_type3A_195 = arith.extui %ge3A_194 : i1 to i32
      %cond3A_196 = arith.constant 0 : i32
      %cond3A_197 = arith.cmpi ne, %convert_element_type3A_195, %cond3A_196 : i32
      scf.if %cond3A_197 {
        %dma_wait3A_317 = arith.constant 0 : i32
        %dma_wait3A_318 = tpu.memref_slice %arg9[%add3A_180, %dma_wait3A_317] : memref<250x80xi32, #tpu.memory_space<vmem>> -> memref<1x80xi32, #tpu.memory_space<vmem>>
        %dma_wait3A_319 = tpu.memref_squeeze %dma_wait3A_318 : memref<1x80xi32, #tpu.memory_space<vmem>> -> memref<80xi32, #tpu.memory_space<vmem>>
        %dma_wait3A_320 = arith.constant 0 : i32
        %dma_wait3A_321 = arith.constant 0 : i32
        %dma_wait3A_322 = tpu.memref_slice %arg16[%dma_wait3A_320, %dma_wait3A_321] : memref<10008x64xf32, #tpu.memory_space<vmem_shared>> -> memref<10008x64xf32, #tpu.memory_space<vmem_shared>>
        tpu.wait_indirect_dma semaphore(%arg27 : memref<!tpu.dma_semaphore, #tpu.memory_space<semaphore_mem>>) src(%arg14 : memref<80x64xf32, #tpu.memory_space<vmem>>) dst(%dma_wait3A_322 : memref<10008x64xf32, #tpu.memory_space<vmem_shared>>)
      } else {
      }
      %add3A_198 = arith.constant 3 : i32
      %add3A_199 = arith.addi %add3A_180, %add3A_198 : i32
      %lt3A_200 = arith.constant 250 : i32
      %lt3A_201 = arith.cmpi slt, %add3A_199, %lt3A_200 : i32
      %convert_element_type3A_202 = arith.extui %lt3A_201 : i1 to i32
      %cond3A_203 = arith.constant 0 : i32
      %cond3A_204 = arith.cmpi ne, %convert_element_type3A_202, %cond3A_203 : i32
      scf.if %cond3A_204 {
        %add3A_317 = arith.constant 3 : i32
        %add3A_318 = arith.addi %add3A_180, %add3A_317 : i32
        %min3A_319 = arith.constant 249 : i32
        %min3A_320 = arith.minsi %add3A_318, %min3A_319 : i32
        %dma_start3A_321 = arith.constant 0 : i32
        %dma_start3A_322 = tpu.memref_slice %arg8[%min3A_320, %dma_start3A_321] : memref<250x80xi32, #tpu.memory_space<vmem>> -> memref<1x80xi32, #tpu.memory_space<vmem>>
        %dma_start3A_323 = tpu.memref_squeeze %dma_start3A_322 : memref<1x80xi32, #tpu.memory_space<vmem>> -> memref<80xi32, #tpu.memory_space<vmem>>
        %dma_start3A_324 = arith.constant 0 : i32
        %dma_start3A_325 = arith.constant 0 : i32
        %dma_start3A_326 = tpu.memref_slice %arg2[%dma_start3A_324, %dma_start3A_325] : memref<20000x64xf32, #tpu.memory_space<hbm>> -> memref<20000x64xf32, #tpu.memory_space<hbm>>
        tpu.enqueue_indirect_dma source(%dma_start3A_326 : memref<20000x64xf32, #tpu.memory_space<hbm>>) target(%arg14 : memref<80x64xf32, #tpu.memory_space<vmem>>) offsets(%dma_start3A_323 : memref<80xi32, #tpu.memory_space<vmem>>) semaphore(%arg21 : memref<!tpu.dma_semaphore, #tpu.memory_space<semaphore_mem>>)
      } else {
      }
      %mul3A_205 = arith.constant 6 : i32
      %mul3A_206 = arith.muli %scan3A_150, %mul3A_205 : i32
      %add3A_207 = arith.constant 2 : i32
      %add3A_208 = arith.addi %mul3A_206, %add3A_207 : i32
      %dma_wait3A_209 = arith.constant 0 : i32
      %dma_wait3A_210 = tpu.memref_slice %arg8[%add3A_208, %dma_wait3A_209] : memref<250x80xi32, #tpu.memory_space<vmem>> -> memref<1x80xi32, #tpu.memory_space<vmem>>
      %dma_wait3A_211 = tpu.memref_squeeze %dma_wait3A_210 : memref<1x80xi32, #tpu.memory_space<vmem>> -> memref<80xi32, #tpu.memory_space<vmem>>
      %dma_wait3A_212 = arith.constant 0 : i32
      %dma_wait3A_213 = arith.constant 0 : i32
      %dma_wait3A_214 = tpu.memref_slice %arg2[%dma_wait3A_212, %dma_wait3A_213] : memref<20000x64xf32, #tpu.memory_space<hbm>> -> memref<20000x64xf32, #tpu.memory_space<hbm>>
      tpu.wait_indirect_dma semaphore(%arg19 : memref<!tpu.dma_semaphore, #tpu.memory_space<semaphore_mem>>) src(%dma_wait3A_214 : memref<20000x64xf32, #tpu.memory_space<hbm>>) dst(%arg12 : memref<80x64xf32, #tpu.memory_space<vmem>>)
      %dma_start3A_215 = arith.constant 0 : i32
      %dma_start3A_216 = tpu.memref_slice %arg9[%add3A_208, %dma_start3A_215] : memref<250x80xi32, #tpu.memory_space<vmem>> -> memref<1x80xi32, #tpu.memory_space<vmem>>
      %dma_start3A_217 = tpu.memref_squeeze %dma_start3A_216 : memref<1x80xi32, #tpu.memory_space<vmem>> -> memref<80xi32, #tpu.memory_space<vmem>>
      %dma_start3A_218 = arith.constant 0 : i32
      %dma_start3A_219 = arith.constant 0 : i32
      %dma_start3A_220 = tpu.memref_slice %arg16[%dma_start3A_218, %dma_start3A_219] : memref<10008x64xf32, #tpu.memory_space<vmem_shared>> -> memref<10008x64xf32, #tpu.memory_space<vmem_shared>>
      tpu.enqueue_indirect_dma source(%arg12 : memref<80x64xf32, #tpu.memory_space<vmem>>) target(%dma_start3A_220 : memref<10008x64xf32, #tpu.memory_space<vmem_shared>>) offsets(%dma_start3A_217 : memref<80xi32, #tpu.memory_space<vmem>>) semaphore(%arg25 : memref<!tpu.dma_semaphore, #tpu.memory_space<semaphore_mem>>) {add = true}
      %ge3A_221 = arith.constant 3 : i32
      %ge3A_222 = arith.cmpi sge, %add3A_208, %ge3A_221 : i32
      %convert_element_type3A_223 = arith.extui %ge3A_222 : i1 to i32
      %cond3A_224 = arith.constant 0 : i32
      %cond3A_225 = arith.cmpi ne, %convert_element_type3A_223, %cond3A_224 : i32
      scf.if %cond3A_225 {
        %dma_wait3A_317 = arith.constant 0 : i32
        %dma_wait3A_318 = tpu.memref_slice %arg9[%add3A_208, %dma_wait3A_317] : memref<250x80xi32, #tpu.memory_space<vmem>> -> memref<1x80xi32, #tpu.memory_space<vmem>>
        %dma_wait3A_319 = tpu.memref_squeeze %dma_wait3A_318 : memref<1x80xi32, #tpu.memory_space<vmem>> -> memref<80xi32, #tpu.memory_space<vmem>>
        %dma_wait3A_320 = arith.constant 0 : i32
        %dma_wait3A_321 = arith.constant 0 : i32
        %dma_wait3A_322 = tpu.memref_slice %arg16[%dma_wait3A_320, %dma_wait3A_321] : memref<10008x64xf32, #tpu.memory_space<vmem_shared>> -> memref<10008x64xf32, #tpu.memory_space<vmem_shared>>
        tpu.wait_indirect_dma semaphore(%arg28 : memref<!tpu.dma_semaphore, #tpu.memory_space<semaphore_mem>>) src(%arg15 : memref<80x64xf32, #tpu.memory_space<vmem>>) dst(%dma_wait3A_322 : memref<10008x64xf32, #tpu.memory_space<vmem_shared>>)
      } else {
      }
      %add3A_226 = arith.constant 3 : i32
      %add3A_227 = arith.addi %add3A_208, %add3A_226 : i32
      %lt3A_228 = arith.constant 250 : i32
      %lt3A_229 = arith.cmpi slt, %add3A_227, %lt3A_228 : i32
      %convert_element_type3A_230 = arith.extui %lt3A_229 : i1 to i32
      %cond3A_231 = arith.constant 0 : i32
      %cond3A_232 = arith.cmpi ne, %convert_element_type3A_230, %cond3A_231 : i32
      scf.if %cond3A_232 {
        %add3A_317 = arith.constant 3 : i32
        %add3A_318 = arith.addi %add3A_208, %add3A_317 : i32
        %min3A_319 = arith.constant 249 : i32
        %min3A_320 = arith.minsi %add3A_318, %min3A_319 : i32
        %dma_start3A_321 = arith.constant 0 : i32
        %dma_start3A_322 = tpu.memref_slice %arg8[%min3A_320, %dma_start3A_321] : memref<250x80xi32, #tpu.memory_space<vmem>> -> memref<1x80xi32, #tpu.memory_space<vmem>>
        %dma_start3A_323 = tpu.memref_squeeze %dma_start3A_322 : memref<1x80xi32, #tpu.memory_space<vmem>> -> memref<80xi32, #tpu.memory_space<vmem>>
        %dma_start3A_324 = arith.constant 0 : i32
        %dma_start3A_325 = arith.constant 0 : i32
        %dma_start3A_326 = tpu.memref_slice %arg2[%dma_start3A_324, %dma_start3A_325] : memref<20000x64xf32, #tpu.memory_space<hbm>> -> memref<20000x64xf32, #tpu.memory_space<hbm>>
        tpu.enqueue_indirect_dma source(%dma_start3A_326 : memref<20000x64xf32, #tpu.memory_space<hbm>>) target(%arg15 : memref<80x64xf32, #tpu.memory_space<vmem>>) offsets(%dma_start3A_323 : memref<80xi32, #tpu.memory_space<vmem>>) semaphore(%arg22 : memref<!tpu.dma_semaphore, #tpu.memory_space<semaphore_mem>>)
      } else {
      }
      %mul3A_233 = arith.constant 6 : i32
      %mul3A_234 = arith.muli %scan3A_150, %mul3A_233 : i32
      %add3A_235 = arith.constant 3 : i32
      %add3A_236 = arith.addi %mul3A_234, %add3A_235 : i32
      %dma_wait3A_237 = arith.constant 0 : i32
      %dma_wait3A_238 = tpu.memref_slice %arg8[%add3A_236, %dma_wait3A_237] : memref<250x80xi32, #tpu.memory_space<vmem>> -> memref<1x80xi32, #tpu.memory_space<vmem>>
      %dma_wait3A_239 = tpu.memref_squeeze %dma_wait3A_238 : memref<1x80xi32, #tpu.memory_space<vmem>> -> memref<80xi32, #tpu.memory_space<vmem>>
      %dma_wait3A_240 = arith.constant 0 : i32
      %dma_wait3A_241 = arith.constant 0 : i32
      %dma_wait3A_242 = tpu.memref_slice %arg2[%dma_wait3A_240, %dma_wait3A_241] : memref<20000x64xf32, #tpu.memory_space<hbm>> -> memref<20000x64xf32, #tpu.memory_space<hbm>>
      tpu.wait_indirect_dma semaphore(%arg20 : memref<!tpu.dma_semaphore, #tpu.memory_space<semaphore_mem>>) src(%dma_wait3A_242 : memref<20000x64xf32, #tpu.memory_space<hbm>>) dst(%arg13 : memref<80x64xf32, #tpu.memory_space<vmem>>)
      %dma_start3A_243 = arith.constant 0 : i32
      %dma_start3A_244 = tpu.memref_slice %arg9[%add3A_236, %dma_start3A_243] : memref<250x80xi32, #tpu.memory_space<vmem>> -> memref<1x80xi32, #tpu.memory_space<vmem>>
      %dma_start3A_245 = tpu.memref_squeeze %dma_start3A_244 : memref<1x80xi32, #tpu.memory_space<vmem>> -> memref<80xi32, #tpu.memory_space<vmem>>
      %dma_start3A_246 = arith.constant 0 : i32
      %dma_start3A_247 = arith.constant 0 : i32
      %dma_start3A_248 = tpu.memref_slice %arg16[%dma_start3A_246, %dma_start3A_247] : memref<10008x64xf32, #tpu.memory_space<vmem_shared>> -> memref<10008x64xf32, #tpu.memory_space<vmem_shared>>
      tpu.enqueue_indirect_dma source(%arg13 : memref<80x64xf32, #tpu.memory_space<vmem>>) target(%dma_start3A_248 : memref<10008x64xf32, #tpu.memory_space<vmem_shared>>) offsets(%dma_start3A_245 : memref<80xi32, #tpu.memory_space<vmem>>) semaphore(%arg26 : memref<!tpu.dma_semaphore, #tpu.memory_space<semaphore_mem>>) {add = true}
      %ge3A_249 = arith.constant 3 : i32
      %ge3A_250 = arith.cmpi sge, %add3A_236, %ge3A_249 : i32
      %convert_element_type3A_251 = arith.extui %ge3A_250 : i1 to i32
      %cond3A_252 = arith.constant 0 : i32
      %cond3A_253 = arith.cmpi ne, %convert_element_type3A_251, %cond3A_252 : i32
      scf.if %cond3A_253 {
        %dma_wait3A_317 = arith.constant 0 : i32
        %dma_wait3A_318 = tpu.memref_slice %arg9[%add3A_236, %dma_wait3A_317] : memref<250x80xi32, #tpu.memory_space<vmem>> -> memref<1x80xi32, #tpu.memory_space<vmem>>
        %dma_wait3A_319 = tpu.memref_squeeze %dma_wait3A_318 : memref<1x80xi32, #tpu.memory_space<vmem>> -> memref<80xi32, #tpu.memory_space<vmem>>
        %dma_wait3A_320 = arith.constant 0 : i32
        %dma_wait3A_321 = arith.constant 0 : i32
        %dma_wait3A_322 = tpu.memref_slice %arg16[%dma_wait3A_320, %dma_wait3A_321] : memref<10008x64xf32, #tpu.memory_space<vmem_shared>> -> memref<10008x64xf32, #tpu.memory_space<vmem_shared>>
        tpu.wait_indirect_dma semaphore(%arg23 : memref<!tpu.dma_semaphore, #tpu.memory_space<semaphore_mem>>) src(%arg10 : memref<80x64xf32, #tpu.memory_space<vmem>>) dst(%dma_wait3A_322 : memref<10008x64xf32, #tpu.memory_space<vmem_shared>>)
      } else {
      }
      %add3A_254 = arith.constant 3 : i32
      %add3A_255 = arith.addi %add3A_236, %add3A_254 : i32
      %lt3A_256 = arith.constant 250 : i32
      %lt3A_257 = arith.cmpi slt, %add3A_255, %lt3A_256 : i32
      %convert_element_type3A_258 = arith.extui %lt3A_257 : i1 to i32
      %cond3A_259 = arith.constant 0 : i32
      %cond3A_260 = arith.cmpi ne, %convert_element_type3A_258, %cond3A_259 : i32
      scf.if %cond3A_260 {
        %add3A_317 = arith.constant 3 : i32
        %add3A_318 = arith.addi %add3A_236, %add3A_317 : i32
        %min3A_319 = arith.constant 249 : i32
        %min3A_320 = arith.minsi %add3A_318, %min3A_319 : i32
        %dma_start3A_321 = arith.constant 0 : i32
        %dma_start3A_322 = tpu.memref_slice %arg8[%min3A_320, %dma_start3A_321] : memref<250x80xi32, #tpu.memory_space<vmem>> -> memref<1x80xi32, #tpu.memory_space<vmem>>
        %dma_start3A_323 = tpu.memref_squeeze %dma_start3A_322 : memref<1x80xi32, #tpu.memory_space<vmem>> -> memref<80xi32, #tpu.memory_space<vmem>>
        %dma_start3A_324 = arith.constant 0 : i32
        %dma_start3A_325 = arith.constant 0 : i32
        %dma_start3A_326 = tpu.memref_slice %arg2[%dma_start3A_324, %dma_start3A_325] : memref<20000x64xf32, #tpu.memory_space<hbm>> -> memref<20000x64xf32, #tpu.memory_space<hbm>>
        tpu.enqueue_indirect_dma source(%dma_start3A_326 : memref<20000x64xf32, #tpu.memory_space<hbm>>) target(%arg10 : memref<80x64xf32, #tpu.memory_space<vmem>>) offsets(%dma_start3A_323 : memref<80xi32, #tpu.memory_space<vmem>>) semaphore(%arg17 : memref<!tpu.dma_semaphore, #tpu.memory_space<semaphore_mem>>)
      } else {
      }
      %mul3A_261 = arith.constant 6 : i32
      %mul3A_262 = arith.muli %scan3A_150, %mul3A_261 : i32
      %add3A_263 = arith.constant 4 : i32
      %add3A_264 = arith.addi %mul3A_262, %add3A_263 : i32
      %dma_wait3A_265 = arith.constant 0 : i32
      %dma_wait3A_266 = tpu.memref_slice %arg8[%add3A_264, %dma_wait3A_265] : memref<250x80xi32, #tpu.memory_space<vmem>> -> memref<1x80xi32, #tpu.memory_space<vmem>>
      %dma_wait3A_267 = tpu.memref_squeeze %dma_wait3A_266 : memref<1x80xi32, #tpu.memory_space<vmem>> -> memref<80xi32, #tpu.memory_space<vmem>>
      %dma_wait3A_268 = arith.constant 0 : i32
      %dma_wait3A_269 = arith.constant 0 : i32
      %dma_wait3A_270 = tpu.memref_slice %arg2[%dma_wait3A_268, %dma_wait3A_269] : memref<20000x64xf32, #tpu.memory_space<hbm>> -> memref<20000x64xf32, #tpu.memory_space<hbm>>
      tpu.wait_indirect_dma semaphore(%arg21 : memref<!tpu.dma_semaphore, #tpu.memory_space<semaphore_mem>>) src(%dma_wait3A_270 : memref<20000x64xf32, #tpu.memory_space<hbm>>) dst(%arg14 : memref<80x64xf32, #tpu.memory_space<vmem>>)
      %dma_start3A_271 = arith.constant 0 : i32
      %dma_start3A_272 = tpu.memref_slice %arg9[%add3A_264, %dma_start3A_271] : memref<250x80xi32, #tpu.memory_space<vmem>> -> memref<1x80xi32, #tpu.memory_space<vmem>>
      %dma_start3A_273 = tpu.memref_squeeze %dma_start3A_272 : memref<1x80xi32, #tpu.memory_space<vmem>> -> memref<80xi32, #tpu.memory_space<vmem>>
      %dma_start3A_274 = arith.constant 0 : i32
      %dma_start3A_275 = arith.constant 0 : i32
      %dma_start3A_276 = tpu.memref_slice %arg16[%dma_start3A_274, %dma_start3A_275] : memref<10008x64xf32, #tpu.memory_space<vmem_shared>> -> memref<10008x64xf32, #tpu.memory_space<vmem_shared>>
      tpu.enqueue_indirect_dma source(%arg14 : memref<80x64xf32, #tpu.memory_space<vmem>>) target(%dma_start3A_276 : memref<10008x64xf32, #tpu.memory_space<vmem_shared>>) offsets(%dma_start3A_273 : memref<80xi32, #tpu.memory_space<vmem>>) semaphore(%arg27 : memref<!tpu.dma_semaphore, #tpu.memory_space<semaphore_mem>>) {add = true}
      %ge3A_277 = arith.constant 3 : i32
      %ge3A_278 = arith.cmpi sge, %add3A_264, %ge3A_277 : i32
      %convert_element_type3A_279 = arith.extui %ge3A_278 : i1 to i32
      %cond3A_280 = arith.constant 0 : i32
      %cond3A_281 = arith.cmpi ne, %convert_element_type3A_279, %cond3A_280 : i32
      scf.if %cond3A_281 {
        %dma_wait3A_317 = arith.constant 0 : i32
        %dma_wait3A_318 = tpu.memref_slice %arg9[%add3A_264, %dma_wait3A_317] : memref<250x80xi32, #tpu.memory_space<vmem>> -> memref<1x80xi32, #tpu.memory_space<vmem>>
        %dma_wait3A_319 = tpu.memref_squeeze %dma_wait3A_318 : memref<1x80xi32, #tpu.memory_space<vmem>> -> memref<80xi32, #tpu.memory_space<vmem>>
        %dma_wait3A_320 = arith.constant 0 : i32
        %dma_wait3A_321 = arith.constant 0 : i32
        %dma_wait3A_322 = tpu.memref_slice %arg16[%dma_wait3A_320, %dma_wait3A_321] : memref<10008x64xf32, #tpu.memory_space<vmem_shared>> -> memref<10008x64xf32, #tpu.memory_space<vmem_shared>>
        tpu.wait_indirect_dma semaphore(%arg24 : memref<!tpu.dma_semaphore, #tpu.memory_space<semaphore_mem>>) src(%arg11 : memref<80x64xf32, #tpu.memory_space<vmem>>) dst(%dma_wait3A_322 : memref<10008x64xf32, #tpu.memory_space<vmem_shared>>)
      } else {
      }
      %add3A_282 = arith.constant 3 : i32
      %add3A_283 = arith.addi %add3A_264, %add3A_282 : i32
      %lt3A_284 = arith.constant 250 : i32
      %lt3A_285 = arith.cmpi slt, %add3A_283, %lt3A_284 : i32
      %convert_element_type3A_286 = arith.extui %lt3A_285 : i1 to i32
      %cond3A_287 = arith.constant 0 : i32
      %cond3A_288 = arith.cmpi ne, %convert_element_type3A_286, %cond3A_287 : i32
      scf.if %cond3A_288 {
        %add3A_317 = arith.constant 3 : i32
        %add3A_318 = arith.addi %add3A_264, %add3A_317 : i32
        %min3A_319 = arith.constant 249 : i32
        %min3A_320 = arith.minsi %add3A_318, %min3A_319 : i32
        %dma_start3A_321 = arith.constant 0 : i32
        %dma_start3A_322 = tpu.memref_slice %arg8[%min3A_320, %dma_start3A_321] : memref<250x80xi32, #tpu.memory_space<vmem>> -> memref<1x80xi32, #tpu.memory_space<vmem>>
        %dma_start3A_323 = tpu.memref_squeeze %dma_start3A_322 : memref<1x80xi32, #tpu.memory_space<vmem>> -> memref<80xi32, #tpu.memory_space<vmem>>
        %dma_start3A_324 = arith.constant 0 : i32
        %dma_start3A_325 = arith.constant 0 : i32
        %dma_start3A_326 = tpu.memref_slice %arg2[%dma_start3A_324, %dma_start3A_325] : memref<20000x64xf32, #tpu.memory_space<hbm>> -> memref<20000x64xf32, #tpu.memory_space<hbm>>
        tpu.enqueue_indirect_dma source(%dma_start3A_326 : memref<20000x64xf32, #tpu.memory_space<hbm>>) target(%arg11 : memref<80x64xf32, #tpu.memory_space<vmem>>) offsets(%dma_start3A_323 : memref<80xi32, #tpu.memory_space<vmem>>) semaphore(%arg18 : memref<!tpu.dma_semaphore, #tpu.memory_space<semaphore_mem>>)
      } else {
      }
      %mul3A_289 = arith.constant 6 : i32
      %mul3A_290 = arith.muli %scan3A_150, %mul3A_289 : i32
      %add3A_291 = arith.constant 5 : i32
      %add3A_292 = arith.addi %mul3A_290, %add3A_291 : i32
      %dma_wait3A_293 = arith.constant 0 : i32
      %dma_wait3A_294 = tpu.memref_slice %arg8[%add3A_292, %dma_wait3A_293] : memref<250x80xi32, #tpu.memory_space<vmem>> -> memref<1x80xi32, #tpu.memory_space<vmem>>
      %dma_wait3A_295 = tpu.memref_squeeze %dma_wait3A_294 : memref<1x80xi32, #tpu.memory_space<vmem>> -> memref<80xi32, #tpu.memory_space<vmem>>
      %dma_wait3A_296 = arith.constant 0 : i32
      %dma_wait3A_297 = arith.constant 0 : i32
      %dma_wait3A_298 = tpu.memref_slice %arg2[%dma_wait3A_296, %dma_wait3A_297] : memref<20000x64xf32, #tpu.memory_space<hbm>> -> memref<20000x64xf32, #tpu.memory_space<hbm>>
      tpu.wait_indirect_dma semaphore(%arg22 : memref<!tpu.dma_semaphore, #tpu.memory_space<semaphore_mem>>) src(%dma_wait3A_298 : memref<20000x64xf32, #tpu.memory_space<hbm>>) dst(%arg15 : memref<80x64xf32, #tpu.memory_space<vmem>>)
      %dma_start3A_299 = arith.constant 0 : i32
      %dma_start3A_300 = tpu.memref_slice %arg9[%add3A_292, %dma_start3A_299] : memref<250x80xi32, #tpu.memory_space<vmem>> -> memref<1x80xi32, #tpu.memory_space<vmem>>
      %dma_start3A_301 = tpu.memref_squeeze %dma_start3A_300 : memref<1x80xi32, #tpu.memory_space<vmem>> -> memref<80xi32, #tpu.memory_space<vmem>>
      %dma_start3A_302 = arith.constant 0 : i32
      %dma_start3A_303 = arith.constant 0 : i32
      %dma_start3A_304 = tpu.memref_slice %arg16[%dma_start3A_302, %dma_start3A_303] : memref<10008x64xf32, #tpu.memory_space<vmem_shared>> -> memref<10008x64xf32, #tpu.memory_space<vmem_shared>>
      tpu.enqueue_indirect_dma source(%arg15 : memref<80x64xf32, #tpu.memory_space<vmem>>) target(%dma_start3A_304 : memref<10008x64xf32, #tpu.memory_space<vmem_shared>>) offsets(%dma_start3A_301 : memref<80xi32, #tpu.memory_space<vmem>>) semaphore(%arg28 : memref<!tpu.dma_semaphore, #tpu.memory_space<semaphore_mem>>) {add = true}
      %ge3A_305 = arith.constant 3 : i32
      %ge3A_306 = arith.cmpi sge, %add3A_292, %ge3A_305 : i32
      %convert_element_type3A_307 = arith.extui %ge3A_306 : i1 to i32
      %cond3A_308 = arith.constant 0 : i32
      %cond3A_309 = arith.cmpi ne, %convert_element_type3A_307, %cond3A_308 : i32
      scf.if %cond3A_309 {
        %dma_wait3A_317 = arith.constant 0 : i32
        %dma_wait3A_318 = tpu.memref_slice %arg9[%add3A_292, %dma_wait3A_317] : memref<250x80xi32, #tpu.memory_space<vmem>> -> memref<1x80xi32, #tpu.memory_space<vmem>>
        %dma_wait3A_319 = tpu.memref_squeeze %dma_wait3A_318 : memref<1x80xi32, #tpu.memory_space<vmem>> -> memref<80xi32, #tpu.memory_space<vmem>>
        %dma_wait3A_320 = arith.constant 0 : i32
        %dma_wait3A_321 = arith.constant 0 : i32
        %dma_wait3A_322 = tpu.memref_slice %arg16[%dma_wait3A_320, %dma_wait3A_321] : memref<10008x64xf32, #tpu.memory_space<vmem_shared>> -> memref<10008x64xf32, #tpu.memory_space<vmem_shared>>
        tpu.wait_indirect_dma semaphore(%arg25 : memref<!tpu.dma_semaphore, #tpu.memory_space<semaphore_mem>>) src(%arg12 : memref<80x64xf32, #tpu.memory_space<vmem>>) dst(%dma_wait3A_322 : memref<10008x64xf32, #tpu.memory_space<vmem_shared>>)
      } else {
      }
      %add3A_310 = arith.constant 3 : i32
      %add3A_311 = arith.addi %add3A_292, %add3A_310 : i32
      %lt3A_312 = arith.constant 250 : i32
      %lt3A_313 = arith.cmpi slt, %add3A_311, %lt3A_312 : i32
      %convert_element_type3A_314 = arith.extui %lt3A_313 : i1 to i32
      %cond3A_315 = arith.constant 0 : i32
      %cond3A_316 = arith.cmpi ne, %convert_element_type3A_314, %cond3A_315 : i32
      scf.if %cond3A_316 {
        %add3A_317 = arith.constant 3 : i32
        %add3A_318 = arith.addi %add3A_292, %add3A_317 : i32
        %min3A_319 = arith.constant 249 : i32
        %min3A_320 = arith.minsi %add3A_318, %min3A_319 : i32
        %dma_start3A_321 = arith.constant 0 : i32
        %dma_start3A_322 = tpu.memref_slice %arg8[%min3A_320, %dma_start3A_321] : memref<250x80xi32, #tpu.memory_space<vmem>> -> memref<1x80xi32, #tpu.memory_space<vmem>>
        %dma_start3A_323 = tpu.memref_squeeze %dma_start3A_322 : memref<1x80xi32, #tpu.memory_space<vmem>> -> memref<80xi32, #tpu.memory_space<vmem>>
        %dma_start3A_324 = arith.constant 0 : i32
        %dma_start3A_325 = arith.constant 0 : i32
        %dma_start3A_326 = tpu.memref_slice %arg2[%dma_start3A_324, %dma_start3A_325] : memref<20000x64xf32, #tpu.memory_space<hbm>> -> memref<20000x64xf32, #tpu.memory_space<hbm>>
        tpu.enqueue_indirect_dma source(%dma_start3A_326 : memref<20000x64xf32, #tpu.memory_space<hbm>>) target(%arg12 : memref<80x64xf32, #tpu.memory_space<vmem>>) offsets(%dma_start3A_323 : memref<80xi32, #tpu.memory_space<vmem>>) semaphore(%arg19 : memref<!tpu.dma_semaphore, #tpu.memory_space<semaphore_mem>>)
      } else {
      }
    }
    %scan3A_28 = arith.constant 41 : i32
    %dma_wait3A = arith.constant 246 : i32
    %dma_wait3A_29 = arith.constant 0 : i32
    %dma_wait3A_30 = tpu.memref_slice %arg8[%dma_wait3A, %dma_wait3A_29] : memref<250x80xi32, #tpu.memory_space<vmem>> -> memref<1x80xi32, #tpu.memory_space<vmem>>
    %dma_wait3A_31 = tpu.memref_squeeze %dma_wait3A_30 : memref<1x80xi32, #tpu.memory_space<vmem>> -> memref<80xi32, #tpu.memory_space<vmem>>
    %dma_wait3A_32 = arith.constant 0 : i32
    %dma_wait3A_33 = arith.constant 0 : i32
    %dma_wait3A_34 = tpu.memref_slice %arg2[%dma_wait3A_32, %dma_wait3A_33] : memref<20000x64xf32, #tpu.memory_space<hbm>> -> memref<20000x64xf32, #tpu.memory_space<hbm>>
    tpu.wait_indirect_dma semaphore(%arg17 : memref<!tpu.dma_semaphore, #tpu.memory_space<semaphore_mem>>) src(%dma_wait3A_34 : memref<20000x64xf32, #tpu.memory_space<hbm>>) dst(%arg10 : memref<80x64xf32, #tpu.memory_space<vmem>>)
    %dma_start3A_35 = arith.constant 246 : i32
    %dma_start3A_36 = arith.constant 0 : i32
    %dma_start3A_37 = tpu.memref_slice %arg9[%dma_start3A_35, %dma_start3A_36] : memref<250x80xi32, #tpu.memory_space<vmem>> -> memref<1x80xi32, #tpu.memory_space<vmem>>
    %dma_start3A_38 = tpu.memref_squeeze %dma_start3A_37 : memref<1x80xi32, #tpu.memory_space<vmem>> -> memref<80xi32, #tpu.memory_space<vmem>>
    %dma_start3A_39 = arith.constant 0 : i32
    %dma_start3A_40 = arith.constant 0 : i32
    %dma_start3A_41 = tpu.memref_slice %arg16[%dma_start3A_39, %dma_start3A_40] : memref<10008x64xf32, #tpu.memory_space<vmem_shared>> -> memref<10008x64xf32, #tpu.memory_space<vmem_shared>>
    tpu.enqueue_indirect_dma source(%arg10 : memref<80x64xf32, #tpu.memory_space<vmem>>) target(%dma_start3A_41 : memref<10008x64xf32, #tpu.memory_space<vmem_shared>>) offsets(%dma_start3A_38 : memref<80xi32, #tpu.memory_space<vmem>>) semaphore(%arg23 : memref<!tpu.dma_semaphore, #tpu.memory_space<semaphore_mem>>) {add = true}
    %dma_wait3A_42 = arith.constant 246 : i32
    %dma_wait3A_43 = arith.constant 0 : i32
    %dma_wait3A_44 = tpu.memref_slice %arg9[%dma_wait3A_42, %dma_wait3A_43] : memref<250x80xi32, #tpu.memory_space<vmem>> -> memref<1x80xi32, #tpu.memory_space<vmem>>
    %dma_wait3A_45 = tpu.memref_squeeze %dma_wait3A_44 : memref<1x80xi32, #tpu.memory_space<vmem>> -> memref<80xi32, #tpu.memory_space<vmem>>
    %dma_wait3A_46 = arith.constant 0 : i32
    %dma_wait3A_47 = arith.constant 0 : i32
    %dma_wait3A_48 = tpu.memref_slice %arg16[%dma_wait3A_46, %dma_wait3A_47] : memref<10008x64xf32, #tpu.memory_space<vmem_shared>> -> memref<10008x64xf32, #tpu.memory_space<vmem_shared>>
    tpu.wait_indirect_dma semaphore(%arg26 : memref<!tpu.dma_semaphore, #tpu.memory_space<semaphore_mem>>) src(%arg13 : memref<80x64xf32, #tpu.memory_space<vmem>>) dst(%dma_wait3A_48 : memref<10008x64xf32, #tpu.memory_space<vmem_shared>>)
    %min3A_49 = arith.constant 249 : i32
    %min3A_50 = arith.constant 249 : i32
    %min3A_51 = arith.minsi %min3A_49, %min3A_50 : i32
    %dma_start3A_52 = arith.constant 0 : i32
    %dma_start3A_53 = tpu.memref_slice %arg8[%min3A_51, %dma_start3A_52] : memref<250x80xi32, #tpu.memory_space<vmem>> -> memref<1x80xi32, #tpu.memory_space<vmem>>
    %dma_start3A_54 = tpu.memref_squeeze %dma_start3A_53 : memref<1x80xi32, #tpu.memory_space<vmem>> -> memref<80xi32, #tpu.memory_space<vmem>>
    %dma_start3A_55 = arith.constant 0 : i32
    %dma_start3A_56 = arith.constant 0 : i32
    %dma_start3A_57 = tpu.memref_slice %arg2[%dma_start3A_55, %dma_start3A_56] : memref<20000x64xf32, #tpu.memory_space<hbm>> -> memref<20000x64xf32, #tpu.memory_space<hbm>>
    tpu.enqueue_indirect_dma source(%dma_start3A_57 : memref<20000x64xf32, #tpu.memory_space<hbm>>) target(%arg13 : memref<80x64xf32, #tpu.memory_space<vmem>>) offsets(%dma_start3A_54 : memref<80xi32, #tpu.memory_space<vmem>>) semaphore(%arg20 : memref<!tpu.dma_semaphore, #tpu.memory_space<semaphore_mem>>)
    %dma_wait3A_58 = arith.constant 247 : i32
    %dma_wait3A_59 = arith.constant 0 : i32
    %dma_wait3A_60 = tpu.memref_slice %arg8[%dma_wait3A_58, %dma_wait3A_59] : memref<250x80xi32, #tpu.memory_space<vmem>> -> memref<1x80xi32, #tpu.memory_space<vmem>>
    %dma_wait3A_61 = tpu.memref_squeeze %dma_wait3A_60 : memref<1x80xi32, #tpu.memory_space<vmem>> -> memref<80xi32, #tpu.memory_space<vmem>>
    %dma_wait3A_62 = arith.constant 0 : i32
    %dma_wait3A_63 = arith.constant 0 : i32
    %dma_wait3A_64 = tpu.memref_slice %arg2[%dma_wait3A_62, %dma_wait3A_63] : memref<20000x64xf32, #tpu.memory_space<hbm>> -> memref<20000x64xf32, #tpu.memory_space<hbm>>
    tpu.wait_indirect_dma semaphore(%arg18 : memref<!tpu.dma_semaphore, #tpu.memory_space<semaphore_mem>>) src(%dma_wait3A_64 : memref<20000x64xf32, #tpu.memory_space<hbm>>) dst(%arg11 : memref<80x64xf32, #tpu.memory_space<vmem>>)
    %dma_start3A_65 = arith.constant 247 : i32
    %dma_start3A_66 = arith.constant 0 : i32
    %dma_start3A_67 = tpu.memref_slice %arg9[%dma_start3A_65, %dma_start3A_66] : memref<250x80xi32, #tpu.memory_space<vmem>> -> memref<1x80xi32, #tpu.memory_space<vmem>>
    %dma_start3A_68 = tpu.memref_squeeze %dma_start3A_67 : memref<1x80xi32, #tpu.memory_space<vmem>> -> memref<80xi32, #tpu.memory_space<vmem>>
    %dma_start3A_69 = arith.constant 0 : i32
    %dma_start3A_70 = arith.constant 0 : i32
    %dma_start3A_71 = tpu.memref_slice %arg16[%dma_start3A_69, %dma_start3A_70] : memref<10008x64xf32, #tpu.memory_space<vmem_shared>> -> memref<10008x64xf32, #tpu.memory_space<vmem_shared>>
    tpu.enqueue_indirect_dma source(%arg11 : memref<80x64xf32, #tpu.memory_space<vmem>>) target(%dma_start3A_71 : memref<10008x64xf32, #tpu.memory_space<vmem_shared>>) offsets(%dma_start3A_68 : memref<80xi32, #tpu.memory_space<vmem>>) semaphore(%arg24 : memref<!tpu.dma_semaphore, #tpu.memory_space<semaphore_mem>>) {add = true}
    %dma_wait3A_72 = arith.constant 247 : i32
    %dma_wait3A_73 = arith.constant 0 : i32
    %dma_wait3A_74 = tpu.memref_slice %arg9[%dma_wait3A_72, %dma_wait3A_73] : memref<250x80xi32, #tpu.memory_space<vmem>> -> memref<1x80xi32, #tpu.memory_space<vmem>>
    %dma_wait3A_75 = tpu.memref_squeeze %dma_wait3A_74 : memref<1x80xi32, #tpu.memory_space<vmem>> -> memref<80xi32, #tpu.memory_space<vmem>>
    %dma_wait3A_76 = arith.constant 0 : i32
    %dma_wait3A_77 = arith.constant 0 : i32
    %dma_wait3A_78 = tpu.memref_slice %arg16[%dma_wait3A_76, %dma_wait3A_77] : memref<10008x64xf32, #tpu.memory_space<vmem_shared>> -> memref<10008x64xf32, #tpu.memory_space<vmem_shared>>
    tpu.wait_indirect_dma semaphore(%arg27 : memref<!tpu.dma_semaphore, #tpu.memory_space<semaphore_mem>>) src(%arg14 : memref<80x64xf32, #tpu.memory_space<vmem>>) dst(%dma_wait3A_78 : memref<10008x64xf32, #tpu.memory_space<vmem_shared>>)
    %dma_wait3A_79 = arith.constant 248 : i32
    %dma_wait3A_80 = arith.constant 0 : i32
    %dma_wait3A_81 = tpu.memref_slice %arg8[%dma_wait3A_79, %dma_wait3A_80] : memref<250x80xi32, #tpu.memory_space<vmem>> -> memref<1x80xi32, #tpu.memory_space<vmem>>
    %dma_wait3A_82 = tpu.memref_squeeze %dma_wait3A_81 : memref<1x80xi32, #tpu.memory_space<vmem>> -> memref<80xi32, #tpu.memory_space<vmem>>
    %dma_wait3A_83 = arith.constant 0 : i32
    %dma_wait3A_84 = arith.constant 0 : i32
    %dma_wait3A_85 = tpu.memref_slice %arg2[%dma_wait3A_83, %dma_wait3A_84] : memref<20000x64xf32, #tpu.memory_space<hbm>> -> memref<20000x64xf32, #tpu.memory_space<hbm>>
    tpu.wait_indirect_dma semaphore(%arg19 : memref<!tpu.dma_semaphore, #tpu.memory_space<semaphore_mem>>) src(%dma_wait3A_85 : memref<20000x64xf32, #tpu.memory_space<hbm>>) dst(%arg12 : memref<80x64xf32, #tpu.memory_space<vmem>>)
    %dma_start3A_86 = arith.constant 248 : i32
    %dma_start3A_87 = arith.constant 0 : i32
    %dma_start3A_88 = tpu.memref_slice %arg9[%dma_start3A_86, %dma_start3A_87] : memref<250x80xi32, #tpu.memory_space<vmem>> -> memref<1x80xi32, #tpu.memory_space<vmem>>
    %dma_start3A_89 = tpu.memref_squeeze %dma_start3A_88 : memref<1x80xi32, #tpu.memory_space<vmem>> -> memref<80xi32, #tpu.memory_space<vmem>>
    %dma_start3A_90 = arith.constant 0 : i32
    %dma_start3A_91 = arith.constant 0 : i32
    %dma_start3A_92 = tpu.memref_slice %arg16[%dma_start3A_90, %dma_start3A_91] : memref<10008x64xf32, #tpu.memory_space<vmem_shared>> -> memref<10008x64xf32, #tpu.memory_space<vmem_shared>>
    tpu.enqueue_indirect_dma source(%arg12 : memref<80x64xf32, #tpu.memory_space<vmem>>) target(%dma_start3A_92 : memref<10008x64xf32, #tpu.memory_space<vmem_shared>>) offsets(%dma_start3A_89 : memref<80xi32, #tpu.memory_space<vmem>>) semaphore(%arg25 : memref<!tpu.dma_semaphore, #tpu.memory_space<semaphore_mem>>) {add = true}
    %dma_wait3A_93 = arith.constant 248 : i32
    %dma_wait3A_94 = arith.constant 0 : i32
    %dma_wait3A_95 = tpu.memref_slice %arg9[%dma_wait3A_93, %dma_wait3A_94] : memref<250x80xi32, #tpu.memory_space<vmem>> -> memref<1x80xi32, #tpu.memory_space<vmem>>
    %dma_wait3A_96 = tpu.memref_squeeze %dma_wait3A_95 : memref<1x80xi32, #tpu.memory_space<vmem>> -> memref<80xi32, #tpu.memory_space<vmem>>
    %dma_wait3A_97 = arith.constant 0 : i32
    %dma_wait3A_98 = arith.constant 0 : i32
    %dma_wait3A_99 = tpu.memref_slice %arg16[%dma_wait3A_97, %dma_wait3A_98] : memref<10008x64xf32, #tpu.memory_space<vmem_shared>> -> memref<10008x64xf32, #tpu.memory_space<vmem_shared>>
    tpu.wait_indirect_dma semaphore(%arg28 : memref<!tpu.dma_semaphore, #tpu.memory_space<semaphore_mem>>) src(%arg15 : memref<80x64xf32, #tpu.memory_space<vmem>>) dst(%dma_wait3A_99 : memref<10008x64xf32, #tpu.memory_space<vmem_shared>>)
    %dma_wait3A_100 = arith.constant 249 : i32
    %dma_wait3A_101 = arith.constant 0 : i32
    %dma_wait3A_102 = tpu.memref_slice %arg8[%dma_wait3A_100, %dma_wait3A_101] : memref<250x80xi32, #tpu.memory_space<vmem>> -> memref<1x80xi32, #tpu.memory_space<vmem>>
    %dma_wait3A_103 = tpu.memref_squeeze %dma_wait3A_102 : memref<1x80xi32, #tpu.memory_space<vmem>> -> memref<80xi32, #tpu.memory_space<vmem>>
    %dma_wait3A_104 = arith.constant 0 : i32
    %dma_wait3A_105 = arith.constant 0 : i32
    %dma_wait3A_106 = tpu.memref_slice %arg2[%dma_wait3A_104, %dma_wait3A_105] : memref<20000x64xf32, #tpu.memory_space<hbm>> -> memref<20000x64xf32, #tpu.memory_space<hbm>>
    tpu.wait_indirect_dma semaphore(%arg20 : memref<!tpu.dma_semaphore, #tpu.memory_space<semaphore_mem>>) src(%dma_wait3A_106 : memref<20000x64xf32, #tpu.memory_space<hbm>>) dst(%arg13 : memref<80x64xf32, #tpu.memory_space<vmem>>)
    %dma_start3A_107 = arith.constant 249 : i32
    %dma_start3A_108 = arith.constant 0 : i32
    %dma_start3A_109 = tpu.memref_slice %arg9[%dma_start3A_107, %dma_start3A_108] : memref<250x80xi32, #tpu.memory_space<vmem>> -> memref<1x80xi32, #tpu.memory_space<vmem>>
    %dma_start3A_110 = tpu.memref_squeeze %dma_start3A_109 : memref<1x80xi32, #tpu.memory_space<vmem>> -> memref<80xi32, #tpu.memory_space<vmem>>
    %dma_start3A_111 = arith.constant 0 : i32
    %dma_start3A_112 = arith.constant 0 : i32
    %dma_start3A_113 = tpu.memref_slice %arg16[%dma_start3A_111, %dma_start3A_112] : memref<10008x64xf32, #tpu.memory_space<vmem_shared>> -> memref<10008x64xf32, #tpu.memory_space<vmem_shared>>
    tpu.enqueue_indirect_dma source(%arg13 : memref<80x64xf32, #tpu.memory_space<vmem>>) target(%dma_start3A_113 : memref<10008x64xf32, #tpu.memory_space<vmem_shared>>) offsets(%dma_start3A_110 : memref<80xi32, #tpu.memory_space<vmem>>) semaphore(%arg26 : memref<!tpu.dma_semaphore, #tpu.memory_space<semaphore_mem>>) {add = true}
    %dma_wait3A_114 = arith.constant 249 : i32
    %dma_wait3A_115 = arith.constant 0 : i32
    %dma_wait3A_116 = tpu.memref_slice %arg9[%dma_wait3A_114, %dma_wait3A_115] : memref<250x80xi32, #tpu.memory_space<vmem>> -> memref<1x80xi32, #tpu.memory_space<vmem>>
    %dma_wait3A_117 = tpu.memref_squeeze %dma_wait3A_116 : memref<1x80xi32, #tpu.memory_space<vmem>> -> memref<80xi32, #tpu.memory_space<vmem>>
    %dma_wait3A_118 = arith.constant 0 : i32
    %dma_wait3A_119 = arith.constant 0 : i32
    %dma_wait3A_120 = tpu.memref_slice %arg16[%dma_wait3A_118, %dma_wait3A_119] : memref<10008x64xf32, #tpu.memory_space<vmem_shared>> -> memref<10008x64xf32, #tpu.memory_space<vmem_shared>>
    tpu.wait_indirect_dma semaphore(%arg23 : memref<!tpu.dma_semaphore, #tpu.memory_space<semaphore_mem>>) src(%arg10 : memref<80x64xf32, #tpu.memory_space<vmem>>) dst(%dma_wait3A_120 : memref<10008x64xf32, #tpu.memory_space<vmem_shared>>)
    %dma_wait3A_121 = arith.constant 0 : i32
    %dma_wait3A_122 = arith.constant 0 : i32
    %dma_wait3A_123 = tpu.memref_slice %arg9[%dma_wait3A_121, %dma_wait3A_122] : memref<250x80xi32, #tpu.memory_space<vmem>> -> memref<1x80xi32, #tpu.memory_space<vmem>>
    %dma_wait3A_124 = tpu.memref_squeeze %dma_wait3A_123 : memref<1x80xi32, #tpu.memory_space<vmem>> -> memref<80xi32, #tpu.memory_space<vmem>>
    %dma_wait3A_125 = arith.constant 0 : i32
    %dma_wait3A_126 = arith.constant 0 : i32
    %dma_wait3A_127 = tpu.memref_slice %arg16[%dma_wait3A_125, %dma_wait3A_126] : memref<10008x64xf32, #tpu.memory_space<vmem_shared>> -> memref<10008x64xf32, #tpu.memory_space<vmem_shared>>
    tpu.wait_indirect_dma semaphore(%arg24 : memref<!tpu.dma_semaphore, #tpu.memory_space<semaphore_mem>>) src(%arg11 : memref<80x64xf32, #tpu.memory_space<vmem>>) dst(%dma_wait3A_127 : memref<10008x64xf32, #tpu.memory_space<vmem_shared>>)
    %dma_wait3A_128 = arith.constant 0 : i32
    %dma_wait3A_129 = arith.constant 0 : i32
    %dma_wait3A_130 = tpu.memref_slice %arg9[%dma_wait3A_128, %dma_wait3A_129] : memref<250x80xi32, #tpu.memory_space<vmem>> -> memref<1x80xi32, #tpu.memory_space<vmem>>
    %dma_wait3A_131 = tpu.memref_squeeze %dma_wait3A_130 : memref<1x80xi32, #tpu.memory_space<vmem>> -> memref<80xi32, #tpu.memory_space<vmem>>
    %dma_wait3A_132 = arith.constant 0 : i32
    %dma_wait3A_133 = arith.constant 0 : i32
    %dma_wait3A_134 = tpu.memref_slice %arg16[%dma_wait3A_132, %dma_wait3A_133] : memref<10008x64xf32, #tpu.memory_space<vmem_shared>> -> memref<10008x64xf32, #tpu.memory_space<vmem_shared>>
    tpu.wait_indirect_dma semaphore(%arg25 : memref<!tpu.dma_semaphore, #tpu.memory_space<semaphore_mem>>) src(%arg12 : memref<80x64xf32, #tpu.memory_space<vmem>>) dst(%dma_wait3A_134 : memref<10008x64xf32, #tpu.memory_space<vmem_shared>>)
    %dma_wait3A_135 = arith.constant 0 : i32
    %dma_wait3A_136 = arith.constant 0 : i32
    %dma_wait3A_137 = tpu.memref_slice %arg9[%dma_wait3A_135, %dma_wait3A_136] : memref<250x80xi32, #tpu.memory_space<vmem>> -> memref<1x80xi32, #tpu.memory_space<vmem>>
    %dma_wait3A_138 = tpu.memref_squeeze %dma_wait3A_137 : memref<1x80xi32, #tpu.memory_space<vmem>> -> memref<80xi32, #tpu.memory_space<vmem>>
    %dma_wait3A_139 = arith.constant 0 : i32
    %dma_wait3A_140 = arith.constant 0 : i32
    %dma_wait3A_141 = tpu.memref_slice %arg16[%dma_wait3A_139, %dma_wait3A_140] : memref<10008x64xf32, #tpu.memory_space<vmem_shared>> -> memref<10008x64xf32, #tpu.memory_space<vmem_shared>>
    tpu.wait_indirect_dma semaphore(%arg26 : memref<!tpu.dma_semaphore, #tpu.memory_space<semaphore_mem>>) src(%arg13 : memref<80x64xf32, #tpu.memory_space<vmem>>) dst(%dma_wait3A_141 : memref<10008x64xf32, #tpu.memory_space<vmem_shared>>)
    %barrier3A_142 = arith.constant 0 : index
    tpu.barrier barrier_id(%barrier3A_142)
    %eq3A = arith.constant 0 : i32
    %eq3A_143 = arith.cmpi eq, %arg0, %eq3A : i32
    %convert_element_type3A = arith.extui %eq3A_143 : i1 to i32
    %cond3A = arith.constant 0 : i32
    %cond3A_144 = arith.cmpi ne, %convert_element_type3A, %cond3A : i32
    scf.if %cond3A_144 {
      "tpu.region"() ({
        %run_scoped3A = tpu.sem_alloc : memref<!tpu.dma_semaphore, #tpu.memory_space<semaphore_mem>>
        %dma_start3A_150 = arith.constant 0 : i32
        %dma_start3A_151 = tpu.memref_slice %arg7[%multiple_of3A, %dma_start3A_150] : memref<10008x128xf32, #tpu.memory_space<hbm>> -> memref<632x64xf32, #tpu.memory_space<hbm>>
        %dma_start3A_152 = arith.constant 0 : i32
        %dma_start3A_153 = tpu.memref_slice %arg16[%multiple_of3A, %dma_start3A_152] : memref<10008x64xf32, #tpu.memory_space<vmem_shared>> -> memref<632x64xf32, #tpu.memory_space<vmem_shared>>
        tpu.enqueue_dma source(%dma_start3A_153 : memref<632x64xf32, #tpu.memory_space<vmem_shared>>) target(%dma_start3A_151 : memref<632x64xf32, #tpu.memory_space<hbm>>) target_semaphore(%run_scoped3A : memref<!tpu.dma_semaphore, #tpu.memory_space<semaphore_mem>>)
        %dma_wait3A_154 = arith.constant 0 : i32
        %dma_wait3A_155 = tpu.memref_slice %arg7[%multiple_of3A, %dma_wait3A_154] : memref<10008x128xf32, #tpu.memory_space<hbm>> -> memref<632x64xf32, #tpu.memory_space<hbm>>
        %dma_wait3A_156 = arith.constant 0 : i32
        %dma_wait3A_157 = tpu.memref_slice %arg16[%multiple_of3A, %dma_wait3A_156] : memref<10008x64xf32, #tpu.memory_space<vmem_shared>> -> memref<632x64xf32, #tpu.memory_space<vmem_shared>>
        tpu.wait_dma2 semaphore(%run_scoped3A : memref<!tpu.dma_semaphore, #tpu.memory_space<semaphore_mem>>) src(%dma_wait3A_157 : memref<632x64xf32, #tpu.memory_space<vmem_shared>>) dst(%dma_wait3A_155 : memref<632x64xf32, #tpu.memory_space<hbm>>)
        tpu.yield
      }) : () -> ()
    } else {
    }
    %eq3A_145 = arith.constant 1 : i32
    %eq3A_146 = arith.cmpi eq, %arg0, %eq3A_145 : i32
    %convert_element_type3A_147 = arith.extui %eq3A_146 : i1 to i32
    %cond3A_148 = arith.constant 0 : i32
    %cond3A_149 = arith.cmpi ne, %convert_element_type3A_147, %cond3A_148 : i32
    scf.if %cond3A_149 {
      "tpu.region"() ({
        %run_scoped3A = tpu.sem_alloc : memref<!tpu.dma_semaphore, #tpu.memory_space<semaphore_mem>>
        %dma_start3A_150 = arith.constant 64 : i32
        %dma_start3A_151 = tpu.memref_slice %arg7[%multiple_of3A, %dma_start3A_150] : memref<10008x128xf32, #tpu.memory_space<hbm>> -> memref<632x64xf32, #tpu.memory_space<hbm>>
        %dma_start3A_152 = arith.constant 0 : i32
        %dma_start3A_153 = tpu.memref_slice %arg16[%multiple_of3A, %dma_start3A_152] : memref<10008x64xf32, #tpu.memory_space<vmem_shared>> -> memref<632x64xf32, #tpu.memory_space<vmem_shared>>
        tpu.enqueue_dma source(%dma_start3A_153 : memref<632x64xf32, #tpu.memory_space<vmem_shared>>) target(%dma_start3A_151 : memref<632x64xf32, #tpu.memory_space<hbm>>) target_semaphore(%run_scoped3A : memref<!tpu.dma_semaphore, #tpu.memory_space<semaphore_mem>>)
        %dma_wait3A_154 = arith.constant 64 : i32
        %dma_wait3A_155 = tpu.memref_slice %arg7[%multiple_of3A, %dma_wait3A_154] : memref<10008x128xf32, #tpu.memory_space<hbm>> -> memref<632x64xf32, #tpu.memory_space<hbm>>
        %dma_wait3A_156 = arith.constant 0 : i32
        %dma_wait3A_157 = tpu.memref_slice %arg16[%multiple_of3A, %dma_wait3A_156] : memref<10008x64xf32, #tpu.memory_space<vmem_shared>> -> memref<632x64xf32, #tpu.memory_space<vmem_shared>>
        tpu.wait_dma2 semaphore(%run_scoped3A : memref<!tpu.dma_semaphore, #tpu.memory_space<semaphore_mem>>) src(%dma_wait3A_157 : memref<632x64xf32, #tpu.memory_space<vmem_shared>>) dst(%dma_wait3A_155 : memref<632x64xf32, #tpu.memory_space<hbm>>)
        tpu.yield
      }) : () -> ()
    } else {
    }
    return
  }
}

module attributes {stable_mosaic.version = 14 : i64} {
  func.func @body(%arg0: i32, %arg1: memref<1000x128xf32, #tpu.memory_space<vmem>>, %arg2: memref<128x128xf32, #tpu.memory_space<vmem>>, %arg3: memref<128x128xf32, #tpu.memory_space<vmem>>, %arg4: memref<1x128xf32, #tpu.memory_space<vmem>>, %arg5: memref<1000x128xf32, #tpu.memory_space<vmem>>, %arg6: memref<1000x128xf32, #tpu.memory_space<vmem>>) attributes {dimension_semantics = [#tpu.dimension_semantics<arbitrary>], iteration_bounds = array<i64: 10>, scalar_prefetch = 0 : i64, scratch_operands = 0 : i64, tpu.core_type = #tpu.core_type<tc>, window_params = [{transform_indices = @transform_0, window_bounds = array<i64: 1000, 128>}, {pipeline_mode = #tpu.pipeline_mode<synchronous>, transform_indices = @transform_1, window_bounds = array<i64: 128, 128>}, {pipeline_mode = #tpu.pipeline_mode<synchronous>, transform_indices = @transform_2, window_bounds = array<i64: 128, 128>}, {pipeline_mode = #tpu.pipeline_mode<synchronous>, transform_indices = @transform_3, window_bounds = array<i64: 1, 128>}, {transform_indices = @transform_4, window_bounds = array<i64: 1000, 128>}, {transform_indices = @transform_5, window_bounds = array<i64: 1000, 128>}]} {
    %get3A = arith.constant 0 : index
    %get3A_0 = arith.constant 0 : index
    %get3A_1 = vector.load %arg1[%get3A, %get3A_0] : memref<1000x128xf32, #tpu.memory_space<vmem>>, vector<1000x128xf32>
    %get3A_2 = arith.constant 0 : index
    %get3A_3 = arith.constant 0 : index
    %get3A_4 = vector.load %arg2[%get3A_2, %get3A_3] : memref<128x128xf32, #tpu.memory_space<vmem>>, vector<128x128xf32>
    %dot_general3A = arith.constant dense<0.000000e+00> : vector<1000x128xf32>
    %dot_general3A_5 = tpu.matmul %get3A_1, %get3A_4, %dot_general3A {dimension_numbers = #tpu.dot_dimension_numbers<[1], [0], [0], [1], [0, 0, 1, 1], [], []>, transpose_lhs_hint = false} : vector<1000x128xf32>, vector<128x128xf32>, vector<1000x128xf32> -> vector<1000x128xf32>
    %swap3A = arith.constant 0 : index
    %swap3A_6 = arith.constant 0 : index
    %swap3A_7 = vector.load %arg5[%swap3A, %swap3A_6] : memref<1000x128xf32, #tpu.memory_space<vmem>>, vector<1000x128xf32>
    tpu.vector_store %arg5[%swap3A, %swap3A_6], %dot_general3A_5 {strides = array<i32>} : memref<1000x128xf32, #tpu.memory_space<vmem>>, vector<1000x128xf32>,
    %get3A_8 = arith.constant 0 : index
    %get3A_9 = arith.constant 0 : index
    %get3A_10 = vector.load %arg3[%get3A_8, %get3A_9] : memref<128x128xf32, #tpu.memory_space<vmem>>, vector<128x128xf32>
    %dot_general3A_11 = arith.constant dense<0.000000e+00> : vector<1000x128xf32>
    %dot_general3A_12 = tpu.matmul %get3A_1, %get3A_10, %dot_general3A_11 {dimension_numbers = #tpu.dot_dimension_numbers<[1], [0], [0], [1], [0, 0, 1, 1], [], []>, transpose_lhs_hint = false} : vector<1000x128xf32>, vector<128x128xf32>, vector<1000x128xf32> -> vector<1000x128xf32>
    %get3A_13 = arith.constant 0 : index
    %get3A_14 = arith.constant 0 : index
    %get3A_15 = vector.load %arg4[%get3A_13, %get3A_14] : memref<1x128xf32, #tpu.memory_space<vmem>>, vector<1x128xf32>
    %add3A = vector.broadcast %get3A_15 : vector<1x128xf32> to vector<1000x128xf32>
    %add3A_16 = arith.addf %dot_general3A_12, %add3A : vector<1000x128xf32>
    %swap3A_17 = arith.constant 0 : index
    %swap3A_18 = arith.constant 0 : index
    %swap3A_19 = vector.load %arg6[%swap3A_17, %swap3A_18] : memref<1000x128xf32, #tpu.memory_space<vmem>>, vector<1000x128xf32>
    tpu.vector_store %arg6[%swap3A_17, %swap3A_18], %add3A_16 {strides = array<i32>} : memref<1000x128xf32, #tpu.memory_space<vmem>>, vector<1000x128xf32>,
    return
  }
  func.func @transform_0(%arg0: i32) -> (i32, i32) {
    %c0_i32 = arith.constant 0 : i32
    %c0_i32_0 = arith.constant 0 : i32
    return %arg0, %c0_i32 : i32, i32
  }
  func.func @transform_1(%arg0: i32) -> (i32, i32) {
    %c0_i32 = arith.constant 0 : i32
    %c0_i32_0 = arith.constant 0 : i32
    %c0_i32_1 = arith.constant 0 : i32
    return %c0_i32, %c0_i32_0 : i32, i32
  }
  func.func @transform_2(%arg0: i32) -> (i32, i32) {
    %c0_i32 = arith.constant 0 : i32
    %c0_i32_0 = arith.constant 0 : i32
    %c0_i32_1 = arith.constant 0 : i32
    return %c0_i32, %c0_i32_0 : i32, i32
  }
  func.func @transform_3(%arg0: i32) -> (i32, i32) {
    %c0_i32 = arith.constant 0 : i32
    %c0_i32_0 = arith.constant 0 : i32
    %c0_i32_1 = arith.constant 0 : i32
    return %c0_i32, %c0_i32_0 : i32, i32
  }
  func.func @transform_4(%arg0: i32) -> (i32, i32) {
    %c0_i32 = arith.constant 0 : i32
    %c0_i32_0 = arith.constant 0 : i32
    return %arg0, %c0_i32 : i32, i32
  }
  func.func @transform_5(%arg0: i32) -> (i32, i32) {
    %c0_i32 = arith.constant 0 : i32
    %c0_i32_0 = arith.constant 0 : i32
    return %arg0, %c0_i32 : i32, i32
  }
}

module attributes {stable_mosaic.version = 14 : i64} {
  func.func @body(%arg0: i32, %arg1: memref<1000x128xf32, #tpu.memory_space<vmem>>, %arg2: memref<1000x32xf32, #tpu.memory_space<vmem>>, %arg3: memref<1000x128xf32, #tpu.memory_space<vmem>>, %arg4: memref<128x128xf32, #tpu.memory_space<vmem>>, %arg5: memref<128x128xf32, #tpu.memory_space<vmem>>, %arg6: memref<1x128xf32, #tpu.memory_space<vmem>>, %arg7: memref<1000x128xf32, #tpu.memory_space<vmem>>, %arg8: memref<1000x128xf32, #tpu.memory_space<vmem>>) attributes {dimension_semantics = [#tpu.dimension_semantics<arbitrary>], iteration_bounds = array<i64: 10>, scalar_prefetch = 0 : i64, scratch_operands = 0 : i64, tpu.core_type = #tpu.core_type<tc>, window_params = [{transform_indices = @transform_0, window_bounds = array<i64: 1000, 128>}, {transform_indices = @transform_1, window_bounds = array<i64: 1000, 32>}, {transform_indices = @transform_2, window_bounds = array<i64: 1000, 128>}, {pipeline_mode = #tpu.pipeline_mode<synchronous>, transform_indices = @transform_3, window_bounds = array<i64: 128, 128>}, {pipeline_mode = #tpu.pipeline_mode<synchronous>, transform_indices = @transform_4, window_bounds = array<i64: 128, 128>}, {pipeline_mode = #tpu.pipeline_mode<synchronous>, transform_indices = @transform_5, window_bounds = array<i64: 1, 128>}, {transform_indices = @transform_6, window_bounds = array<i64: 1000, 128>}, {transform_indices = @transform_7, window_bounds = array<i64: 1000, 128>}]} {
    %get3A = arith.constant 0 : index
    %get3A_0 = arith.constant 0 : index
    %get3A_1 = vector.load %arg1[%get3A, %get3A_0] : memref<1000x128xf32, #tpu.memory_space<vmem>>, vector<1000x128xf32>
    %get3A_2 = arith.constant 0 : index
    %get3A_3 = arith.constant 0 : index
    %get3A_4 = vector.load %arg2[%get3A_2, %get3A_3] : memref<1000x32xf32, #tpu.memory_space<vmem>>, vector<1000x1xf32>
    %get3A_5 = arith.constant 0 : index
    %get3A_6 = arith.constant 16 : index
    %get3A_7 = vector.load %arg2[%get3A_5, %get3A_6] : memref<1000x32xf32, #tpu.memory_space<vmem>>, vector<1000x1xf32>
    %add3A = arith.addf %get3A_4, %get3A_7 : vector<1000x1xf32>
    %max3A = arith.constant 1.000000e+00 : f32
    %max3A_8 = vector.broadcast %max3A : f32 to vector<1000x1xf32>
    %max3A_9 = arith.maximumf %add3A, %max3A_8 : vector<1000x1xf32>
    %div3A = arith.constant 1.000000e+00 : f32
    %div3A_10 = vector.broadcast %div3A : f32 to vector<1000x1xf32>
    %div3A_11 = arith.divf %div3A_10, %max3A_9 : vector<1000x1xf32>
    %mul3A = vector.broadcast %div3A_11 : vector<1000x1xf32> to vector<1000x128xf32>
    %mul3A_12 = arith.mulf %get3A_1, %mul3A : vector<1000x128xf32>
    %get3A_13 = arith.constant 0 : index
    %get3A_14 = arith.constant 0 : index
    %get3A_15 = vector.load %arg3[%get3A_13, %get3A_14] : memref<1000x128xf32, #tpu.memory_space<vmem>>, vector<1000x128xf32>
    %add3A_16 = arith.addf %mul3A_12, %get3A_15 : vector<1000x128xf32>
    %max3A_17 = arith.constant 0.000000e+00 : f32
    %max3A_18 = vector.broadcast %max3A_17 : f32 to vector<1000x128xf32>
    %max3A_19 = arith.maximumf %add3A_16, %max3A_18 : vector<1000x128xf32>
    %get3A_20 = arith.constant 0 : index
    %get3A_21 = arith.constant 0 : index
    %get3A_22 = vector.load %arg4[%get3A_20, %get3A_21] : memref<128x128xf32, #tpu.memory_space<vmem>>, vector<128x128xf32>
    %dot_general3A = arith.constant dense<0.000000e+00> : vector<1000x128xf32>
    %dot_general3A_23 = tpu.matmul %max3A_19, %get3A_22, %dot_general3A {dimension_numbers = #tpu.dot_dimension_numbers<[1], [0], [0], [1], [0, 0, 1, 1], [], []>, transpose_lhs_hint = false} : vector<1000x128xf32>, vector<128x128xf32>, vector<1000x128xf32> -> vector<1000x128xf32>
    %swap3A = arith.constant 0 : index
    %swap3A_24 = arith.constant 0 : index
    %swap3A_25 = vector.load %arg7[%swap3A, %swap3A_24] : memref<1000x128xf32, #tpu.memory_space<vmem>>, vector<1000x128xf32>
    tpu.vector_store %arg7[%swap3A, %swap3A_24], %dot_general3A_23 {strides = array<i32>} : memref<1000x128xf32, #tpu.memory_space<vmem>>, vector<1000x128xf32>,
    %get3A_26 = arith.constant 0 : index
    %get3A_27 = arith.constant 0 : index
    %get3A_28 = vector.load %arg5[%get3A_26, %get3A_27] : memref<128x128xf32, #tpu.memory_space<vmem>>, vector<128x128xf32>
    %dot_general3A_29 = arith.constant dense<0.000000e+00> : vector<1000x128xf32>
    %dot_general3A_30 = tpu.matmul %max3A_19, %get3A_28, %dot_general3A_29 {dimension_numbers = #tpu.dot_dimension_numbers<[1], [0], [0], [1], [0, 0, 1, 1], [], []>, transpose_lhs_hint = false} : vector<1000x128xf32>, vector<128x128xf32>, vector<1000x128xf32> -> vector<1000x128xf32>
    %get3A_31 = arith.constant 0 : index
    %get3A_32 = arith.constant 0 : index
    %get3A_33 = vector.load %arg6[%get3A_31, %get3A_32] : memref<1x128xf32, #tpu.memory_space<vmem>>, vector<1x128xf32>
    %add3A_34 = vector.broadcast %get3A_33 : vector<1x128xf32> to vector<1000x128xf32>
    %add3A_35 = arith.addf %dot_general3A_30, %add3A_34 : vector<1000x128xf32>
    %swap3A_36 = arith.constant 0 : index
    %swap3A_37 = arith.constant 0 : index
    %swap3A_38 = vector.load %arg8[%swap3A_36, %swap3A_37] : memref<1000x128xf32, #tpu.memory_space<vmem>>, vector<1000x128xf32>
    tpu.vector_store %arg8[%swap3A_36, %swap3A_37], %add3A_35 {strides = array<i32>} : memref<1000x128xf32, #tpu.memory_space<vmem>>, vector<1000x128xf32>,
    return
  }
  func.func @transform_0(%arg0: i32) -> (i32, i32) {
    %c0_i32 = arith.constant 0 : i32
    %c0_i32_0 = arith.constant 0 : i32
    return %arg0, %c0_i32 : i32, i32
  }
  func.func @transform_1(%arg0: i32) -> (i32, i32) {
    %c0_i32 = arith.constant 0 : i32
    %c0_i32_0 = arith.constant 0 : i32
    return %arg0, %c0_i32 : i32, i32
  }
  func.func @transform_2(%arg0: i32) -> (i32, i32) {
    %c0_i32 = arith.constant 0 : i32
    %c0_i32_0 = arith.constant 0 : i32
    return %arg0, %c0_i32 : i32, i32
  }
  func.func @transform_3(%arg0: i32) -> (i32, i32) {
    %c0_i32 = arith.constant 0 : i32
    %c0_i32_0 = arith.constant 0 : i32
    %c0_i32_1 = arith.constant 0 : i32
    return %c0_i32, %c0_i32_0 : i32, i32
  }
  func.func @transform_4(%arg0: i32) -> (i32, i32) {
    %c0_i32 = arith.constant 0 : i32
    %c0_i32_0 = arith.constant 0 : i32
    %c0_i32_1 = arith.constant 0 : i32
    return %c0_i32, %c0_i32_0 : i32, i32
  }
  func.func @transform_5(%arg0: i32) -> (i32, i32) {
    %c0_i32 = arith.constant 0 : i32
    %c0_i32_0 = arith.constant 0 : i32
    %c0_i32_1 = arith.constant 0 : i32
    return %c0_i32, %c0_i32_0 : i32, i32
  }
  func.func @transform_6(%arg0: i32) -> (i32, i32) {
    %c0_i32 = arith.constant 0 : i32
    %c0_i32_0 = arith.constant 0 : i32
    return %arg0, %c0_i32 : i32, i32
  }
  func.func @transform_7(%arg0: i32) -> (i32, i32) {
    %c0_i32 = arith.constant 0 : i32
    %c0_i32_0 = arith.constant 0 : i32
    return %arg0, %c0_i32 : i32, i32
  }
}

module attributes {stable_mosaic.version = 14 : i64} {
  func.func @body(%arg0: i32, %arg1: memref<1000x128xf32, #tpu.memory_space<vmem>>, %arg2: memref<1000x32xf32, #tpu.memory_space<vmem>>, %arg3: memref<1000x128xf32, #tpu.memory_space<vmem>>, %arg4: memref<128x64xf32, #tpu.memory_space<vmem>>, %arg5: memref<128x64xf32, #tpu.memory_space<vmem>>, %arg6: memref<1x64xf32, #tpu.memory_space<vmem>>, %arg7: memref<1000x128xf32, #tpu.memory_space<vmem>>, %arg8: memref<1000x64xf32, #tpu.memory_space<vmem>>) attributes {dimension_semantics = [#tpu.dimension_semantics<arbitrary>], iteration_bounds = array<i64: 10>, scalar_prefetch = 0 : i64, scratch_operands = 0 : i64, tpu.core_type = #tpu.core_type<tc>, window_params = [{transform_indices = @transform_0, window_bounds = array<i64: 1000, 128>}, {transform_indices = @transform_1, window_bounds = array<i64: 1000, 32>}, {transform_indices = @transform_2, window_bounds = array<i64: 1000, 128>}, {pipeline_mode = #tpu.pipeline_mode<synchronous>, transform_indices = @transform_3, window_bounds = array<i64: 128, 64>}, {pipeline_mode = #tpu.pipeline_mode<synchronous>, transform_indices = @transform_4, window_bounds = array<i64: 128, 64>}, {pipeline_mode = #tpu.pipeline_mode<synchronous>, transform_indices = @transform_5, window_bounds = array<i64: 1, 64>}, {transform_indices = @transform_6, window_bounds = array<i64: 1000, 128>}, {transform_indices = @transform_7, window_bounds = array<i64: 1000, 64>}]} {
    %get3A = arith.constant 0 : index
    %get3A_0 = arith.constant 0 : index
    %get3A_1 = vector.load %arg1[%get3A, %get3A_0] : memref<1000x128xf32, #tpu.memory_space<vmem>>, vector<1000x128xf32>
    %get3A_2 = arith.constant 0 : index
    %get3A_3 = arith.constant 0 : index
    %get3A_4 = vector.load %arg2[%get3A_2, %get3A_3] : memref<1000x32xf32, #tpu.memory_space<vmem>>, vector<1000x1xf32>
    %get3A_5 = arith.constant 0 : index
    %get3A_6 = arith.constant 16 : index
    %get3A_7 = vector.load %arg2[%get3A_5, %get3A_6] : memref<1000x32xf32, #tpu.memory_space<vmem>>, vector<1000x1xf32>
    %add3A = arith.addf %get3A_4, %get3A_7 : vector<1000x1xf32>
    %max3A = arith.constant 1.000000e+00 : f32
    %max3A_8 = vector.broadcast %max3A : f32 to vector<1000x1xf32>
    %max3A_9 = arith.maximumf %add3A, %max3A_8 : vector<1000x1xf32>
    %div3A = arith.constant 1.000000e+00 : f32
    %div3A_10 = vector.broadcast %div3A : f32 to vector<1000x1xf32>
    %div3A_11 = arith.divf %div3A_10, %max3A_9 : vector<1000x1xf32>
    %mul3A = vector.broadcast %div3A_11 : vector<1000x1xf32> to vector<1000x128xf32>
    %mul3A_12 = arith.mulf %get3A_1, %mul3A : vector<1000x128xf32>
    %get3A_13 = arith.constant 0 : index
    %get3A_14 = arith.constant 0 : index
    %get3A_15 = vector.load %arg3[%get3A_13, %get3A_14] : memref<1000x128xf32, #tpu.memory_space<vmem>>, vector<1000x128xf32>
    %add3A_16 = arith.addf %mul3A_12, %get3A_15 : vector<1000x128xf32>
    %gt3A = arith.constant 0.000000e+00 : f32
    %gt3A_17 = vector.broadcast %gt3A : f32 to vector<1000x128xf32>
    %gt3A_18 = arith.cmpf ogt, %add3A_16, %gt3A_17 : vector<1000x128xf32>
    %min3A = arith.constant 0.000000e+00 : f32
    %min3A_19 = vector.broadcast %min3A : f32 to vector<1000x128xf32>
    %min3A_20 = arith.minimumf %add3A_16, %min3A_19 : vector<1000x128xf32>
    %exp3A = math.exp %min3A_20 : vector<1000x128xf32>
    %sub3A = arith.constant 1.000000e+00 : f32
    %sub3A_21 = vector.broadcast %sub3A : f32 to vector<1000x128xf32>
    %sub3A_22 = arith.subf %exp3A, %sub3A_21 : vector<1000x128xf32>
    %select_n3A = arith.select %gt3A_18, %add3A_16, %sub3A_22 : vector<1000x128xi1>, vector<1000x128xf32>
    %get3A_23 = arith.constant 0 : index
    %get3A_24 = arith.constant 0 : index
    %get3A_25 = vector.load %arg4[%get3A_23, %get3A_24] : memref<128x64xf32, #tpu.memory_space<vmem>>, vector<128x64xf32>
    %dot_general3A = arith.constant dense<0.000000e+00> : vector<1000x64xf32>
    %dot_general3A_26 = tpu.matmul %select_n3A, %get3A_25, %dot_general3A {dimension_numbers = #tpu.dot_dimension_numbers<[1], [0], [0], [1], [0, 0, 1, 1], [], []>, transpose_lhs_hint = false} : vector<1000x128xf32>, vector<128x64xf32>, vector<1000x64xf32> -> vector<1000x64xf32>
    %broadcast_in_dim3A = arith.constant 0.000000e+00 : f32
    %broadcast_in_dim3A_27 = vector.broadcast %broadcast_in_dim3A : f32 to vector<1000x64xf32>
    %concatenate3A = tpu.concatenate %dot_general3A_26, %broadcast_in_dim3A_27 in 1 : vector<1000x64xf32>, vector<1000x64xf32> -> vector<1000x128xf32>
    %swap3A = arith.constant 0 : index
    %swap3A_28 = arith.constant 0 : index
    %swap3A_29 = vector.load %arg7[%swap3A, %swap3A_28] : memref<1000x128xf32, #tpu.memory_space<vmem>>, vector<1000x128xf32>
    tpu.vector_store %arg7[%swap3A, %swap3A_28], %concatenate3A {strides = array<i32>} : memref<1000x128xf32, #tpu.memory_space<vmem>>, vector<1000x128xf32>,
    %get3A_30 = arith.constant 0 : index
    %get3A_31 = arith.constant 0 : index
    %get3A_32 = vector.load %arg5[%get3A_30, %get3A_31] : memref<128x64xf32, #tpu.memory_space<vmem>>, vector<128x64xf32>
    %dot_general3A_33 = arith.constant dense<0.000000e+00> : vector<1000x64xf32>
    %dot_general3A_34 = tpu.matmul %select_n3A, %get3A_32, %dot_general3A_33 {dimension_numbers = #tpu.dot_dimension_numbers<[1], [0], [0], [1], [0, 0, 1, 1], [], []>, transpose_lhs_hint = false} : vector<1000x128xf32>, vector<128x64xf32>, vector<1000x64xf32> -> vector<1000x64xf32>
    %get3A_35 = arith.constant 0 : index
    %get3A_36 = arith.constant 0 : index
    %get3A_37 = vector.load %arg6[%get3A_35, %get3A_36] : memref<1x64xf32, #tpu.memory_space<vmem>>, vector<1x64xf32>
    %add3A_38 = vector.broadcast %get3A_37 : vector<1x64xf32> to vector<1000x64xf32>
    %add3A_39 = arith.addf %dot_general3A_34, %add3A_38 : vector<1000x64xf32>
    %swap3A_40 = arith.constant 0 : index
    %swap3A_41 = arith.constant 0 : index
    %swap3A_42 = vector.load %arg8[%swap3A_40, %swap3A_41] : memref<1000x64xf32, #tpu.memory_space<vmem>>, vector<1000x64xf32>
    tpu.vector_store %arg8[%swap3A_40, %swap3A_41], %add3A_39 {strides = array<i32>} : memref<1000x64xf32, #tpu.memory_space<vmem>>, vector<1000x64xf32>,
    return
  }
  func.func @transform_0(%arg0: i32) -> (i32, i32) {
    %c0_i32 = arith.constant 0 : i32
    %c0_i32_0 = arith.constant 0 : i32
    return %arg0, %c0_i32 : i32, i32
  }
  func.func @transform_1(%arg0: i32) -> (i32, i32) {
    %c0_i32 = arith.constant 0 : i32
    %c0_i32_0 = arith.constant 0 : i32
    return %arg0, %c0_i32 : i32, i32
  }
  func.func @transform_2(%arg0: i32) -> (i32, i32) {
    %c0_i32 = arith.constant 0 : i32
    %c0_i32_0 = arith.constant 0 : i32
    return %arg0, %c0_i32 : i32, i32
  }
  func.func @transform_3(%arg0: i32) -> (i32, i32) {
    %c0_i32 = arith.constant 0 : i32
    %c0_i32_0 = arith.constant 0 : i32
    %c0_i32_1 = arith.constant 0 : i32
    return %c0_i32, %c0_i32_0 : i32, i32
  }
  func.func @transform_4(%arg0: i32) -> (i32, i32) {
    %c0_i32 = arith.constant 0 : i32
    %c0_i32_0 = arith.constant 0 : i32
    %c0_i32_1 = arith.constant 0 : i32
    return %c0_i32, %c0_i32_0 : i32, i32
  }
  func.func @transform_5(%arg0: i32) -> (i32, i32) {
    %c0_i32 = arith.constant 0 : i32
    %c0_i32_0 = arith.constant 0 : i32
    %c0_i32_1 = arith.constant 0 : i32
    return %c0_i32, %c0_i32_0 : i32, i32
  }
  func.func @transform_6(%arg0: i32) -> (i32, i32) {
    %c0_i32 = arith.constant 0 : i32
    %c0_i32_0 = arith.constant 0 : i32
    return %arg0, %c0_i32 : i32, i32
  }
  func.func @transform_7(%arg0: i32) -> (i32, i32) {
    %c0_i32 = arith.constant 0 : i32
    %c0_i32_0 = arith.constant 0 : i32
    return %arg0, %c0_i32 : i32, i32
  }
}

module attributes {stable_mosaic.version = 14 : i64} {
  func.func @body(%arg0: i32, %arg1: memref<1000x128xf32, #tpu.memory_space<vmem>>, %arg2: memref<1000x32xf32, #tpu.memory_space<vmem>>, %arg3: memref<1000x64xf32, #tpu.memory_space<vmem>>, %arg4: memref<1000x64xf32, #tpu.memory_space<vmem>>) attributes {dimension_semantics = [#tpu.dimension_semantics<arbitrary>], iteration_bounds = array<i64: 10>, scalar_prefetch = 0 : i64, scratch_operands = 0 : i64, tpu.core_type = #tpu.core_type<tc>, window_params = [{transform_indices = @transform_0, window_bounds = array<i64: 1000, 128>}, {transform_indices = @transform_1, window_bounds = array<i64: 1000, 32>}, {transform_indices = @transform_2, window_bounds = array<i64: 1000, 64>}, {transform_indices = @transform_3, window_bounds = array<i64: 1000, 64>}]} {
    %get3A = arith.constant 0 : index
    %get3A_0 = arith.constant 0 : index
    %get3A_1 = vector.load %arg1[%get3A, %get3A_0] : memref<1000x128xf32, #tpu.memory_space<vmem>>, vector<1000x64xf32>
    %get3A_2 = arith.constant 0 : index
    %get3A_3 = arith.constant 0 : index
    %get3A_4 = vector.load %arg2[%get3A_2, %get3A_3] : memref<1000x32xf32, #tpu.memory_space<vmem>>, vector<1000x1xf32>
    %get3A_5 = arith.constant 0 : index
    %get3A_6 = arith.constant 16 : index
    %get3A_7 = vector.load %arg2[%get3A_5, %get3A_6] : memref<1000x32xf32, #tpu.memory_space<vmem>>, vector<1000x1xf32>
    %add3A = arith.addf %get3A_4, %get3A_7 : vector<1000x1xf32>
    %max3A = arith.constant 1.000000e+00 : f32
    %max3A_8 = vector.broadcast %max3A : f32 to vector<1000x1xf32>
    %max3A_9 = arith.maximumf %add3A, %max3A_8 : vector<1000x1xf32>
    %div3A = arith.constant 1.000000e+00 : f32
    %div3A_10 = vector.broadcast %div3A : f32 to vector<1000x1xf32>
    %div3A_11 = arith.divf %div3A_10, %max3A_9 : vector<1000x1xf32>
    %mul3A = vector.broadcast %div3A_11 : vector<1000x1xf32> to vector<1000x64xf32>
    %mul3A_12 = arith.mulf %get3A_1, %mul3A : vector<1000x64xf32>
    %get3A_13 = arith.constant 0 : index
    %get3A_14 = arith.constant 0 : index
    %get3A_15 = vector.load %arg3[%get3A_13, %get3A_14] : memref<1000x64xf32, #tpu.memory_space<vmem>>, vector<1000x64xf32>
    %add3A_16 = arith.addf %mul3A_12, %get3A_15 : vector<1000x64xf32>
    %reduce_max3A = arith.constant dense<0xFF800000> : vector<1000xf32>
    %reduce_max3A_17 = vector.multi_reduction <maximumf>, %add3A_16, %reduce_max3A [1] : vector<1000x64xf32> to vector<1000xf32>
    %broadcast_in_dim3A = vector.shape_cast %reduce_max3A_17 : vector<1000xf32> to vector<1000x1xf32>
    %sub3A = vector.broadcast %broadcast_in_dim3A : vector<1000x1xf32> to vector<1000x64xf32>
    %sub3A_18 = arith.subf %add3A_16, %sub3A : vector<1000x64xf32>
    %exp3A = math.exp %sub3A_18 : vector<1000x64xf32>
    %reduce_sum3A = arith.constant dense<0.000000e+00> : vector<1000xf32>
    %reduce_sum3A_19 = vector.multi_reduction <add>, %exp3A, %reduce_sum3A [1] : vector<1000x64xf32> to vector<1000xf32>
    %broadcast_in_dim3A_20 = vector.shape_cast %reduce_sum3A_19 : vector<1000xf32> to vector<1000x1xf32>
    %log3A = math.log %broadcast_in_dim3A_20 : vector<1000x1xf32>
    %add3A_21 = arith.addf %broadcast_in_dim3A, %log3A : vector<1000x1xf32>
    %sub3A_22 = vector.broadcast %add3A_21 : vector<1000x1xf32> to vector<1000x64xf32>
    %sub3A_23 = arith.subf %add3A_16, %sub3A_22 : vector<1000x64xf32>
    %swap3A = arith.constant 0 : index
    %swap3A_24 = arith.constant 0 : index
    %swap3A_25 = vector.load %arg4[%swap3A, %swap3A_24] : memref<1000x64xf32, #tpu.memory_space<vmem>>, vector<1000x64xf32>
    tpu.vector_store %arg4[%swap3A, %swap3A_24], %sub3A_23 {strides = array<i32>} : memref<1000x64xf32, #tpu.memory_space<vmem>>, vector<1000x64xf32>,
    return
  }
  func.func @transform_0(%arg0: i32) -> (i32, i32) {
    %c0_i32 = arith.constant 0 : i32
    %c0_i32_0 = arith.constant 0 : i32
    return %arg0, %c0_i32 : i32, i32
  }
  func.func @transform_1(%arg0: i32) -> (i32, i32) {
    %c0_i32 = arith.constant 0 : i32
    %c0_i32_0 = arith.constant 0 : i32
    return %arg0, %c0_i32 : i32, i32
  }
  func.func @transform_2(%arg0: i32) -> (i32, i32) {
    %c0_i32 = arith.constant 0 : i32
    %c0_i32_0 = arith.constant 0 : i32
    return %arg0, %c0_i32 : i32, i32
  }
  func.func @transform_3(%arg0: i32) -> (i32, i32) {
    %c0_i32 = arith.constant 0 : i32
    %c0_i32_0 = arith.constant 0 : i32
    return %arg0, %c0_i32 : i32, i32
  }
}

</mosaic_0001>

<sc_bundles>
// kernel: kernel.12.cloned.1.call-start
scs
__scs_entry_jumppad:
0x0: {  	(pc) =	sbr.rel $0x88, $3  }
0x1: {  	(tag) =	ssettag $0x0;
	lr =	simm.s32 $0x1  }
0x2: {  	[smem:$0x3F96] =	sst lr;
	_ =	strace $0xD0000000  }
0x3: {  	_ = 	snop  }
0x4: {  	_ = 	snop  }
0x5: {  	_ = 	snop  }
0x6: {  	_ = 	snop  }
0x7: {  	_ = 	snop  }
__scs_overlays_trampoline_lowered:
0x8: {  	[smem:$0x3FA5] =	sst s0  }
0x9: {  	[smem:$0x3FA6] =	sst s1  }
0xa: {  	[smem:$0x3FA7] =	sst s2  }
0xb: {  	[smem:$0x3FA8] =	sst s3  }
0xc: {  	[smem:$0x3FA9] =	sst s4  }
0xd: {  	[smem:$0x3FAA] =	sst s5  }
0xe: {  	[smem:$0x3FAB] =	sst s6  }
0xf: {  	[smem:$0x3FAC] =	sst s7  }
0x10: {  	[smem:$0x3FAD] =	sst s8  }
0x11: {  	[smem:$0x3FAE] =	sst s9;
	s0 =	simm.s32 @!p0 $0x0  }
0x12: {  	s1 =	sld [smem:$0x3F94];
	s0 =	simm.s32 @p0 $0x1  }
0x13: {  	[smem:$0x3FAF] =	sst s0;
	s0 =	simm.s32 @!p1 $0x0  }
0x14: {  	s2 =	sld [smem:$0x3F93];
	s0 =	simm.s32 @p1 $0x1  }
0x15: {  	[smem:$0x3FB0] =	sst s0;
	s0 =	simm.s32 @!p2 $0x0  }
0x16: {  	s3 =	sld [smem:$0x3FDB];
	s0 =	simm.s32 @p2 $0x1  }
0x17: {  	s4 =	simm.s32 $0x1BF5;
	[smem:$0x3FB2] =	sst s0  }
0x18: {  	s0 =	sld [smem:$0x3F95];
	_ =	swait.ge [sflag:s4], $0x0  }
0x19: {  	s7 =	sld [smem:$0x3F96]  }
0x1a: {  	s8 =	sadd.s32 $0xFFFFE003, lr  }
0x1b: {  	s9 =	sadd.s32 $0xFFFFFEF7, lr;
	s5 =	simm.s32 $0xFFFFFFFF;
	p2 =	slt.u32 s8, $0xFFFFF086  }
0x1c: {  	p1 =	slt.u32 s9, $0xF7A;
	s5 =	simm.s32 @!p2 $0x0  }
0x1d: {  	s5 =	simm.s32 @p1 $0x1;
	p0 =	seq.s32 s7, s2  }
0x1e: {  	s7 =	smul.u32 @!p0 $0xF7A, s2;
	p2 =	seq.s32 @!p0 s5, $0x0  }
0x1f: {  	s9 =	smul.u32 $0xF7A, s1;
	s8 =	simm.s32 @!p0 $0x1BF5;
	p2 =	por !p2, p0  }
0x20: {  	[sflag:s8] =	ssyncset.s32 @!p0 $0xFFFFF086;
	s6 =	sadd.s32 @!p0 s3, s7;
	s7 =	simm.s32 @!p0 $0x108  }
0x21: {  	s3 =	sadd.s32 s3, s9;
	s6 =	sadd.s32 @!p0 $0x88, s6;
	s7 =	simm.s32 @p2 $0x1082  }
0x22: {  	[simem:s7], [sflag:s8] =	dma.local @!p0 [hbm:s6], $0xF7A  }
0x23: {  	s9 =	sor.u32 $0xD0000000, s2;
	s6 =	simm.s32 $0x108;
	_ =	swait.ge @!p0 [sflag:s8], $0x0  }
0x24: {  	s3 =	sadd.s32 $0x88, s3;
	s6 =	simm.s32 @!p1 $0x1082;
	[sflag:s4] =	ssyncset.s32 $0xFFFFF086  }
0x25: {  	[simem:s6], [sflag:s4] =	dma.local [hbm:s3], $0xF7A  }
0x26: {  	[smem:$0x3F96] =	sst s1;
	(tag) =	ssettag s2;
	_ =	strace s9  }
0x27: {  	s1 =	sld [smem:$0x3FA6]  }
0x28: {  	s2 =	sld [smem:$0x3FA7]  }
0x29: {  	s4 =	sld [smem:$0x3FA9]  }
0x2a: {  	p0 =	seq.s32 s5, $0x0;
	s5 =	sld [smem:$0x3FAA]  }
0x2b: {  	s6 =	sld [smem:$0x3FAB]  }
0x2c: {  	s7 =	sld [smem:$0x3FAC]  }
0x2d: {  	s3 =	simm.s32 $0x108;
	s8 =	sld [smem:$0x3FAD]  }
0x2e: {  	s3 =	simm.s32 @!p0 $0x1082;
	s9 =	sld [smem:$0x3FAE]  }
0x2f: {  	lr =	sadd.s32 s0, s3;
	s0 =	sld [smem:$0x3FA5]  }
0x30: {  	s3 =	sld [smem:$0x3FA8]  }
0x31: {  	[smem:$0x3FB1] =	sst s10  }
0x32: {  	s10 =	sld [smem:$0x3FAF];
	_ =	sdelay $0x3  }
0x33: {  	p0 =	seq.s32 s10, $0x1;
	s10 =	sld [smem:$0x3FB1];
	_ =	sdelay $0x3  }
0x34: {  	[smem:$0x3FB1] =	sst s10  }
0x35: {  	s10 =	sld [smem:$0x3FB0];
	_ =	sdelay $0x3  }
0x36: {  	p1 =	seq.s32 s10, $0x1;
	s10 =	sld [smem:$0x3FB1];
	_ =	sdelay $0x3  }
0x37: {  	[smem:$0x3FB1] =	sst s10  }
0x38: {  	s10 =	sld [smem:$0x3FB2]  }
0x39: {  	_ = 	snop;
	(pc) =	sbr.ind lr, $3  }
0x3a: {  	_ = 	snop  }
0x3b: {  	_ = 	snop  }
0x3c: {  	p2 =	seq.s32 s10, $0x1;
	s10 =	sld [smem:$0x3FB1]  }
0x3d: {  	_ =	shalt  }
0x3e: {  	_ =	shalt  }
0x3f: {  	_ =	shalt  }
0x40: {  	_ =	shalt  }
0x41: {  	_ =	shalt  }
0x42: {  	_ =	shalt  }
0x43: {  	_ =	shalt  }
0x44: {  	_ =	shalt  }
0x45: {  	_ =	shalt  }
0x46: {  	_ =	shalt  }
0x47: {  	_ =	shalt  }
0x48: {  	_ =	shalt  }
0x49: {  	_ =	shalt  }
0x4a: {  	_ =	shalt  }
0x4b: {  	_ =	shalt  }
0x4c: {  	_ =	shalt  }
0x4d: {  	_ =	shalt  }
0x4e: {  	_ =	shalt  }
0x4f: {  	_ =	shalt  }
0x50: {  	_ =	shalt  }
0x51: {  	_ =	shalt  }
0x52: {  	_ =	shalt  }
0x53: {  	_ =	shalt  }
0x54: {  	_ =	shalt  }
0x55: {  	_ =	shalt  }
0x56: {  	_ =	shalt  }
0x57: {  	_ =	shalt  }
0x58: {  	_ =	shalt  }
0x59: {  	_ =	shalt  }
0x5a: {  	_ =	shalt  }
0x5b: {  	_ =	shalt  }
0x5c: {  	_ =	shalt  }
0x5d: {  	_ =	shalt  }
0x5e: {  	_ =	shalt  }
0x5f: {  	_ =	shalt  }
0x60: {  	_ =	shalt  }
0x61: {  	_ =	shalt  }
0x62: {  	_ =	shalt  }
0x63: {  	_ =	shalt  }
0x64: {  	_ =	shalt  }
0x65: {  	_ =	shalt  }
0x66: {  	_ =	shalt  }
0x67: {  	_ =	shalt  }
0x68: {  	_ =	shalt  }
0x69: {  	_ =	shalt  }
0x6a: {  	_ =	shalt  }
0x6b: {  	_ =	shalt  }
0x6c: {  	_ =	shalt  }
0x6d: {  	_ =	shalt  }
0x6e: {  	_ =	shalt  }
0x6f: {  	_ =	shalt  }
0x70: {  	_ =	shalt  }
0x71: {  	_ =	shalt  }
0x72: {  	_ =	shalt  }
0x73: {  	_ =	shalt  }
0x74: {  	_ =	shalt  }
0x75: {  	_ =	shalt  }
0x76: {  	_ =	shalt  }
0x77: {  	_ =	shalt  }
0x78: {  	_ =	shalt  }
0x79: {  	_ =	shalt  }
0x7a: {  	_ =	shalt  }
0x7b: {  	_ =	shalt  }
0x7c: {  	_ =	shalt  }
0x7d: {  	_ =	shalt  }
0x7e: {  	_ =	shalt  }
0x7f: {  	_ =	shalt  }
0x80: {  	_ =	shalt  }
0x81: {  	_ =	shalt  }
0x82: {  	_ =	shalt  }
0x83: {  	_ =	shalt  }
0x84: {  	_ =	shalt  }
0x85: {  	_ =	shalt  }
0x86: {  	_ =	shalt  }
0x87: {  	_ =	shalt  }
.Lfunc_end0:
.L_simem_size_0:
called_computation.1_lowered:
.L_overlay_start_0:
0x88: {  	s2 =	sld [smem:$0x3FD9]  }
0x89: {  	s3 =	sld [smem:$0x3FFE];
	_ =	sdelay $0x1  }
0x8a: {  	s1 =	srdreg.scid  }
0x8b: {  	s0 =	sand.u32 $0x1, s1  }
0x8c: {  	s17 =	sshll.u32 s0, $0xA;
	s2 =	sadd.s32 s3, s2  }
0x8d: {  	s2 =	sadd.s32 s2, s17  }
0x8e: {  	[smem:$0x3FBD] =	sst s2  }
0x8f: {  	_ = 	snop  }
0x90: {  	s2 =	sld [smem:$0x3FD0];
	(tm) =	ssettm $0x1  }
0x91: {  	s18 =	sld [smem:$0x3FFB];
	_ =	sdelay $0x3  }
0x92: {  	_ =	strace s18  }
0x93: {  	s3 =	sld [smem:$0x3FFC];
	_ =	sdelay $0x3  }
0x94: {  	_ =	strace s3  }
0x95: {  	s3 =	sld [smem:$0x3FFD];
	_ =	sdelay $0x3  }
0x96: {  	_ =	strace s3  }
0x97: {  	_ =	strace $0x8FFFFFFF  }
0x98: {  	s19 =	sld [smem:$0x3FDB];
	_ =	sdelay $0x1  }
0x99: {  	s4 =	simm.s32 $_scs_section_size  }
0x9a: {  	s5 =	simm.s32 $_size__tile_overlayer_lowered;
	s6 =	simm.s32 $_tile_overlayer_lowered  }
0x9b: {  	s22 =	simm.s32 $0x1BFF;
	s21 =	sshll.u32 s6, $0x1;
	s3 =	sadd.s32 s4, s19  }
0x9c: {  	s7 =	simm.s32 $0x0;
	s20 =	sshll.u32 s5, $0x1;
	s5 =	sadd.s32 s21, s3  }
0x9d: {  	[timem:s7], [sflag:s22] =	dma.local [hbm:s5], s20  }
0x9e: {  	_ =	swait.ge [sflag:s22], s20  }
0x9f: {  	s4 =	ssub.s32 $0x0, s20;
	[sflag:s22] =	ssyncset.done $0x0  }
0xa0: {  	[sflag:s22] =	ssyncadd.s32 s4;
	_ =	sdelay $0x1  }
0xa1: {  	s23 =	simm.s32 $0x1B8B  }
0xa2: {  	_ =	swait.ge [sflag:s23], $0x1  }
0xa3: {  	[sflag:s23] =	ssyncset.done $0x0  }
0xa4: {  	s25 =	simm.s32 $0x1B8E;
	s24 =	sld [smem:$0x3FFE];
	[sflag:s23] =	ssyncadd.s32 $0xFFFFFFFF  }
0xa5: {  	s26 =	simm.s32 $execute0_lowered;
	[smem:$0x3FD2] =	sst s25  }
0xa6: {  	s5 =	sshll.u32 s26, $0x1;
	_ =	strace $0x80000049;
	[dreg:$0x1] =	wrdreg $0xFFFFFFFF  }
0xa7: {  	s28 =	simm.s32 $_size_execute0_lowered;
	s3 =	sadd.s32 s3, s5;
	[dreg:$0x0] =	wrdreg $0x0  }
0xa8: {  	s5 =	sshll.u32 s28, $0x1;
	[dreg:$0x2] =	wrdreg s3  }
0xa9: {  	[dreg:$0x3] =	wrdreg s5  }
0xaa: {  	[dreg:$0x4] =	wrdreg $0xC0  }
0xab: {  	_ =	task [dreg:s7], $0x5FFFF  }
0xac: {  	[dreg:$0x1] =	wrdreg $0xFFFFFFFF  }
0xad: {  	[dreg:$0x0] =	wrdreg $0x60  }
0xae: {  	[dreg:$0x2] =	wrdreg s24  }
0xaf: {  	[dreg:$0x3] =	wrdreg s2  }
0xb0: {  	[dreg:$0x4] =	wrdreg $0x114400  }
0xb1: {  	[dreg:$0x5] =	wrdreg $0x9  }
0xb2: {  	_ =	task.clear_ibuf [dreg:s7], $0x6FFFF;
	_ =	strace $0x90000049  }
0xb3: {  	s29 =	simm.s32 $0x9;
	_ =	strace $0x8000004B  }
0xb4: {  	_ =	swait.ge [sflag:s29], $0x1  }
0xb5: {  	[sflag:s29] =	ssyncadd.s32 $0xFFFFFFFF  }
0xb6: {  	_ =	strace $0x9000004B  }
0xb7: {  	_ =	sfence  }
0xb8: {  	s30 =	sld [smem:$0x0];
	_ =	sdelay $0x2  }
0xb9: {  	s31 =	sshll.u32 s1, $0xD;
	s1 =	sshrl.u32 s1, $0x2  }
0xba: {  	s3 =	sand.u32 $0x4000, s31;
	s1 =	sadd.s32 s1, s30  }
0xbb: {  	s0 =	sor.u32 s3, s0;
	s1 =	sshll.u32 s1, $0x11  }
0xbc: {  	s0 =	sor.u32 s1, s0  }
0xbd: {  	s0 =	sadd.s32 $0x8F2B, s0  }
0xbe: {  	[sflag:s0] =	ssyncadd.remote.s32 $0x1  }
0xbf: {  	_ =	sfence.sel $0xFFFF  }
0xc0: {  	[dreg:$0x0] =	wrdreg $0xFFFFFFFF;
	(pc) =	sbr.abs _section_cstart, $3  }
0xc1: {  	[dreg:$0x1] =	wrdreg $0xFFFFFFFF  }
0xc2: {  	_ =	task.clear_ibuf [dreg:s7], $0x2FFFF;
	_ =	strace $0x9FFFFFFF  }
0xc3: {  	(tm) =	ssettm $0x7FFFFFFF  }
tec
execute0_lowered:
.L_overlay_start_1:
0x0: {  	(tag) =	ssettag $0x1  }
0x1: {  	s0 =	srdreg.scid;
	s1 =	rddreg [dreg:$0x0]  }
0x2: {  	s6 =	rddreg [dreg:$0x1];
	s11 =	stileid.u32  }
0x3: {  	s2 =	rddreg [dreg:$0x2];
	s14 =	simm.s32 $0x50;
	s15 =	simm.s32 $0x9C40  }
0x4: {  	s16 =	simm.s32 $0xB040;
	s18 =	simm.s32 $0xC440;
	s19 =	simm.s32 $0x1  }
0x5: {  	s30 =	simm.s32 $0x10040;
	s31 =	simm.s32 $0x4;
	s29 =	simm.s32 $0x6  }
0x6: {  	s17 =	simm.s32 $0x9;
	s28 =	simm.s32 $0xA;
	s8 =	smul.u32 $0x9C4, s11  }
0x7: {  	s5 =	sand.u32 $0x1, s0;
	s0 =	sshll.u32 s0, $0x3;
	s10 =	smul.u32 $0x278, s11  }
0x8: {  	s26 =	sshll.u32 s11, $0x6;
	s3 =	sshll.u32 s5, $0x4;
	s5 =	ssub.s32 $0x2, s5  }
0x9: {  	s0 =	sand.u32 $0x8, s0;
	s12 =	sor.u32 $0x1C0D, s26;
	s26 =	simm.s32 $0x3  }
0xa: {  	s4 =	sor.u32 s11, s3;
	s3 =	simm.s32 $0x0;
	s9 =	sshrl.u32 s5, $0x1  }
0xb: {  	s8 =	sadd.s32 s8, s1;
	s0 =	sadd.s32 s0, s1;
	s23 =	smin.u32 s10, $0x24A0  }
0xc: {  	s10 =	simm.s32 $0xD;
	s7 =	smul.u32 $0x9C4, s4;
	[smem:$0x7FF] =	sst s3  }
0xd: {  	s4 =	sadd.s32 $0x21C00, s1;
	s20 =	ssub.s32 s5, s9;
	s22 =	sadd.s32 $0x4400, s8  }
0xe: {  	s24 =	sshll.u32 s23, $0x6;
	s25 =	sshll.u32 s23, $0x3;
	s5 =	sshll.u32 s23, $0x4  }
0xf: {  	s23 =	simm.s32 $0xC;
	_ =	strace $0x8000004A;
	[dreg:$0x5] =	wrdreg s22  }
0x10: {  	s6 =	sadd.s32 s6, s25;
	s0 =	sadd.s32 s5, s0;
	s8 =	smax.u32 s20, $0x1  }
0x11: {  	s22 =	simm.s32 $0x2;
	s25 =	simm.s32 $0xEC40;
	s20 =	simm.s32 $0x5  }
0x12: {  	s5 =	simm.s32 $0x0;
	s7 =	sadd.s32 s7, s1;
	[dreg:$0x6] =	wrdreg s6  }
0x13: {  	s9 =	sadd.s32 $0x4DE00, s0;
	s0 =	simm.s32 $0x7;
	s1 =	simm.s32 $0xB  }
0x14: {  	s21 =	sadd.s32 $0xE200, s7;
	s7 =	sadd.s32 s24, s2;
	s24 =	simm.s32 $0x8  }
0x15: {  	[dreg:$0x4] =	wrdreg s21;
	s13 =	sshrl.u32 s7, $0x3;
	s21 =	simm.s32 $0xD840  }
.LBB2_1:
0x16: {  	s6 =	rddreg [dreg:$0x4]  }
0x17: {  	[tilespmem:s3], [sflag:$0xD] =	stream.linear.gather [hbm4b:s6+s3], $0x4E20, $0x38;
	[tilespmem:$0x1B0A0] =	vst v63  }
0x18: {  	_ =	swait.ge [sflag:s10], $0x4E20  }
0x19: {  	[sflag:s10] =	ssyncset.done $0x0  }
0x1a: {  	s7 =	simm.s32 $0x4E20;
	s11 =	rddreg [dreg:$0x5];
	[sflag:s10] =	ssyncadd.s32 $0xFFFFB1E0  }
0x1b: {  	[tilespmem:s7], [sflag:$0xD] =	stream.linear.gather [hbm4b:s11+s3], $0x4E20, $0x38;
	[tilespmem:$0x1B0A0] =	vst v63  }
0x1c: {  	_ =	swait.ge [sflag:s10], $0x4E20  }
0x1d: {  	[sflag:s10] =	ssyncset.done $0x0  }
0x1e: {  	s11 =	rddreg [dreg:$0x6];
	[sflag:s10] =	ssyncadd.s32 $0xFFFFB1E0  }
0x1f: {  	[spmem:s13], [sflag:s12] =	dma.local [hbm:s11], $0x13C0  }
0x20: {  	_ =	swait.ge [sflag:s10], $0x13C0  }
0x21: {  	[sflag:s10] =	ssyncset.done $0x0  }
0x22: {  	[sflag:s10] =	ssyncadd.s32 $0xFFFFEC40  }
0x23: {  	[tilespmem:s15], [sflag:$0x1] =	stream.indirect.gather [hbm4b:s4+s14], $0x40, s3, s14, $0xb8;
	[tilespmem:$0x1B0A0] =	vst v63  }
0x24: {  	_ = 	snop  }
0x25: {  	[tilespmem:s16], [sflag:$0x2] =	stream.indirect.gather [hbm4b:s4+s14], $0x40, s14, s14, $0xb8;
	[tilespmem:$0x1B0A0] =	vst v63  }
0x26: {  	s11 =	simm.s32 $0xA0  }
0x27: {  	[tilespmem:s18], [sflag:$0x3] =	stream.indirect.gather [hbm4b:s4+s14], $0x40, s11, s14, $0xb8;
	[tilespmem:$0x1B0A0] =	vst v63  }
0x28: {  	[bflag:$0x0] =	sbarrier.arrive $0xFFFF  }
0x29: {  	_ =	swait.ge [sflag:s19], $0x1400  }
0x2a: {  	[sflag:s19] =	ssyncset.done $0x0  }
0x2b: {  	[sflag:s19] =	ssyncadd.s32 $0xFFFFEC00  }
0x2c: {  	[spmem:s2] =	stream.indirect.scatter.add.f32 [tilespmem:s15], [sflag:$0x7], $0x40, s7, s14, $0xb8;
	[tilespmem:$0x1B0A0] =	vst v63  }
0x2d: {  	s7 =	simm.s32 $0xF0  }
0x2e: {  	[tilespmem:s21], [sflag:$0x4] =	stream.indirect.gather [hbm4b:s4+s14], $0x40, s7, s14, $0xb8;
	[tilespmem:$0x1B0A0] =	vst v63  }
0x2f: {  	_ =	swait.ge [sflag:s22], $0x1400  }
0x30: {  	[sflag:s22] =	ssyncset.done $0x0  }
0x31: {  	s11 =	simm.s32 $0x4E70;
	[sflag:s22] =	ssyncadd.s32 $0xFFFFEC00  }
0x32: {  	[spmem:s2] =	stream.indirect.scatter.add.f32 [tilespmem:s16], [sflag:$0x8], $0x40, s11, s14, $0xb8;
	[tilespmem:$0x1B0A0] =	vst v63  }
0x33: {  	s7 =	simm.s32 $0x140  }
0x34: {  	[tilespmem:s25], [sflag:$0x5] =	stream.indirect.gather [hbm4b:s4+s14], $0x40, s7, s14, $0xb8;
	[tilespmem:$0x1B0A0] =	vst v63  }
0x35: {  	_ =	swait.ge [sflag:s26], $0x1400  }
0x36: {  	[sflag:s26] =	ssyncset.done $0x0  }
0x37: {  	s11 =	simm.s32 $0x4EC0;
	[sflag:s26] =	ssyncadd.s32 $0xFFFFEC00  }
0x38: {  	[spmem:s2] =	stream.indirect.scatter.add.f32 [tilespmem:s18], [sflag:$0x9], $0x40, s11, s14, $0xb8;
	[tilespmem:$0x1B0A0] =	vst v63  }
0x39: {  	s7 =	simm.s32 $0x190  }
0x3a: {  	[tilespmem:s30], [sflag:$0x6] =	stream.indirect.gather [hbm4b:s4+s14], $0x40, s7, s14, $0xb8;
	[tilespmem:$0x1B0A0] =	vst v63  }
0x3b: {  	_ =	swait.ge [sflag:s31], $0x1400  }
0x3c: {  	[sflag:s31] =	ssyncset.done $0x0  }
0x3d: {  	s11 =	simm.s32 $0x4F10;
	[sflag:s31] =	ssyncadd.s32 $0xFFFFEC00  }
0x3e: {  	[spmem:s2] =	stream.indirect.scatter.add.f32 [tilespmem:s21], [sflag:$0xA], $0x40, s11, s14, $0xb8;
	[tilespmem:$0x1B0A0] =	vst v63  }
0x3f: {  	_ =	swait.ge [sflag:s0], $0x1400  }
0x40: {  	[sflag:s0] =	ssyncset.done $0x0  }
0x41: {  	s7 =	simm.s32 $0x1E0;
	[sflag:s0] =	ssyncadd.s32 $0xFFFFEC00  }
0x42: {  	[tilespmem:s15], [sflag:$0x1] =	stream.indirect.gather [hbm4b:s4+s14], $0x40, s7, s14, $0xb8;
	[tilespmem:$0x1B0A0] =	vst v63  }
0x43: {  	_ =	swait.ge [sflag:s20], $0x1400  }
0x44: {  	[sflag:s20] =	ssyncset.done $0x0  }
0x45: {  	s11 =	simm.s32 $0x4F60;
	[sflag:s20] =	ssyncadd.s32 $0xFFFFEC00  }
0x46: {  	[spmem:s2] =	stream.indirect.scatter.add.f32 [tilespmem:s25], [sflag:$0xB], $0x40, s11, s14, $0xb8;
	[tilespmem:$0x1B0A0] =	vst v63  }
0x47: {  	_ =	swait.ge [sflag:s24], $0x1400  }
0x48: {  	[sflag:s24] =	ssyncset.done $0x0  }
0x49: {  	s7 =	simm.s32 $0x230;
	[sflag:s24] =	ssyncadd.s32 $0xFFFFEC00  }
0x4a: {  	[tilespmem:s16], [sflag:$0x2] =	stream.indirect.gather [hbm4b:s4+s14], $0x40, s7, s14, $0xb8;
	[tilespmem:$0x1B0A0] =	vst v63  }
0x4b: {  	_ =	swait.ge [sflag:s29], $0x1400  }
0x4c: {  	[sflag:s29] =	ssyncset.done $0x0  }
0x4d: {  	s11 =	simm.s32 $0x4FB0;
	[sflag:s29] =	ssyncadd.s32 $0xFFFFEC00  }
0x4e: {  	[spmem:s2] =	stream.indirect.scatter.add.f32 [tilespmem:s30], [sflag:$0xC], $0x40, s11, s14, $0xb8;
	[tilespmem:$0x1B0A0] =	vst v63  }
0x4f: {  	_ =	swait.ge [sflag:s17], $0x1400  }
0x50: {  	[sflag:s17] =	ssyncset.done $0x0  }
0x51: {  	s7 =	simm.s32 $0x280;
	[sflag:s17] =	ssyncadd.s32 $0xFFFFEC00  }
0x52: {  	[tilespmem:s18], [sflag:$0x3] =	stream.indirect.gather [hbm4b:s4+s14], $0x40, s7, s14, $0xb8;
	[tilespmem:$0x1B0A0] =	vst v63  }
0x53: {  	_ =	swait.ge [sflag:s19], $0x1400  }
0x54: {  	[sflag:s19] =	ssyncset.done $0x0  }
0x55: {  	s11 =	simm.s32 $0x5000;
	[sflag:s19] =	ssyncadd.s32 $0xFFFFEC00  }
0x56: {  	[spmem:s2] =	stream.indirect.scatter.add.f32 [tilespmem:s15], [sflag:$0x7], $0x40, s11, s14, $0xb8;
	[tilespmem:$0x1B0A0] =	vst v63  }
0x57: {  	_ =	swait.ge [sflag:s28], $0x1400  }
0x58: {  	[sflag:s28] =	ssyncset.done $0x0  }
0x59: {  	s7 =	simm.s32 $0x2D0;
	[sflag:s28] =	ssyncadd.s32 $0xFFFFEC00  }
0x5a: {  	[tilespmem:s21], [sflag:$0x4] =	stream.indirect.gather [hbm4b:s4+s14], $0x40, s7, s14, $0xb8;
	[tilespmem:$0x1B0A0] =	vst v63  }
0x5b: {  	_ =	swait.ge [sflag:s22], $0x1400  }
0x5c: {  	[sflag:s22] =	ssyncset.done $0x0  }
0x5d: {  	s11 =	simm.s32 $0x5050;
	[sflag:s22] =	ssyncadd.s32 $0xFFFFEC00  }
0x5e: {  	[spmem:s2] =	stream.indirect.scatter.add.f32 [tilespmem:s16], [sflag:$0x8], $0x40, s11, s14, $0xb8;
	[tilespmem:$0x1B0A0] =	vst v63  }
0x5f: {  	_ =	swait.ge [sflag:s1], $0x1400  }
0x60: {  	[sflag:s1] =	ssyncset.done $0x0  }
0x61: {  	s7 =	simm.s32 $0x320;
	[sflag:s1] =	ssyncadd.s32 $0xFFFFEC00  }
0x62: {  	[tilespmem:s25], [sflag:$0x5] =	stream.indirect.gather [hbm4b:s4+s14], $0x40, s7, s14, $0xb8;
	[tilespmem:$0x1B0A0] =	vst v63  }
0x63: {  	_ =	swait.ge [sflag:s26], $0x1400  }
0x64: {  	[sflag:s26] =	ssyncset.done $0x0  }
0x65: {  	s11 =	simm.s32 $0x50A0;
	[sflag:s26] =	ssyncadd.s32 $0xFFFFEC00  }
0x66: {  	[spmem:s2] =	stream.indirect.scatter.add.f32 [tilespmem:s18], [sflag:$0x9], $0x40, s11, s14, $0xb8;
	[tilespmem:$0x1B0A0] =	vst v63  }
0x67: {  	_ =	swait.ge [sflag:s23], $0x1400  }
0x68: {  	[sflag:s23] =	ssyncset.done $0x0  }
0x69: {  	s7 =	simm.s32 $0x370;
	[sflag:s23] =	ssyncadd.s32 $0xFFFFEC00  }
0x6a: {  	[tilespmem:s30], [sflag:$0x6] =	stream.indirect.gather [hbm4b:s4+s14], $0x40, s7, s14, $0xb8;
	[tilespmem:$0x1B0A0] =	vst v63  }
0x6b: {  	_ =	swait.ge [sflag:s31], $0x1400  }
0x6c: {  	[sflag:s31] =	ssyncset.done $0x0  }
0x6d: {  	s11 =	simm.s32 $0x50F0;
	[sflag:s31] =	ssyncadd.s32 $0xFFFFEC00  }
0x6e: {  	[spmem:s2] =	stream.indirect.scatter.add.f32 [tilespmem:s21], [sflag:$0xA], $0x40, s11, s14, $0xb8;
	[tilespmem:$0x1B0A0] =	vst v63  }
0x6f: {  	_ =	swait.ge [sflag:s0], $0x1400  }
0x70: {  	[sflag:s0] =	ssyncset.done $0x0  }
0x71: {  	s7 =	simm.s32 $0x3C0;
	[sflag:s0] =	ssyncadd.s32 $0xFFFFEC00  }
0x72: {  	[tilespmem:s15], [sflag:$0x1] =	stream.indirect.gather [hbm4b:s4+s14], $0x40, s7, s14, $0xb8;
	[tilespmem:$0x1B0A0] =	vst v63  }
0x73: {  	_ =	swait.ge [sflag:s20], $0x1400  }
0x74: {  	[sflag:s20] =	ssyncset.done $0x0  }
0x75: {  	s11 =	simm.s32 $0x5140;
	[sflag:s20] =	ssyncadd.s32 $0xFFFFEC00  }
0x76: {  	[spmem:s2] =	stream.indirect.scatter.add.f32 [tilespmem:s25], [sflag:$0xB], $0x40, s11, s14, $0xb8;
	[tilespmem:$0x1B0A0] =	vst v63  }
0x77: {  	_ =	swait.ge [sflag:s24], $0x1400  }
0x78: {  	[sflag:s24] =	ssyncset.done $0x0  }
0x79: {  	s7 =	simm.s32 $0x410;
	[sflag:s24] =	ssyncadd.s32 $0xFFFFEC00  }
0x7a: {  	[tilespmem:s16], [sflag:$0x2] =	stream.indirect.gather [hbm4b:s4+s14], $0x40, s7, s14, $0xb8;
	[tilespmem:$0x1B0A0] =	vst v63  }
0x7b: {  	_ =	swait.ge [sflag:s29], $0x1400  }
0x7c: {  	[sflag:s29] =	ssyncset.done $0x0  }
0x7d: {  	s11 =	simm.s32 $0x5190;
	[sflag:s29] =	ssyncadd.s32 $0xFFFFEC00  }
0x7e: {  	[spmem:s2] =	stream.indirect.scatter.add.f32 [tilespmem:s30], [sflag:$0xC], $0x40, s11, s14, $0xb8;
	[tilespmem:$0x1B0A0] =	vst v63  }
0x7f: {  	_ =	swait.ge [sflag:s17], $0x1400  }
0x80: {  	[sflag:s17] =	ssyncset.done $0x0  }
0x81: {  	s6 =	simm.s32 $0x780;
	s7 =	simm.s32 $0x460;
	[sflag:s17] =	ssyncadd.s32 $0xFFFFEC00  }
.LBB2_2:
0x82: {  	[tilespmem:s18], [sflag:$0x3] =	stream.indirect.gather [hbm4b:s4+s14], $0x40, s7, s14, $0xb8;
	[tilespmem:$0x1B0A0] =	vst v63  }
0x83: {  	s7 =	smov.u32 s6  }
0x84: {  	p0 =	sne.s32 s6, $0x12480;
	s6 =	sadd.s32 $0x780, s6;
	_ =	swait.ge [sflag:s19], $0x1400  }
0x85: {  	s7 =	sshra.s32 s7, $0x2;
	[sflag:s19] =	ssyncset.done $0x0  }
0x86: {  	s11 =	sadd.s32 $0x5000, s7;
	[sflag:s19] =	ssyncadd.s32 $0xFFFFEC00  }
0x87: {  	[spmem:s2] =	stream.indirect.scatter.add.f32 [tilespmem:s15], [sflag:$0x7], $0x40, s11, s14, $0xb8;
	[tilespmem:$0x1B0A0] =	vst v63  }
0x88: {  	_ =	swait.ge [sflag:s28], $0x1400  }
0x89: {  	[sflag:s28] =	ssyncset.done $0x0  }
0x8a: {  	s11 =	sadd.s32 $0x2D0, s7;
	[sflag:s28] =	ssyncadd.s32 $0xFFFFEC00  }
0x8b: {  	[tilespmem:s21], [sflag:$0x4] =	stream.indirect.gather [hbm4b:s4+s14], $0x40, s11, s14, $0xb8;
	[tilespmem:$0x1B0A0] =	vst v63  }
0x8c: {  	_ =	swait.ge [sflag:s22], $0x1400  }
0x8d: {  	[sflag:s22] =	ssyncset.done $0x0  }
0x8e: {  	s11 =	sadd.s32 $0x5050, s7;
	[sflag:s22] =	ssyncadd.s32 $0xFFFFEC00  }
0x8f: {  	[spmem:s2] =	stream.indirect.scatter.add.f32 [tilespmem:s16], [sflag:$0x8], $0x40, s11, s14, $0xb8;
	[tilespmem:$0x1B0A0] =	vst v63  }
0x90: {  	_ =	swait.ge [sflag:s1], $0x1400  }
0x91: {  	[sflag:s1] =	ssyncset.done $0x0  }
0x92: {  	s11 =	sadd.s32 $0x320, s7;
	[sflag:s1] =	ssyncadd.s32 $0xFFFFEC00  }
0x93: {  	[tilespmem:s25], [sflag:$0x5] =	stream.indirect.gather [hbm4b:s4+s14], $0x40, s11, s14, $0xb8;
	[tilespmem:$0x1B0A0] =	vst v63  }
0x94: {  	_ =	swait.ge [sflag:s26], $0x1400  }
0x95: {  	[sflag:s26] =	ssyncset.done $0x0  }
0x96: {  	s11 =	sadd.s32 $0x50A0, s7;
	[sflag:s26] =	ssyncadd.s32 $0xFFFFEC00  }
0x97: {  	[spmem:s2] =	stream.indirect.scatter.add.f32 [tilespmem:s18], [sflag:$0x9], $0x40, s11, s14, $0xb8;
	[tilespmem:$0x1B0A0] =	vst v63  }
0x98: {  	_ =	swait.ge [sflag:s23], $0x1400  }
0x99: {  	[sflag:s23] =	ssyncset.done $0x0  }
0x9a: {  	s11 =	sadd.s32 $0x370, s7;
	[sflag:s23] =	ssyncadd.s32 $0xFFFFEC00  }
0x9b: {  	[tilespmem:s30], [sflag:$0x6] =	stream.indirect.gather [hbm4b:s4+s14], $0x40, s11, s14, $0xb8;
	[tilespmem:$0x1B0A0] =	vst v63  }
0x9c: {  	_ =	swait.ge [sflag:s31], $0x1400  }
0x9d: {  	[sflag:s31] =	ssyncset.done $0x0  }
0x9e: {  	s11 =	sadd.s32 $0x50F0, s7;
	[sflag:s31] =	ssyncadd.s32 $0xFFFFEC00  }
0x9f: {  	[spmem:s2] =	stream.indirect.scatter.add.f32 [tilespmem:s21], [sflag:$0xA], $0x40, s11, s14, $0xb8;
	[tilespmem:$0x1B0A0] =	vst v63  }
0xa0: {  	_ =	swait.ge [sflag:s0], $0x1400  }
0xa1: {  	[sflag:s0] =	ssyncset.done $0x0  }
0xa2: {  	s11 =	sadd.s32 $0x3C0, s7;
	[sflag:s0] =	ssyncadd.s32 $0xFFFFEC00  }
0xa3: {  	[tilespmem:s15], [sflag:$0x1] =	stream.indirect.gather [hbm4b:s4+s14], $0x40, s11, s14, $0xb8;
	[tilespmem:$0x1B0A0] =	vst v63  }
0xa4: {  	_ =	swait.ge [sflag:s20], $0x1400  }
0xa5: {  	[sflag:s20] =	ssyncset.done $0x0  }
0xa6: {  	s11 =	sadd.s32 $0x5140, s7;
	[sflag:s20] =	ssyncadd.s32 $0xFFFFEC00  }
0xa7: {  	[spmem:s2] =	stream.indirect.scatter.add.f32 [tilespmem:s25], [sflag:$0xB], $0x40, s11, s14, $0xb8;
	[tilespmem:$0x1B0A0] =	vst v63  }
0xa8: {  	_ =	swait.ge [sflag:s24], $0x1400  }
0xa9: {  	[sflag:s24] =	ssyncset.done $0x0  }
0xaa: {  	s11 =	sadd.s32 $0x410, s7;
	[sflag:s24] =	ssyncadd.s32 $0xFFFFEC00  }
0xab: {  	[tilespmem:s16], [sflag:$0x2] =	stream.indirect.gather [hbm4b:s4+s14], $0x40, s11, s14, $0xb8;
	[tilespmem:$0x1B0A0] =	vst v63  }
0xac: {  	_ =	swait.ge [sflag:s29], $0x1400  }
0xad: {  	[sflag:s29] =	ssyncset.done $0x0  }
.Ltmp0:
0xae: {  	s11 =	sadd.s32 $0x5190, s7;
	[sflag:s29] =	ssyncadd.s32 $0xFFFFEC00;
	(pc) =	sbr.rel @p0 .LBB2_2-.Ltmp0, $4  }
0xaf: {  	[spmem:s2] =	stream.indirect.scatter.add.f32 [tilespmem:s30], [sflag:$0xC], $0x40, s11, s14, $0xb8;
	[tilespmem:$0x1B0A0] =	vst v63  }
0xb0: {  	_ =	swait.ge [sflag:s17], $0x1400  }
0xb1: {  	[sflag:s17] =	ssyncset.done $0x0  }
0xb2: {  	s7 =	sadd.s32 $0x460, s7;
	[sflag:s17] =	ssyncadd.s32 $0xFFFFEC00  }
0xb3: {  	[tilespmem:s18], [sflag:$0x3] =	stream.indirect.gather [hbm4b:s4+s14], $0x40, s7, s14, $0xb8;
	[tilespmem:$0x1B0A0] =	vst v63  }
0xb4: {  	_ =	swait.ge [sflag:s19], $0x1400  }
0xb5: {  	[sflag:s19] =	ssyncset.done $0x0  }
0xb6: {  	s6 =	simm.s32 $0x9B00;
	[sflag:s19] =	ssyncadd.s32 $0xFFFFEC00  }
0xb7: {  	[spmem:s2] =	stream.indirect.scatter.add.f32 [tilespmem:s15], [sflag:$0x7], $0x40, s6, s14, $0xb8;
	[tilespmem:$0x1B0A0] =	vst v63  }
0xb8: {  	_ =	swait.ge [sflag:s28], $0x1400  }
0xb9: {  	[sflag:s28] =	ssyncset.done $0x0  }
0xba: {  	s11 =	simm.s32 $0x4DD0;
	[sflag:s28] =	ssyncadd.s32 $0xFFFFEC00  }
0xbb: {  	[tilespmem:s21], [sflag:$0x4] =	stream.indirect.gather [hbm4b:s4+s14], $0x40, s11, s14, $0xb8;
	[tilespmem:$0x1B0A0] =	vst v63  }
0xbc: {  	_ =	swait.ge [sflag:s22], $0x1400  }
0xbd: {  	[sflag:s22] =	ssyncset.done $0x0  }
0xbe: {  	s7 =	simm.s32 $0x9B50;
	[sflag:s22] =	ssyncadd.s32 $0xFFFFEC00  }
0xbf: {  	[spmem:s2] =	stream.indirect.scatter.add.f32 [tilespmem:s16], [sflag:$0x8], $0x40, s7, s14, $0xb8;
	[tilespmem:$0x1B0A0] =	vst v63  }
0xc0: {  	_ =	swait.ge [sflag:s1], $0x1400  }
0xc1: {  	[sflag:s1] =	ssyncset.done $0x0  }
0xc2: {  	[sflag:s1] =	ssyncadd.s32 $0xFFFFEC00  }
0xc3: {  	_ =	swait.ge [sflag:s26], $0x1400  }
0xc4: {  	[sflag:s26] =	ssyncset.done $0x0  }
0xc5: {  	s11 =	simm.s32 $0x9BA0;
	[sflag:s26] =	ssyncadd.s32 $0xFFFFEC00  }
0xc6: {  	[spmem:s2] =	stream.indirect.scatter.add.f32 [tilespmem:s18], [sflag:$0x9], $0x40, s11, s14, $0xb8;
	[tilespmem:$0x1B0A0] =	vst v63  }
0xc7: {  	_ =	swait.ge [sflag:s23], $0x1400  }
0xc8: {  	[sflag:s23] =	ssyncset.done $0x0  }
0xc9: {  	[sflag:s23] =	ssyncadd.s32 $0xFFFFEC00  }
0xca: {  	_ =	swait.ge [sflag:s31], $0x1400  }
0xcb: {  	[sflag:s31] =	ssyncset.done $0x0  }
0xcc: {  	s7 =	simm.s32 $0x9BF0;
	[sflag:s31] =	ssyncadd.s32 $0xFFFFEC00  }
0xcd: {  	[spmem:s2] =	stream.indirect.scatter.add.f32 [tilespmem:s21], [sflag:$0xA], $0x40, s7, s14, $0xb8;
	[tilespmem:$0x1B0A0] =	vst v63  }
0xce: {  	_ =	swait.ge [sflag:s0], $0x1400  }
0xcf: {  	[sflag:s0] =	ssyncset.done $0x0  }
0xd0: {  	[sflag:s0] =	ssyncadd.s32 $0xFFFFEC00  }
0xd1: {  	_ =	swait.ge [sflag:s24], $0x1400  }
0xd2: {  	[sflag:s24] =	ssyncset.done $0x0  }
0xd3: {  	[sflag:s24] =	ssyncadd.s32 $0xFFFFEC00  }
0xd4: {  	_ =	swait.ge [sflag:s17], $0x1400  }
0xd5: {  	[sflag:s17] =	ssyncset.done $0x0  }
0xd6: {  	[sflag:s17] =	ssyncadd.s32 $0xFFFFEC00  }
0xd7: {  	_ =	swait.ge [sflag:s28], $0x1400  }
0xd8: {  	s5 =	sadd.s32 $0x1, s5;
	[sflag:s28] =	ssyncset.done $0x0  }
0xd9: {  	p0 =	sne.s32 s5, s8;
	[sflag:s28] =	ssyncadd.s32 $0xFFFFEC00  }
.Ltmp1:
0xda: {  	s11 =	simm.s32 $0x10;
	[bflag:$0x0] =	sbarrier.arrive $0xFFFF;
	(pc) =	sbr.rel @p0 .LBB2_1-.Ltmp1, $4  }
0xdb: {  	[hbm:s9@s11], [sflag:s12] =	dma.strided [spmem:s13@s24], $0x13C0, s19, $0x8   }
0xdc: {  	_ =	swait.ge [sflag:s10], $0x13C0  }
0xdd: {  	[sflag:s10] =	ssyncset.done $0x0  }
0xde: {  	[sflag:s10] =	ssyncadd.s32 $0xFFFFEC40  }
0xdf: {  	_ =	sfence.sel $0x180000  }
0xe0: {  	[bflag:$0x0] =	sbarrier.arrive $0xFFFF  }
0xe1: {  	_ =	strace $0x9000004A  }
0xe2: {  	s0 =	stileid.u32;
	[bflag:$0x2] =	sbarrier.arrive $0xFFFF  }
0xe3: {  	p0 =	sne.s32 s0, $0x0;
	s0 =	rddreg [dreg:$0x3]  }
0xe4: {  	s0 =	sadd.s32 @!p0 $0x100000, s0  }
0xe5: {  	[sflag:s0] =	ssyncadd.tile.s32 @!p0 $0x1;
	_ =	shalt  }
.Lfunc_end2:
_tile_overlayer_lowered:
.L_overlay_start_2:
0xe6: {  	(tag) =	ssettag $0x2  }
0xe7: {  	s0 =	rddreg [dreg:$0x0];
	s2 =	stileid.u32  }
0xe8: {  	s1 =	rddreg [dreg:$0x1];
	p0 =	sne.s32 s2, $0x0  }
0xe9: {  	s3 =	rddreg [dreg:$0x2];
	[bflag:$0x3] =	sbarrier.arrive $0xFFFF;
	s2 =	simm.s32 @!p0 $0x1C0D  }
0xea: {  	[timem:s3], [sflag:s2] =	dma.local @!p0 [hbm:s0], s1  }
0xeb: {  	s0 =	simm.s32 @!p0 $0xD  }
0xec: {  	_ =	swait.ge @!p0 [sflag:s0], s1  }
0xed: {  	s1 =	ssub.s32 @!p0 $0x0, s1;
	[sflag:s0] =	ssyncset.done @!p0 $0x0  }
0xee: {  	[sflag:s0] =	ssyncadd.s32 @!p0 s1  }
0xef: {  	[bflag:$0x3] =	sbarrier.arrive $0xFFFF  }
0xf0: {  	_ =	shalt  }

// kernel: kernel.15.cloned.1.call-start
scs
__scs_entry_jumppad:
0x0: {  	(pc) =	sbr.rel $0x88, $3  }
0x1: {  	(tag) =	ssettag $0x0;
	lr =	simm.s32 $0x1  }
0x2: {  	[smem:$0x3F96] =	sst lr;
	_ =	strace $0xD0000000  }
0x3: {  	_ = 	snop  }
0x4: {  	_ = 	snop  }
0x5: {  	_ = 	snop  }
0x6: {  	_ = 	snop  }
0x7: {  	_ = 	snop  }
__scs_overlays_trampoline_lowered:
0x8: {  	[smem:$0x3FA5] =	sst s0  }
0x9: {  	[smem:$0x3FA6] =	sst s1  }
0xa: {  	[smem:$0x3FA7] =	sst s2  }
0xb: {  	[smem:$0x3FA8] =	sst s3  }
0xc: {  	[smem:$0x3FA9] =	sst s4  }
0xd: {  	[smem:$0x3FAA] =	sst s5  }
0xe: {  	[smem:$0x3FAB] =	sst s6  }
0xf: {  	[smem:$0x3FAC] =	sst s7  }
0x10: {  	[smem:$0x3FAD] =	sst s8  }
0x11: {  	[smem:$0x3FAE] =	sst s9;
	s0 =	simm.s32 @!p0 $0x0  }
0x12: {  	s1 =	sld [smem:$0x3F94];
	s0 =	simm.s32 @p0 $0x1  }
0x13: {  	[smem:$0x3FAF] =	sst s0;
	s0 =	simm.s32 @!p1 $0x0  }
0x14: {  	s2 =	sld [smem:$0x3F93];
	s0 =	simm.s32 @p1 $0x1  }
0x15: {  	[smem:$0x3FB0] =	sst s0;
	s0 =	simm.s32 @!p2 $0x0  }
0x16: {  	s3 =	sld [smem:$0x3FDB];
	s0 =	simm.s32 @p2 $0x1  }
0x17: {  	s4 =	simm.s32 $0x1BF5;
	[smem:$0x3FB2] =	sst s0  }
0x18: {  	s0 =	sld [smem:$0x3F95];
	_ =	swait.ge [sflag:s4], $0x0  }
0x19: {  	s7 =	sld [smem:$0x3F96]  }
0x1a: {  	s8 =	sadd.s32 $0xFFFFE003, lr  }
0x1b: {  	s9 =	sadd.s32 $0xFFFFFEF7, lr;
	s5 =	simm.s32 $0xFFFFFFFF;
	p2 =	slt.u32 s8, $0xFFFFF086  }
0x1c: {  	p1 =	slt.u32 s9, $0xF7A;
	s5 =	simm.s32 @!p2 $0x0  }
0x1d: {  	s5 =	simm.s32 @p1 $0x1;
	p0 =	seq.s32 s7, s2  }
0x1e: {  	s7 =	smul.u32 @!p0 $0xF7A, s2;
	p2 =	seq.s32 @!p0 s5, $0x0  }
0x1f: {  	s9 =	smul.u32 $0xF7A, s1;
	s8 =	simm.s32 @!p0 $0x1BF5;
	p2 =	por !p2, p0  }
0x20: {  	[sflag:s8] =	ssyncset.s32 @!p0 $0xFFFFF086;
	s6 =	sadd.s32 @!p0 s3, s7;
	s7 =	simm.s32 @!p0 $0x108  }
0x21: {  	s3 =	sadd.s32 s3, s9;
	s6 =	sadd.s32 @!p0 $0x88, s6;
	s7 =	simm.s32 @p2 $0x1082  }
0x22: {  	[simem:s7], [sflag:s8] =	dma.local @!p0 [hbm:s6], $0xF7A  }
0x23: {  	s9 =	sor.u32 $0xD0000000, s2;
	s6 =	simm.s32 $0x108;
	_ =	swait.ge @!p0 [sflag:s8], $0x0  }
0x24: {  	s3 =	sadd.s32 $0x88, s3;
	s6 =	simm.s32 @!p1 $0x1082;
	[sflag:s4] =	ssyncset.s32 $0xFFFFF086  }
0x25: {  	[simem:s6], [sflag:s4] =	dma.local [hbm:s3], $0xF7A  }
0x26: {  	[smem:$0x3F96] =	sst s1;
	(tag) =	ssettag s2;
	_ =	strace s9  }
0x27: {  	s1 =	sld [smem:$0x3FA6]  }
0x28: {  	s2 =	sld [smem:$0x3FA7]  }
0x29: {  	s4 =	sld [smem:$0x3FA9]  }
0x2a: {  	p0 =	seq.s32 s5, $0x0;
	s5 =	sld [smem:$0x3FAA]  }
0x2b: {  	s6 =	sld [smem:$0x3FAB]  }
0x2c: {  	s7 =	sld [smem:$0x3FAC]  }
0x2d: {  	s3 =	simm.s32 $0x108;
	s8 =	sld [smem:$0x3FAD]  }
0x2e: {  	s3 =	simm.s32 @!p0 $0x1082;
	s9 =	sld [smem:$0x3FAE]  }
0x2f: {  	lr =	sadd.s32 s0, s3;
	s0 =	sld [smem:$0x3FA5]  }
0x30: {  	s3 =	sld [smem:$0x3FA8]  }
0x31: {  	[smem:$0x3FB1] =	sst s10  }
0x32: {  	s10 =	sld [smem:$0x3FAF];
	_ =	sdelay $0x3  }
0x33: {  	p0 =	seq.s32 s10, $0x1;
	s10 =	sld [smem:$0x3FB1];
	_ =	sdelay $0x3  }
0x34: {  	[smem:$0x3FB1] =	sst s10  }
0x35: {  	s10 =	sld [smem:$0x3FB0];
	_ =	sdelay $0x3  }
0x36: {  	p1 =	seq.s32 s10, $0x1;
	s10 =	sld [smem:$0x3FB1];
	_ =	sdelay $0x3  }
0x37: {  	[smem:$0x3FB1] =	sst s10  }
0x38: {  	s10 =	sld [smem:$0x3FB2]  }
0x39: {  	_ = 	snop;
	(pc) =	sbr.ind lr, $3  }
0x3a: {  	_ = 	snop  }
0x3b: {  	_ = 	snop  }
0x3c: {  	p2 =	seq.s32 s10, $0x1;
	s10 =	sld [smem:$0x3FB1]  }
0x3d: {  	_ =	shalt  }
0x3e: {  	_ =	shalt  }
0x3f: {  	_ =	shalt  }
0x40: {  	_ =	shalt  }
0x41: {  	_ =	shalt  }
0x42: {  	_ =	shalt  }
0x43: {  	_ =	shalt  }
0x44: {  	_ =	shalt  }
0x45: {  	_ =	shalt  }
0x46: {  	_ =	shalt  }
0x47: {  	_ =	shalt  }
0x48: {  	_ =	shalt  }
0x49: {  	_ =	shalt  }
0x4a: {  	_ =	shalt  }
0x4b: {  	_ =	shalt  }
0x4c: {  	_ =	shalt  }
0x4d: {  	_ =	shalt  }
0x4e: {  	_ =	shalt  }
0x4f: {  	_ =	shalt  }
0x50: {  	_ =	shalt  }
0x51: {  	_ =	shalt  }
0x52: {  	_ =	shalt  }
0x53: {  	_ =	shalt  }
0x54: {  	_ =	shalt  }
0x55: {  	_ =	shalt  }
0x56: {  	_ =	shalt  }
0x57: {  	_ =	shalt  }
0x58: {  	_ =	shalt  }
0x59: {  	_ =	shalt  }
0x5a: {  	_ =	shalt  }
0x5b: {  	_ =	shalt  }
0x5c: {  	_ =	shalt  }
0x5d: {  	_ =	shalt  }
0x5e: {  	_ =	shalt  }
0x5f: {  	_ =	shalt  }
0x60: {  	_ =	shalt  }
0x61: {  	_ =	shalt  }
0x62: {  	_ =	shalt  }
0x63: {  	_ =	shalt  }
0x64: {  	_ =	shalt  }
0x65: {  	_ =	shalt  }
0x66: {  	_ =	shalt  }
0x67: {  	_ =	shalt  }
0x68: {  	_ =	shalt  }
0x69: {  	_ =	shalt  }
0x6a: {  	_ =	shalt  }
0x6b: {  	_ =	shalt  }
0x6c: {  	_ =	shalt  }
0x6d: {  	_ =	shalt  }
0x6e: {  	_ =	shalt  }
0x6f: {  	_ =	shalt  }
0x70: {  	_ =	shalt  }
0x71: {  	_ =	shalt  }
0x72: {  	_ =	shalt  }
0x73: {  	_ =	shalt  }
0x74: {  	_ =	shalt  }
0x75: {  	_ =	shalt  }
0x76: {  	_ =	shalt  }
0x77: {  	_ =	shalt  }
0x78: {  	_ =	shalt  }
0x79: {  	_ =	shalt  }
0x7a: {  	_ =	shalt  }
0x7b: {  	_ =	shalt  }
0x7c: {  	_ =	shalt  }
0x7d: {  	_ =	shalt  }
0x7e: {  	_ =	shalt  }
0x7f: {  	_ =	shalt  }
0x80: {  	_ =	shalt  }
0x81: {  	_ =	shalt  }
0x82: {  	_ =	shalt  }
0x83: {  	_ =	shalt  }
0x84: {  	_ =	shalt  }
0x85: {  	_ =	shalt  }
0x86: {  	_ =	shalt  }
0x87: {  	_ =	shalt  }
.Lfunc_end0:
.L_simem_size_0:
called_computation.2_lowered:
.L_overlay_start_0:
0x88: {  	s2 =	sld [smem:$0x3FD9]  }
0x89: {  	s3 =	sld [smem:$0x3FFE];
	_ =	sdelay $0x1  }
0x8a: {  	s1 =	srdreg.scid  }
0x8b: {  	s0 =	sand.u32 $0x1, s1  }
0x8c: {  	s17 =	sshll.u32 s0, $0xA;
	s2 =	sadd.s32 s3, s2  }
0x8d: {  	s2 =	sadd.s32 s2, s17  }
0x8e: {  	[smem:$0x3FBD] =	sst s2  }
0x8f: {  	_ = 	snop  }
0x90: {  	s2 =	sld [smem:$0x3FD0];
	(tm) =	ssettm $0x1  }
0x91: {  	s18 =	sld [smem:$0x3FFB];
	_ =	sdelay $0x3  }
0x92: {  	_ =	strace s18  }
0x93: {  	s3 =	sld [smem:$0x3FFC];
	_ =	sdelay $0x3  }
0x94: {  	_ =	strace s3  }
0x95: {  	s3 =	sld [smem:$0x3FFD];
	_ =	sdelay $0x3  }
0x96: {  	_ =	strace s3  }
0x97: {  	_ =	strace $0x8FFFFFFF  }
0x98: {  	s19 =	sld [smem:$0x3FDB];
	_ =	sdelay $0x1  }
0x99: {  	s4 =	simm.s32 $_scs_section_size  }
0x9a: {  	s5 =	simm.s32 $_size__tile_overlayer_lowered;
	s6 =	simm.s32 $_tile_overlayer_lowered  }
0x9b: {  	s22 =	simm.s32 $0x1BFF;
	s21 =	sshll.u32 s6, $0x1;
	s3 =	sadd.s32 s4, s19  }
0x9c: {  	s7 =	simm.s32 $0x0;
	s20 =	sshll.u32 s5, $0x1;
	s5 =	sadd.s32 s21, s3  }
0x9d: {  	[timem:s7], [sflag:s22] =	dma.local [hbm:s5], s20  }
0x9e: {  	_ =	swait.ge [sflag:s22], s20  }
0x9f: {  	s4 =	ssub.s32 $0x0, s20;
	[sflag:s22] =	ssyncset.done $0x0  }
0xa0: {  	[sflag:s22] =	ssyncadd.s32 s4;
	_ =	sdelay $0x1  }
0xa1: {  	s23 =	simm.s32 $0x1B8B  }
0xa2: {  	_ =	swait.ge [sflag:s23], $0x1  }
0xa3: {  	[sflag:s23] =	ssyncset.done $0x0  }
0xa4: {  	s25 =	simm.s32 $0x1B8E;
	s24 =	sld [smem:$0x3FFE];
	[sflag:s23] =	ssyncadd.s32 $0xFFFFFFFF  }
0xa5: {  	s26 =	simm.s32 $execute0_lowered;
	[smem:$0x3FD2] =	sst s25  }
0xa6: {  	s5 =	sshll.u32 s26, $0x1;
	_ =	strace $0x8000004C;
	[dreg:$0x1] =	wrdreg $0xFFFFFFFF  }
0xa7: {  	s28 =	simm.s32 $_size_execute0_lowered;
	s3 =	sadd.s32 s3, s5;
	[dreg:$0x0] =	wrdreg $0x0  }
0xa8: {  	s5 =	sshll.u32 s28, $0x1;
	[dreg:$0x2] =	wrdreg s3  }
0xa9: {  	[dreg:$0x3] =	wrdreg s5  }
0xaa: {  	[dreg:$0x4] =	wrdreg $0xC0  }
0xab: {  	_ =	task [dreg:s7], $0x5FFFF  }
0xac: {  	[dreg:$0x1] =	wrdreg $0xFFFFFFFF  }
0xad: {  	[dreg:$0x0] =	wrdreg $0x60  }
0xae: {  	[dreg:$0x2] =	wrdreg s24  }
0xaf: {  	[dreg:$0x3] =	wrdreg s2  }
0xb0: {  	[dreg:$0x4] =	wrdreg $0xD8400  }
0xb1: {  	[dreg:$0x5] =	wrdreg $0x9  }
0xb2: {  	_ =	task.clear_ibuf [dreg:s7], $0x6FFFF;
	_ =	strace $0x9000004C  }
0xb3: {  	s29 =	simm.s32 $0x9;
	_ =	strace $0x8000004E  }
0xb4: {  	_ =	swait.ge [sflag:s29], $0x1  }
0xb5: {  	[sflag:s29] =	ssyncadd.s32 $0xFFFFFFFF  }
0xb6: {  	_ =	strace $0x9000004E  }
0xb7: {  	_ =	sfence  }
0xb8: {  	s30 =	sld [smem:$0x0];
	_ =	sdelay $0x2  }
0xb9: {  	s31 =	sshll.u32 s1, $0xD;
	s1 =	sshrl.u32 s1, $0x2  }
0xba: {  	s3 =	sand.u32 $0x4000, s31;
	s1 =	sadd.s32 s1, s30  }
0xbb: {  	s0 =	sor.u32 s3, s0;
	s1 =	sshll.u32 s1, $0x11  }
0xbc: {  	s0 =	sor.u32 s1, s0  }
0xbd: {  	s0 =	sadd.s32 $0x8F2B, s0  }
0xbe: {  	[sflag:s0] =	ssyncadd.remote.s32 $0x1  }
0xbf: {  	_ =	sfence.sel $0xFFFF  }
0xc0: {  	[dreg:$0x0] =	wrdreg $0xFFFFFFFF;
	(pc) =	sbr.abs _section_cstart, $3  }
0xc1: {  	[dreg:$0x1] =	wrdreg $0xFFFFFFFF  }
0xc2: {  	_ =	task.clear_ibuf [dreg:s7], $0x2FFFF;
	_ =	strace $0x9FFFFFFF  }
0xc3: {  	(tm) =	ssettm $0x7FFFFFFF  }
tec
execute0_lowered:
.L_overlay_start_1:
0x0: {  	(tag) =	ssettag $0x1  }
0x1: {  	s0 =	srdreg.scid;
	s1 =	rddreg [dreg:$0x0]  }
0x2: {  	s6 =	rddreg [dreg:$0x1];
	s11 =	stileid.u32  }
0x3: {  	s2 =	rddreg [dreg:$0x2];
	s14 =	simm.s32 $0x50;
	s15 =	simm.s32 $0x9C40  }
0x4: {  	s16 =	simm.s32 $0xA640;
	s18 =	simm.s32 $0xB040;
	s19 =	simm.s32 $0x1  }
0x5: {  	s30 =	simm.s32 $0xCE40;
	s31 =	simm.s32 $0x4;
	s29 =	simm.s32 $0x6  }
0x6: {  	s17 =	simm.s32 $0x9;
	s28 =	simm.s32 $0xA;
	s8 =	smul.u32 $0x9C4, s11  }
0x7: {  	s5 =	sand.u32 $0x1, s0;
	s0 =	sshll.u32 s0, $0x2;
	s10 =	smul.u32 $0x278, s11  }
0x8: {  	s26 =	sshll.u32 s11, $0x6;
	s3 =	sshll.u32 s5, $0x4;
	s5 =	ssub.s32 $0x2, s5  }
0x9: {  	s0 =	sand.u32 $0x4, s0;
	s12 =	sor.u32 $0x1C0D, s26;
	s26 =	simm.s32 $0x3  }
0xa: {  	s4 =	sor.u32 s11, s3;
	s3 =	simm.s32 $0x0;
	s9 =	sshrl.u32 s5, $0x1  }
0xb: {  	s8 =	sadd.s32 s8, s1;
	s0 =	sadd.s32 s0, s1;
	s23 =	smin.u32 s10, $0x24A0  }
0xc: {  	s10 =	simm.s32 $0xD;
	s7 =	smul.u32 $0x9C4, s4;
	[smem:$0x7FF] =	sst s3  }
0xd: {  	s4 =	sadd.s32 $0x4DE00, s1;
	s20 =	ssub.s32 s5, s9;
	s22 =	sadd.s32 $0x4400, s8  }
0xe: {  	s24 =	sshll.u32 s23, $0x5;
	s25 =	sshll.u32 s23, $0x2;
	s5 =	sshll.u32 s23, $0x4  }
0xf: {  	s23 =	simm.s32 $0xC;
	_ =	strace $0x8000004D;
	[dreg:$0x5] =	wrdreg s22  }
0x10: {  	s6 =	sadd.s32 s6, s25;
	s0 =	sadd.s32 s5, s0;
	s8 =	smax.u32 s20, $0x1  }
0x11: {  	s22 =	simm.s32 $0x2;
	s25 =	simm.s32 $0xC440;
	s20 =	simm.s32 $0x5  }
0x12: {  	s5 =	simm.s32 $0x0;
	s7 =	sadd.s32 s7, s1;
	[dreg:$0x6] =	wrdreg s6  }
0x13: {  	s9 =	sadd.s32 $0xE200, s0;
	s0 =	simm.s32 $0x7;
	s1 =	simm.s32 $0xB  }
0x14: {  	s21 =	sadd.s32 $0xA6000, s7;
	s7 =	sadd.s32 s24, s2;
	s24 =	simm.s32 $0x8  }
0x15: {  	[dreg:$0x4] =	wrdreg s21;
	s13 =	sshrl.u32 s7, $0x3;
	s21 =	simm.s32 $0xBA40  }
.LBB2_1:
0x16: {  	s6 =	rddreg [dreg:$0x4]  }
0x17: {  	[tilespmem:s3], [sflag:$0xD] =	stream.linear.gather [hbm4b:s6+s3], $0x4E20, $0x38;
	[tilespmem:$0x12670] =	vst v63  }
0x18: {  	_ =	swait.ge [sflag:s10], $0x4E20  }
0x19: {  	[sflag:s10] =	ssyncset.done $0x0  }
0x1a: {  	s7 =	simm.s32 $0x4E20;
	s11 =	rddreg [dreg:$0x5];
	[sflag:s10] =	ssyncadd.s32 $0xFFFFB1E0  }
0x1b: {  	[tilespmem:s7], [sflag:$0xD] =	stream.linear.gather [hbm4b:s11+s3], $0x4E20, $0x38;
	[tilespmem:$0x12670] =	vst v63  }
0x1c: {  	_ =	swait.ge [sflag:s10], $0x4E20  }
0x1d: {  	[sflag:s10] =	ssyncset.done $0x0  }
0x1e: {  	s11 =	rddreg [dreg:$0x6];
	[sflag:s10] =	ssyncadd.s32 $0xFFFFB1E0  }
0x1f: {  	[spmem:s13], [sflag:s12] =	dma.local [hbm:s11], $0x9E0  }
0x20: {  	_ =	swait.ge [sflag:s10], $0x9E0  }
0x21: {  	[sflag:s10] =	ssyncset.done $0x0  }
0x22: {  	[sflag:s10] =	ssyncadd.s32 $0xFFFFF620  }
0x23: {  	[tilespmem:s15], [sflag:$0x1] =	stream.indirect.gather [hbm4b:s4+s14], $0x20, s3, s14, $0xb8;
	[tilespmem:$0x12670] =	vst v63  }
0x24: {  	_ = 	snop  }
0x25: {  	[tilespmem:s16], [sflag:$0x2] =	stream.indirect.gather [hbm4b:s4+s14], $0x20, s14, s14, $0xb8;
	[tilespmem:$0x12670] =	vst v63  }
0x26: {  	s11 =	simm.s32 $0xA0  }
0x27: {  	[tilespmem:s18], [sflag:$0x3] =	stream.indirect.gather [hbm4b:s4+s14], $0x20, s11, s14, $0xb8;
	[tilespmem:$0x12670] =	vst v63  }
0x28: {  	[bflag:$0x0] =	sbarrier.arrive $0xFFFF  }
0x29: {  	_ =	swait.ge [sflag:s19], $0xA00  }
0x2a: {  	[sflag:s19] =	ssyncset.done $0x0  }
0x2b: {  	[sflag:s19] =	ssyncadd.s32 $0xFFFFF600  }
0x2c: {  	[spmem:s2] =	stream.indirect.scatter.add.f32 [tilespmem:s15], [sflag:$0x7], $0x20, s7, s14, $0xb8;
	[tilespmem:$0x12670] =	vst v63  }
0x2d: {  	s7 =	simm.s32 $0xF0  }
0x2e: {  	[tilespmem:s21], [sflag:$0x4] =	stream.indirect.gather [hbm4b:s4+s14], $0x20, s7, s14, $0xb8;
	[tilespmem:$0x12670] =	vst v63  }
0x2f: {  	_ =	swait.ge [sflag:s22], $0xA00  }
0x30: {  	[sflag:s22] =	ssyncset.done $0x0  }
0x31: {  	s11 =	simm.s32 $0x4E70;
	[sflag:s22] =	ssyncadd.s32 $0xFFFFF600  }
0x32: {  	[spmem:s2] =	stream.indirect.scatter.add.f32 [tilespmem:s16], [sflag:$0x8], $0x20, s11, s14, $0xb8;
	[tilespmem:$0x12670] =	vst v63  }
0x33: {  	s7 =	simm.s32 $0x140  }
0x34: {  	[tilespmem:s25], [sflag:$0x5] =	stream.indirect.gather [hbm4b:s4+s14], $0x20, s7, s14, $0xb8;
	[tilespmem:$0x12670] =	vst v63  }
0x35: {  	_ =	swait.ge [sflag:s26], $0xA00  }
0x36: {  	[sflag:s26] =	ssyncset.done $0x0  }
0x37: {  	s11 =	simm.s32 $0x4EC0;
	[sflag:s26] =	ssyncadd.s32 $0xFFFFF600  }
0x38: {  	[spmem:s2] =	stream.indirect.scatter.add.f32 [tilespmem:s18], [sflag:$0x9], $0x20, s11, s14, $0xb8;
	[tilespmem:$0x12670] =	vst v63  }
0x39: {  	s7 =	simm.s32 $0x190  }
0x3a: {  	[tilespmem:s30], [sflag:$0x6] =	stream.indirect.gather [hbm4b:s4+s14], $0x20, s7, s14, $0xb8;
	[tilespmem:$0x12670] =	vst v63  }
0x3b: {  	_ =	swait.ge [sflag:s31], $0xA00  }
0x3c: {  	[sflag:s31] =	ssyncset.done $0x0  }
0x3d: {  	s11 =	simm.s32 $0x4F10;
	[sflag:s31] =	ssyncadd.s32 $0xFFFFF600  }
0x3e: {  	[spmem:s2] =	stream.indirect.scatter.add.f32 [tilespmem:s21], [sflag:$0xA], $0x20, s11, s14, $0xb8;
	[tilespmem:$0x12670] =	vst v63  }
0x3f: {  	_ =	swait.ge [sflag:s0], $0xA00  }
0x40: {  	[sflag:s0] =	ssyncset.done $0x0  }
0x41: {  	s7 =	simm.s32 $0x1E0;
	[sflag:s0] =	ssyncadd.s32 $0xFFFFF600  }
0x42: {  	[tilespmem:s15], [sflag:$0x1] =	stream.indirect.gather [hbm4b:s4+s14], $0x20, s7, s14, $0xb8;
	[tilespmem:$0x12670] =	vst v63  }
0x43: {  	_ =	swait.ge [sflag:s20], $0xA00  }
0x44: {  	[sflag:s20] =	ssyncset.done $0x0  }
0x45: {  	s11 =	simm.s32 $0x4F60;
	[sflag:s20] =	ssyncadd.s32 $0xFFFFF600  }
0x46: {  	[spmem:s2] =	stream.indirect.scatter.add.f32 [tilespmem:s25], [sflag:$0xB], $0x20, s11, s14, $0xb8;
	[tilespmem:$0x12670] =	vst v63  }
0x47: {  	_ =	swait.ge [sflag:s24], $0xA00  }
0x48: {  	[sflag:s24] =	ssyncset.done $0x0  }
0x49: {  	s7 =	simm.s32 $0x230;
	[sflag:s24] =	ssyncadd.s32 $0xFFFFF600  }
0x4a: {  	[tilespmem:s16], [sflag:$0x2] =	stream.indirect.gather [hbm4b:s4+s14], $0x20, s7, s14, $0xb8;
	[tilespmem:$0x12670] =	vst v63  }
0x4b: {  	_ =	swait.ge [sflag:s29], $0xA00  }
0x4c: {  	[sflag:s29] =	ssyncset.done $0x0  }
0x4d: {  	s11 =	simm.s32 $0x4FB0;
	[sflag:s29] =	ssyncadd.s32 $0xFFFFF600  }
0x4e: {  	[spmem:s2] =	stream.indirect.scatter.add.f32 [tilespmem:s30], [sflag:$0xC], $0x20, s11, s14, $0xb8;
	[tilespmem:$0x12670] =	vst v63  }
0x4f: {  	_ =	swait.ge [sflag:s17], $0xA00  }
0x50: {  	[sflag:s17] =	ssyncset.done $0x0  }
0x51: {  	s7 =	simm.s32 $0x280;
	[sflag:s17] =	ssyncadd.s32 $0xFFFFF600  }
0x52: {  	[tilespmem:s18], [sflag:$0x3] =	stream.indirect.gather [hbm4b:s4+s14], $0x20, s7, s14, $0xb8;
	[tilespmem:$0x12670] =	vst v63  }
0x53: {  	_ =	swait.ge [sflag:s19], $0xA00  }
0x54: {  	[sflag:s19] =	ssyncset.done $0x0  }
0x55: {  	s11 =	simm.s32 $0x5000;
	[sflag:s19] =	ssyncadd.s32 $0xFFFFF600  }
0x56: {  	[spmem:s2] =	stream.indirect.scatter.add.f32 [tilespmem:s15], [sflag:$0x7], $0x20, s11, s14, $0xb8;
	[tilespmem:$0x12670] =	vst v63  }
0x57: {  	_ =	swait.ge [sflag:s28], $0xA00  }
0x58: {  	[sflag:s28] =	ssyncset.done $0x0  }
0x59: {  	s7 =	simm.s32 $0x2D0;
	[sflag:s28] =	ssyncadd.s32 $0xFFFFF600  }
0x5a: {  	[tilespmem:s21], [sflag:$0x4] =	stream.indirect.gather [hbm4b:s4+s14], $0x20, s7, s14, $0xb8;
	[tilespmem:$0x12670] =	vst v63  }
0x5b: {  	_ =	swait.ge [sflag:s22], $0xA00  }
0x5c: {  	[sflag:s22] =	ssyncset.done $0x0  }
0x5d: {  	s11 =	simm.s32 $0x5050;
	[sflag:s22] =	ssyncadd.s32 $0xFFFFF600  }
0x5e: {  	[spmem:s2] =	stream.indirect.scatter.add.f32 [tilespmem:s16], [sflag:$0x8], $0x20, s11, s14, $0xb8;
	[tilespmem:$0x12670] =	vst v63  }
0x5f: {  	_ =	swait.ge [sflag:s1], $0xA00  }
0x60: {  	[sflag:s1] =	ssyncset.done $0x0  }
0x61: {  	s7 =	simm.s32 $0x320;
	[sflag:s1] =	ssyncadd.s32 $0xFFFFF600  }
0x62: {  	[tilespmem:s25], [sflag:$0x5] =	stream.indirect.gather [hbm4b:s4+s14], $0x20, s7, s14, $0xb8;
	[tilespmem:$0x12670] =	vst v63  }
0x63: {  	_ =	swait.ge [sflag:s26], $0xA00  }
0x64: {  	[sflag:s26] =	ssyncset.done $0x0  }
0x65: {  	s11 =	simm.s32 $0x50A0;
	[sflag:s26] =	ssyncadd.s32 $0xFFFFF600  }
0x66: {  	[spmem:s2] =	stream.indirect.scatter.add.f32 [tilespmem:s18], [sflag:$0x9], $0x20, s11, s14, $0xb8;
	[tilespmem:$0x12670] =	vst v63  }
0x67: {  	_ =	swait.ge [sflag:s23], $0xA00  }
0x68: {  	[sflag:s23] =	ssyncset.done $0x0  }
0x69: {  	s7 =	simm.s32 $0x370;
	[sflag:s23] =	ssyncadd.s32 $0xFFFFF600  }
0x6a: {  	[tilespmem:s30], [sflag:$0x6] =	stream.indirect.gather [hbm4b:s4+s14], $0x20, s7, s14, $0xb8;
	[tilespmem:$0x12670] =	vst v63  }
0x6b: {  	_ =	swait.ge [sflag:s31], $0xA00  }
0x6c: {  	[sflag:s31] =	ssyncset.done $0x0  }
0x6d: {  	s11 =	simm.s32 $0x50F0;
	[sflag:s31] =	ssyncadd.s32 $0xFFFFF600  }
0x6e: {  	[spmem:s2] =	stream.indirect.scatter.add.f32 [tilespmem:s21], [sflag:$0xA], $0x20, s11, s14, $0xb8;
	[tilespmem:$0x12670] =	vst v63  }
0x6f: {  	_ =	swait.ge [sflag:s0], $0xA00  }
0x70: {  	[sflag:s0] =	ssyncset.done $0x0  }
0x71: {  	s7 =	simm.s32 $0x3C0;
	[sflag:s0] =	ssyncadd.s32 $0xFFFFF600  }
0x72: {  	[tilespmem:s15], [sflag:$0x1] =	stream.indirect.gather [hbm4b:s4+s14], $0x20, s7, s14, $0xb8;
	[tilespmem:$0x12670] =	vst v63  }
0x73: {  	_ =	swait.ge [sflag:s20], $0xA00  }
0x74: {  	[sflag:s20] =	ssyncset.done $0x0  }
0x75: {  	s11 =	simm.s32 $0x5140;
	[sflag:s20] =	ssyncadd.s32 $0xFFFFF600  }
0x76: {  	[spmem:s2] =	stream.indirect.scatter.add.f32 [tilespmem:s25], [sflag:$0xB], $0x20, s11, s14, $0xb8;
	[tilespmem:$0x12670] =	vst v63  }
0x77: {  	_ =	swait.ge [sflag:s24], $0xA00  }
0x78: {  	[sflag:s24] =	ssyncset.done $0x0  }
0x79: {  	s7 =	simm.s32 $0x410;
	[sflag:s24] =	ssyncadd.s32 $0xFFFFF600  }
0x7a: {  	[tilespmem:s16], [sflag:$0x2] =	stream.indirect.gather [hbm4b:s4+s14], $0x20, s7, s14, $0xb8;
	[tilespmem:$0x12670] =	vst v63  }
0x7b: {  	_ =	swait.ge [sflag:s29], $0xA00  }
0x7c: {  	[sflag:s29] =	ssyncset.done $0x0  }
0x7d: {  	s11 =	simm.s32 $0x5190;
	[sflag:s29] =	ssyncadd.s32 $0xFFFFF600  }
0x7e: {  	[spmem:s2] =	stream.indirect.scatter.add.f32 [tilespmem:s30], [sflag:$0xC], $0x20, s11, s14, $0xb8;
	[tilespmem:$0x12670] =	vst v63  }
0x7f: {  	_ =	swait.ge [sflag:s17], $0xA00  }
0x80: {  	[sflag:s17] =	ssyncset.done $0x0  }
0x81: {  	s6 =	simm.s32 $0x780;
	s7 =	simm.s32 $0x460;
	[sflag:s17] =	ssyncadd.s32 $0xFFFFF600  }
.LBB2_2:
0x82: {  	[tilespmem:s18], [sflag:$0x3] =	stream.indirect.gather [hbm4b:s4+s14], $0x20, s7, s14, $0xb8;
	[tilespmem:$0x12670] =	vst v63  }
0x83: {  	s7 =	smov.u32 s6  }
0x84: {  	p0 =	sne.s32 s6, $0x12480;
	s6 =	sadd.s32 $0x780, s6;
	_ =	swait.ge [sflag:s19], $0xA00  }
0x85: {  	s7 =	sshra.s32 s7, $0x2;
	[sflag:s19] =	ssyncset.done $0x0  }
0x86: {  	s11 =	sadd.s32 $0x5000, s7;
	[sflag:s19] =	ssyncadd.s32 $0xFFFFF600  }
0x87: {  	[spmem:s2] =	stream.indirect.scatter.add.f32 [tilespmem:s15], [sflag:$0x7], $0x20, s11, s14, $0xb8;
	[tilespmem:$0x12670] =	vst v63  }
0x88: {  	_ =	swait.ge [sflag:s28], $0xA00  }
0x89: {  	[sflag:s28] =	ssyncset.done $0x0  }
0x8a: {  	s11 =	sadd.s32 $0x2D0, s7;
	[sflag:s28] =	ssyncadd.s32 $0xFFFFF600  }
0x8b: {  	[tilespmem:s21], [sflag:$0x4] =	stream.indirect.gather [hbm4b:s4+s14], $0x20, s11, s14, $0xb8;
	[tilespmem:$0x12670] =	vst v63  }
0x8c: {  	_ =	swait.ge [sflag:s22], $0xA00  }
0x8d: {  	[sflag:s22] =	ssyncset.done $0x0  }
0x8e: {  	s11 =	sadd.s32 $0x5050, s7;
	[sflag:s22] =	ssyncadd.s32 $0xFFFFF600  }
0x8f: {  	[spmem:s2] =	stream.indirect.scatter.add.f32 [tilespmem:s16], [sflag:$0x8], $0x20, s11, s14, $0xb8;
	[tilespmem:$0x12670] =	vst v63  }
0x90: {  	_ =	swait.ge [sflag:s1], $0xA00  }
0x91: {  	[sflag:s1] =	ssyncset.done $0x0  }
0x92: {  	s11 =	sadd.s32 $0x320, s7;
	[sflag:s1] =	ssyncadd.s32 $0xFFFFF600  }
0x93: {  	[tilespmem:s25], [sflag:$0x5] =	stream.indirect.gather [hbm4b:s4+s14], $0x20, s11, s14, $0xb8;
	[tilespmem:$0x12670] =	vst v63  }
0x94: {  	_ =	swait.ge [sflag:s26], $0xA00  }
0x95: {  	[sflag:s26] =	ssyncset.done $0x0  }
0x96: {  	s11 =	sadd.s32 $0x50A0, s7;
	[sflag:s26] =	ssyncadd.s32 $0xFFFFF600  }
0x97: {  	[spmem:s2] =	stream.indirect.scatter.add.f32 [tilespmem:s18], [sflag:$0x9], $0x20, s11, s14, $0xb8;
	[tilespmem:$0x12670] =	vst v63  }
0x98: {  	_ =	swait.ge [sflag:s23], $0xA00  }
0x99: {  	[sflag:s23] =	ssyncset.done $0x0  }
0x9a: {  	s11 =	sadd.s32 $0x370, s7;
	[sflag:s23] =	ssyncadd.s32 $0xFFFFF600  }
0x9b: {  	[tilespmem:s30], [sflag:$0x6] =	stream.indirect.gather [hbm4b:s4+s14], $0x20, s11, s14, $0xb8;
	[tilespmem:$0x12670] =	vst v63  }
0x9c: {  	_ =	swait.ge [sflag:s31], $0xA00  }
0x9d: {  	[sflag:s31] =	ssyncset.done $0x0  }
0x9e: {  	s11 =	sadd.s32 $0x50F0, s7;
	[sflag:s31] =	ssyncadd.s32 $0xFFFFF600  }
0x9f: {  	[spmem:s2] =	stream.indirect.scatter.add.f32 [tilespmem:s21], [sflag:$0xA], $0x20, s11, s14, $0xb8;
	[tilespmem:$0x12670] =	vst v63  }
0xa0: {  	_ =	swait.ge [sflag:s0], $0xA00  }
0xa1: {  	[sflag:s0] =	ssyncset.done $0x0  }
0xa2: {  	s11 =	sadd.s32 $0x3C0, s7;
	[sflag:s0] =	ssyncadd.s32 $0xFFFFF600  }
0xa3: {  	[tilespmem:s15], [sflag:$0x1] =	stream.indirect.gather [hbm4b:s4+s14], $0x20, s11, s14, $0xb8;
	[tilespmem:$0x12670] =	vst v63  }
0xa4: {  	_ =	swait.ge [sflag:s20], $0xA00  }
0xa5: {  	[sflag:s20] =	ssyncset.done $0x0  }
0xa6: {  	s11 =	sadd.s32 $0x5140, s7;
	[sflag:s20] =	ssyncadd.s32 $0xFFFFF600  }
0xa7: {  	[spmem:s2] =	stream.indirect.scatter.add.f32 [tilespmem:s25], [sflag:$0xB], $0x20, s11, s14, $0xb8;
	[tilespmem:$0x12670] =	vst v63  }
0xa8: {  	_ =	swait.ge [sflag:s24], $0xA00  }
0xa9: {  	[sflag:s24] =	ssyncset.done $0x0  }
0xaa: {  	s11 =	sadd.s32 $0x410, s7;
	[sflag:s24] =	ssyncadd.s32 $0xFFFFF600  }
0xab: {  	[tilespmem:s16], [sflag:$0x2] =	stream.indirect.gather [hbm4b:s4+s14], $0x20, s11, s14, $0xb8;
	[tilespmem:$0x12670] =	vst v63  }
0xac: {  	_ =	swait.ge [sflag:s29], $0xA00  }
0xad: {  	[sflag:s29] =	ssyncset.done $0x0  }
.Ltmp0:
0xae: {  	s11 =	sadd.s32 $0x5190, s7;
	[sflag:s29] =	ssyncadd.s32 $0xFFFFF600;
	(pc) =	sbr.rel @p0 .LBB2_2-.Ltmp0, $4  }
0xaf: {  	[spmem:s2] =	stream.indirect.scatter.add.f32 [tilespmem:s30], [sflag:$0xC], $0x20, s11, s14, $0xb8;
	[tilespmem:$0x12670] =	vst v63  }
0xb0: {  	_ =	swait.ge [sflag:s17], $0xA00  }
0xb1: {  	[sflag:s17] =	ssyncset.done $0x0  }
0xb2: {  	s7 =	sadd.s32 $0x460, s7;
	[sflag:s17] =	ssyncadd.s32 $0xFFFFF600  }
0xb3: {  	[tilespmem:s18], [sflag:$0x3] =	stream.indirect.gather [hbm4b:s4+s14], $0x20, s7, s14, $0xb8;
	[tilespmem:$0x12670] =	vst v63  }
0xb4: {  	_ =	swait.ge [sflag:s19], $0xA00  }
0xb5: {  	[sflag:s19] =	ssyncset.done $0x0  }
0xb6: {  	s6 =	simm.s32 $0x9B00;
	[sflag:s19] =	ssyncadd.s32 $0xFFFFF600  }
0xb7: {  	[spmem:s2] =	stream.indirect.scatter.add.f32 [tilespmem:s15], [sflag:$0x7], $0x20, s6, s14, $0xb8;
	[tilespmem:$0x12670] =	vst v63  }
0xb8: {  	_ =	swait.ge [sflag:s28], $0xA00  }
0xb9: {  	[sflag:s28] =	ssyncset.done $0x0  }
0xba: {  	s11 =	simm.s32 $0x4DD0;
	[sflag:s28] =	ssyncadd.s32 $0xFFFFF600  }
0xbb: {  	[tilespmem:s21], [sflag:$0x4] =	stream.indirect.gather [hbm4b:s4+s14], $0x20, s11, s14, $0xb8;
	[tilespmem:$0x12670] =	vst v63  }
0xbc: {  	_ =	swait.ge [sflag:s22], $0xA00  }
0xbd: {  	[sflag:s22] =	ssyncset.done $0x0  }
0xbe: {  	s7 =	simm.s32 $0x9B50;
	[sflag:s22] =	ssyncadd.s32 $0xFFFFF600  }
0xbf: {  	[spmem:s2] =	stream.indirect.scatter.add.f32 [tilespmem:s16], [sflag:$0x8], $0x20, s7, s14, $0xb8;
	[tilespmem:$0x12670] =	vst v63  }
0xc0: {  	_ =	swait.ge [sflag:s1], $0xA00  }
0xc1: {  	[sflag:s1] =	ssyncset.done $0x0  }
0xc2: {  	[sflag:s1] =	ssyncadd.s32 $0xFFFFF600  }
0xc3: {  	_ =	swait.ge [sflag:s26], $0xA00  }
0xc4: {  	[sflag:s26] =	ssyncset.done $0x0  }
0xc5: {  	s11 =	simm.s32 $0x9BA0;
	[sflag:s26] =	ssyncadd.s32 $0xFFFFF600  }
0xc6: {  	[spmem:s2] =	stream.indirect.scatter.add.f32 [tilespmem:s18], [sflag:$0x9], $0x20, s11, s14, $0xb8;
	[tilespmem:$0x12670] =	vst v63  }
0xc7: {  	_ =	swait.ge [sflag:s23], $0xA00  }
0xc8: {  	[sflag:s23] =	ssyncset.done $0x0  }
0xc9: {  	[sflag:s23] =	ssyncadd.s32 $0xFFFFF600  }
0xca: {  	_ =	swait.ge [sflag:s31], $0xA00  }
0xcb: {  	[sflag:s31] =	ssyncset.done $0x0  }
0xcc: {  	s7 =	simm.s32 $0x9BF0;
	[sflag:s31] =	ssyncadd.s32 $0xFFFFF600  }
0xcd: {  	[spmem:s2] =	stream.indirect.scatter.add.f32 [tilespmem:s21], [sflag:$0xA], $0x20, s7, s14, $0xb8;
	[tilespmem:$0x12670] =	vst v63  }
0xce: {  	_ =	swait.ge [sflag:s0], $0xA00  }
0xcf: {  	[sflag:s0] =	ssyncset.done $0x0  }
0xd0: {  	[sflag:s0] =	ssyncadd.s32 $0xFFFFF600  }
0xd1: {  	_ =	swait.ge [sflag:s24], $0xA00  }
0xd2: {  	[sflag:s24] =	ssyncset.done $0x0  }
0xd3: {  	[sflag:s24] =	ssyncadd.s32 $0xFFFFF600  }
0xd4: {  	_ =	swait.ge [sflag:s17], $0xA00  }
0xd5: {  	[sflag:s17] =	ssyncset.done $0x0  }
0xd6: {  	[sflag:s17] =	ssyncadd.s32 $0xFFFFF600  }
0xd7: {  	_ =	swait.ge [sflag:s28], $0xA00  }
0xd8: {  	s5 =	sadd.s32 $0x1, s5;
	[sflag:s28] =	ssyncset.done $0x0  }
0xd9: {  	p0 =	sne.s32 s5, s8;
	[sflag:s28] =	ssyncadd.s32 $0xFFFFF600  }
.Ltmp1:
0xda: {  	s11 =	simm.s32 $0x10;
	[bflag:$0x0] =	sbarrier.arrive $0xFFFF;
	(pc) =	sbr.rel @p0 .LBB2_1-.Ltmp1, $4  }
0xdb: {  	[hbm:s9@s11], [sflag:s12] =	dma.strided [spmem:s13@s31], $0x9E0, s19, $0x4   }
0xdc: {  	_ =	swait.ge [sflag:s10], $0x9E0  }
0xdd: {  	[sflag:s10] =	ssyncset.done $0x0  }
0xde: {  	[sflag:s10] =	ssyncadd.s32 $0xFFFFF620  }
0xdf: {  	_ =	sfence.sel $0x180000  }
0xe0: {  	[bflag:$0x0] =	sbarrier.arrive $0xFFFF  }
0xe1: {  	_ =	strace $0x9000004D  }
0xe2: {  	s0 =	stileid.u32;
	[bflag:$0x2] =	sbarrier.arrive $0xFFFF  }
0xe3: {  	p0 =	sne.s32 s0, $0x0;
	s0 =	rddreg [dreg:$0x3]  }
0xe4: {  	s0 =	sadd.s32 @!p0 $0x100000, s0  }
0xe5: {  	[sflag:s0] =	ssyncadd.tile.s32 @!p0 $0x1;
	_ =	shalt  }
.Lfunc_end2:
_tile_overlayer_lowered:
.L_overlay_start_2:
0xe6: {  	(tag) =	ssettag $0x2  }
0xe7: {  	s0 =	rddreg [dreg:$0x0];
	s2 =	stileid.u32  }
0xe8: {  	s1 =	rddreg [dreg:$0x1];
	p0 =	sne.s32 s2, $0x0  }
0xe9: {  	s3 =	rddreg [dreg:$0x2];
	[bflag:$0x3] =	sbarrier.arrive $0xFFFF;
	s2 =	simm.s32 @!p0 $0x1C0D  }
0xea: {  	[timem:s3], [sflag:s2] =	dma.local @!p0 [hbm:s0], s1  }
0xeb: {  	s0 =	simm.s32 @!p0 $0xD  }
0xec: {  	_ =	swait.ge @!p0 [sflag:s0], s1  }
0xed: {  	s1 =	ssub.s32 @!p0 $0x0, s1;
	[sflag:s0] =	ssyncset.done @!p0 $0x0  }
0xee: {  	[sflag:s0] =	ssyncadd.s32 @!p0 s1  }
0xef: {  	[bflag:$0x3] =	sbarrier.arrive $0xFFFF  }
0xf0: {  	_ =	shalt  }

// kernel: kernel.9.cloned.1.call-start
scs
__scs_entry_jumppad:
0x0: {  	(pc) =	sbr.rel $0x88, $3  }
0x1: {  	(tag) =	ssettag $0x0;
	lr =	simm.s32 $0x1  }
0x2: {  	[smem:$0x3F96] =	sst lr;
	_ =	strace $0xD0000000  }
0x3: {  	_ = 	snop  }
0x4: {  	_ = 	snop  }
0x5: {  	_ = 	snop  }
0x6: {  	_ = 	snop  }
0x7: {  	_ = 	snop  }
__scs_overlays_trampoline_lowered:
0x8: {  	[smem:$0x3FA5] =	sst s0  }
0x9: {  	[smem:$0x3FA6] =	sst s1  }
0xa: {  	[smem:$0x3FA7] =	sst s2  }
0xb: {  	[smem:$0x3FA8] =	sst s3  }
0xc: {  	[smem:$0x3FA9] =	sst s4  }
0xd: {  	[smem:$0x3FAA] =	sst s5  }
0xe: {  	[smem:$0x3FAB] =	sst s6  }
0xf: {  	[smem:$0x3FAC] =	sst s7  }
0x10: {  	[smem:$0x3FAD] =	sst s8  }
0x11: {  	[smem:$0x3FAE] =	sst s9;
	s0 =	simm.s32 @!p0 $0x0  }
0x12: {  	s1 =	sld [smem:$0x3F94];
	s0 =	simm.s32 @p0 $0x1  }
0x13: {  	[smem:$0x3FAF] =	sst s0;
	s0 =	simm.s32 @!p1 $0x0  }
0x14: {  	s2 =	sld [smem:$0x3F93];
	s0 =	simm.s32 @p1 $0x1  }
0x15: {  	[smem:$0x3FB0] =	sst s0;
	s0 =	simm.s32 @!p2 $0x0  }
0x16: {  	s3 =	sld [smem:$0x3FDB];
	s0 =	simm.s32 @p2 $0x1  }
0x17: {  	s4 =	simm.s32 $0x1BF5;
	[smem:$0x3FB2] =	sst s0  }
0x18: {  	s0 =	sld [smem:$0x3F95];
	_ =	swait.ge [sflag:s4], $0x0  }
0x19: {  	s7 =	sld [smem:$0x3F96]  }
0x1a: {  	s8 =	sadd.s32 $0xFFFFE003, lr  }
0x1b: {  	s9 =	sadd.s32 $0xFFFFFEF7, lr;
	s5 =	simm.s32 $0xFFFFFFFF;
	p2 =	slt.u32 s8, $0xFFFFF086  }
0x1c: {  	p1 =	slt.u32 s9, $0xF7A;
	s5 =	simm.s32 @!p2 $0x0  }
0x1d: {  	s5 =	simm.s32 @p1 $0x1;
	p0 =	seq.s32 s7, s2  }
0x1e: {  	s7 =	smul.u32 @!p0 $0xF7A, s2;
	p2 =	seq.s32 @!p0 s5, $0x0  }
0x1f: {  	s9 =	smul.u32 $0xF7A, s1;
	s8 =	simm.s32 @!p0 $0x1BF5;
	p2 =	por !p2, p0  }
0x20: {  	[sflag:s8] =	ssyncset.s32 @!p0 $0xFFFFF086;
	s6 =	sadd.s32 @!p0 s3, s7;
	s7 =	simm.s32 @!p0 $0x108  }
0x21: {  	s3 =	sadd.s32 s3, s9;
	s6 =	sadd.s32 @!p0 $0x88, s6;
	s7 =	simm.s32 @p2 $0x1082  }
0x22: {  	[simem:s7], [sflag:s8] =	dma.local @!p0 [hbm:s6], $0xF7A  }
0x23: {  	s9 =	sor.u32 $0xD0000000, s2;
	s6 =	simm.s32 $0x108;
	_ =	swait.ge @!p0 [sflag:s8], $0x0  }
0x24: {  	s3 =	sadd.s32 $0x88, s3;
	s6 =	simm.s32 @!p1 $0x1082;
	[sflag:s4] =	ssyncset.s32 $0xFFFFF086  }
0x25: {  	[simem:s6], [sflag:s4] =	dma.local [hbm:s3], $0xF7A  }
0x26: {  	[smem:$0x3F96] =	sst s1;
	(tag) =	ssettag s2;
	_ =	strace s9  }
0x27: {  	s1 =	sld [smem:$0x3FA6]  }
0x28: {  	s2 =	sld [smem:$0x3FA7]  }
0x29: {  	s4 =	sld [smem:$0x3FA9]  }
0x2a: {  	p0 =	seq.s32 s5, $0x0;
	s5 =	sld [smem:$0x3FAA]  }
0x2b: {  	s6 =	sld [smem:$0x3FAB]  }
0x2c: {  	s7 =	sld [smem:$0x3FAC]  }
0x2d: {  	s3 =	simm.s32 $0x108;
	s8 =	sld [smem:$0x3FAD]  }
0x2e: {  	s3 =	simm.s32 @!p0 $0x1082;
	s9 =	sld [smem:$0x3FAE]  }
0x2f: {  	lr =	sadd.s32 s0, s3;
	s0 =	sld [smem:$0x3FA5]  }
0x30: {  	s3 =	sld [smem:$0x3FA8]  }
0x31: {  	[smem:$0x3FB1] =	sst s10  }
0x32: {  	s10 =	sld [smem:$0x3FAF];
	_ =	sdelay $0x3  }
0x33: {  	p0 =	seq.s32 s10, $0x1;
	s10 =	sld [smem:$0x3FB1];
	_ =	sdelay $0x3  }
0x34: {  	[smem:$0x3FB1] =	sst s10  }
0x35: {  	s10 =	sld [smem:$0x3FB0];
	_ =	sdelay $0x3  }
0x36: {  	p1 =	seq.s32 s10, $0x1;
	s10 =	sld [smem:$0x3FB1];
	_ =	sdelay $0x3  }
0x37: {  	[smem:$0x3FB1] =	sst s10  }
0x38: {  	s10 =	sld [smem:$0x3FB2]  }
0x39: {  	_ = 	snop;
	(pc) =	sbr.ind lr, $3  }
0x3a: {  	_ = 	snop  }
0x3b: {  	_ = 	snop  }
0x3c: {  	p2 =	seq.s32 s10, $0x1;
	s10 =	sld [smem:$0x3FB1]  }
0x3d: {  	_ =	shalt  }
0x3e: {  	_ =	shalt  }
0x3f: {  	_ =	shalt  }
0x40: {  	_ =	shalt  }
0x41: {  	_ =	shalt  }
0x42: {  	_ =	shalt  }
0x43: {  	_ =	shalt  }
0x44: {  	_ =	shalt  }
0x45: {  	_ =	shalt  }
0x46: {  	_ =	shalt  }
0x47: {  	_ =	shalt  }
0x48: {  	_ =	shalt  }
0x49: {  	_ =	shalt  }
0x4a: {  	_ =	shalt  }
0x4b: {  	_ =	shalt  }
0x4c: {  	_ =	shalt  }
0x4d: {  	_ =	shalt  }
0x4e: {  	_ =	shalt  }
0x4f: {  	_ =	shalt  }
0x50: {  	_ =	shalt  }
0x51: {  	_ =	shalt  }
0x52: {  	_ =	shalt  }
0x53: {  	_ =	shalt  }
0x54: {  	_ =	shalt  }
0x55: {  	_ =	shalt  }
0x56: {  	_ =	shalt  }
0x57: {  	_ =	shalt  }
0x58: {  	_ =	shalt  }
0x59: {  	_ =	shalt  }
0x5a: {  	_ =	shalt  }
0x5b: {  	_ =	shalt  }
0x5c: {  	_ =	shalt  }
0x5d: {  	_ =	shalt  }
0x5e: {  	_ =	shalt  }
0x5f: {  	_ =	shalt  }
0x60: {  	_ =	shalt  }
0x61: {  	_ =	shalt  }
0x62: {  	_ =	shalt  }
0x63: {  	_ =	shalt  }
0x64: {  	_ =	shalt  }
0x65: {  	_ =	shalt  }
0x66: {  	_ =	shalt  }
0x67: {  	_ =	shalt  }
0x68: {  	_ =	shalt  }
0x69: {  	_ =	shalt  }
0x6a: {  	_ =	shalt  }
0x6b: {  	_ =	shalt  }
0x6c: {  	_ =	shalt  }
0x6d: {  	_ =	shalt  }
0x6e: {  	_ =	shalt  }
0x6f: {  	_ =	shalt  }
0x70: {  	_ =	shalt  }
0x71: {  	_ =	shalt  }
0x72: {  	_ =	shalt  }
0x73: {  	_ =	shalt  }
0x74: {  	_ =	shalt  }
0x75: {  	_ =	shalt  }
0x76: {  	_ =	shalt  }
0x77: {  	_ =	shalt  }
0x78: {  	_ =	shalt  }
0x79: {  	_ =	shalt  }
0x7a: {  	_ =	shalt  }
0x7b: {  	_ =	shalt  }
0x7c: {  	_ =	shalt  }
0x7d: {  	_ =	shalt  }
0x7e: {  	_ =	shalt  }
0x7f: {  	_ =	shalt  }
0x80: {  	_ =	shalt  }
0x81: {  	_ =	shalt  }
0x82: {  	_ =	shalt  }
0x83: {  	_ =	shalt  }
0x84: {  	_ =	shalt  }
0x85: {  	_ =	shalt  }
0x86: {  	_ =	shalt  }
0x87: {  	_ =	shalt  }
.Lfunc_end0:
.L_simem_size_0:
called_computation_lowered:
.L_overlay_start_0:
0x88: {  	s2 =	sld [smem:$0x3FD9]  }
0x89: {  	s3 =	sld [smem:$0x3FFE];
	_ =	sdelay $0x1  }
0x8a: {  	s1 =	srdreg.scid  }
0x8b: {  	s0 =	sand.u32 $0x1, s1  }
0x8c: {  	s17 =	sshll.u32 s0, $0xA;
	s2 =	sadd.s32 s3, s2  }
0x8d: {  	s2 =	sadd.s32 s2, s17  }
0x8e: {  	[smem:$0x3FBD] =	sst s2  }
0x8f: {  	_ = 	snop  }
0x90: {  	s2 =	sld [smem:$0x3FD0];
	(tm) =	ssettm $0x1  }
0x91: {  	s18 =	sld [smem:$0x3FFB];
	_ =	sdelay $0x3  }
0x92: {  	_ =	strace s18  }
0x93: {  	s3 =	sld [smem:$0x3FFC];
	_ =	sdelay $0x3  }
0x94: {  	_ =	strace s3  }
0x95: {  	s3 =	sld [smem:$0x3FFD];
	_ =	sdelay $0x3  }
0x96: {  	_ =	strace s3  }
0x97: {  	_ =	strace $0x8FFFFFFF  }
0x98: {  	s19 =	sld [smem:$0x3FDB];
	_ =	sdelay $0x1  }
0x99: {  	s4 =	simm.s32 $_scs_section_size  }
0x9a: {  	s5 =	simm.s32 $_size__tile_overlayer_lowered;
	s6 =	simm.s32 $_tile_overlayer_lowered  }
0x9b: {  	s22 =	simm.s32 $0x1BFF;
	s21 =	sshll.u32 s6, $0x1;
	s3 =	sadd.s32 s4, s19  }
0x9c: {  	s7 =	simm.s32 $0x0;
	s20 =	sshll.u32 s5, $0x1;
	s5 =	sadd.s32 s21, s3  }
0x9d: {  	[timem:s7], [sflag:s22] =	dma.local [hbm:s5], s20  }
0x9e: {  	_ =	swait.ge [sflag:s22], s20  }
0x9f: {  	s4 =	ssub.s32 $0x0, s20;
	[sflag:s22] =	ssyncset.done $0x0  }
0xa0: {  	[sflag:s22] =	ssyncadd.s32 s4;
	_ =	sdelay $0x1  }
0xa1: {  	s23 =	simm.s32 $0x1B8B  }
0xa2: {  	_ =	swait.ge [sflag:s23], $0x1  }
0xa3: {  	[sflag:s23] =	ssyncset.done $0x0  }
0xa4: {  	s25 =	simm.s32 $0x1B8E;
	s24 =	sld [smem:$0x3FFE];
	[sflag:s23] =	ssyncadd.s32 $0xFFFFFFFF  }
0xa5: {  	s26 =	simm.s32 $execute0_lowered;
	[smem:$0x3FD2] =	sst s25  }
0xa6: {  	s5 =	sshll.u32 s26, $0x1;
	_ =	strace $0x80000046;
	[dreg:$0x1] =	wrdreg $0xFFFFFFFF  }
0xa7: {  	s28 =	simm.s32 $_size_execute0_lowered;
	s3 =	sadd.s32 s3, s5;
	[dreg:$0x0] =	wrdreg $0x0  }
0xa8: {  	s5 =	sshll.u32 s28, $0x1;
	[dreg:$0x2] =	wrdreg s3  }
0xa9: {  	[dreg:$0x3] =	wrdreg s5  }
0xaa: {  	[dreg:$0x4] =	wrdreg $0xC0  }
0xab: {  	_ =	task [dreg:s7], $0x5FFFF  }
0xac: {  	[dreg:$0x1] =	wrdreg $0xFFFFFFFF  }
0xad: {  	[dreg:$0x0] =	wrdreg $0x60  }
0xae: {  	[dreg:$0x2] =	wrdreg s24  }
0xaf: {  	[dreg:$0x3] =	wrdreg s2  }
0xb0: {  	[dreg:$0x4] =	wrdreg $0x114400  }
0xb1: {  	[dreg:$0x5] =	wrdreg $0x1B5A00  }
0xb2: {  	[dreg:$0x6] =	wrdreg $0x9  }
0xb3: {  	_ =	task.clear_ibuf [dreg:s7], $0x7FFFF;
	_ =	strace $0x90000046  }
0xb4: {  	s29 =	simm.s32 $0x9;
	_ =	strace $0x80000048  }
0xb5: {  	_ =	swait.ge [sflag:s29], $0x1  }
0xb6: {  	[sflag:s29] =	ssyncadd.s32 $0xFFFFFFFF  }
0xb7: {  	_ =	strace $0x90000048  }
0xb8: {  	_ =	sfence  }
0xb9: {  	s30 =	sld [smem:$0x0];
	_ =	sdelay $0x2  }
0xba: {  	s31 =	sshll.u32 s1, $0xD;
	s1 =	sshrl.u32 s1, $0x2  }
0xbb: {  	s3 =	sand.u32 $0x4000, s31;
	s1 =	sadd.s32 s1, s30  }
0xbc: {  	s0 =	sor.u32 s3, s0;
	s1 =	sshll.u32 s1, $0x11  }
0xbd: {  	s0 =	sor.u32 s1, s0  }
0xbe: {  	s0 =	sadd.s32 $0x8F2B, s0  }
0xbf: {  	[sflag:s0] =	ssyncadd.remote.s32 $0x1  }
0xc0: {  	_ =	sfence.sel $0xFFFF  }
0xc1: {  	[dreg:$0x0] =	wrdreg $0xFFFFFFFF;
	(pc) =	sbr.abs _section_cstart, $3  }
0xc2: {  	[dreg:$0x1] =	wrdreg $0xFFFFFFFF  }
0xc3: {  	_ =	task.clear_ibuf [dreg:s7], $0x2FFFF;
	_ =	strace $0x9FFFFFFF  }
0xc4: {  	(tm) =	ssettm $0x7FFFFFFF  }
0xc5: {  	_ =	shalt  }
tec
execute0_lowered:
.L_overlay_start_1:
0x0: {  	(tag) =	ssettag $0x1  }
0x1: {  	s0 =	rddreg [dreg:$0x0]  }
0x2: {  	s2 =	rddreg [dreg:$0x1]  }
0x3: {  	s1 =	rddreg [dreg:$0x2];
	s4 =	srdreg.scid  }
0x4: {  	s3 =	rddreg [dreg:$0x3];
	s14 =	stileid.u32;
	s7 =	simm.s32 $0x0  }
0x5: {  	s28 =	simm.s32 $0x2;
	s29 =	simm.s32 $0xEC40;
	s30 =	simm.s32 $0x3  }
0x6: {  	s31 =	simm.s32 $0x10040;
	s4 =	sand.u32 $0x1, s4;
	s6 =	smul.u32 $0x278, s14  }
0x7: {  	[smem:$0x7FF] =	sst s7;
	s8 =	smul.u32 $0x9C4, s14;
	s26 =	sshll.u32 s14, $0x6  }
0x8: {  	s5 =	sshll.u32 s4, $0x4;
	_ =	strace $0x80000047;
	s10 =	ssub.s32 $0x2, s4  }
0x9: {  	s11 =	sshll.u32 s4, $0x3;
	s12 =	sshll.u32 s4, $0x1;
	s15 =	sor.u32 $0x1C0E, s26  }
0xa: {  	p0 =	sne.s32 s4, $0x0;
	p1 =	seq.s32 s4, $0x0;
	s26 =	simm.s32 $0xD840  }
0xb: {  	s5 =	sor.u32 s14, s5;
	s6 =	smin.u32 s6, $0x24A0;
	s8 =	sadd.s32 s8, s0  }
0xc: {  	s13 =	sshrl.u32 s10, $0x1;
	s11 =	sadd.s32 s11, s0;
	s14 =	simm.s32 $0x5  }
0xd: {  	[dreg:$0xc] =	wrdreg s15;
	s16 =	smul.u32 $0x9C4, s5;
	s5 =	sadd.s32 $0x21C00, s0  }
0xe: {  	s9 =	sshll.u32 s6, $0x1;
	s10 =	ssub.s32 s10, s13;
	s17 =	sadd.s32 $0x4400, s8  }
0xf: {  	s18 =	sshll.u32 s6, $0x6;
	s19 =	sshll.u32 s6, $0x3;
	s20 =	sshll.u32 s6, $0x4  }
0x10: {  	s6 =	sshll.u32 s6, $0x2;
	s8 =	simm.s32 $0xA;
	s9 =	sadd.s32 s9, s0  }
0x11: {  	[dreg:$0x6] =	wrdreg s17;
	s2 =	sadd.s32 s2, s19;
	s21 =	sadd.s32 s20, s3  }
0x12: {  	s23 =	sadd.s32 s20, s11;
	s24 =	smax.u32 s10, $0x1;
	s19 =	simm.s32 $0x9C40  }
0x13: {  	s20 =	simm.s32 $0xB040;
	s10 =	simm.s32 $0xB;
	s11 =	simm.s32 $0x0  }
0x14: {  	s7 =	sadd.s32 s16, s0;
	s0 =	sadd.s32 s12, s0;
	[dreg:$0x7] =	wrdreg s2  }
0x15: {  	s22 =	sadd.s32 $0x48E00, s9;
	[dreg:$0x9] =	wrdreg s24;
	s25 =	sadd.s32 $0x57C00, s23  }
0x16: {  	s12 =	simm.s32 $0xE;
	s17 =	sshrl.u32 s21, $0x3;
	s23 =	simm.s32 $0x1  }
0x17: {  	s2 =	simm.s32 $0x7;
	s21 =	simm.s32 $0x8;
	s9 =	simm.s32 $0xC  }
0x18: {  	s7 =	sadd.s32 $0xE200, s7;
	[dreg:$0x8] =	wrdreg s22;
	s0 =	sadd.s32 s6, s0  }
.Ltmp0:
0x19: {  	[dreg:$0xa] =	wrdreg s25;
	s22 =	simm.s32 $0xC440;
	(pc) =	sbr.rel .LBB2_1-.Ltmp0, $4  }
0x1a: {  	s25 =	simm.s32 $0xD;
	s6 =	simm.s32 $0x6;
	[dreg:$0xe] =	wrdreg s17  }
0x1b: {  	[dreg:$0x5] =	wrdreg s7;
	s7 =	sadd.s32 s18, s1;
	s0 =	sadd.s32 $0x4DE00, s0  }
0x1c: {  	s18 =	simm.s32 $0x50;
	[dreg:$0xb] =	wrdreg s0;
	s16 =	sshrl.u32 s7, $0x3  }
0x1d: {  	v0 =	vimm.f32 $1.000000000e+00;
	s0 =	simm.s32 $0x4;
	s7 =	simm.s32 $0x9;
	[dreg:$0xd] =	wrdreg s16  }
.LBB2_18:
0x1e: {  	_ =	swait.ge [sflag:s23], $0x1400  }
0x1f: {  	[sflag:s23] =	ssyncset.done $0x0  }
0x20: {  	s4 =	simm.s32 $0x9B00;
	[sflag:s23] =	ssyncadd.s32 $0xFFFFEC00  }
0x21: {  	[spmem:s1] =	stream.indirect.scatter.add.f32 [tilespmem:s19], [sflag:$0x7], $0x40, s4, s18, $0xb8;
	[tilespmem:$0x1DCB8] =	vst v63  }
0x22: {  	s4 =	simm.s32 @p0 $0xA  }
0x23: {  	_ =	swait.ge @p0 [sflag:s4], $0x1400  }
0x24: {  	s11 =	simm.s32 @p0 $0x4DD0;
	[sflag:s4] =	ssyncset.done @p0 $0x0  }
0x25: {  	s12 =	simm.s32 @p0 $0xD840;
	[sflag:s4] =	ssyncadd.s32 @p0 $0xFFFFEC00;
	s4 =	simm.s32 @p0 $0x50  }
0x26: {  	[tilespmem:s12], [sflag:$0x4] =	stream.indirect.gather @p0 [hbm4b:s5+s4], $0x40, s11, s4, $0xb8;
	[tilespmem:$0x1DCB8] =	vst v63  }
0x27: {  	s11 =	simm.s32 @p0 $0x2  }
0x28: {  	_ =	swait.ge @p0 [sflag:s11], $0x1400  }
0x29: {  	[sflag:s11] =	ssyncset.done @p0 $0x0  }
0x2a: {  	s13 =	simm.s32 @p0 $0xB040;
	[sflag:s11] =	ssyncadd.s32 @p0 $0xFFFFEC00;
	s11 =	simm.s32 @p0 $0x9B50  }
0x2b: {  	[spmem:s1] =	stream.indirect.scatter.add.f32 @p0 [tilespmem:s13], [sflag:$0x8], $0x40, s11, s4, $0xb8;
	[tilespmem:$0x1DCB8] =	vst v63  }
0x2c: {  	s13 =	simm.s32 @p0 $0x1B0A0  }
0x2d: {  	[spmem:s3] =	stream.indirect.scatter.add.f32 @p0 [tilespmem:s13], [sflag:$0xD], $0x10, s11, s4, $0xb8;
	[tilespmem:$0x1DCB8] =	vst v63  }
0x2e: {  	s11 =	simm.s32 @p0 $0xD  }
0x2f: {  	_ =	swait.ge @p0 [sflag:s11], $0x500  }
0x30: {  	[sflag:s11] =	ssyncset.done @p0 $0x0  }
0x31: {  	s24 =	simm.s32 @p0 $0xB;
	[sflag:s11] =	ssyncadd.s32 @p0 $0xFFFFFB00  }
0x32: {  	_ =	swait.ge @p0 [sflag:s24], $0x1400  }
0x33: {  	[sflag:s24] =	ssyncset.done @p0 $0x0  }
0x34: {  	[sflag:s24] =	ssyncadd.s32 @p0 $0xFFFFEC00;
	s24 =	simm.s32 @p0 $0x3  }
0x35: {  	_ =	swait.ge @p0 [sflag:s24], $0x1400  }
0x36: {  	[sflag:s24] =	ssyncset.done @p0 $0x0  }
0x37: {  	s12 =	simm.s32 @p0 $0xC440;
	[sflag:s24] =	ssyncadd.s32 @p0 $0xFFFFEC00;
	s24 =	simm.s32 @p0 $0x9BA0  }
0x38: {  	[spmem:s1] =	stream.indirect.scatter.add.f32 @p0 [tilespmem:s12], [sflag:$0x9], $0x40, s24, s4, $0xb8;
	[tilespmem:$0x1DCB8] =	vst v63  }
0x39: {  	s12 =	simm.s32 @p0 $0xC  }
0x3a: {  	_ =	swait.ge @p0 [sflag:s12], $0x1400  }
0x3b: {  	[sflag:s12] =	ssyncset.done @p0 $0x0  }
0x3c: {  	[sflag:s12] =	ssyncadd.s32 @p0 $0xFFFFEC00;
	s12 =	simm.s32 @p0 $0x4  }
0x3d: {  	_ =	swait.ge @p0 [sflag:s12], $0x1400  }
0x3e: {  	[sflag:s12] =	ssyncset.done @p0 $0x0  }
0x3f: {  	s24 =	simm.s32 @p0 $0xD840;
	[sflag:s12] =	ssyncadd.s32 @p0 $0xFFFFEC00;
	s12 =	simm.s32 @p0 $0x9BF0  }
0x40: {  	[spmem:s1] =	stream.indirect.scatter.add.f32 @p0 [tilespmem:s24], [sflag:$0xA], $0x40, s12, s4, $0xb8;
	[tilespmem:$0x1DCB8] =	vst v63  }
0x41: {  	_ = 	snop  }
0x42: {  	[spmem:s3] =	stream.indirect.scatter.add.f32 @p0 [tilespmem:s13], [sflag:$0xD], $0x10, s12, s4, $0xb8;
	[tilespmem:$0x1DCB8] =	vst v63  }
0x43: {  	_ =	swait.ge @p0 [sflag:s11], $0x500  }
0x44: {  	[sflag:s11] =	ssyncset.done @p0 $0x0  }
0x45: {  	s4 =	simm.s32 @!p0 $0x9B00;
	[sflag:s11] =	ssyncadd.s32 @p0 $0xFFFFFB00  }
0x46: {  	[spmem:s3] =	stream.indirect.scatter.add.f32 @!p0 [tilespmem:s15], [sflag:$0xD], $0x10, s4, s16, $0xb8;
	[tilespmem:$0x1DCB8] =	vst v63  }
0x47: {  	_ =	swait.ge @!p0 [sflag:s17], $0x500  }
0x48: {  	[sflag:s17] =	ssyncset.done @!p0 $0x0  }
0x49: {  	s4 =	simm.s32 @!p0 $0xA;
	[sflag:s17] =	ssyncadd.s32 @!p0 $0xFFFFFB00  }
0x4a: {  	_ =	swait.ge @!p0 [sflag:s4], $0x1400  }
0x4b: {  	[sflag:s4] =	ssyncset.done @!p0 $0x0  }
0x4c: {  	s11 =	simm.s32 @!p0 $0xD840;
	[sflag:s4] =	ssyncadd.s32 @!p0 $0xFFFFEC00;
	s4 =	simm.s32 @!p0 $0x4DD0  }
0x4d: {  	[tilespmem:s11], [sflag:$0x4] =	stream.indirect.gather @!p0 [hbm4b:s5+s16], $0x40, s4, s16, $0xb8;
	[tilespmem:$0x1DCB8] =	vst v63  }
0x4e: {  	s4 =	simm.s32 @!p0 $0x2  }
0x4f: {  	_ =	swait.ge @!p0 [sflag:s4], $0x1400  }
0x50: {  	[sflag:s4] =	ssyncset.done @!p0 $0x0  }
0x51: {  	s12 =	simm.s32 @!p0 $0xB040;
	[sflag:s4] =	ssyncadd.s32 @!p0 $0xFFFFEC00;
	s4 =	simm.s32 @!p0 $0x9B50  }
0x52: {  	[spmem:s1] =	stream.indirect.scatter.add.f32 @!p0 [tilespmem:s12], [sflag:$0x8], $0x40, s4, s16, $0xb8;
	[tilespmem:$0x1DCB8] =	vst v63  }
0x53: {  	s4 =	simm.s32 @!p0 $0xB  }
0x54: {  	_ =	swait.ge @!p0 [sflag:s4], $0x1400  }
0x55: {  	[sflag:s4] =	ssyncset.done @!p0 $0x0  }
0x56: {  	[sflag:s4] =	ssyncadd.s32 @!p0 $0xFFFFEC00;
	s4 =	simm.s32 @!p0 $0x3  }
0x57: {  	_ =	swait.ge @!p0 [sflag:s4], $0x1400  }
0x58: {  	[sflag:s4] =	ssyncset.done @!p0 $0x0  }
0x59: {  	s12 =	simm.s32 @!p0 $0xC440;
	[sflag:s4] =	ssyncadd.s32 @!p0 $0xFFFFEC00;
	s4 =	simm.s32 @!p0 $0x9BA0  }
0x5a: {  	[spmem:s1] =	stream.indirect.scatter.add.f32 @!p0 [tilespmem:s12], [sflag:$0x9], $0x40, s4, s16, $0xb8;
	[tilespmem:$0x1DCB8] =	vst v63  }
0x5b: {  	_ = 	snop  }
0x5c: {  	[spmem:s3] =	stream.indirect.scatter.add.f32 @!p0 [tilespmem:s15], [sflag:$0xD], $0x10, s4, s16, $0xb8;
	[tilespmem:$0x1DCB8] =	vst v63  }
0x5d: {  	_ =	swait.ge @!p0 [sflag:s17], $0x500  }
0x5e: {  	[sflag:s17] =	ssyncset.done @!p0 $0x0  }
0x5f: {  	s4 =	simm.s32 @!p0 $0xC;
	[sflag:s17] =	ssyncadd.s32 @!p0 $0xFFFFFB00  }
0x60: {  	_ =	swait.ge @!p0 [sflag:s4], $0x1400  }
0x61: {  	[sflag:s4] =	ssyncset.done @!p0 $0x0  }
0x62: {  	[sflag:s4] =	ssyncadd.s32 @!p0 $0xFFFFEC00;
	s4 =	simm.s32 @!p0 $0x4  }
0x63: {  	_ =	swait.ge @!p0 [sflag:s4], $0x1400  }
0x64: {  	[sflag:s4] =	ssyncset.done @!p0 $0x0  }
0x65: {  	[sflag:s4] =	ssyncadd.s32 @!p0 $0xFFFFEC00;
	s4 =	simm.s32 @!p0 $0x9BF0  }
0x66: {  	[spmem:s1] =	stream.indirect.scatter.add.f32 @!p0 [tilespmem:s11], [sflag:$0xA], $0x40, s4, s16, $0xb8;
	[tilespmem:$0x1DCB8] =	vst v63  }
0x67: {  	_ =	swait.ge [sflag:s2], $0x1400  }
0x68: {  	[sflag:s2] =	ssyncset.done $0x0  }
0x69: {  	[sflag:s2] =	ssyncadd.s32 $0xFFFFEC00  }
0x6a: {  	_ =	swait.ge [sflag:s21], $0x1400  }
0x6b: {  	[sflag:s21] =	ssyncset.done $0x0  }
0x6c: {  	[sflag:s21] =	ssyncadd.s32 $0xFFFFEC00  }
0x6d: {  	_ =	swait.ge [sflag:s7], $0x1400  }
0x6e: {  	[sflag:s7] =	ssyncset.done $0x0  }
0x6f: {  	[sflag:s7] =	ssyncadd.s32 $0xFFFFEC00  }
0x70: {  	_ =	swait.ge [sflag:s8], $0x1400  }
0x71: {  	[sflag:s8] =	ssyncset.done $0x0  }
0x72: {  	[sflag:s8] =	ssyncadd.s32 $0xFFFFEC00  }
0x73: {  	_ =	swait.ge [sflag:s25], $0x500  }
0x74: {  	[sflag:s25] =	ssyncset.done $0x0  }
0x75: {  	[sflag:s25] =	ssyncadd.s32 $0xFFFFFB00  }
0x76: {  	_ =	swait.ge [sflag:s25], $0x500  }
0x77: {  	[sflag:s25] =	ssyncset.done $0x0  }
0x78: {  	[sflag:s25] =	ssyncadd.s32 $0xFFFFFB00  }
0x79: {  	[bflag:$0x0] =	sbarrier.arrive $0xFFFF  }
0x7a: {  	s17 =	rddreg [dreg:$0xa]  }
0x7b: {  	s15 =	rddreg [dreg:$0xc]  }
0x7c: {  	s24 =	simm.s32 $0x10;
	s12 =	simm.s32 $0xE;
	s16 =	rddreg [dreg:$0xd]  }
0x7d: {  	[hbm:s17@s24], [sflag:s15] =	dma.strided [spmem:s16@s21], $0x13C0, s23, $0x8   }
0x7e: {  	_ =	swait.ge [sflag:s12], $0x13C0  }
0x7f: {  	[sflag:s12] =	ssyncset.done $0x0;
	s11 =	rddreg [dreg:$0xb]  }
0x80: {  	s17 =	rddreg [dreg:$0xe];
	[sflag:s12] =	ssyncadd.s32 $0xFFFFEC40  }
0x81: {  	[hbm:s11@s0], [sflag:s15] =	dma.strided [spmem:s17@s28], $0x4F0, s23, $0x2   }
0x82: {  	_ =	swait.ge [sflag:s12], $0x4F0  }
0x83: {  	s13 =	rddreg [dreg:$0xf]  }
0x84: {  	s24 =	rddreg [dreg:$0x9];
	s11 =	sadd.s32 $0x1, s13  }
0x85: {  	p2 =	sne.s32 s11, s24  }
.Ltmp1:
0x86: {  	_ = 	snop;
	(pc) =	sbr.rel @!p2 .LBB2_19-.Ltmp1, $3  }
0x87: {  	_ =	sdelay $0x1  }
0x88: {  	[sflag:s12] =	ssyncset.done $0x0  }
0x89: {  	[sflag:s12] =	ssyncadd.s32 $0xFFFFFB10  }
.LBB2_1:
0x8a: {  	[dreg:$0xf] =	wrdreg s11  }
0x8b: {  	s4 =	simm.s32 $0x0;
	s13 =	rddreg [dreg:$0x5]  }
0x8c: {  	[tilespmem:s4], [sflag:$0xE] =	stream.linear.gather [hbm4b:s13+s4], $0x4E20, $0x38;
	[tilespmem:$0x1DCB8] =	vst v63  }
0x8d: {  	_ =	swait.ge [sflag:s12], $0x4E20  }
0x8e: {  	[sflag:s12] =	ssyncset.done $0x0  }
0x8f: {  	s13 =	simm.s32 $0x4E20;
	s24 =	rddreg [dreg:$0x6];
	[sflag:s12] =	ssyncadd.s32 $0xFFFFB1E0  }
0x90: {  	[tilespmem:s13], [sflag:$0xE] =	stream.linear.gather [hbm4b:s24+s4], $0x4E20, $0x38;
	[tilespmem:$0x1DCB8] =	vst v63  }
0x91: {  	_ =	swait.ge [sflag:s12], $0x4E20  }
0x92: {  	[sflag:s12] =	ssyncset.done $0x0  }
0x93: {  	s13 =	rddreg [dreg:$0x7];
	[sflag:s12] =	ssyncadd.s32 $0xFFFFB1E0  }
0x94: {  	[spmem:s16], [sflag:s15] =	dma.local [hbm:s13], $0x13C0  }
0x95: {  	_ =	swait.ge [sflag:s12], $0x13C0  }
0x96: {  	[sflag:s12] =	ssyncset.done $0x0  }
0x97: {  	s16 =	rddreg [dreg:$0x8];
	[sflag:s12] =	ssyncadd.s32 $0xFFFFEC40  }
0x98: {  	[spmem:s17], [sflag:s15] =	dma.local [hbm:s16], $0x4F0  }
0x99: {  	_ =	swait.ge [sflag:s12], $0x4F0  }
0x9a: {  	[sflag:s12] =	ssyncset.done $0x0  }
0x9b: {  	[sflag:s12] =	ssyncadd.s32 $0xFFFFFB10  }
0x9c: {  	[tilespmem:$0x1B0A0] =	vst v0  }
0x9d: {  	[tilespmem:$0x1B0B0] =	vst v0  }
0x9e: {  	[tilespmem:$0x1B0C0] =	vst v0  }
0x9f: {  	[tilespmem:$0x1B0D0] =	vst v0  }
0xa0: {  	[tilespmem:$0x1B0E0] =	vst v0  }
0xa1: {  	[tilespmem:$0x1B0F0] =	vst v0  }
0xa2: {  	[tilespmem:$0x1B100] =	vst v0  }
0xa3: {  	[tilespmem:$0x1B110] =	vst v0  }
0xa4: {  	[tilespmem:$0x1B120] =	vst v0  }
0xa5: {  	[tilespmem:$0x1B130] =	vst v0  }
0xa6: {  	[tilespmem:$0x1B140] =	vst v0  }
0xa7: {  	[tilespmem:$0x1B150] =	vst v0  }
0xa8: {  	[tilespmem:$0x1B160] =	vst v0  }
0xa9: {  	[tilespmem:$0x1B170] =	vst v0  }
0xaa: {  	[tilespmem:$0x1B180] =	vst v0  }
0xab: {  	[tilespmem:$0x1B190] =	vst v0  }
0xac: {  	[tilespmem:$0x1B1A0] =	vst v0  }
0xad: {  	[tilespmem:$0x1B1B0] =	vst v0  }
0xae: {  	[tilespmem:$0x1B1C0] =	vst v0  }
0xaf: {  	[tilespmem:$0x1B1D0] =	vst v0  }
0xb0: {  	[tilespmem:$0x1B1E0] =	vst v0  }
0xb1: {  	[tilespmem:$0x1B1F0] =	vst v0  }
0xb2: {  	[tilespmem:$0x1B200] =	vst v0  }
0xb3: {  	[tilespmem:$0x1B210] =	vst v0  }
0xb4: {  	[tilespmem:$0x1B220] =	vst v0  }
0xb5: {  	[tilespmem:$0x1B230] =	vst v0  }
0xb6: {  	[tilespmem:$0x1B240] =	vst v0  }
0xb7: {  	[tilespmem:$0x1B250] =	vst v0  }
0xb8: {  	[tilespmem:$0x1B260] =	vst v0  }
0xb9: {  	[tilespmem:$0x1B270] =	vst v0  }
0xba: {  	[tilespmem:$0x1B280] =	vst v0  }
0xbb: {  	[tilespmem:$0x1B290] =	vst v0  }
0xbc: {  	[tilespmem:$0x1B2A0] =	vst v0  }
0xbd: {  	[tilespmem:$0x1B2B0] =	vst v0  }
0xbe: {  	[tilespmem:$0x1B2C0] =	vst v0  }
0xbf: {  	[tilespmem:$0x1B2D0] =	vst v0  }
0xc0: {  	[tilespmem:$0x1B2E0] =	vst v0  }
0xc1: {  	[tilespmem:$0x1B2F0] =	vst v0  }
0xc2: {  	[tilespmem:$0x1B300] =	vst v0  }
0xc3: {  	[tilespmem:$0x1B310] =	vst v0  }
0xc4: {  	[tilespmem:$0x1B320] =	vst v0  }
0xc5: {  	[tilespmem:$0x1B330] =	vst v0  }
0xc6: {  	[tilespmem:$0x1B340] =	vst v0  }
0xc7: {  	[tilespmem:$0x1B350] =	vst v0  }
0xc8: {  	[tilespmem:$0x1B360] =	vst v0  }
0xc9: {  	[tilespmem:$0x1B370] =	vst v0  }
0xca: {  	[tilespmem:$0x1B380] =	vst v0  }
0xcb: {  	[tilespmem:$0x1B390] =	vst v0  }
0xcc: {  	[tilespmem:$0x1B3A0] =	vst v0  }
0xcd: {  	[tilespmem:$0x1B3B0] =	vst v0  }
0xce: {  	[tilespmem:$0x1B3C0] =	vst v0  }
0xcf: {  	[tilespmem:$0x1B3D0] =	vst v0  }
0xd0: {  	[tilespmem:$0x1B3E0] =	vst v0  }
0xd1: {  	[tilespmem:$0x1B3F0] =	vst v0  }
0xd2: {  	[tilespmem:$0x1B400] =	vst v0  }
0xd3: {  	[tilespmem:$0x1B410] =	vst v0  }
0xd4: {  	[tilespmem:$0x1B420] =	vst v0  }
0xd5: {  	[tilespmem:$0x1B430] =	vst v0  }
0xd6: {  	[tilespmem:$0x1B440] =	vst v0  }
0xd7: {  	[tilespmem:$0x1B450] =	vst v0  }
0xd8: {  	[tilespmem:$0x1B460] =	vst v0  }
0xd9: {  	[tilespmem:$0x1B470] =	vst v0  }
0xda: {  	[tilespmem:$0x1B480] =	vst v0  }
0xdb: {  	[tilespmem:$0x1B490] =	vst v0  }
0xdc: {  	[tilespmem:$0x1B4A0] =	vst v0  }
0xdd: {  	[tilespmem:$0x1B4B0] =	vst v0  }
0xde: {  	[tilespmem:$0x1B4C0] =	vst v0  }
0xdf: {  	[tilespmem:$0x1B4D0] =	vst v0  }
0xe0: {  	[tilespmem:$0x1B4E0] =	vst v0  }
0xe1: {  	[tilespmem:$0x1B4F0] =	vst v0  }
0xe2: {  	[tilespmem:$0x1B500] =	vst v0  }
0xe3: {  	[tilespmem:$0x1B510] =	vst v0  }
0xe4: {  	[tilespmem:$0x1B520] =	vst v0  }
0xe5: {  	[tilespmem:$0x1B530] =	vst v0  }
0xe6: {  	[tilespmem:$0x1B540] =	vst v0  }
0xe7: {  	[tilespmem:$0x1B550] =	vst v0  }
0xe8: {  	[tilespmem:$0x1B560] =	vst v0  }
0xe9: {  	[tilespmem:$0x1B570] =	vst v0  }
0xea: {  	[tilespmem:$0x1B580] =	vst v0  }
0xeb: {  	[tilespmem:$0x1B590] =	vst v0  }
0xec: {  	[tilespmem:s19], [sflag:$0x1] =	stream.indirect.gather [hbm4b:s5+s18], $0x40, s4, s18, $0xb8;
	[tilespmem:$0x1DCB8] =	vst v63  }
0xed: {  	_ = 	snop  }
0xee: {  	[tilespmem:s20], [sflag:$0x2] =	stream.indirect.gather [hbm4b:s5+s18], $0x40, s18, s18, $0xb8;
	[tilespmem:$0x1DCB8] =	vst v63  }
.Ltmp2:
0xef: {  	_ = 	snop;
	(pc) =	sbr.rel .LBB2_2-.Ltmp2, $4  }
0xf0: {  	s24 =	simm.s32 $0xA0  }
0xf1: {  	[tilespmem:s22], [sflag:$0x3] =	stream.indirect.gather [hbm4b:s5+s18], $0x40, s24, s18, $0xb8;
	[tilespmem:$0x1DCB8] =	vst v63  }
0xf2: {  	[bflag:$0x0] =	sbarrier.arrive $0xFFFF  }
0xf3: {  	s12 =	simm.s32 $0x0  }
.LBB2_15:
.Ltmp3:
0xf4: {  	(pc) =	sbr.rel @p2 .LBB2_17-.Ltmp3, $1  }
0xf5: {  	_ =	sdelay $0x3  }
.LBB2_16:
0xf6: {  	_ =	swait.ge [sflag:s9], $0x1400  }
0xf7: {  	[sflag:s9] =	ssyncset.done $0x0  }
0xf8: {  	[sflag:s9] =	ssyncadd.s32 $0xFFFFEC00  }
.LBB2_17:
0xf9: {  	s15 =	sadd.s32 $0x190, s4  }
0xfa: {  	[tilespmem:s31], [sflag:$0x6] =	stream.indirect.gather [hbm4b:s5+s18], $0x40, s15, s18, $0xb8;
	[tilespmem:$0x1DCB8] =	vst v63  }
0xfb: {  	_ =	swait.ge [sflag:s0], $0x1400  }
0xfc: {  	[sflag:s0] =	ssyncset.done $0x0  }
0xfd: {  	p2 =	seq.s32 @!p1 s12, $0x0;
	s15 =	sadd.s32 $0x4F10, s4;
	[sflag:s0] =	ssyncadd.s32 $0xFFFFEC00  }
0xfe: {  	[spmem:s1] =	stream.indirect.scatter.add.f32 [tilespmem:s26], [sflag:$0xA], $0x40, s15, s18, $0xb8;
	[tilespmem:$0x1DCB8] =	vst v63  }
0xff: {  	s11 =	simm.s32 @!p1 $0x50;
	s13 =	simm.s32 @!p1 $0x1B0A0;
	p2 =	por p2, p1  }
0x100: {  	[spmem:s3] =	stream.indirect.scatter.add.f32 @!p1 [tilespmem:s13], [sflag:$0xD], $0x10, s15, s11, $0xb8;
	[tilespmem:$0x1DCB8] =	vst v63  }
0x101: {  	s15 =	simm.s32 @!p2 $0xD  }
0x102: {  	_ =	swait.ge @!p2 [sflag:s15], $0x500  }
0x103: {  	[sflag:s15] =	ssyncset.done @!p2 $0x0  }
0x104: {  	[sflag:s15] =	ssyncadd.s32 @!p2 $0xFFFFFB00  }
0x105: {  	_ =	swait.ge [sflag:s2], $0x1400  }
0x106: {  	[sflag:s2] =	ssyncset.done $0x0  }
0x107: {  	s17 =	sadd.s32 $0x1E0, s4;
	[sflag:s2] =	ssyncadd.s32 $0xFFFFEC00  }
0x108: {  	[tilespmem:s19], [sflag:$0x1] =	stream.indirect.gather [hbm4b:s5+s18], $0x40, s17, s18, $0xb8;
	[tilespmem:$0x1DCB8] =	vst v63  }
0x109: {  	_ =	swait.ge [sflag:s14], $0x1400  }
0x10a: {  	[sflag:s14] =	ssyncset.done $0x0  }
0x10b: {  	s17 =	sadd.s32 $0x4F60, s4;
	[sflag:s14] =	ssyncadd.s32 $0xFFFFEC00  }
0x10c: {  	[spmem:s1] =	stream.indirect.scatter.add.f32 [tilespmem:s29], [sflag:$0xB], $0x40, s17, s18, $0xb8;
	[tilespmem:$0x1DCB8] =	vst v63  }
0x10d: {  	s16 =	simm.s32 @!p0 $0x50;
	s15 =	simm.s32 @!p0 $0x1B0A0  }
0x10e: {  	[spmem:s3] =	stream.indirect.scatter.add.f32 @!p0 [tilespmem:s15], [sflag:$0xD], $0x10, s17, s16, $0xb8;
	[tilespmem:$0x1DCB8] =	vst v63  }
0x10f: {  	s17 =	simm.s32 @!p0 $0xD  }
0x110: {  	_ =	swait.ge @!p0 [sflag:s17], $0x500  }
0x111: {  	[sflag:s17] =	ssyncset.done @!p0 $0x0  }
0x112: {  	[sflag:s17] =	ssyncadd.s32 @!p0 $0xFFFFFB00  }
0x113: {  	_ =	swait.ge [sflag:s21], $0x1400  }
0x114: {  	[sflag:s21] =	ssyncset.done $0x0  }
0x115: {  	s24 =	sadd.s32 $0x230, s4;
	[sflag:s21] =	ssyncadd.s32 $0xFFFFEC00  }
0x116: {  	[tilespmem:s20], [sflag:$0x2] =	stream.indirect.gather [hbm4b:s5+s18], $0x40, s24, s18, $0xb8;
	[tilespmem:$0x1DCB8] =	vst v63  }
0x117: {  	_ =	swait.ge [sflag:s6], $0x1400  }
0x118: {  	[sflag:s6] =	ssyncset.done $0x0  }
0x119: {  	s24 =	sadd.s32 $0x4FB0, s4;
	[sflag:s6] =	ssyncadd.s32 $0xFFFFEC00  }
0x11a: {  	[spmem:s1] =	stream.indirect.scatter.add.f32 [tilespmem:s31], [sflag:$0xC], $0x40, s24, s18, $0xb8;
	[tilespmem:$0x1DCB8] =	vst v63  }
0x11b: {  	_ = 	snop  }
0x11c: {  	[spmem:s3] =	stream.indirect.scatter.add.f32 @!p1 [tilespmem:s13], [sflag:$0xD], $0x10, s24, s11, $0xb8;
	[tilespmem:$0x1DCB8] =	vst v63  }
0x11d: {  	s11 =	simm.s32 @!p1 $0xD  }
0x11e: {  	s12 =	sadd.s32 $0x780, s12;
	_ =	swait.ge @!p1 [sflag:s11], $0x500  }
0x11f: {  	p2 =	sne.s32 s12, $0x13380;
	[sflag:s11] =	ssyncset.done @!p1 $0x0  }
.Ltmp4:
0x120: {  	[sflag:s11] =	ssyncadd.s32 @!p1 $0xFFFFFB00;
	(pc) =	sbr.rel @!p2 .LBB2_18-.Ltmp4, $4  }
0x121: {  	_ =	swait.ge [sflag:s7], $0x1400  }
0x122: {  	[sflag:s7] =	ssyncset.done $0x0  }
0x123: {  	s24 =	sadd.s32 $0x280, s4;
	[sflag:s7] =	ssyncadd.s32 $0xFFFFEC00  }
0x124: {  	[tilespmem:s22], [sflag:$0x3] =	stream.indirect.gather [hbm4b:s5+s18], $0x40, s24, s18, $0xb8;
	[tilespmem:$0x1DCB8] =	vst v63  }
.LBB2_2:
.Ltmp5:
0x125: {  	(pc) =	sbr.rel @p0 .LBB2_5-.Ltmp5, $4  }
0x126: {  	_ =	swait.ge [sflag:s23], $0x1400  }
0x127: {  	s4 =	sshra.s32 s12, $0x2;
	[sflag:s23] =	ssyncset.done $0x0  }
0x128: {  	p2 =	seq.s32 s12, $0x0;
	s15 =	sadd.s32 $0x4E20, s4;
	[sflag:s23] =	ssyncadd.s32 $0xFFFFEC00  }
0x129: {  	[spmem:s1] =	stream.indirect.scatter.add.f32 [tilespmem:s19], [sflag:$0x7], $0x40, s15, s18, $0xb8;
	[tilespmem:$0x1DCB8] =	vst v63  }
.Ltmp6:
0x12a: {  	(pc) =	sbr.rel @p2 .LBB2_7-.Ltmp6, $3  }
0x12b: {  	_ =	sdelay $0x1  }
0x12c: {  	s11 =	simm.s32 $0x1B0A0  }
0x12d: {  	[spmem:s3] =	stream.indirect.scatter.add.f32 [tilespmem:s11], [sflag:$0xD], $0x10, s15, s18, $0xb8;
	[tilespmem:$0x1DCB8] =	vst v63  }
.Ltmp7:
0x12e: {  	(pc) =	sbr.rel .LBB2_6-.Ltmp7, $4  }
0x12f: {  	_ = 	snop  }
0x130: {  	_ =	swait.ge [sflag:s25], $0x500  }
0x131: {  	[sflag:s25] =	ssyncset.done $0x0  }
0x132: {  	[sflag:s25] =	ssyncadd.s32 $0xFFFFFB00  }
.LBB2_5:
.Ltmp8:
0x133: {  	(pc) =	sbr.rel @p2 .LBB2_7-.Ltmp8, $1  }
0x134: {  	_ =	sdelay $0x3  }
.LBB2_6:
0x135: {  	_ =	swait.ge [sflag:s8], $0x1400  }
0x136: {  	[sflag:s8] =	ssyncset.done $0x0  }
0x137: {  	[sflag:s8] =	ssyncadd.s32 $0xFFFFEC00  }
.LBB2_7:
0x138: {  	s15 =	sadd.s32 $0xF0, s4  }
0x139: {  	[tilespmem:s26], [sflag:$0x4] =	stream.indirect.gather [hbm4b:s5+s18], $0x40, s15, s18, $0xb8;
	[tilespmem:$0x1DCB8] =	vst v63  }
.Ltmp9:
0x13a: {  	_ = 	snop;
	(pc) =	sbr.rel @!p1 .LBB2_8-.Ltmp9, $4  }
0x13b: {  	_ =	swait.ge [sflag:s28], $0x1400  }
0x13c: {  	[sflag:s28] =	ssyncset.done $0x0  }
0x13d: {  	s15 =	sadd.s32 $0x4E70, s4;
	[sflag:s28] =	ssyncadd.s32 $0xFFFFEC00  }
0x13e: {  	[spmem:s1] =	stream.indirect.scatter.add.f32 [tilespmem:s20], [sflag:$0x8], $0x40, s15, s18, $0xb8;
	[tilespmem:$0x1DCB8] =	vst v63  }
.Ltmp10:
0x13f: {  	(pc) =	sbr.rel @!p2 .LBB2_11-.Ltmp10, $4  }
.Ltmp11:
0x140: {  	(pc) =	sbr.rel @p2 .LBB2_12-.Ltmp11, $4  }
0x141: {  	_ = 	snop  }
0x142: {  	_ = 	snop  }
0x143: {  	_ = 	snop  }
0x144: {  	_ = 	snop  }
.LBB2_8:
.Ltmp12:
0x145: {  	(pc) =	sbr.rel @p2 .LBB2_12-.Ltmp12, $3  }
0x146: {  	_ =	sdelay $0x1  }
0x147: {  	s11 =	simm.s32 $0x1B0A0  }
0x148: {  	[spmem:s3] =	stream.indirect.scatter.add.f32 [tilespmem:s11], [sflag:$0xD], $0x10, s15, s18, $0xb8;
	[tilespmem:$0x1DCB8] =	vst v63  }
0x149: {  	_ =	swait.ge [sflag:s25], $0x500  }
0x14a: {  	[sflag:s25] =	ssyncset.done $0x0  }
0x14b: {  	[sflag:s25] =	ssyncadd.s32 $0xFFFFFB00  }
.LBB2_11:
0x14c: {  	_ =	swait.ge [sflag:s10], $0x1400  }
0x14d: {  	[sflag:s10] =	ssyncset.done $0x0  }
0x14e: {  	[sflag:s10] =	ssyncadd.s32 $0xFFFFEC00  }
.LBB2_12:
0x14f: {  	s15 =	sadd.s32 $0x140, s4  }
0x150: {  	[tilespmem:s29], [sflag:$0x5] =	stream.indirect.gather [hbm4b:s5+s18], $0x40, s15, s18, $0xb8;
	[tilespmem:$0x1DCB8] =	vst v63  }
.Ltmp13:
0x151: {  	_ = 	snop;
	(pc) =	sbr.rel @p0 .LBB2_15-.Ltmp13, $4  }
0x152: {  	_ =	swait.ge [sflag:s30], $0x1400  }
0x153: {  	[sflag:s30] =	ssyncset.done $0x0  }
0x154: {  	s15 =	sadd.s32 $0x4EC0, s4;
	[sflag:s30] =	ssyncadd.s32 $0xFFFFEC00  }
0x155: {  	[spmem:s1] =	stream.indirect.scatter.add.f32 [tilespmem:s22], [sflag:$0x9], $0x40, s15, s18, $0xb8;
	[tilespmem:$0x1DCB8] =	vst v63  }
.Ltmp14:
0x156: {  	(pc) =	sbr.rel @p2 .LBB2_17-.Ltmp14, $3  }
0x157: {  	_ =	sdelay $0x1  }
0x158: {  	s11 =	simm.s32 $0x1B0A0  }
0x159: {  	[spmem:s3] =	stream.indirect.scatter.add.f32 [tilespmem:s11], [sflag:$0xD], $0x10, s15, s18, $0xb8;
	[tilespmem:$0x1DCB8] =	vst v63  }
.Ltmp15:
0x15a: {  	(pc) =	sbr.rel .LBB2_16-.Ltmp15, $4  }
0x15b: {  	_ = 	snop  }
0x15c: {  	_ =	swait.ge [sflag:s25], $0x500  }
0x15d: {  	[sflag:s25] =	ssyncset.done $0x0  }
0x15e: {  	[sflag:s25] =	ssyncadd.s32 $0xFFFFFB00  }
.LBB2_19:
0x15f: {  	_ =	sfence.sel $0x180000  }
0x160: {  	[bflag:$0x0] =	sbarrier.arrive $0xFFFF  }
0x161: {  	_ =	strace $0x90000047  }
0x162: {  	s0 =	stileid.u32;
	[bflag:$0x2] =	sbarrier.arrive $0xFFFF  }
0x163: {  	p0 =	sne.s32 s0, $0x0;
	s0 =	rddreg [dreg:$0x4]  }
0x164: {  	s0 =	sadd.s32 @!p0 $0x100000, s0  }
0x165: {  	[sflag:s0] =	ssyncadd.tile.s32 @!p0 $0x1;
	_ =	shalt  }
.Lfunc_end2:
_tile_overlayer_lowered:
.L_overlay_start_2:
0x166: {  	(tag) =	ssettag $0x2  }
0x167: {  	s0 =	rddreg [dreg:$0x0];
	s2 =	stileid.u32  }
0x168: {  	s1 =	rddreg [dreg:$0x1];
	p0 =	sne.s32 s2, $0x0  }
0x169: {  	s3 =	rddreg [dreg:$0x2];
	[bflag:$0x3] =	sbarrier.arrive $0xFFFF;
	s2 =	simm.s32 @!p0 $0x1C0E  }
0x16a: {  	[timem:s3], [sflag:s2] =	dma.local @!p0 [hbm:s0], s1  }
0x16b: {  	s0 =	simm.s32 @!p0 $0xE  }
0x16c: {  	_ =	swait.ge @!p0 [sflag:s0], s1  }
0x16d: {  	s1 =	ssub.s32 @!p0 $0x0, s1;
	[sflag:s0] =	ssyncset.done @!p0 $0x0  }
0x16e: {  	[sflag:s0] =	ssyncadd.s32 @!p0 s1  }
0x16f: {  	[bflag:$0x3] =	sbarrier.arrive $0xFFFF  }
0x170: {  	_ =	shalt  }

</sc_bundles>
